<compile_context>
chip_gen: v7x
topology: tpu7x:2x2x1
jax: 0.10.2.dev20260603
libtpu: 0.0.44.dev20260713+nightly
codegen_flags: <defaults>
</compile_context>

<pallas_src>
import functools

import jax
import jax.numpy as jnp
from jax import lax
from jax.experimental import pallas as pl
from jax.experimental.pallas import tpu as pltpu
from jax.experimental.pallas import tpu_sc as plsc

N_NODES = 10000
N_EDGES = 320000
D = 128

NC = 2
NS = 16
NW = NC * NS
EPT = N_EDGES // NW
CHUNK = 128
NCHUNK = ((-(-EPT // CHUNK) + 15) // 16) * 16
EPT_PAD = NCHUNK * CHUNK
HALF = NCHUNK // 2
DUMMY = N_NODES
NPAD = 10240
RPT = NPAD // NS
WB = 128
NWB = RPT // WB
LANES = 16


def _mesh():
    return plsc.VectorSubcoreMesh(core_axis_name="c", subcore_axis_name="s")


def _sc_degree(col_c, iota_c):

    @functools.partial(
        pl.kernel,
        out_type=jax.ShapeDtypeStruct((NC, NS, 8, CHUNK), jnp.float32),
        mesh=_mesh(),
        scratch_types=[
            pltpu.VMEM((NCHUNK, CHUNK), jnp.int32),
            pltpu.VMEM((NWB, CHUNK), jnp.int32),
            pltpu.VMEM((CHUNK,), jnp.float32),
            pltpu.VMEM((CHUNK,), jnp.float32),
            pltpu.VMEM((8, CHUNK), jnp.float32),
            pltpu.VMEM((CHUNK,), jnp.int32),
            pltpu.VMEM_SHARED((NPAD,), jnp.float32),
            pltpu.SemaphoreType.DMA,
        ],
    )
    def k(col_hbm, iota_hbm, out_hbm, cidx, iov, ones_b, zb, wb8, ibuf, deg_sh, sem):
        cid = lax.axis_index("c")
        sid = lax.axis_index("s")
        gid = cid * NS + sid
        pltpu.sync_copy(col_hbm.at[gid], cidx)
        pltpu.sync_copy(iota_hbm.at[sid], iov)

        ones = jnp.ones((LANES,), jnp.float32)
        zeros = jnp.zeros((LANES,), jnp.float32)
        for kk in range(CHUNK // LANES):
            ones_b[pl.ds(kk * LANES, LANES)] = ones
            zb[pl.ds(kk * LANES, LANES)] = zeros

        def load_ibuf(src_ref, j):
            for kk in range(CHUNK // LANES):
                ibuf[pl.ds(kk * LANES, LANES)] = src_ref[j, pl.ds(kk * LANES, LANES)]

        for t in range(NWB):
            load_ibuf(iov, t)
            pltpu.async_copy(zb, deg_sh.at[ibuf], sem).wait()
        plsc.subcore_barrier()

        def body(j, carry):
            load_ibuf(cidx, j)
            pltpu.async_copy(ones_b, deg_sh.at[ibuf], sem, add=True).wait()
            return carry

        lax.fori_loop(0, NCHUNK, body, 0)

        plsc.subcore_barrier()
        for t in range(NWB):
            load_ibuf(iov, t)
            pltpu.async_copy(deg_sh.at[ibuf], zb, sem).wait()
            for kk in range(CHUNK // LANES):
                wb8[t, pl.ds(kk * LANES, LANES)] = zb[pl.ds(kk * LANES, LANES)]
        pltpu.sync_copy(wb8, out_hbm.at[cid, sid])

    return k(col_c, iota_c)


def _sc_scatter(y, row_c, col_c, iota_c):

    @functools.partial(
        pl.kernel,
        out_type=jax.ShapeDtypeStruct((NC, NPAD, D), jnp.float32),
        mesh=_mesh(),
        scratch_types=[
            pltpu.VMEM((HALF, CHUNK), jnp.int32),
            pltpu.VMEM((HALF, CHUNK), jnp.int32),
            pltpu.VMEM((NWB, CHUNK), jnp.int32),
            pltpu.VMEM((CHUNK,), jnp.int32),
            pltpu.VMEM((CHUNK, D), jnp.float32),
            pltpu.VMEM((CHUNK, D), jnp.float32),
            pltpu.VMEM_SHARED((NPAD, D), jnp.float32),
            pltpu.SemaphoreType.DMA,
            pltpu.SemaphoreType.DMA,
            pltpu.SemaphoreType.DMA,
        ],
    )
    def k(y_hbm, row_hbm, col_hbm, iota_hbm, out_hbm,
          ridx, cidx, iov, ibuf, gb0, gb1, acc, s0, s1, s2):
        cid = lax.axis_index("c")
        sid = lax.axis_index("s")
        gid = cid * NS + sid
        pltpu.sync_copy(iota_hbm.at[sid], iov)

        def load_ibuf(src_ref, j):
            for kk in range(CHUNK // LANES):
                ibuf[pl.ds(kk * LANES, LANES)] = src_ref[j, pl.ds(kk * LANES, LANES)]

        def zero(i, carry):
            for kk in range(D // LANES):
                gb0[i, pl.ds(kk * LANES, LANES)] = jnp.zeros((LANES,), jnp.float32)
            return carry

        lax.fori_loop(0, CHUNK, zero, 0)

        base = sid * RPT
        for t in range(NWB):
            load_ibuf(iov, t)
            pltpu.async_copy(gb0, acc.at[ibuf], s0).wait()
        plsc.subcore_barrier()

        def gstart(j, buf, sem):
            pltpu.make_async_copy(y_hbm.at[ridx.at[j]], buf, sem).start()

        def gwait(j, buf, sem):
            pltpu.make_async_copy(y_hbm.at[ridx.at[j]], buf, sem).wait()

        def scat(j, buf):
            pltpu.async_copy(buf, acc.at[cidx.at[j]], s1, add=True).wait()

        for p in range(NCHUNK // HALF):
            pltpu.sync_copy(row_hbm.at[gid, pl.ds(p * HALF, HALF)], ridx)
            pltpu.sync_copy(col_hbm.at[gid, pl.ds(p * HALF, HALF)], cidx)

            gstart(0, gb0, s0)
            gstart(1, gb1, s2)

            def body(i, carry):
                j = 2 * i
                gwait(j, gb0, s0)
                scat(j, gb0)
                gstart(j + 2, gb0, s0)
                gwait(j + 1, gb1, s2)
                scat(j + 1, gb1)
                gstart(j + 3, gb1, s2)
                return carry

            lax.fori_loop(0, HALF // 2 - 1, body, 0)
            jt = HALF - 2
            gwait(jt, gb0, s0)
            scat(jt, gb0)
            gwait(jt + 1, gb1, s2)
            scat(jt + 1, gb1)

        plsc.subcore_barrier()

        def wb_start(t, buf, sem):
            pltpu.make_async_copy(acc.at[iov.at[t]], buf, sem).start()

        def wb_wait(t, buf, sem):
            pltpu.make_async_copy(acc.at[iov.at[t]], buf, sem).wait()

        wb_start(0, gb0, s0)
        for t in range(NWB):
            buf, sem = (gb0, s0) if t % 2 == 0 else (gb1, s2)
            nbuf, nsem = (gb1, s2) if t % 2 == 0 else (gb0, s0)
            wb_wait(t, buf, sem)
            if t + 1 < NWB:
                wb_start(t + 1, nbuf, nsem)
            pltpu.sync_copy(buf, out_hbm.at[cid, pl.ds(base + t * WB, WB)])

    return k(y, row_c, col_c, iota_c)


_R = 1000
_G = N_NODES // _R


def _dinv_block(d0_ref, d1_ref):
    deg = d0_ref[...][0] + d1_ref[...][0] + 1.0
    return lax.rsqrt(deg)


def _deg_specs():
    return [
        pl.BlockSpec((1, _R, 1), lambda i: (0, i, 0)),
        pl.BlockSpec((1, _R, 1), lambda i: (1, i, 0)),
    ]


def _ap_specs():
    return [
        pl.BlockSpec((1, _R, D), lambda i: (0, i, 0)),
        pl.BlockSpec((1, _R, D), lambda i: (1, i, 0)),
    ]


def _tc_mm1(x, w1, degp):
    def body(x_ref, w_ref, d0_ref, d1_ref, y_ref):
        dinv = _dinv_block(d0_ref, d1_ref)
        y_ref[...] = jnp.dot(x_ref[...], w_ref[...],
                             preferred_element_type=jnp.float32) * dinv

    return pl.pallas_call(
        body,
        grid=(_G,),
        in_specs=[
            pl.BlockSpec((_R, D), lambda i: (i, 0)),
            pl.BlockSpec((D, D), lambda i: (0, 0)),
        ] + _deg_specs(),
        out_specs=pl.BlockSpec((_R, D), lambda i: (i, 0)),
        out_shape=jax.ShapeDtypeStruct((N_NODES, D), jnp.float32),
    )(x, w1, degp, degp)


def _tc_mm2(ap, y1, degp, b1, w2):
    def body(a0_ref, a1_ref, y1_ref, d0_ref, d1_ref, b_ref, w_ref, y2_ref):
        dinv = _dinv_block(d0_ref, d1_ref)
        h = (a0_ref[...][0] + a1_ref[...][0] + y1_ref[...]) * dinv + b_ref[...]
        h = jnp.maximum(h, 0.0)
        y2_ref[...] = jnp.dot(h, w_ref[...],
                              preferred_element_type=jnp.float32) * dinv

    return pl.pallas_call(
        body,
        grid=(_G,),
        in_specs=_ap_specs() + [
            pl.BlockSpec((_R, D), lambda i: (i, 0)),
        ] + _deg_specs() + [
            pl.BlockSpec((1, D), lambda i: (0, 0)),
            pl.BlockSpec((D, D), lambda i: (0, 0)),
        ],
        out_specs=pl.BlockSpec((_R, D), lambda i: (i, 0)),
        out_shape=jax.ShapeDtypeStruct((N_NODES, D), jnp.float32),
    )(ap, ap, y1, degp, degp, b1, w2)


def _tc_final(ap, y2, degp, b2):
    def body(a0_ref, a1_ref, y2_ref, d0_ref, d1_ref, b_ref, o_ref):
        dinv = _dinv_block(d0_ref, d1_ref)
        h = (a0_ref[...][0] + a1_ref[...][0] + y2_ref[...]) * dinv + b_ref[...]
        o_ref[...] = jnp.maximum(h, 0.0)

    return pl.pallas_call(
        body,
        grid=(_G,),
        in_specs=_ap_specs() + [
            pl.BlockSpec((_R, D), lambda i: (i, 0)),
        ] + _deg_specs() + [
            pl.BlockSpec((1, D), lambda i: (0, 0)),
        ],
        out_specs=pl.BlockSpec((_R, D), lambda i: (i, 0)),
        out_shape=jax.ShapeDtypeStruct((N_NODES, D), jnp.float32),
    )(ap, ap, y2, degp, degp, b2)


def kernel(x, edge_index, W1, b1, W2, b2):
    ei = edge_index.astype(jnp.int32)
    row = ei[0].reshape(NW, EPT)
    col = ei[1].reshape(NW, EPT)
    npad = EPT_PAD - EPT
    row_c = jnp.concatenate(
        [row, jnp.zeros((NW, npad), jnp.int32)], axis=1).reshape(NW, NCHUNK, CHUNK)
    col_c = jnp.concatenate(
        [col, jnp.full((NW, npad), DUMMY, jnp.int32)], axis=1).reshape(NW, NCHUNK, CHUNK)

    iota_c = jnp.arange(NPAD, dtype=jnp.int32).reshape(NS, NWB, CHUNK)
    degr = _sc_degree(col_c, iota_c)
    degp = degr[:, :, :NWB, :].reshape(NC, NPAD, 1)
    b1r = b1.reshape(1, D)
    b2r = b2.reshape(1, D)

    y1 = _tc_mm1(x, W1, degp)
    a1 = _sc_scatter(y1, row_c, col_c, iota_c)
    y2 = _tc_mm2(a1, y1, degp, b1r, W2)
    a2 = _sc_scatter(y2, row_c, col_c, iota_c)
    return _tc_final(a2, y2, degp, b2r)

# --- scband reference (transcript-rebuilt; emitter-appended) ---
"""Pipeline reference for scband-gcnbackbone-12695923327657 (READ-ONLY COPY).

The authoritative reference and input builder live on the scoring server;
editing this copy changes nothing except your own understanding.
"""

import jax, jax.numpy as jnp
import numpy as np

N_NODES = 10000
N_EDGES = 320000
D_IN = 128
D_HID = 128
D_OUT = 128


def gcn_conv(x, edge_index, W, b, num_nodes):
    # PyG GCNConv with default add_self_loops=True, normalize=True
    row = edge_index[0]
    col = edge_index[1]
    loop = jnp.arange(num_nodes, dtype=edge_index.dtype)
    row = jnp.concatenate([row, loop])
    col = jnp.concatenate([col, loop])
    w = jnp.ones(row.shape[0], dtype=x.dtype)
    deg = jnp.zeros((num_nodes,), dtype=x.dtype).at[col].add(w)
    dinv = jnp.where(deg > 0, deg ** -0.5, 0.0)
    norm = dinv[row] * w * dinv[col]
    xw = x @ W  # linear transform (bias handled separately like PyG)
    msg = xw[row] * norm[:, None]
    out = jnp.zeros((num_nodes, W.shape[1]), dtype=x.dtype).at[col].add(msg)
    return out + b


def setup_inputs(seed: int = 0) -> dict:
    key = jax.random.key(seed)
    k_x, k_e, k_w1, k_b1, k_w2, k_b2 = jax.random.split(key, 6)
    x = jax.random.normal(k_x, (N_NODES, D_IN), dtype=jnp.float32)
    edge_index = jax.random.randint(k_e, (2, N_EDGES), 0, N_NODES, dtype=jnp.int64)
    # glorot-style init for GCNConv linear weights, zero bias (PyG default)
    s1 = (6.0 / (D_IN + D_HID)) ** 0.5
    W1 = jax.random.uniform(k_w1, (D_IN, D_HID), dtype=jnp.float32, minval=-s1, maxval=s1)
    b1 = jnp.zeros((D_HID,), dtype=jnp.float32)
    s2 = (6.0 / (D_HID + D_OUT)) ** 0.5
    W2 = jax.random.uniform(k_w2, (D_HID, D_OUT), dtype=jnp.float32, minval=-s2, maxval=s2)
    b2 = jnp.zeros((D_OUT,), dtype=jnp.float32)
    return {"x": x, "edge_index": edge_index, "W1": W1, "b1": b1, "W2": W2, "b2": b2}


def reference(x, edge_index, W1, b1, W2, b2):
    # conv1 -> norm(none) -> relu -> dropout(p=0, identity)
    h = gcn_conv(x, edge_index, W1, b1, N_NODES)
    h = jax.nn.relu(h)
    # residual is None -> zeros_like(h)
    residual = jnp.zeros_like(h)
    h2 = gcn_conv(h + residual, edge_index, W2, b2, N_NODES)
    h2 = jax.nn.relu(h2)
    return h2

if __name__ == "__main__":
    import jax
    _d = setup_inputs()
    print(jax.jit(kernel)(*tuple(_d.values())))

</pallas_src>

<mosaic_0001>
#map = affine_map<(d0, d1) -> (0, 0, 0)>
#map1 = affine_map<(d0, d1) -> (0, 0, 0, 0)>
module attributes {stable_mosaic.version = 14 : i64} {
  func.func @k(%arg0: i32, %arg1: i32, %arg2: memref<32x80x128xi32, #tpu.memory_space<hbm>>, %arg3: memref<16x5x128xi32, #tpu.memory_space<hbm>>, %arg4: memref<2x16x8x128xf32, #tpu.memory_space<hbm>>, %arg5: memref<80x128xi32, #tpu.memory_space<vmem>>, %arg6: memref<5x128xi32, #tpu.memory_space<vmem>>, %arg7: memref<128xf32, #tpu.memory_space<vmem>>, %arg8: memref<128xf32, #tpu.memory_space<vmem>>, %arg9: memref<8x128xf32, #tpu.memory_space<vmem>>, %arg10: memref<128xi32, #tpu.memory_space<vmem>>, %arg11: memref<10240xf32, #tpu.memory_space<vmem_shared>>, %arg12: memref<!tpu.dma_semaphore, #tpu.memory_space<semaphore_mem>>) attributes {dimension_semantics = [#tpu.dimension_semantics<core_parallel>, #tpu.dimension_semantics<subcore_parallel>], iteration_bounds = array<i64: 2, 16>, scalar_prefetch = 0 : i64, scratch_operands = 8 : i64, tpu.core_type = #tpu.core_type<sc_vector_subcore>, window_params = [{transform_indices = #map}, {transform_indices = #map}, {transform_indices = #map1}]} {
    %mul3A = arith.constant 16 : i32
    %mul3A_0 = arith.muli %arg0, %mul3A : i32
    %add3A = arith.addi %mul3A_0, %arg1 : i32
    "tpu.region"() ({
      %run_scoped3A = tpu.sem_alloc : memref<!tpu.dma_semaphore, #tpu.memory_space<semaphore_mem>>
      %dma_start3A_1190 = arith.constant 0 : i32
      %dma_start3A_1191 = arith.constant 0 : i32
      %dma_start3A_1192 = tpu.memref_slice %arg2[%add3A, %dma_start3A_1190, %dma_start3A_1191] : memref<32x80x128xi32, #tpu.memory_space<hbm>> -> memref<1x80x128xi32, #tpu.memory_space<hbm>>
      %dma_start3A_1193 = tpu.memref_squeeze %dma_start3A_1192 : memref<1x80x128xi32, #tpu.memory_space<hbm>> -> memref<80x128xi32, #tpu.memory_space<hbm>>
      %dma_start3A_1194 = arith.constant 0 : i32
      %dma_start3A_1195 = arith.constant 0 : i32
      %dma_start3A_1196 = tpu.memref_slice %arg2[%add3A, %dma_start3A_1194, %dma_start3A_1195] : memref<32x80x128xi32, #tpu.memory_space<hbm>> -> memref<1x80x128xi32, #tpu.memory_space<hbm>>
      %dma_start3A_1197 = tpu.memref_squeeze %dma_start3A_1196 : memref<1x80x128xi32, #tpu.memory_space<hbm>> -> memref<80x128xi32, #tpu.memory_space<hbm>>
      tpu.enqueue_dma source(%dma_start3A_1197 : memref<80x128xi32, #tpu.memory_space<hbm>>) target(%arg5 : memref<80x128xi32, #tpu.memory_space<vmem>>) target_semaphore(%run_scoped3A : memref<!tpu.dma_semaphore, #tpu.memory_space<semaphore_mem>>)
      %dma_wait3A_1198 = arith.constant 0 : i32
      %dma_wait3A_1199 = arith.constant 0 : i32
      %dma_wait3A_1200 = tpu.memref_slice %arg2[%add3A, %dma_wait3A_1198, %dma_wait3A_1199] : memref<32x80x128xi32, #tpu.memory_space<hbm>> -> memref<1x80x128xi32, #tpu.memory_space<hbm>>
      %dma_wait3A_1201 = tpu.memref_squeeze %dma_wait3A_1200 : memref<1x80x128xi32, #tpu.memory_space<hbm>> -> memref<80x128xi32, #tpu.memory_space<hbm>>
      %dma_wait3A_1202 = arith.constant 0 : i32
      %dma_wait3A_1203 = arith.constant 0 : i32
      %dma_wait3A_1204 = tpu.memref_slice %arg2[%add3A, %dma_wait3A_1202, %dma_wait3A_1203] : memref<32x80x128xi32, #tpu.memory_space<hbm>> -> memref<1x80x128xi32, #tpu.memory_space<hbm>>
      %dma_wait3A_1205 = tpu.memref_squeeze %dma_wait3A_1204 : memref<1x80x128xi32, #tpu.memory_space<hbm>> -> memref<80x128xi32, #tpu.memory_space<hbm>>
      tpu.wait_dma2 semaphore(%run_scoped3A : memref<!tpu.dma_semaphore, #tpu.memory_space<semaphore_mem>>) src(%dma_wait3A_1205 : memref<80x128xi32, #tpu.memory_space<hbm>>) dst(%arg5 : memref<80x128xi32, #tpu.memory_space<vmem>>)
      tpu.yield
    }) : () -> ()
    "tpu.region"() ({
      %run_scoped3A = tpu.sem_alloc : memref<!tpu.dma_semaphore, #tpu.memory_space<semaphore_mem>>
      %dma_start3A_1190 = arith.constant 0 : i32
      %dma_start3A_1191 = arith.constant 0 : i32
      %dma_start3A_1192 = tpu.memref_slice %arg3[%arg1, %dma_start3A_1190, %dma_start3A_1191] : memref<16x5x128xi32, #tpu.memory_space<hbm>> -> memref<1x5x128xi32, #tpu.memory_space<hbm>>
      %dma_start3A_1193 = tpu.memref_squeeze %dma_start3A_1192 : memref<1x5x128xi32, #tpu.memory_space<hbm>> -> memref<5x128xi32, #tpu.memory_space<hbm>>
      %dma_start3A_1194 = arith.constant 0 : i32
      %dma_start3A_1195 = arith.constant 0 : i32
      %dma_start3A_1196 = tpu.memref_slice %arg3[%arg1, %dma_start3A_1194, %dma_start3A_1195] : memref<16x5x128xi32, #tpu.memory_space<hbm>> -> memref<1x5x128xi32, #tpu.memory_space<hbm>>
      %dma_start3A_1197 = tpu.memref_squeeze %dma_start3A_1196 : memref<1x5x128xi32, #tpu.memory_space<hbm>> -> memref<5x128xi32, #tpu.memory_space<hbm>>
      tpu.enqueue_dma source(%dma_start3A_1197 : memref<5x128xi32, #tpu.memory_space<hbm>>) target(%arg6 : memref<5x128xi32, #tpu.memory_space<vmem>>) target_semaphore(%run_scoped3A : memref<!tpu.dma_semaphore, #tpu.memory_space<semaphore_mem>>)
      %dma_wait3A_1198 = arith.constant 0 : i32
      %dma_wait3A_1199 = arith.constant 0 : i32
      %dma_wait3A_1200 = tpu.memref_slice %arg3[%arg1, %dma_wait3A_1198, %dma_wait3A_1199] : memref<16x5x128xi32, #tpu.memory_space<hbm>> -> memref<1x5x128xi32, #tpu.memory_space<hbm>>
      %dma_wait3A_1201 = tpu.memref_squeeze %dma_wait3A_1200 : memref<1x5x128xi32, #tpu.memory_space<hbm>> -> memref<5x128xi32, #tpu.memory_space<hbm>>
      %dma_wait3A_1202 = arith.constant 0 : i32
      %dma_wait3A_1203 = arith.constant 0 : i32
      %dma_wait3A_1204 = tpu.memref_slice %arg3[%arg1, %dma_wait3A_1202, %dma_wait3A_1203] : memref<16x5x128xi32, #tpu.memory_space<hbm>> -> memref<1x5x128xi32, #tpu.memory_space<hbm>>
      %dma_wait3A_1205 = tpu.memref_squeeze %dma_wait3A_1204 : memref<1x5x128xi32, #tpu.memory_space<hbm>> -> memref<5x128xi32, #tpu.memory_space<hbm>>
      tpu.wait_dma2 semaphore(%run_scoped3A : memref<!tpu.dma_semaphore, #tpu.memory_space<semaphore_mem>>) src(%dma_wait3A_1205 : memref<5x128xi32, #tpu.memory_space<hbm>>) dst(%arg6 : memref<5x128xi32, #tpu.memory_space<vmem>>)
      tpu.yield
    }) : () -> ()
    %broadcast_in_dim3A = arith.constant 1.000000e+00 : f32
    %broadcast_in_dim3A_1 = vector.broadcast %broadcast_in_dim3A : f32 to vector<16xf32>
    %broadcast_in_dim3A_2 = arith.constant 0.000000e+00 : f32
    %broadcast_in_dim3A_3 = vector.broadcast %broadcast_in_dim3A_2 : f32 to vector<16xf32>
    %swap3A = arith.constant 0 : index
    %swap3A_4 = tpu.vector_load %arg7[%swap3A] {strides = array<i32>} : memref<128xf32, #tpu.memory_space<vmem>>, vector<16xf32>,
    %swap3A_5 = vector.shape_cast %swap3A_4 : vector<16xf32> to vector<16xf32>
    %swap3A_6 = vector.shape_cast %broadcast_in_dim3A_1 : vector<16xf32> to vector<16xf32>
    tpu.vector_store %arg7[%swap3A], %swap3A_6 {strides = array<i32>} : memref<128xf32, #tpu.memory_space<vmem>>, vector<16xf32>,
    %swap3A_7 = arith.constant 0 : index
    %swap3A_8 = tpu.vector_load %arg8[%swap3A_7] {strides = array<i32>} : memref<128xf32, #tpu.memory_space<vmem>>, vector<16xf32>,
    %swap3A_9 = vector.shape_cast %swap3A_8 : vector<16xf32> to vector<16xf32>
    %swap3A_10 = vector.shape_cast %broadcast_in_dim3A_3 : vector<16xf32> to vector<16xf32>
    tpu.vector_store %arg8[%swap3A_7], %swap3A_10 {strides = array<i32>} : memref<128xf32, #tpu.memory_space<vmem>>, vector<16xf32>,
    %swap3A_11 = arith.constant 16 : index
    %swap3A_12 = tpu.vector_load %arg7[%swap3A_11] {strides = array<i32>} : memref<128xf32, #tpu.memory_space<vmem>>, vector<16xf32>,
    %swap3A_13 = vector.shape_cast %swap3A_12 : vector<16xf32> to vector<16xf32>
    %swap3A_14 = vector.shape_cast %broadcast_in_dim3A_1 : vector<16xf32> to vector<16xf32>
    tpu.vector_store %arg7[%swap3A_11], %swap3A_14 {strides = array<i32>} : memref<128xf32, #tpu.memory_space<vmem>>, vector<16xf32>,
    %swap3A_15 = arith.constant 16 : index
    %swap3A_16 = tpu.vector_load %arg8[%swap3A_15] {strides = array<i32>} : memref<128xf32, #tpu.memory_space<vmem>>, vector<16xf32>,
    %swap3A_17 = vector.shape_cast %swap3A_16 : vector<16xf32> to vector<16xf32>
    %swap3A_18 = vector.shape_cast %broadcast_in_dim3A_3 : vector<16xf32> to vector<16xf32>
    tpu.vector_store %arg8[%swap3A_15], %swap3A_18 {strides = array<i32>} : memref<128xf32, #tpu.memory_space<vmem>>, vector<16xf32>,
    %swap3A_19 = arith.constant 32 : index
    %swap3A_20 = tpu.vector_load %arg7[%swap3A_19] {strides = array<i32>} : memref<128xf32, #tpu.memory_space<vmem>>, vector<16xf32>,
    %swap3A_21 = vector.shape_cast %swap3A_20 : vector<16xf32> to vector<16xf32>
    %swap3A_22 = vector.shape_cast %broadcast_in_dim3A_1 : vector<16xf32> to vector<16xf32>
    tpu.vector_store %arg7[%swap3A_19], %swap3A_22 {strides = array<i32>} : memref<128xf32, #tpu.memory_space<vmem>>, vector<16xf32>,
    %swap3A_23 = arith.constant 32 : index
    %swap3A_24 = tpu.vector_load %arg8[%swap3A_23] {strides = array<i32>} : memref<128xf32, #tpu.memory_space<vmem>>, vector<16xf32>,
    %swap3A_25 = vector.shape_cast %swap3A_24 : vector<16xf32> to vector<16xf32>
    %swap3A_26 = vector.shape_cast %broadcast_in_dim3A_3 : vector<16xf32> to vector<16xf32>
    tpu.vector_store %arg8[%swap3A_23], %swap3A_26 {strides = array<i32>} : memref<128xf32, #tpu.memory_space<vmem>>, vector<16xf32>,
    %swap3A_27 = arith.constant 48 : index
    %swap3A_28 = tpu.vector_load %arg7[%swap3A_27] {strides = array<i32>} : memref<128xf32, #tpu.memory_space<vmem>>, vector<16xf32>,
    %swap3A_29 = vector.shape_cast %swap3A_28 : vector<16xf32> to vector<16xf32>
    %swap3A_30 = vector.shape_cast %broadcast_in_dim3A_1 : vector<16xf32> to vector<16xf32>
    tpu.vector_store %arg7[%swap3A_27], %swap3A_30 {strides = array<i32>} : memref<128xf32, #tpu.memory_space<vmem>>, vector<16xf32>,
    %swap3A_31 = arith.constant 48 : index
    %swap3A_32 = tpu.vector_load %arg8[%swap3A_31] {strides = array<i32>} : memref<128xf32, #tpu.memory_space<vmem>>, vector<16xf32>,
    %swap3A_33 = vector.shape_cast %swap3A_32 : vector<16xf32> to vector<16xf32>
    %swap3A_34 = vector.shape_cast %broadcast_in_dim3A_3 : vector<16xf32> to vector<16xf32>
    tpu.vector_store %arg8[%swap3A_31], %swap3A_34 {strides = array<i32>} : memref<128xf32, #tpu.memory_space<vmem>>, vector<16xf32>,
    %swap3A_35 = arith.constant 64 : index
    %swap3A_36 = tpu.vector_load %arg7[%swap3A_35] {strides = array<i32>} : memref<128xf32, #tpu.memory_space<vmem>>, vector<16xf32>,
    %swap3A_37 = vector.shape_cast %swap3A_36 : vector<16xf32> to vector<16xf32>
    %swap3A_38 = vector.shape_cast %broadcast_in_dim3A_1 : vector<16xf32> to vector<16xf32>
    tpu.vector_store %arg7[%swap3A_35], %swap3A_38 {strides = array<i32>} : memref<128xf32, #tpu.memory_space<vmem>>, vector<16xf32>,
    %swap3A_39 = arith.constant 64 : index
    %swap3A_40 = tpu.vector_load %arg8[%swap3A_39] {strides = array<i32>} : memref<128xf32, #tpu.memory_space<vmem>>, vector<16xf32>,
    %swap3A_41 = vector.shape_cast %swap3A_40 : vector<16xf32> to vector<16xf32>
    %swap3A_42 = vector.shape_cast %broadcast_in_dim3A_3 : vector<16xf32> to vector<16xf32>
    tpu.vector_store %arg8[%swap3A_39], %swap3A_42 {strides = array<i32>} : memref<128xf32, #tpu.memory_space<vmem>>, vector<16xf32>,
    %swap3A_43 = arith.constant 80 : index
    %swap3A_44 = tpu.vector_load %arg7[%swap3A_43] {strides = array<i32>} : memref<128xf32, #tpu.memory_space<vmem>>, vector<16xf32>,
    %swap3A_45 = vector.shape_cast %swap3A_44 : vector<16xf32> to vector<16xf32>
    %swap3A_46 = vector.shape_cast %broadcast_in_dim3A_1 : vector<16xf32> to vector<16xf32>
    tpu.vector_store %arg7[%swap3A_43], %swap3A_46 {strides = array<i32>} : memref<128xf32, #tpu.memory_space<vmem>>, vector<16xf32>,
    %swap3A_47 = arith.constant 80 : index
    %swap3A_48 = tpu.vector_load %arg8[%swap3A_47] {strides = array<i32>} : memref<128xf32, #tpu.memory_space<vmem>>, vector<16xf32>,
    %swap3A_49 = vector.shape_cast %swap3A_48 : vector<16xf32> to vector<16xf32>
    %swap3A_50 = vector.shape_cast %broadcast_in_dim3A_3 : vector<16xf32> to vector<16xf32>
    tpu.vector_store %arg8[%swap3A_47], %swap3A_50 {strides = array<i32>} : memref<128xf32, #tpu.memory_space<vmem>>, vector<16xf32>,
    %swap3A_51 = arith.constant 96 : index
    %swap3A_52 = tpu.vector_load %arg7[%swap3A_51] {strides = array<i32>} : memref<128xf32, #tpu.memory_space<vmem>>, vector<16xf32>,
    %swap3A_53 = vector.shape_cast %swap3A_52 : vector<16xf32> to vector<16xf32>
    %swap3A_54 = vector.shape_cast %broadcast_in_dim3A_1 : vector<16xf32> to vector<16xf32>
    tpu.vector_store %arg7[%swap3A_51], %swap3A_54 {strides = array<i32>} : memref<128xf32, #tpu.memory_space<vmem>>, vector<16xf32>,
    %swap3A_55 = arith.constant 96 : index
    %swap3A_56 = tpu.vector_load %arg8[%swap3A_55] {strides = array<i32>} : memref<128xf32, #tpu.memory_space<vmem>>, vector<16xf32>,
    %swap3A_57 = vector.shape_cast %swap3A_56 : vector<16xf32> to vector<16xf32>
    %swap3A_58 = vector.shape_cast %broadcast_in_dim3A_3 : vector<16xf32> to vector<16xf32>
    tpu.vector_store %arg8[%swap3A_55], %swap3A_58 {strides = array<i32>} : memref<128xf32, #tpu.memory_space<vmem>>, vector<16xf32>,
    %swap3A_59 = arith.constant 112 : index
    %swap3A_60 = tpu.vector_load %arg7[%swap3A_59] {strides = array<i32>} : memref<128xf32, #tpu.memory_space<vmem>>, vector<16xf32>,
    %swap3A_61 = vector.shape_cast %swap3A_60 : vector<16xf32> to vector<16xf32>
    %swap3A_62 = vector.shape_cast %broadcast_in_dim3A_1 : vector<16xf32> to vector<16xf32>
    tpu.vector_store %arg7[%swap3A_59], %swap3A_62 {strides = array<i32>} : memref<128xf32, #tpu.memory_space<vmem>>, vector<16xf32>,
    %swap3A_63 = arith.constant 112 : index
    %swap3A_64 = tpu.vector_load %arg8[%swap3A_63] {strides = array<i32>} : memref<128xf32, #tpu.memory_space<vmem>>, vector<16xf32>,
    %swap3A_65 = vector.shape_cast %swap3A_64 : vector<16xf32> to vector<16xf32>
    %swap3A_66 = vector.shape_cast %broadcast_in_dim3A_3 : vector<16xf32> to vector<16xf32>
    tpu.vector_store %arg8[%swap3A_63], %swap3A_66 {strides = array<i32>} : memref<128xf32, #tpu.memory_space<vmem>>, vector<16xf32>,
    %get3A = arith.constant 0 : i32
    %get3A_67 = arith.index_cast %get3A : i32 to index
    %get3A_68 = arith.constant 0 : index
    %get3A_69 = tpu.vector_load %arg6[%get3A_67, %get3A_68] {strides = array<i32>} : memref<5x128xi32, #tpu.memory_space<vmem>>, vector<1x16xi32>,
    %get3A_70 = vector.shape_cast %get3A_69 : vector<1x16xi32> to vector<16xi32>
    %swap3A_71 = arith.constant 0 : index
    %swap3A_72 = tpu.vector_load %arg10[%swap3A_71] {strides = array<i32>} : memref<128xi32, #tpu.memory_space<vmem>>, vector<16xi32>,
    %swap3A_73 = vector.shape_cast %swap3A_72 : vector<16xi32> to vector<16xi32>
    %swap3A_74 = vector.shape_cast %get3A_70 : vector<16xi32> to vector<16xi32>
    tpu.vector_store %arg10[%swap3A_71], %swap3A_74 {strides = array<i32>} : memref<128xi32, #tpu.memory_space<vmem>>, vector<16xi32>,
    %get3A_75 = arith.constant 0 : i32
    %get3A_76 = arith.index_cast %get3A_75 : i32 to index
    %get3A_77 = arith.constant 16 : index
    %get3A_78 = tpu.vector_load %arg6[%get3A_76, %get3A_77] {strides = array<i32>} : memref<5x128xi32, #tpu.memory_space<vmem>>, vector<1x16xi32>,
    %get3A_79 = vector.shape_cast %get3A_78 : vector<1x16xi32> to vector<16xi32>
    %swap3A_80 = arith.constant 16 : index
    %swap3A_81 = tpu.vector_load %arg10[%swap3A_80] {strides = array<i32>} : memref<128xi32, #tpu.memory_space<vmem>>, vector<16xi32>,
    %swap3A_82 = vector.shape_cast %swap3A_81 : vector<16xi32> to vector<16xi32>
    %swap3A_83 = vector.shape_cast %get3A_79 : vector<16xi32> to vector<16xi32>
    tpu.vector_store %arg10[%swap3A_80], %swap3A_83 {strides = array<i32>} : memref<128xi32, #tpu.memory_space<vmem>>, vector<16xi32>,
    %get3A_84 = arith.constant 0 : i32
    %get3A_85 = arith.index_cast %get3A_84 : i32 to index
    %get3A_86 = arith.constant 32 : index
    %get3A_87 = tpu.vector_load %arg6[%get3A_85, %get3A_86] {strides = array<i32>} : memref<5x128xi32, #tpu.memory_space<vmem>>, vector<1x16xi32>,
    %get3A_88 = vector.shape_cast %get3A_87 : vector<1x16xi32> to vector<16xi32>
    %swap3A_89 = arith.constant 32 : index
    %swap3A_90 = tpu.vector_load %arg10[%swap3A_89] {strides = array<i32>} : memref<128xi32, #tpu.memory_space<vmem>>, vector<16xi32>,
    %swap3A_91 = vector.shape_cast %swap3A_90 : vector<16xi32> to vector<16xi32>
    %swap3A_92 = vector.shape_cast %get3A_88 : vector<16xi32> to vector<16xi32>
    tpu.vector_store %arg10[%swap3A_89], %swap3A_92 {strides = array<i32>} : memref<128xi32, #tpu.memory_space<vmem>>, vector<16xi32>,
    %get3A_93 = arith.constant 0 : i32
    %get3A_94 = arith.index_cast %get3A_93 : i32 to index
    %get3A_95 = arith.constant 48 : index
    %get3A_96 = tpu.vector_load %arg6[%get3A_94, %get3A_95] {strides = array<i32>} : memref<5x128xi32, #tpu.memory_space<vmem>>, vector<1x16xi32>,
    %get3A_97 = vector.shape_cast %get3A_96 : vector<1x16xi32> to vector<16xi32>
    %swap3A_98 = arith.constant 48 : index
    %swap3A_99 = tpu.vector_load %arg10[%swap3A_98] {strides = array<i32>} : memref<128xi32, #tpu.memory_space<vmem>>, vector<16xi32>,
    %swap3A_100 = vector.shape_cast %swap3A_99 : vector<16xi32> to vector<16xi32>
    %swap3A_101 = vector.shape_cast %get3A_97 : vector<16xi32> to vector<16xi32>
    tpu.vector_store %arg10[%swap3A_98], %swap3A_101 {strides = array<i32>} : memref<128xi32, #tpu.memory_space<vmem>>, vector<16xi32>,
    %get3A_102 = arith.constant 0 : i32
    %get3A_103 = arith.index_cast %get3A_102 : i32 to index
    %get3A_104 = arith.constant 64 : index
    %get3A_105 = tpu.vector_load %arg6[%get3A_103, %get3A_104] {strides = array<i32>} : memref<5x128xi32, #tpu.memory_space<vmem>>, vector<1x16xi32>,
    %get3A_106 = vector.shape_cast %get3A_105 : vector<1x16xi32> to vector<16xi32>
    %swap3A_107 = arith.constant 64 : index
    %swap3A_108 = tpu.vector_load %arg10[%swap3A_107] {strides = array<i32>} : memref<128xi32, #tpu.memory_space<vmem>>, vector<16xi32>,
    %swap3A_109 = vector.shape_cast %swap3A_108 : vector<16xi32> to vector<16xi32>
    %swap3A_110 = vector.shape_cast %get3A_106 : vector<16xi32> to vector<16xi32>
    tpu.vector_store %arg10[%swap3A_107], %swap3A_110 {strides = array<i32>} : memref<128xi32, #tpu.memory_space<vmem>>, vector<16xi32>,
    %get3A_111 = arith.constant 0 : i32
    %get3A_112 = arith.index_cast %get3A_111 : i32 to index
    %get3A_113 = arith.constant 80 : index
    %get3A_114 = tpu.vector_load %arg6[%get3A_112, %get3A_113] {strides = array<i32>} : memref<5x128xi32, #tpu.memory_space<vmem>>, vector<1x16xi32>,
    %get3A_115 = vector.shape_cast %get3A_114 : vector<1x16xi32> to vector<16xi32>
    %swap3A_116 = arith.constant 80 : index
    %swap3A_117 = tpu.vector_load %arg10[%swap3A_116] {strides = array<i32>} : memref<128xi32, #tpu.memory_space<vmem>>, vector<16xi32>,
    %swap3A_118 = vector.shape_cast %swap3A_117 : vector<16xi32> to vector<16xi32>
    %swap3A_119 = vector.shape_cast %get3A_115 : vector<16xi32> to vector<16xi32>
    tpu.vector_store %arg10[%swap3A_116], %swap3A_119 {strides = array<i32>} : memref<128xi32, #tpu.memory_space<vmem>>, vector<16xi32>,
    %get3A_120 = arith.constant 0 : i32
    %get3A_121 = arith.index_cast %get3A_120 : i32 to index
    %get3A_122 = arith.constant 96 : index
    %get3A_123 = tpu.vector_load %arg6[%get3A_121, %get3A_122] {strides = array<i32>} : memref<5x128xi32, #tpu.memory_space<vmem>>, vector<1x16xi32>,
    %get3A_124 = vector.shape_cast %get3A_123 : vector<1x16xi32> to vector<16xi32>
    %swap3A_125 = arith.constant 96 : index
    %swap3A_126 = tpu.vector_load %arg10[%swap3A_125] {strides = array<i32>} : memref<128xi32, #tpu.memory_space<vmem>>, vector<16xi32>,
    %swap3A_127 = vector.shape_cast %swap3A_126 : vector<16xi32> to vector<16xi32>
    %swap3A_128 = vector.shape_cast %get3A_124 : vector<16xi32> to vector<16xi32>
    tpu.vector_store %arg10[%swap3A_125], %swap3A_128 {strides = array<i32>} : memref<128xi32, #tpu.memory_space<vmem>>, vector<16xi32>,
    %get3A_129 = arith.constant 0 : i32
    %get3A_130 = arith.index_cast %get3A_129 : i32 to index
    %get3A_131 = arith.constant 112 : index
    %get3A_132 = tpu.vector_load %arg6[%get3A_130, %get3A_131] {strides = array<i32>} : memref<5x128xi32, #tpu.memory_space<vmem>>, vector<1x16xi32>,
    %get3A_133 = vector.shape_cast %get3A_132 : vector<1x16xi32> to vector<16xi32>
    %swap3A_134 = arith.constant 112 : index
    %swap3A_135 = tpu.vector_load %arg10[%swap3A_134] {strides = array<i32>} : memref<128xi32, #tpu.memory_space<vmem>>, vector<16xi32>,
    %swap3A_136 = vector.shape_cast %swap3A_135 : vector<16xi32> to vector<16xi32>
    %swap3A_137 = vector.shape_cast %get3A_133 : vector<16xi32> to vector<16xi32>
    tpu.vector_store %arg10[%swap3A_134], %swap3A_137 {strides = array<i32>} : memref<128xi32, #tpu.memory_space<vmem>>, vector<16xi32>,
    %dma_start3A = arith.constant 0 : i32
    %dma_start3A_138 = tpu.memref_slice %arg11[%dma_start3A] : memref<10240xf32, #tpu.memory_space<vmem_shared>> -> memref<10240xf32, #tpu.memory_space<vmem_shared>>
    tpu.enqueue_indirect_dma source(%arg8 : memref<128xf32, #tpu.memory_space<vmem>>) target(%dma_start3A_138 : memref<10240xf32, #tpu.memory_space<vmem_shared>>) offsets(%arg10 : memref<128xi32, #tpu.memory_space<vmem>>) semaphore(%arg12 : memref<!tpu.dma_semaphore, #tpu.memory_space<semaphore_mem>>)
    %dma_wait3A = arith.constant 0 : i32
    %dma_wait3A_139 = tpu.memref_slice %arg11[%dma_wait3A] : memref<10240xf32, #tpu.memory_space<vmem_shared>> -> memref<10240xf32, #tpu.memory_space<vmem_shared>>
    tpu.wait_indirect_dma semaphore(%arg12 : memref<!tpu.dma_semaphore, #tpu.memory_space<semaphore_mem>>) src(%arg8 : memref<128xf32, #tpu.memory_space<vmem>>) dst(%dma_wait3A_139 : memref<10240xf32, #tpu.memory_space<vmem_shared>>)
    %get3A_140 = arith.constant 1 : i32
    %get3A_141 = arith.index_cast %get3A_140 : i32 to index
    %get3A_142 = arith.constant 0 : index
    %get3A_143 = tpu.vector_load %arg6[%get3A_141, %get3A_142] {strides = array<i32>} : memref<5x128xi32, #tpu.memory_space<vmem>>, vector<1x16xi32>,
    %get3A_144 = vector.shape_cast %get3A_143 : vector<1x16xi32> to vector<16xi32>
    %swap3A_145 = arith.constant 0 : index
    %swap3A_146 = tpu.vector_load %arg10[%swap3A_145] {strides = array<i32>} : memref<128xi32, #tpu.memory_space<vmem>>, vector<16xi32>,
    %swap3A_147 = vector.shape_cast %swap3A_146 : vector<16xi32> to vector<16xi32>
    %swap3A_148 = vector.shape_cast %get3A_144 : vector<16xi32> to vector<16xi32>
    tpu.vector_store %arg10[%swap3A_145], %swap3A_148 {strides = array<i32>} : memref<128xi32, #tpu.memory_space<vmem>>, vector<16xi32>,
    %get3A_149 = arith.constant 1 : i32
    %get3A_150 = arith.index_cast %get3A_149 : i32 to index
    %get3A_151 = arith.constant 16 : index
    %get3A_152 = tpu.vector_load %arg6[%get3A_150, %get3A_151] {strides = array<i32>} : memref<5x128xi32, #tpu.memory_space<vmem>>, vector<1x16xi32>,
    %get3A_153 = vector.shape_cast %get3A_152 : vector<1x16xi32> to vector<16xi32>
    %swap3A_154 = arith.constant 16 : index
    %swap3A_155 = tpu.vector_load %arg10[%swap3A_154] {strides = array<i32>} : memref<128xi32, #tpu.memory_space<vmem>>, vector<16xi32>,
    %swap3A_156 = vector.shape_cast %swap3A_155 : vector<16xi32> to vector<16xi32>
    %swap3A_157 = vector.shape_cast %get3A_153 : vector<16xi32> to vector<16xi32>
    tpu.vector_store %arg10[%swap3A_154], %swap3A_157 {strides = array<i32>} : memref<128xi32, #tpu.memory_space<vmem>>, vector<16xi32>,
    %get3A_158 = arith.constant 1 : i32
    %get3A_159 = arith.index_cast %get3A_158 : i32 to index
    %get3A_160 = arith.constant 32 : index
    %get3A_161 = tpu.vector_load %arg6[%get3A_159, %get3A_160] {strides = array<i32>} : memref<5x128xi32, #tpu.memory_space<vmem>>, vector<1x16xi32>,
    %get3A_162 = vector.shape_cast %get3A_161 : vector<1x16xi32> to vector<16xi32>
    %swap3A_163 = arith.constant 32 : index
    %swap3A_164 = tpu.vector_load %arg10[%swap3A_163] {strides = array<i32>} : memref<128xi32, #tpu.memory_space<vmem>>, vector<16xi32>,
    %swap3A_165 = vector.shape_cast %swap3A_164 : vector<16xi32> to vector<16xi32>
    %swap3A_166 = vector.shape_cast %get3A_162 : vector<16xi32> to vector<16xi32>
    tpu.vector_store %arg10[%swap3A_163], %swap3A_166 {strides = array<i32>} : memref<128xi32, #tpu.memory_space<vmem>>, vector<16xi32>,
    %get3A_167 = arith.constant 1 : i32
    %get3A_168 = arith.index_cast %get3A_167 : i32 to index
    %get3A_169 = arith.constant 48 : index
    %get3A_170 = tpu.vector_load %arg6[%get3A_168, %get3A_169] {strides = array<i32>} : memref<5x128xi32, #tpu.memory_space<vmem>>, vector<1x16xi32>,
    %get3A_171 = vector.shape_cast %get3A_170 : vector<1x16xi32> to vector<16xi32>
    %swap3A_172 = arith.constant 48 : index
    %swap3A_173 = tpu.vector_load %arg10[%swap3A_172] {strides = array<i32>} : memref<128xi32, #tpu.memory_space<vmem>>, vector<16xi32>,
    %swap3A_174 = vector.shape_cast %swap3A_173 : vector<16xi32> to vector<16xi32>
    %swap3A_175 = vector.shape_cast %get3A_171 : vector<16xi32> to vector<16xi32>
    tpu.vector_store %arg10[%swap3A_172], %swap3A_175 {strides = array<i32>} : memref<128xi32, #tpu.memory_space<vmem>>, vector<16xi32>,
    %get3A_176 = arith.constant 1 : i32
    %get3A_177 = arith.index_cast %get3A_176 : i32 to index
    %get3A_178 = arith.constant 64 : index
    %get3A_179 = tpu.vector_load %arg6[%get3A_177, %get3A_178] {strides = array<i32>} : memref<5x128xi32, #tpu.memory_space<vmem>>, vector<1x16xi32>,
    %get3A_180 = vector.shape_cast %get3A_179 : vector<1x16xi32> to vector<16xi32>
    %swap3A_181 = arith.constant 64 : index
    %swap3A_182 = tpu.vector_load %arg10[%swap3A_181] {strides = array<i32>} : memref<128xi32, #tpu.memory_space<vmem>>, vector<16xi32>,
    %swap3A_183 = vector.shape_cast %swap3A_182 : vector<16xi32> to vector<16xi32>
    %swap3A_184 = vector.shape_cast %get3A_180 : vector<16xi32> to vector<16xi32>
    tpu.vector_store %arg10[%swap3A_181], %swap3A_184 {strides = array<i32>} : memref<128xi32, #tpu.memory_space<vmem>>, vector<16xi32>,
    %get3A_185 = arith.constant 1 : i32
    %get3A_186 = arith.index_cast %get3A_185 : i32 to index
    %get3A_187 = arith.constant 80 : index
    %get3A_188 = tpu.vector_load %arg6[%get3A_186, %get3A_187] {strides = array<i32>} : memref<5x128xi32, #tpu.memory_space<vmem>>, vector<1x16xi32>,
    %get3A_189 = vector.shape_cast %get3A_188 : vector<1x16xi32> to vector<16xi32>
    %swap3A_190 = arith.constant 80 : index
    %swap3A_191 = tpu.vector_load %arg10[%swap3A_190] {strides = array<i32>} : memref<128xi32, #tpu.memory_space<vmem>>, vector<16xi32>,
    %swap3A_192 = vector.shape_cast %swap3A_191 : vector<16xi32> to vector<16xi32>
    %swap3A_193 = vector.shape_cast %get3A_189 : vector<16xi32> to vector<16xi32>
    tpu.vector_store %arg10[%swap3A_190], %swap3A_193 {strides = array<i32>} : memref<128xi32, #tpu.memory_space<vmem>>, vector<16xi32>,
    %get3A_194 = arith.constant 1 : i32
    %get3A_195 = arith.index_cast %get3A_194 : i32 to index
    %get3A_196 = arith.constant 96 : index
    %get3A_197 = tpu.vector_load %arg6[%get3A_195, %get3A_196] {strides = array<i32>} : memref<5x128xi32, #tpu.memory_space<vmem>>, vector<1x16xi32>,
    %get3A_198 = vector.shape_cast %get3A_197 : vector<1x16xi32> to vector<16xi32>
    %swap3A_199 = arith.constant 96 : index
    %swap3A_200 = tpu.vector_load %arg10[%swap3A_199] {strides = array<i32>} : memref<128xi32, #tpu.memory_space<vmem>>, vector<16xi32>,
    %swap3A_201 = vector.shape_cast %swap3A_200 : vector<16xi32> to vector<16xi32>
    %swap3A_202 = vector.shape_cast %get3A_198 : vector<16xi32> to vector<16xi32>
    tpu.vector_store %arg10[%swap3A_199], %swap3A_202 {strides = array<i32>} : memref<128xi32, #tpu.memory_space<vmem>>, vector<16xi32>,
    %get3A_203 = arith.constant 1 : i32
    %get3A_204 = arith.index_cast %get3A_203 : i32 to index
    %get3A_205 = arith.constant 112 : index
    %get3A_206 = tpu.vector_load %arg6[%get3A_204, %get3A_205] {strides = array<i32>} : memref<5x128xi32, #tpu.memory_space<vmem>>, vector<1x16xi32>,
    %get3A_207 = vector.shape_cast %get3A_206 : vector<1x16xi32> to vector<16xi32>
    %swap3A_208 = arith.constant 112 : index
    %swap3A_209 = tpu.vector_load %arg10[%swap3A_208] {strides = array<i32>} : memref<128xi32, #tpu.memory_space<vmem>>, vector<16xi32>,
    %swap3A_210 = vector.shape_cast %swap3A_209 : vector<16xi32> to vector<16xi32>
    %swap3A_211 = vector.shape_cast %get3A_207 : vector<16xi32> to vector<16xi32>
    tpu.vector_store %arg10[%swap3A_208], %swap3A_211 {strides = array<i32>} : memref<128xi32, #tpu.memory_space<vmem>>, vector<16xi32>,
    %dma_start3A_212 = arith.constant 0 : i32
    %dma_start3A_213 = tpu.memref_slice %arg11[%dma_start3A_212] : memref<10240xf32, #tpu.memory_space<vmem_shared>> -> memref<10240xf32, #tpu.memory_space<vmem_shared>>
    tpu.enqueue_indirect_dma source(%arg8 : memref<128xf32, #tpu.memory_space<vmem>>) target(%dma_start3A_213 : memref<10240xf32, #tpu.memory_space<vmem_shared>>) offsets(%arg10 : memref<128xi32, #tpu.memory_space<vmem>>) semaphore(%arg12 : memref<!tpu.dma_semaphore, #tpu.memory_space<semaphore_mem>>)
    %dma_wait3A_214 = arith.constant 0 : i32
    %dma_wait3A_215 = tpu.memref_slice %arg11[%dma_wait3A_214] : memref<10240xf32, #tpu.memory_space<vmem_shared>> -> memref<10240xf32, #tpu.memory_space<vmem_shared>>
    tpu.wait_indirect_dma semaphore(%arg12 : memref<!tpu.dma_semaphore, #tpu.memory_space<semaphore_mem>>) src(%arg8 : memref<128xf32, #tpu.memory_space<vmem>>) dst(%dma_wait3A_215 : memref<10240xf32, #tpu.memory_space<vmem_shared>>)
    %get3A_216 = arith.constant 2 : i32
    %get3A_217 = arith.index_cast %get3A_216 : i32 to index
    %get3A_218 = arith.constant 0 : index
    %get3A_219 = tpu.vector_load %arg6[%get3A_217, %get3A_218] {strides = array<i32>} : memref<5x128xi32, #tpu.memory_space<vmem>>, vector<1x16xi32>,
    %get3A_220 = vector.shape_cast %get3A_219 : vector<1x16xi32> to vector<16xi32>
    %swap3A_221 = arith.constant 0 : index
    %swap3A_222 = tpu.vector_load %arg10[%swap3A_221] {strides = array<i32>} : memref<128xi32, #tpu.memory_space<vmem>>, vector<16xi32>,
    %swap3A_223 = vector.shape_cast %swap3A_222 : vector<16xi32> to vector<16xi32>
    %swap3A_224 = vector.shape_cast %get3A_220 : vector<16xi32> to vector<16xi32>
    tpu.vector_store %arg10[%swap3A_221], %swap3A_224 {strides = array<i32>} : memref<128xi32, #tpu.memory_space<vmem>>, vector<16xi32>,
    %get3A_225 = arith.constant 2 : i32
    %get3A_226 = arith.index_cast %get3A_225 : i32 to index
    %get3A_227 = arith.constant 16 : index
    %get3A_228 = tpu.vector_load %arg6[%get3A_226, %get3A_227] {strides = array<i32>} : memref<5x128xi32, #tpu.memory_space<vmem>>, vector<1x16xi32>,
    %get3A_229 = vector.shape_cast %get3A_228 : vector<1x16xi32> to vector<16xi32>
    %swap3A_230 = arith.constant 16 : index
    %swap3A_231 = tpu.vector_load %arg10[%swap3A_230] {strides = array<i32>} : memref<128xi32, #tpu.memory_space<vmem>>, vector<16xi32>,
    %swap3A_232 = vector.shape_cast %swap3A_231 : vector<16xi32> to vector<16xi32>
    %swap3A_233 = vector.shape_cast %get3A_229 : vector<16xi32> to vector<16xi32>
    tpu.vector_store %arg10[%swap3A_230], %swap3A_233 {strides = array<i32>} : memref<128xi32, #tpu.memory_space<vmem>>, vector<16xi32>,
    %get3A_234 = arith.constant 2 : i32
    %get3A_235 = arith.index_cast %get3A_234 : i32 to index
    %get3A_236 = arith.constant 32 : index
    %get3A_237 = tpu.vector_load %arg6[%get3A_235, %get3A_236] {strides = array<i32>} : memref<5x128xi32, #tpu.memory_space<vmem>>, vector<1x16xi32>,
    %get3A_238 = vector.shape_cast %get3A_237 : vector<1x16xi32> to vector<16xi32>
    %swap3A_239 = arith.constant 32 : index
    %swap3A_240 = tpu.vector_load %arg10[%swap3A_239] {strides = array<i32>} : memref<128xi32, #tpu.memory_space<vmem>>, vector<16xi32>,
    %swap3A_241 = vector.shape_cast %swap3A_240 : vector<16xi32> to vector<16xi32>
    %swap3A_242 = vector.shape_cast %get3A_238 : vector<16xi32> to vector<16xi32>
    tpu.vector_store %arg10[%swap3A_239], %swap3A_242 {strides = array<i32>} : memref<128xi32, #tpu.memory_space<vmem>>, vector<16xi32>,
    %get3A_243 = arith.constant 2 : i32
    %get3A_244 = arith.index_cast %get3A_243 : i32 to index
    %get3A_245 = arith.constant 48 : index
    %get3A_246 = tpu.vector_load %arg6[%get3A_244, %get3A_245] {strides = array<i32>} : memref<5x128xi32, #tpu.memory_space<vmem>>, vector<1x16xi32>,
    %get3A_247 = vector.shape_cast %get3A_246 : vector<1x16xi32> to vector<16xi32>
    %swap3A_248 = arith.constant 48 : index
    %swap3A_249 = tpu.vector_load %arg10[%swap3A_248] {strides = array<i32>} : memref<128xi32, #tpu.memory_space<vmem>>, vector<16xi32>,
    %swap3A_250 = vector.shape_cast %swap3A_249 : vector<16xi32> to vector<16xi32>
    %swap3A_251 = vector.shape_cast %get3A_247 : vector<16xi32> to vector<16xi32>
    tpu.vector_store %arg10[%swap3A_248], %swap3A_251 {strides = array<i32>} : memref<128xi32, #tpu.memory_space<vmem>>, vector<16xi32>,
    %get3A_252 = arith.constant 2 : i32
    %get3A_253 = arith.index_cast %get3A_252 : i32 to index
    %get3A_254 = arith.constant 64 : index
    %get3A_255 = tpu.vector_load %arg6[%get3A_253, %get3A_254] {strides = array<i32>} : memref<5x128xi32, #tpu.memory_space<vmem>>, vector<1x16xi32>,
    %get3A_256 = vector.shape_cast %get3A_255 : vector<1x16xi32> to vector<16xi32>
    %swap3A_257 = arith.constant 64 : index
    %swap3A_258 = tpu.vector_load %arg10[%swap3A_257] {strides = array<i32>} : memref<128xi32, #tpu.memory_space<vmem>>, vector<16xi32>,
    %swap3A_259 = vector.shape_cast %swap3A_258 : vector<16xi32> to vector<16xi32>
    %swap3A_260 = vector.shape_cast %get3A_256 : vector<16xi32> to vector<16xi32>
    tpu.vector_store %arg10[%swap3A_257], %swap3A_260 {strides = array<i32>} : memref<128xi32, #tpu.memory_space<vmem>>, vector<16xi32>,
    %get3A_261 = arith.constant 2 : i32
    %get3A_262 = arith.index_cast %get3A_261 : i32 to index
    %get3A_263 = arith.constant 80 : index
    %get3A_264 = tpu.vector_load %arg6[%get3A_262, %get3A_263] {strides = array<i32>} : memref<5x128xi32, #tpu.memory_space<vmem>>, vector<1x16xi32>,
    %get3A_265 = vector.shape_cast %get3A_264 : vector<1x16xi32> to vector<16xi32>
    %swap3A_266 = arith.constant 80 : index
    %swap3A_267 = tpu.vector_load %arg10[%swap3A_266] {strides = array<i32>} : memref<128xi32, #tpu.memory_space<vmem>>, vector<16xi32>,
    %swap3A_268 = vector.shape_cast %swap3A_267 : vector<16xi32> to vector<16xi32>
    %swap3A_269 = vector.shape_cast %get3A_265 : vector<16xi32> to vector<16xi32>
    tpu.vector_store %arg10[%swap3A_266], %swap3A_269 {strides = array<i32>} : memref<128xi32, #tpu.memory_space<vmem>>, vector<16xi32>,
    %get3A_270 = arith.constant 2 : i32
    %get3A_271 = arith.index_cast %get3A_270 : i32 to index
    %get3A_272 = arith.constant 96 : index
    %get3A_273 = tpu.vector_load %arg6[%get3A_271, %get3A_272] {strides = array<i32>} : memref<5x128xi32, #tpu.memory_space<vmem>>, vector<1x16xi32>,
    %get3A_274 = vector.shape_cast %get3A_273 : vector<1x16xi32> to vector<16xi32>
    %swap3A_275 = arith.constant 96 : index
    %swap3A_276 = tpu.vector_load %arg10[%swap3A_275] {strides = array<i32>} : memref<128xi32, #tpu.memory_space<vmem>>, vector<16xi32>,
    %swap3A_277 = vector.shape_cast %swap3A_276 : vector<16xi32> to vector<16xi32>
    %swap3A_278 = vector.shape_cast %get3A_274 : vector<16xi32> to vector<16xi32>
    tpu.vector_store %arg10[%swap3A_275], %swap3A_278 {strides = array<i32>} : memref<128xi32, #tpu.memory_space<vmem>>, vector<16xi32>,
    %get3A_279 = arith.constant 2 : i32
    %get3A_280 = arith.index_cast %get3A_279 : i32 to index
    %get3A_281 = arith.constant 112 : index
    %get3A_282 = tpu.vector_load %arg6[%get3A_280, %get3A_281] {strides = array<i32>} : memref<5x128xi32, #tpu.memory_space<vmem>>, vector<1x16xi32>,
    %get3A_283 = vector.shape_cast %get3A_282 : vector<1x16xi32> to vector<16xi32>
    %swap3A_284 = arith.constant 112 : index
    %swap3A_285 = tpu.vector_load %arg10[%swap3A_284] {strides = array<i32>} : memref<128xi32, #tpu.memory_space<vmem>>, vector<16xi32>,
    %swap3A_286 = vector.shape_cast %swap3A_285 : vector<16xi32> to vector<16xi32>
    %swap3A_287 = vector.shape_cast %get3A_283 : vector<16xi32> to vector<16xi32>
    tpu.vector_store %arg10[%swap3A_284], %swap3A_287 {strides = array<i32>} : memref<128xi32, #tpu.memory_space<vmem>>, vector<16xi32>,
    %dma_start3A_288 = arith.constant 0 : i32
    %dma_start3A_289 = tpu.memref_slice %arg11[%dma_start3A_288] : memref<10240xf32, #tpu.memory_space<vmem_shared>> -> memref<10240xf32, #tpu.memory_space<vmem_shared>>
    tpu.enqueue_indirect_dma source(%arg8 : memref<128xf32, #tpu.memory_space<vmem>>) target(%dma_start3A_289 : memref<10240xf32, #tpu.memory_space<vmem_shared>>) offsets(%arg10 : memref<128xi32, #tpu.memory_space<vmem>>) semaphore(%arg12 : memref<!tpu.dma_semaphore, #tpu.memory_space<semaphore_mem>>)
    %dma_wait3A_290 = arith.constant 0 : i32
    %dma_wait3A_291 = tpu.memref_slice %arg11[%dma_wait3A_290] : memref<10240xf32, #tpu.memory_space<vmem_shared>> -> memref<10240xf32, #tpu.memory_space<vmem_shared>>
    tpu.wait_indirect_dma semaphore(%arg12 : memref<!tpu.dma_semaphore, #tpu.memory_space<semaphore_mem>>) src(%arg8 : memref<128xf32, #tpu.memory_space<vmem>>) dst(%dma_wait3A_291 : memref<10240xf32, #tpu.memory_space<vmem_shared>>)
    %get3A_292 = arith.constant 3 : i32
    %get3A_293 = arith.index_cast %get3A_292 : i32 to index
    %get3A_294 = arith.constant 0 : index
    %get3A_295 = tpu.vector_load %arg6[%get3A_293, %get3A_294] {strides = array<i32>} : memref<5x128xi32, #tpu.memory_space<vmem>>, vector<1x16xi32>,
    %get3A_296 = vector.shape_cast %get3A_295 : vector<1x16xi32> to vector<16xi32>
    %swap3A_297 = arith.constant 0 : index
    %swap3A_298 = tpu.vector_load %arg10[%swap3A_297] {strides = array<i32>} : memref<128xi32, #tpu.memory_space<vmem>>, vector<16xi32>,
    %swap3A_299 = vector.shape_cast %swap3A_298 : vector<16xi32> to vector<16xi32>
    %swap3A_300 = vector.shape_cast %get3A_296 : vector<16xi32> to vector<16xi32>
    tpu.vector_store %arg10[%swap3A_297], %swap3A_300 {strides = array<i32>} : memref<128xi32, #tpu.memory_space<vmem>>, vector<16xi32>,
    %get3A_301 = arith.constant 3 : i32
    %get3A_302 = arith.index_cast %get3A_301 : i32 to index
    %get3A_303 = arith.constant 16 : index
    %get3A_304 = tpu.vector_load %arg6[%get3A_302, %get3A_303] {strides = array<i32>} : memref<5x128xi32, #tpu.memory_space<vmem>>, vector<1x16xi32>,
    %get3A_305 = vector.shape_cast %get3A_304 : vector<1x16xi32> to vector<16xi32>
    %swap3A_306 = arith.constant 16 : index
    %swap3A_307 = tpu.vector_load %arg10[%swap3A_306] {strides = array<i32>} : memref<128xi32, #tpu.memory_space<vmem>>, vector<16xi32>,
    %swap3A_308 = vector.shape_cast %swap3A_307 : vector<16xi32> to vector<16xi32>
    %swap3A_309 = vector.shape_cast %get3A_305 : vector<16xi32> to vector<16xi32>
    tpu.vector_store %arg10[%swap3A_306], %swap3A_309 {strides = array<i32>} : memref<128xi32, #tpu.memory_space<vmem>>, vector<16xi32>,
    %get3A_310 = arith.constant 3 : i32
    %get3A_311 = arith.index_cast %get3A_310 : i32 to index
    %get3A_312 = arith.constant 32 : index
    %get3A_313 = tpu.vector_load %arg6[%get3A_311, %get3A_312] {strides = array<i32>} : memref<5x128xi32, #tpu.memory_space<vmem>>, vector<1x16xi32>,
    %get3A_314 = vector.shape_cast %get3A_313 : vector<1x16xi32> to vector<16xi32>
    %swap3A_315 = arith.constant 32 : index
    %swap3A_316 = tpu.vector_load %arg10[%swap3A_315] {strides = array<i32>} : memref<128xi32, #tpu.memory_space<vmem>>, vector<16xi32>,
    %swap3A_317 = vector.shape_cast %swap3A_316 : vector<16xi32> to vector<16xi32>
    %swap3A_318 = vector.shape_cast %get3A_314 : vector<16xi32> to vector<16xi32>
    tpu.vector_store %arg10[%swap3A_315], %swap3A_318 {strides = array<i32>} : memref<128xi32, #tpu.memory_space<vmem>>, vector<16xi32>,
    %get3A_319 = arith.constant 3 : i32
    %get3A_320 = arith.index_cast %get3A_319 : i32 to index
    %get3A_321 = arith.constant 48 : index
    %get3A_322 = tpu.vector_load %arg6[%get3A_320, %get3A_321] {strides = array<i32>} : memref<5x128xi32, #tpu.memory_space<vmem>>, vector<1x16xi32>,
    %get3A_323 = vector.shape_cast %get3A_322 : vector<1x16xi32> to vector<16xi32>
    %swap3A_324 = arith.constant 48 : index
    %swap3A_325 = tpu.vector_load %arg10[%swap3A_324] {strides = array<i32>} : memref<128xi32, #tpu.memory_space<vmem>>, vector<16xi32>,
    %swap3A_326 = vector.shape_cast %swap3A_325 : vector<16xi32> to vector<16xi32>
    %swap3A_327 = vector.shape_cast %get3A_323 : vector<16xi32> to vector<16xi32>
    tpu.vector_store %arg10[%swap3A_324], %swap3A_327 {strides = array<i32>} : memref<128xi32, #tpu.memory_space<vmem>>, vector<16xi32>,
    %get3A_328 = arith.constant 3 : i32
    %get3A_329 = arith.index_cast %get3A_328 : i32 to index
    %get3A_330 = arith.constant 64 : index
    %get3A_331 = tpu.vector_load %arg6[%get3A_329, %get3A_330] {strides = array<i32>} : memref<5x128xi32, #tpu.memory_space<vmem>>, vector<1x16xi32>,
    %get3A_332 = vector.shape_cast %get3A_331 : vector<1x16xi32> to vector<16xi32>
    %swap3A_333 = arith.constant 64 : index
    %swap3A_334 = tpu.vector_load %arg10[%swap3A_333] {strides = array<i32>} : memref<128xi32, #tpu.memory_space<vmem>>, vector<16xi32>,
    %swap3A_335 = vector.shape_cast %swap3A_334 : vector<16xi32> to vector<16xi32>
    %swap3A_336 = vector.shape_cast %get3A_332 : vector<16xi32> to vector<16xi32>
    tpu.vector_store %arg10[%swap3A_333], %swap3A_336 {strides = array<i32>} : memref<128xi32, #tpu.memory_space<vmem>>, vector<16xi32>,
    %get3A_337 = arith.constant 3 : i32
    %get3A_338 = arith.index_cast %get3A_337 : i32 to index
    %get3A_339 = arith.constant 80 : index
    %get3A_340 = tpu.vector_load %arg6[%get3A_338, %get3A_339] {strides = array<i32>} : memref<5x128xi32, #tpu.memory_space<vmem>>, vector<1x16xi32>,
    %get3A_341 = vector.shape_cast %get3A_340 : vector<1x16xi32> to vector<16xi32>
    %swap3A_342 = arith.constant 80 : index
    %swap3A_343 = tpu.vector_load %arg10[%swap3A_342] {strides = array<i32>} : memref<128xi32, #tpu.memory_space<vmem>>, vector<16xi32>,
    %swap3A_344 = vector.shape_cast %swap3A_343 : vector<16xi32> to vector<16xi32>
    %swap3A_345 = vector.shape_cast %get3A_341 : vector<16xi32> to vector<16xi32>
    tpu.vector_store %arg10[%swap3A_342], %swap3A_345 {strides = array<i32>} : memref<128xi32, #tpu.memory_space<vmem>>, vector<16xi32>,
    %get3A_346 = arith.constant 3 : i32
    %get3A_347 = arith.index_cast %get3A_346 : i32 to index
    %get3A_348 = arith.constant 96 : index
    %get3A_349 = tpu.vector_load %arg6[%get3A_347, %get3A_348] {strides = array<i32>} : memref<5x128xi32, #tpu.memory_space<vmem>>, vector<1x16xi32>,
    %get3A_350 = vector.shape_cast %get3A_349 : vector<1x16xi32> to vector<16xi32>
    %swap3A_351 = arith.constant 96 : index
    %swap3A_352 = tpu.vector_load %arg10[%swap3A_351] {strides = array<i32>} : memref<128xi32, #tpu.memory_space<vmem>>, vector<16xi32>,
    %swap3A_353 = vector.shape_cast %swap3A_352 : vector<16xi32> to vector<16xi32>
    %swap3A_354 = vector.shape_cast %get3A_350 : vector<16xi32> to vector<16xi32>
    tpu.vector_store %arg10[%swap3A_351], %swap3A_354 {strides = array<i32>} : memref<128xi32, #tpu.memory_space<vmem>>, vector<16xi32>,
    %get3A_355 = arith.constant 3 : i32
    %get3A_356 = arith.index_cast %get3A_355 : i32 to index
    %get3A_357 = arith.constant 112 : index
    %get3A_358 = tpu.vector_load %arg6[%get3A_356, %get3A_357] {strides = array<i32>} : memref<5x128xi32, #tpu.memory_space<vmem>>, vector<1x16xi32>,
    %get3A_359 = vector.shape_cast %get3A_358 : vector<1x16xi32> to vector<16xi32>
    %swap3A_360 = arith.constant 112 : index
    %swap3A_361 = tpu.vector_load %arg10[%swap3A_360] {strides = array<i32>} : memref<128xi32, #tpu.memory_space<vmem>>, vector<16xi32>,
    %swap3A_362 = vector.shape_cast %swap3A_361 : vector<16xi32> to vector<16xi32>
    %swap3A_363 = vector.shape_cast %get3A_359 : vector<16xi32> to vector<16xi32>
    tpu.vector_store %arg10[%swap3A_360], %swap3A_363 {strides = array<i32>} : memref<128xi32, #tpu.memory_space<vmem>>, vector<16xi32>,
    %dma_start3A_364 = arith.constant 0 : i32
    %dma_start3A_365 = tpu.memref_slice %arg11[%dma_start3A_364] : memref<10240xf32, #tpu.memory_space<vmem_shared>> -> memref<10240xf32, #tpu.memory_space<vmem_shared>>
    tpu.enqueue_indirect_dma source(%arg8 : memref<128xf32, #tpu.memory_space<vmem>>) target(%dma_start3A_365 : memref<10240xf32, #tpu.memory_space<vmem_shared>>) offsets(%arg10 : memref<128xi32, #tpu.memory_space<vmem>>) semaphore(%arg12 : memref<!tpu.dma_semaphore, #tpu.memory_space<semaphore_mem>>)
    %dma_wait3A_366 = arith.constant 0 : i32
    %dma_wait3A_367 = tpu.memref_slice %arg11[%dma_wait3A_366] : memref<10240xf32, #tpu.memory_space<vmem_shared>> -> memref<10240xf32, #tpu.memory_space<vmem_shared>>
    tpu.wait_indirect_dma semaphore(%arg12 : memref<!tpu.dma_semaphore, #tpu.memory_space<semaphore_mem>>) src(%arg8 : memref<128xf32, #tpu.memory_space<vmem>>) dst(%dma_wait3A_367 : memref<10240xf32, #tpu.memory_space<vmem_shared>>)
    %get3A_368 = arith.constant 4 : i32
    %get3A_369 = arith.index_cast %get3A_368 : i32 to index
    %get3A_370 = arith.constant 0 : index
    %get3A_371 = tpu.vector_load %arg6[%get3A_369, %get3A_370] {strides = array<i32>} : memref<5x128xi32, #tpu.memory_space<vmem>>, vector<1x16xi32>,
    %get3A_372 = vector.shape_cast %get3A_371 : vector<1x16xi32> to vector<16xi32>
    %swap3A_373 = arith.constant 0 : index
    %swap3A_374 = tpu.vector_load %arg10[%swap3A_373] {strides = array<i32>} : memref<128xi32, #tpu.memory_space<vmem>>, vector<16xi32>,
    %swap3A_375 = vector.shape_cast %swap3A_374 : vector<16xi32> to vector<16xi32>
    %swap3A_376 = vector.shape_cast %get3A_372 : vector<16xi32> to vector<16xi32>
    tpu.vector_store %arg10[%swap3A_373], %swap3A_376 {strides = array<i32>} : memref<128xi32, #tpu.memory_space<vmem>>, vector<16xi32>,
    %get3A_377 = arith.constant 4 : i32
    %get3A_378 = arith.index_cast %get3A_377 : i32 to index
    %get3A_379 = arith.constant 16 : index
    %get3A_380 = tpu.vector_load %arg6[%get3A_378, %get3A_379] {strides = array<i32>} : memref<5x128xi32, #tpu.memory_space<vmem>>, vector<1x16xi32>,
    %get3A_381 = vector.shape_cast %get3A_380 : vector<1x16xi32> to vector<16xi32>
    %swap3A_382 = arith.constant 16 : index
    %swap3A_383 = tpu.vector_load %arg10[%swap3A_382] {strides = array<i32>} : memref<128xi32, #tpu.memory_space<vmem>>, vector<16xi32>,
    %swap3A_384 = vector.shape_cast %swap3A_383 : vector<16xi32> to vector<16xi32>
    %swap3A_385 = vector.shape_cast %get3A_381 : vector<16xi32> to vector<16xi32>
    tpu.vector_store %arg10[%swap3A_382], %swap3A_385 {strides = array<i32>} : memref<128xi32, #tpu.memory_space<vmem>>, vector<16xi32>,
    %get3A_386 = arith.constant 4 : i32
    %get3A_387 = arith.index_cast %get3A_386 : i32 to index
    %get3A_388 = arith.constant 32 : index
    %get3A_389 = tpu.vector_load %arg6[%get3A_387, %get3A_388] {strides = array<i32>} : memref<5x128xi32, #tpu.memory_space<vmem>>, vector<1x16xi32>,
    %get3A_390 = vector.shape_cast %get3A_389 : vector<1x16xi32> to vector<16xi32>
    %swap3A_391 = arith.constant 32 : index
    %swap3A_392 = tpu.vector_load %arg10[%swap3A_391] {strides = array<i32>} : memref<128xi32, #tpu.memory_space<vmem>>, vector<16xi32>,
    %swap3A_393 = vector.shape_cast %swap3A_392 : vector<16xi32> to vector<16xi32>
    %swap3A_394 = vector.shape_cast %get3A_390 : vector<16xi32> to vector<16xi32>
    tpu.vector_store %arg10[%swap3A_391], %swap3A_394 {strides = array<i32>} : memref<128xi32, #tpu.memory_space<vmem>>, vector<16xi32>,
    %get3A_395 = arith.constant 4 : i32
    %get3A_396 = arith.index_cast %get3A_395 : i32 to index
    %get3A_397 = arith.constant 48 : index
    %get3A_398 = tpu.vector_load %arg6[%get3A_396, %get3A_397] {strides = array<i32>} : memref<5x128xi32, #tpu.memory_space<vmem>>, vector<1x16xi32>,
    %get3A_399 = vector.shape_cast %get3A_398 : vector<1x16xi32> to vector<16xi32>
    %swap3A_400 = arith.constant 48 : index
    %swap3A_401 = tpu.vector_load %arg10[%swap3A_400] {strides = array<i32>} : memref<128xi32, #tpu.memory_space<vmem>>, vector<16xi32>,
    %swap3A_402 = vector.shape_cast %swap3A_401 : vector<16xi32> to vector<16xi32>
    %swap3A_403 = vector.shape_cast %get3A_399 : vector<16xi32> to vector<16xi32>
    tpu.vector_store %arg10[%swap3A_400], %swap3A_403 {strides = array<i32>} : memref<128xi32, #tpu.memory_space<vmem>>, vector<16xi32>,
    %get3A_404 = arith.constant 4 : i32
    %get3A_405 = arith.index_cast %get3A_404 : i32 to index
    %get3A_406 = arith.constant 64 : index
    %get3A_407 = tpu.vector_load %arg6[%get3A_405, %get3A_406] {strides = array<i32>} : memref<5x128xi32, #tpu.memory_space<vmem>>, vector<1x16xi32>,
    %get3A_408 = vector.shape_cast %get3A_407 : vector<1x16xi32> to vector<16xi32>
    %swap3A_409 = arith.constant 64 : index
    %swap3A_410 = tpu.vector_load %arg10[%swap3A_409] {strides = array<i32>} : memref<128xi32, #tpu.memory_space<vmem>>, vector<16xi32>,
    %swap3A_411 = vector.shape_cast %swap3A_410 : vector<16xi32> to vector<16xi32>
    %swap3A_412 = vector.shape_cast %get3A_408 : vector<16xi32> to vector<16xi32>
    tpu.vector_store %arg10[%swap3A_409], %swap3A_412 {strides = array<i32>} : memref<128xi32, #tpu.memory_space<vmem>>, vector<16xi32>,
    %get3A_413 = arith.constant 4 : i32
    %get3A_414 = arith.index_cast %get3A_413 : i32 to index
    %get3A_415 = arith.constant 80 : index
    %get3A_416 = tpu.vector_load %arg6[%get3A_414, %get3A_415] {strides = array<i32>} : memref<5x128xi32, #tpu.memory_space<vmem>>, vector<1x16xi32>,
    %get3A_417 = vector.shape_cast %get3A_416 : vector<1x16xi32> to vector<16xi32>
    %swap3A_418 = arith.constant 80 : index
    %swap3A_419 = tpu.vector_load %arg10[%swap3A_418] {strides = array<i32>} : memref<128xi32, #tpu.memory_space<vmem>>, vector<16xi32>,
    %swap3A_420 = vector.shape_cast %swap3A_419 : vector<16xi32> to vector<16xi32>
    %swap3A_421 = vector.shape_cast %get3A_417 : vector<16xi32> to vector<16xi32>
    tpu.vector_store %arg10[%swap3A_418], %swap3A_421 {strides = array<i32>} : memref<128xi32, #tpu.memory_space<vmem>>, vector<16xi32>,
    %get3A_422 = arith.constant 4 : i32
    %get3A_423 = arith.index_cast %get3A_422 : i32 to index
    %get3A_424 = arith.constant 96 : index
    %get3A_425 = tpu.vector_load %arg6[%get3A_423, %get3A_424] {strides = array<i32>} : memref<5x128xi32, #tpu.memory_space<vmem>>, vector<1x16xi32>,
    %get3A_426 = vector.shape_cast %get3A_425 : vector<1x16xi32> to vector<16xi32>
    %swap3A_427 = arith.constant 96 : index
    %swap3A_428 = tpu.vector_load %arg10[%swap3A_427] {strides = array<i32>} : memref<128xi32, #tpu.memory_space<vmem>>, vector<16xi32>,
    %swap3A_429 = vector.shape_cast %swap3A_428 : vector<16xi32> to vector<16xi32>
    %swap3A_430 = vector.shape_cast %get3A_426 : vector<16xi32> to vector<16xi32>
    tpu.vector_store %arg10[%swap3A_427], %swap3A_430 {strides = array<i32>} : memref<128xi32, #tpu.memory_space<vmem>>, vector<16xi32>,
    %get3A_431 = arith.constant 4 : i32
    %get3A_432 = arith.index_cast %get3A_431 : i32 to index
    %get3A_433 = arith.constant 112 : index
    %get3A_434 = tpu.vector_load %arg6[%get3A_432, %get3A_433] {strides = array<i32>} : memref<5x128xi32, #tpu.memory_space<vmem>>, vector<1x16xi32>,
    %get3A_435 = vector.shape_cast %get3A_434 : vector<1x16xi32> to vector<16xi32>
    %swap3A_436 = arith.constant 112 : index
    %swap3A_437 = tpu.vector_load %arg10[%swap3A_436] {strides = array<i32>} : memref<128xi32, #tpu.memory_space<vmem>>, vector<16xi32>,
    %swap3A_438 = vector.shape_cast %swap3A_437 : vector<16xi32> to vector<16xi32>
    %swap3A_439 = vector.shape_cast %get3A_435 : vector<16xi32> to vector<16xi32>
    tpu.vector_store %arg10[%swap3A_436], %swap3A_439 {strides = array<i32>} : memref<128xi32, #tpu.memory_space<vmem>>, vector<16xi32>,
    %dma_start3A_440 = arith.constant 0 : i32
    %dma_start3A_441 = tpu.memref_slice %arg11[%dma_start3A_440] : memref<10240xf32, #tpu.memory_space<vmem_shared>> -> memref<10240xf32, #tpu.memory_space<vmem_shared>>
    tpu.enqueue_indirect_dma source(%arg8 : memref<128xf32, #tpu.memory_space<vmem>>) target(%dma_start3A_441 : memref<10240xf32, #tpu.memory_space<vmem_shared>>) offsets(%arg10 : memref<128xi32, #tpu.memory_space<vmem>>) semaphore(%arg12 : memref<!tpu.dma_semaphore, #tpu.memory_space<semaphore_mem>>)
    %dma_wait3A_442 = arith.constant 0 : i32
    %dma_wait3A_443 = tpu.memref_slice %arg11[%dma_wait3A_442] : memref<10240xf32, #tpu.memory_space<vmem_shared>> -> memref<10240xf32, #tpu.memory_space<vmem_shared>>
    tpu.wait_indirect_dma semaphore(%arg12 : memref<!tpu.dma_semaphore, #tpu.memory_space<semaphore_mem>>) src(%arg8 : memref<128xf32, #tpu.memory_space<vmem>>) dst(%dma_wait3A_443 : memref<10240xf32, #tpu.memory_space<vmem_shared>>)
    %barrier3A = arith.constant 0 : index
    tpu.barrier barrier_id(%barrier3A)
    %scan3A = arith.constant 0 : i32
    %scan3A_444 = arith.constant 0 : i32
    %scan3A_445 = arith.constant 80 : i32
    %scan3A_446 = arith.addi %scan3A_444, %scan3A_445 : i32
    %scan3A_447 = arith.constant 1 : i32
    scf.for %scan3A_1190 = %scan3A_444 to %scan3A_446 step %scan3A_447  : i32 {
      %get3A_1191 = arith.index_cast %scan3A_1190 : i32 to index
      %get3A_1192 = arith.constant 0 : index
      %get3A_1193 = tpu.vector_load %arg5[%get3A_1191, %get3A_1192] {strides = array<i32>} : memref<80x128xi32, #tpu.memory_space<vmem>>, vector<1x16xi32>,
      %get3A_1194 = vector.shape_cast %get3A_1193 : vector<1x16xi32> to vector<16xi32>
      %swap3A_1195 = arith.constant 0 : index
      %swap3A_1196 = tpu.vector_load %arg10[%swap3A_1195] {strides = array<i32>} : memref<128xi32, #tpu.memory_space<vmem>>, vector<16xi32>,
      %swap3A_1197 = vector.shape_cast %swap3A_1196 : vector<16xi32> to vector<16xi32>
      %swap3A_1198 = vector.shape_cast %get3A_1194 : vector<16xi32> to vector<16xi32>
      tpu.vector_store %arg10[%swap3A_1195], %swap3A_1198 {strides = array<i32>} : memref<128xi32, #tpu.memory_space<vmem>>, vector<16xi32>,
      %get3A_1199 = arith.index_cast %scan3A_1190 : i32 to index
      %get3A_1200 = arith.constant 16 : index
      %get3A_1201 = tpu.vector_load %arg5[%get3A_1199, %get3A_1200] {strides = array<i32>} : memref<80x128xi32, #tpu.memory_space<vmem>>, vector<1x16xi32>,
      %get3A_1202 = vector.shape_cast %get3A_1201 : vector<1x16xi32> to vector<16xi32>
      %swap3A_1203 = arith.constant 16 : index
      %swap3A_1204 = tpu.vector_load %arg10[%swap3A_1203] {strides = array<i32>} : memref<128xi32, #tpu.memory_space<vmem>>, vector<16xi32>,
      %swap3A_1205 = vector.shape_cast %swap3A_1204 : vector<16xi32> to vector<16xi32>
      %swap3A_1206 = vector.shape_cast %get3A_1202 : vector<16xi32> to vector<16xi32>
      tpu.vector_store %arg10[%swap3A_1203], %swap3A_1206 {strides = array<i32>} : memref<128xi32, #tpu.memory_space<vmem>>, vector<16xi32>,
      %get3A_1207 = arith.index_cast %scan3A_1190 : i32 to index
      %get3A_1208 = arith.constant 32 : index
      %get3A_1209 = tpu.vector_load %arg5[%get3A_1207, %get3A_1208] {strides = array<i32>} : memref<80x128xi32, #tpu.memory_space<vmem>>, vector<1x16xi32>,
      %get3A_1210 = vector.shape_cast %get3A_1209 : vector<1x16xi32> to vector<16xi32>
      %swap3A_1211 = arith.constant 32 : index
      %swap3A_1212 = tpu.vector_load %arg10[%swap3A_1211] {strides = array<i32>} : memref<128xi32, #tpu.memory_space<vmem>>, vector<16xi32>,
      %swap3A_1213 = vector.shape_cast %swap3A_1212 : vector<16xi32> to vector<16xi32>
      %swap3A_1214 = vector.shape_cast %get3A_1210 : vector<16xi32> to vector<16xi32>
      tpu.vector_store %arg10[%swap3A_1211], %swap3A_1214 {strides = array<i32>} : memref<128xi32, #tpu.memory_space<vmem>>, vector<16xi32>,
      %get3A_1215 = arith.index_cast %scan3A_1190 : i32 to index
      %get3A_1216 = arith.constant 48 : index
      %get3A_1217 = tpu.vector_load %arg5[%get3A_1215, %get3A_1216] {strides = array<i32>} : memref<80x128xi32, #tpu.memory_space<vmem>>, vector<1x16xi32>,
      %get3A_1218 = vector.shape_cast %get3A_1217 : vector<1x16xi32> to vector<16xi32>
      %swap3A_1219 = arith.constant 48 : index
      %swap3A_1220 = tpu.vector_load %arg10[%swap3A_1219] {strides = array<i32>} : memref<128xi32, #tpu.memory_space<vmem>>, vector<16xi32>,
      %swap3A_1221 = vector.shape_cast %swap3A_1220 : vector<16xi32> to vector<16xi32>
      %swap3A_1222 = vector.shape_cast %get3A_1218 : vector<16xi32> to vector<16xi32>
      tpu.vector_store %arg10[%swap3A_1219], %swap3A_1222 {strides = array<i32>} : memref<128xi32, #tpu.memory_space<vmem>>, vector<16xi32>,
      %get3A_1223 = arith.index_cast %scan3A_1190 : i32 to index
      %get3A_1224 = arith.constant 64 : index
      %get3A_1225 = tpu.vector_load %arg5[%get3A_1223, %get3A_1224] {strides = array<i32>} : memref<80x128xi32, #tpu.memory_space<vmem>>, vector<1x16xi32>,
      %get3A_1226 = vector.shape_cast %get3A_1225 : vector<1x16xi32> to vector<16xi32>
      %swap3A_1227 = arith.constant 64 : index
      %swap3A_1228 = tpu.vector_load %arg10[%swap3A_1227] {strides = array<i32>} : memref<128xi32, #tpu.memory_space<vmem>>, vector<16xi32>,
      %swap3A_1229 = vector.shape_cast %swap3A_1228 : vector<16xi32> to vector<16xi32>
      %swap3A_1230 = vector.shape_cast %get3A_1226 : vector<16xi32> to vector<16xi32>
      tpu.vector_store %arg10[%swap3A_1227], %swap3A_1230 {strides = array<i32>} : memref<128xi32, #tpu.memory_space<vmem>>, vector<16xi32>,
      %get3A_1231 = arith.index_cast %scan3A_1190 : i32 to index
      %get3A_1232 = arith.constant 80 : index
      %get3A_1233 = tpu.vector_load %arg5[%get3A_1231, %get3A_1232] {strides = array<i32>} : memref<80x128xi32, #tpu.memory_space<vmem>>, vector<1x16xi32>,
      %get3A_1234 = vector.shape_cast %get3A_1233 : vector<1x16xi32> to vector<16xi32>
      %swap3A_1235 = arith.constant 80 : index
      %swap3A_1236 = tpu.vector_load %arg10[%swap3A_1235] {strides = array<i32>} : memref<128xi32, #tpu.memory_space<vmem>>, vector<16xi32>,
      %swap3A_1237 = vector.shape_cast %swap3A_1236 : vector<16xi32> to vector<16xi32>
      %swap3A_1238 = vector.shape_cast %get3A_1234 : vector<16xi32> to vector<16xi32>
      tpu.vector_store %arg10[%swap3A_1235], %swap3A_1238 {strides = array<i32>} : memref<128xi32, #tpu.memory_space<vmem>>, vector<16xi32>,
      %get3A_1239 = arith.index_cast %scan3A_1190 : i32 to index
      %get3A_1240 = arith.constant 96 : index
      %get3A_1241 = tpu.vector_load %arg5[%get3A_1239, %get3A_1240] {strides = array<i32>} : memref<80x128xi32, #tpu.memory_space<vmem>>, vector<1x16xi32>,
      %get3A_1242 = vector.shape_cast %get3A_1241 : vector<1x16xi32> to vector<16xi32>
      %swap3A_1243 = arith.constant 96 : index
      %swap3A_1244 = tpu.vector_load %arg10[%swap3A_1243] {strides = array<i32>} : memref<128xi32, #tpu.memory_space<vmem>>, vector<16xi32>,
      %swap3A_1245 = vector.shape_cast %swap3A_1244 : vector<16xi32> to vector<16xi32>
      %swap3A_1246 = vector.shape_cast %get3A_1242 : vector<16xi32> to vector<16xi32>
      tpu.vector_store %arg10[%swap3A_1243], %swap3A_1246 {strides = array<i32>} : memref<128xi32, #tpu.memory_space<vmem>>, vector<16xi32>,
      %get3A_1247 = arith.index_cast %scan3A_1190 : i32 to index
      %get3A_1248 = arith.constant 112 : index
      %get3A_1249 = tpu.vector_load %arg5[%get3A_1247, %get3A_1248] {strides = array<i32>} : memref<80x128xi32, #tpu.memory_space<vmem>>, vector<1x16xi32>,
      %get3A_1250 = vector.shape_cast %get3A_1249 : vector<1x16xi32> to vector<16xi32>
      %swap3A_1251 = arith.constant 112 : index
      %swap3A_1252 = tpu.vector_load %arg10[%swap3A_1251] {strides = array<i32>} : memref<128xi32, #tpu.memory_space<vmem>>, vector<16xi32>,
      %swap3A_1253 = vector.shape_cast %swap3A_1252 : vector<16xi32> to vector<16xi32>
      %swap3A_1254 = vector.shape_cast %get3A_1250 : vector<16xi32> to vector<16xi32>
      tpu.vector_store %arg10[%swap3A_1251], %swap3A_1254 {strides = array<i32>} : memref<128xi32, #tpu.memory_space<vmem>>, vector<16xi32>,
      %dma_start3A_1255 = arith.constant 0 : i32
      %dma_start3A_1256 = tpu.memref_slice %arg11[%dma_start3A_1255] : memref<10240xf32, #tpu.memory_space<vmem_shared>> -> memref<10240xf32, #tpu.memory_space<vmem_shared>>
      tpu.enqueue_indirect_dma source(%arg7 : memref<128xf32, #tpu.memory_space<vmem>>) target(%dma_start3A_1256 : memref<10240xf32, #tpu.memory_space<vmem_shared>>) offsets(%arg10 : memref<128xi32, #tpu.memory_space<vmem>>) semaphore(%arg12 : memref<!tpu.dma_semaphore, #tpu.memory_space<semaphore_mem>>) {add = true}
      %dma_wait3A_1257 = arith.constant 0 : i32
      %dma_wait3A_1258 = tpu.memref_slice %arg11[%dma_wait3A_1257] : memref<10240xf32, #tpu.memory_space<vmem_shared>> -> memref<10240xf32, #tpu.memory_space<vmem_shared>>
      tpu.wait_indirect_dma semaphore(%arg12 : memref<!tpu.dma_semaphore, #tpu.memory_space<semaphore_mem>>) src(%arg7 : memref<128xf32, #tpu.memory_space<vmem>>) dst(%dma_wait3A_1258 : memref<10240xf32, #tpu.memory_space<vmem_shared>>)
    }
    %scan3A_448 = arith.constant 80 : i32
    %barrier3A_449 = arith.constant 0 : index
    tpu.barrier barrier_id(%barrier3A_449)
    %get3A_450 = arith.constant 0 : i32
    %get3A_451 = arith.index_cast %get3A_450 : i32 to index
    %get3A_452 = arith.constant 0 : index
    %get3A_453 = tpu.vector_load %arg6[%get3A_451, %get3A_452] {strides = array<i32>} : memref<5x128xi32, #tpu.memory_space<vmem>>, vector<1x16xi32>,
    %get3A_454 = vector.shape_cast %get3A_453 : vector<1x16xi32> to vector<16xi32>
    %swap3A_455 = arith.constant 0 : index
    %swap3A_456 = tpu.vector_load %arg10[%swap3A_455] {strides = array<i32>} : memref<128xi32, #tpu.memory_space<vmem>>, vector<16xi32>,
    %swap3A_457 = vector.shape_cast %swap3A_456 : vector<16xi32> to vector<16xi32>
    %swap3A_458 = vector.shape_cast %get3A_454 : vector<16xi32> to vector<16xi32>
    tpu.vector_store %arg10[%swap3A_455], %swap3A_458 {strides = array<i32>} : memref<128xi32, #tpu.memory_space<vmem>>, vector<16xi32>,
    %get3A_459 = arith.constant 0 : i32
    %get3A_460 = arith.index_cast %get3A_459 : i32 to index
    %get3A_461 = arith.constant 16 : index
    %get3A_462 = tpu.vector_load %arg6[%get3A_460, %get3A_461] {strides = array<i32>} : memref<5x128xi32, #tpu.memory_space<vmem>>, vector<1x16xi32>,
    %get3A_463 = vector.shape_cast %get3A_462 : vector<1x16xi32> to vector<16xi32>
    %swap3A_464 = arith.constant 16 : index
    %swap3A_465 = tpu.vector_load %arg10[%swap3A_464] {strides = array<i32>} : memref<128xi32, #tpu.memory_space<vmem>>, vector<16xi32>,
    %swap3A_466 = vector.shape_cast %swap3A_465 : vector<16xi32> to vector<16xi32>
    %swap3A_467 = vector.shape_cast %get3A_463 : vector<16xi32> to vector<16xi32>
    tpu.vector_store %arg10[%swap3A_464], %swap3A_467 {strides = array<i32>} : memref<128xi32, #tpu.memory_space<vmem>>, vector<16xi32>,
    %get3A_468 = arith.constant 0 : i32
    %get3A_469 = arith.index_cast %get3A_468 : i32 to index
    %get3A_470 = arith.constant 32 : index
    %get3A_471 = tpu.vector_load %arg6[%get3A_469, %get3A_470] {strides = array<i32>} : memref<5x128xi32, #tpu.memory_space<vmem>>, vector<1x16xi32>,
    %get3A_472 = vector.shape_cast %get3A_471 : vector<1x16xi32> to vector<16xi32>
    %swap3A_473 = arith.constant 32 : index
    %swap3A_474 = tpu.vector_load %arg10[%swap3A_473] {strides = array<i32>} : memref<128xi32, #tpu.memory_space<vmem>>, vector<16xi32>,
    %swap3A_475 = vector.shape_cast %swap3A_474 : vector<16xi32> to vector<16xi32>
    %swap3A_476 = vector.shape_cast %get3A_472 : vector<16xi32> to vector<16xi32>
    tpu.vector_store %arg10[%swap3A_473], %swap3A_476 {strides = array<i32>} : memref<128xi32, #tpu.memory_space<vmem>>, vector<16xi32>,
    %get3A_477 = arith.constant 0 : i32
    %get3A_478 = arith.index_cast %get3A_477 : i32 to index
    %get3A_479 = arith.constant 48 : index
    %get3A_480 = tpu.vector_load %arg6[%get3A_478, %get3A_479] {strides = array<i32>} : memref<5x128xi32, #tpu.memory_space<vmem>>, vector<1x16xi32>,
    %get3A_481 = vector.shape_cast %get3A_480 : vector<1x16xi32> to vector<16xi32>
    %swap3A_482 = arith.constant 48 : index
    %swap3A_483 = tpu.vector_load %arg10[%swap3A_482] {strides = array<i32>} : memref<128xi32, #tpu.memory_space<vmem>>, vector<16xi32>,
    %swap3A_484 = vector.shape_cast %swap3A_483 : vector<16xi32> to vector<16xi32>
    %swap3A_485 = vector.shape_cast %get3A_481 : vector<16xi32> to vector<16xi32>
    tpu.vector_store %arg10[%swap3A_482], %swap3A_485 {strides = array<i32>} : memref<128xi32, #tpu.memory_space<vmem>>, vector<16xi32>,
    %get3A_486 = arith.constant 0 : i32
    %get3A_487 = arith.index_cast %get3A_486 : i32 to index
    %get3A_488 = arith.constant 64 : index
    %get3A_489 = tpu.vector_load %arg6[%get3A_487, %get3A_488] {strides = array<i32>} : memref<5x128xi32, #tpu.memory_space<vmem>>, vector<1x16xi32>,
    %get3A_490 = vector.shape_cast %get3A_489 : vector<1x16xi32> to vector<16xi32>
    %swap3A_491 = arith.constant 64 : index
    %swap3A_492 = tpu.vector_load %arg10[%swap3A_491] {strides = array<i32>} : memref<128xi32, #tpu.memory_space<vmem>>, vector<16xi32>,
    %swap3A_493 = vector.shape_cast %swap3A_492 : vector<16xi32> to vector<16xi32>
    %swap3A_494 = vector.shape_cast %get3A_490 : vector<16xi32> to vector<16xi32>
    tpu.vector_store %arg10[%swap3A_491], %swap3A_494 {strides = array<i32>} : memref<128xi32, #tpu.memory_space<vmem>>, vector<16xi32>,
    %get3A_495 = arith.constant 0 : i32
    %get3A_496 = arith.index_cast %get3A_495 : i32 to index
    %get3A_497 = arith.constant 80 : index
    %get3A_498 = tpu.vector_load %arg6[%get3A_496, %get3A_497] {strides = array<i32>} : memref<5x128xi32, #tpu.memory_space<vmem>>, vector<1x16xi32>,
    %get3A_499 = vector.shape_cast %get3A_498 : vector<1x16xi32> to vector<16xi32>
    %swap3A_500 = arith.constant 80 : index
    %swap3A_501 = tpu.vector_load %arg10[%swap3A_500] {strides = array<i32>} : memref<128xi32, #tpu.memory_space<vmem>>, vector<16xi32>,
    %swap3A_502 = vector.shape_cast %swap3A_501 : vector<16xi32> to vector<16xi32>
    %swap3A_503 = vector.shape_cast %get3A_499 : vector<16xi32> to vector<16xi32>
    tpu.vector_store %arg10[%swap3A_500], %swap3A_503 {strides = array<i32>} : memref<128xi32, #tpu.memory_space<vmem>>, vector<16xi32>,
    %get3A_504 = arith.constant 0 : i32
    %get3A_505 = arith.index_cast %get3A_504 : i32 to index
    %get3A_506 = arith.constant 96 : index
    %get3A_507 = tpu.vector_load %arg6[%get3A_505, %get3A_506] {strides = array<i32>} : memref<5x128xi32, #tpu.memory_space<vmem>>, vector<1x16xi32>,
    %get3A_508 = vector.shape_cast %get3A_507 : vector<1x16xi32> to vector<16xi32>
    %swap3A_509 = arith.constant 96 : index
    %swap3A_510 = tpu.vector_load %arg10[%swap3A_509] {strides = array<i32>} : memref<128xi32, #tpu.memory_space<vmem>>, vector<16xi32>,
    %swap3A_511 = vector.shape_cast %swap3A_510 : vector<16xi32> to vector<16xi32>
    %swap3A_512 = vector.shape_cast %get3A_508 : vector<16xi32> to vector<16xi32>
    tpu.vector_store %arg10[%swap3A_509], %swap3A_512 {strides = array<i32>} : memref<128xi32, #tpu.memory_space<vmem>>, vector<16xi32>,
    %get3A_513 = arith.constant 0 : i32
    %get3A_514 = arith.index_cast %get3A_513 : i32 to index
    %get3A_515 = arith.constant 112 : index
    %get3A_516 = tpu.vector_load %arg6[%get3A_514, %get3A_515] {strides = array<i32>} : memref<5x128xi32, #tpu.memory_space<vmem>>, vector<1x16xi32>,
    %get3A_517 = vector.shape_cast %get3A_516 : vector<1x16xi32> to vector<16xi32>
    %swap3A_518 = arith.constant 112 : index
    %swap3A_519 = tpu.vector_load %arg10[%swap3A_518] {strides = array<i32>} : memref<128xi32, #tpu.memory_space<vmem>>, vector<16xi32>,
    %swap3A_520 = vector.shape_cast %swap3A_519 : vector<16xi32> to vector<16xi32>
    %swap3A_521 = vector.shape_cast %get3A_517 : vector<16xi32> to vector<16xi32>
    tpu.vector_store %arg10[%swap3A_518], %swap3A_521 {strides = array<i32>} : memref<128xi32, #tpu.memory_space<vmem>>, vector<16xi32>,
    %dma_start3A_522 = arith.constant 0 : i32
    %dma_start3A_523 = tpu.memref_slice %arg11[%dma_start3A_522] : memref<10240xf32, #tpu.memory_space<vmem_shared>> -> memref<10240xf32, #tpu.memory_space<vmem_shared>>
    tpu.enqueue_indirect_dma source(%dma_start3A_523 : memref<10240xf32, #tpu.memory_space<vmem_shared>>) target(%arg8 : memref<128xf32, #tpu.memory_space<vmem>>) offsets(%arg10 : memref<128xi32, #tpu.memory_space<vmem>>) semaphore(%arg12 : memref<!tpu.dma_semaphore, #tpu.memory_space<semaphore_mem>>)
    %dma_wait3A_524 = arith.constant 0 : i32
    %dma_wait3A_525 = tpu.memref_slice %arg11[%dma_wait3A_524] : memref<10240xf32, #tpu.memory_space<vmem_shared>> -> memref<10240xf32, #tpu.memory_space<vmem_shared>>
    tpu.wait_indirect_dma semaphore(%arg12 : memref<!tpu.dma_semaphore, #tpu.memory_space<semaphore_mem>>) src(%dma_wait3A_525 : memref<10240xf32, #tpu.memory_space<vmem_shared>>) dst(%arg8 : memref<128xf32, #tpu.memory_space<vmem>>)
    %get3A_526 = arith.constant 0 : index
    %get3A_527 = tpu.vector_load %arg8[%get3A_526] {strides = array<i32>} : memref<128xf32, #tpu.memory_space<vmem>>, vector<16xf32>,
    %get3A_528 = vector.shape_cast %get3A_527 : vector<16xf32> to vector<16xf32>
    %swap3A_529 = arith.constant 0 : i32
    %swap3A_530 = arith.index_cast %swap3A_529 : i32 to index
    %swap3A_531 = arith.constant 0 : index
    %swap3A_532 = tpu.vector_load %arg9[%swap3A_530, %swap3A_531] {strides = array<i32>} : memref<8x128xf32, #tpu.memory_space<vmem>>, vector<1x16xf32>,
    %swap3A_533 = vector.shape_cast %swap3A_532 : vector<1x16xf32> to vector<16xf32>
    %swap3A_534 = vector.shape_cast %get3A_528 : vector<16xf32> to vector<1x16xf32>
    tpu.vector_store %arg9[%swap3A_530, %swap3A_531], %swap3A_534 {strides = array<i32>} : memref<8x128xf32, #tpu.memory_space<vmem>>, vector<1x16xf32>,
    %get3A_535 = arith.constant 16 : index
    %get3A_536 = tpu.vector_load %arg8[%get3A_535] {strides = array<i32>} : memref<128xf32, #tpu.memory_space<vmem>>, vector<16xf32>,
    %get3A_537 = vector.shape_cast %get3A_536 : vector<16xf32> to vector<16xf32>
    %swap3A_538 = arith.constant 0 : i32
    %swap3A_539 = arith.index_cast %swap3A_538 : i32 to index
    %swap3A_540 = arith.constant 16 : index
    %swap3A_541 = tpu.vector_load %arg9[%swap3A_539, %swap3A_540] {strides = array<i32>} : memref<8x128xf32, #tpu.memory_space<vmem>>, vector<1x16xf32>,
    %swap3A_542 = vector.shape_cast %swap3A_541 : vector<1x16xf32> to vector<16xf32>
    %swap3A_543 = vector.shape_cast %get3A_537 : vector<16xf32> to vector<1x16xf32>
    tpu.vector_store %arg9[%swap3A_539, %swap3A_540], %swap3A_543 {strides = array<i32>} : memref<8x128xf32, #tpu.memory_space<vmem>>, vector<1x16xf32>,
    %get3A_544 = arith.constant 32 : index
    %get3A_545 = tpu.vector_load %arg8[%get3A_544] {strides = array<i32>} : memref<128xf32, #tpu.memory_space<vmem>>, vector<16xf32>,
    %get3A_546 = vector.shape_cast %get3A_545 : vector<16xf32> to vector<16xf32>
    %swap3A_547 = arith.constant 0 : i32
    %swap3A_548 = arith.index_cast %swap3A_547 : i32 to index
    %swap3A_549 = arith.constant 32 : index
    %swap3A_550 = tpu.vector_load %arg9[%swap3A_548, %swap3A_549] {strides = array<i32>} : memref<8x128xf32, #tpu.memory_space<vmem>>, vector<1x16xf32>,
    %swap3A_551 = vector.shape_cast %swap3A_550 : vector<1x16xf32> to vector<16xf32>
    %swap3A_552 = vector.shape_cast %get3A_546 : vector<16xf32> to vector<1x16xf32>
    tpu.vector_store %arg9[%swap3A_548, %swap3A_549], %swap3A_552 {strides = array<i32>} : memref<8x128xf32, #tpu.memory_space<vmem>>, vector<1x16xf32>,
    %get3A_553 = arith.constant 48 : index
    %get3A_554 = tpu.vector_load %arg8[%get3A_553] {strides = array<i32>} : memref<128xf32, #tpu.memory_space<vmem>>, vector<16xf32>,
    %get3A_555 = vector.shape_cast %get3A_554 : vector<16xf32> to vector<16xf32>
    %swap3A_556 = arith.constant 0 : i32
    %swap3A_557 = arith.index_cast %swap3A_556 : i32 to index
    %swap3A_558 = arith.constant 48 : index
    %swap3A_559 = tpu.vector_load %arg9[%swap3A_557, %swap3A_558] {strides = array<i32>} : memref<8x128xf32, #tpu.memory_space<vmem>>, vector<1x16xf32>,
    %swap3A_560 = vector.shape_cast %swap3A_559 : vector<1x16xf32> to vector<16xf32>
    %swap3A_561 = vector.shape_cast %get3A_555 : vector<16xf32> to vector<1x16xf32>
    tpu.vector_store %arg9[%swap3A_557, %swap3A_558], %swap3A_561 {strides = array<i32>} : memref<8x128xf32, #tpu.memory_space<vmem>>, vector<1x16xf32>,
    %get3A_562 = arith.constant 64 : index
    %get3A_563 = tpu.vector_load %arg8[%get3A_562] {strides = array<i32>} : memref<128xf32, #tpu.memory_space<vmem>>, vector<16xf32>,
    %get3A_564 = vector.shape_cast %get3A_563 : vector<16xf32> to vector<16xf32>
    %swap3A_565 = arith.constant 0 : i32
    %swap3A_566 = arith.index_cast %swap3A_565 : i32 to index
    %swap3A_567 = arith.constant 64 : index
    %swap3A_568 = tpu.vector_load %arg9[%swap3A_566, %swap3A_567] {strides = array<i32>} : memref<8x128xf32, #tpu.memory_space<vmem>>, vector<1x16xf32>,
    %swap3A_569 = vector.shape_cast %swap3A_568 : vector<1x16xf32> to vector<16xf32>
    %swap3A_570 = vector.shape_cast %get3A_564 : vector<16xf32> to vector<1x16xf32>
    tpu.vector_store %arg9[%swap3A_566, %swap3A_567], %swap3A_570 {strides = array<i32>} : memref<8x128xf32, #tpu.memory_space<vmem>>, vector<1x16xf32>,
    %get3A_571 = arith.constant 80 : index
    %get3A_572 = tpu.vector_load %arg8[%get3A_571] {strides = array<i32>} : memref<128xf32, #tpu.memory_space<vmem>>, vector<16xf32>,
    %get3A_573 = vector.shape_cast %get3A_572 : vector<16xf32> to vector<16xf32>
    %swap3A_574 = arith.constant 0 : i32
    %swap3A_575 = arith.index_cast %swap3A_574 : i32 to index
    %swap3A_576 = arith.constant 80 : index
    %swap3A_577 = tpu.vector_load %arg9[%swap3A_575, %swap3A_576] {strides = array<i32>} : memref<8x128xf32, #tpu.memory_space<vmem>>, vector<1x16xf32>,
    %swap3A_578 = vector.shape_cast %swap3A_577 : vector<1x16xf32> to vector<16xf32>
    %swap3A_579 = vector.shape_cast %get3A_573 : vector<16xf32> to vector<1x16xf32>
    tpu.vector_store %arg9[%swap3A_575, %swap3A_576], %swap3A_579 {strides = array<i32>} : memref<8x128xf32, #tpu.memory_space<vmem>>, vector<1x16xf32>,
    %get3A_580 = arith.constant 96 : index
    %get3A_581 = tpu.vector_load %arg8[%get3A_580] {strides = array<i32>} : memref<128xf32, #tpu.memory_space<vmem>>, vector<16xf32>,
    %get3A_582 = vector.shape_cast %get3A_581 : vector<16xf32> to vector<16xf32>
    %swap3A_583 = arith.constant 0 : i32
    %swap3A_584 = arith.index_cast %swap3A_583 : i32 to index
    %swap3A_585 = arith.constant 96 : index
    %swap3A_586 = tpu.vector_load %arg9[%swap3A_584, %swap3A_585] {strides = array<i32>} : memref<8x128xf32, #tpu.memory_space<vmem>>, vector<1x16xf32>,
    %swap3A_587 = vector.shape_cast %swap3A_586 : vector<1x16xf32> to vector<16xf32>
    %swap3A_588 = vector.shape_cast %get3A_582 : vector<16xf32> to vector<1x16xf32>
    tpu.vector_store %arg9[%swap3A_584, %swap3A_585], %swap3A_588 {strides = array<i32>} : memref<8x128xf32, #tpu.memory_space<vmem>>, vector<1x16xf32>,
    %get3A_589 = arith.constant 112 : index
    %get3A_590 = tpu.vector_load %arg8[%get3A_589] {strides = array<i32>} : memref<128xf32, #tpu.memory_space<vmem>>, vector<16xf32>,
    %get3A_591 = vector.shape_cast %get3A_590 : vector<16xf32> to vector<16xf32>
    %swap3A_592 = arith.constant 0 : i32
    %swap3A_593 = arith.index_cast %swap3A_592 : i32 to index
    %swap3A_594 = arith.constant 112 : index
    %swap3A_595 = tpu.vector_load %arg9[%swap3A_593, %swap3A_594] {strides = array<i32>} : memref<8x128xf32, #tpu.memory_space<vmem>>, vector<1x16xf32>,
    %swap3A_596 = vector.shape_cast %swap3A_595 : vector<1x16xf32> to vector<16xf32>
    %swap3A_597 = vector.shape_cast %get3A_591 : vector<16xf32> to vector<1x16xf32>
    tpu.vector_store %arg9[%swap3A_593, %swap3A_594], %swap3A_597 {strides = array<i32>} : memref<8x128xf32, #tpu.memory_space<vmem>>, vector<1x16xf32>,
    %get3A_598 = arith.constant 1 : i32
    %get3A_599 = arith.index_cast %get3A_598 : i32 to index
    %get3A_600 = arith.constant 0 : index
    %get3A_601 = tpu.vector_load %arg6[%get3A_599, %get3A_600] {strides = array<i32>} : memref<5x128xi32, #tpu.memory_space<vmem>>, vector<1x16xi32>,
    %get3A_602 = vector.shape_cast %get3A_601 : vector<1x16xi32> to vector<16xi32>
    %swap3A_603 = arith.constant 0 : index
    %swap3A_604 = tpu.vector_load %arg10[%swap3A_603] {strides = array<i32>} : memref<128xi32, #tpu.memory_space<vmem>>, vector<16xi32>,
    %swap3A_605 = vector.shape_cast %swap3A_604 : vector<16xi32> to vector<16xi32>
    %swap3A_606 = vector.shape_cast %get3A_602 : vector<16xi32> to vector<16xi32>
    tpu.vector_store %arg10[%swap3A_603], %swap3A_606 {strides = array<i32>} : memref<128xi32, #tpu.memory_space<vmem>>, vector<16xi32>,
    %get3A_607 = arith.constant 1 : i32
    %get3A_608 = arith.index_cast %get3A_607 : i32 to index
    %get3A_609 = arith.constant 16 : index
    %get3A_610 = tpu.vector_load %arg6[%get3A_608, %get3A_609] {strides = array<i32>} : memref<5x128xi32, #tpu.memory_space<vmem>>, vector<1x16xi32>,
    %get3A_611 = vector.shape_cast %get3A_610 : vector<1x16xi32> to vector<16xi32>
    %swap3A_612 = arith.constant 16 : index
    %swap3A_613 = tpu.vector_load %arg10[%swap3A_612] {strides = array<i32>} : memref<128xi32, #tpu.memory_space<vmem>>, vector<16xi32>,
    %swap3A_614 = vector.shape_cast %swap3A_613 : vector<16xi32> to vector<16xi32>
    %swap3A_615 = vector.shape_cast %get3A_611 : vector<16xi32> to vector<16xi32>
    tpu.vector_store %arg10[%swap3A_612], %swap3A_615 {strides = array<i32>} : memref<128xi32, #tpu.memory_space<vmem>>, vector<16xi32>,
    %get3A_616 = arith.constant 1 : i32
    %get3A_617 = arith.index_cast %get3A_616 : i32 to index
    %get3A_618 = arith.constant 32 : index
    %get3A_619 = tpu.vector_load %arg6[%get3A_617, %get3A_618] {strides = array<i32>} : memref<5x128xi32, #tpu.memory_space<vmem>>, vector<1x16xi32>,
    %get3A_620 = vector.shape_cast %get3A_619 : vector<1x16xi32> to vector<16xi32>
    %swap3A_621 = arith.constant 32 : index
    %swap3A_622 = tpu.vector_load %arg10[%swap3A_621] {strides = array<i32>} : memref<128xi32, #tpu.memory_space<vmem>>, vector<16xi32>,
    %swap3A_623 = vector.shape_cast %swap3A_622 : vector<16xi32> to vector<16xi32>
    %swap3A_624 = vector.shape_cast %get3A_620 : vector<16xi32> to vector<16xi32>
    tpu.vector_store %arg10[%swap3A_621], %swap3A_624 {strides = array<i32>} : memref<128xi32, #tpu.memory_space<vmem>>, vector<16xi32>,
    %get3A_625 = arith.constant 1 : i32
    %get3A_626 = arith.index_cast %get3A_625 : i32 to index
    %get3A_627 = arith.constant 48 : index
    %get3A_628 = tpu.vector_load %arg6[%get3A_626, %get3A_627] {strides = array<i32>} : memref<5x128xi32, #tpu.memory_space<vmem>>, vector<1x16xi32>,
    %get3A_629 = vector.shape_cast %get3A_628 : vector<1x16xi32> to vector<16xi32>
    %swap3A_630 = arith.constant 48 : index
    %swap3A_631 = tpu.vector_load %arg10[%swap3A_630] {strides = array<i32>} : memref<128xi32, #tpu.memory_space<vmem>>, vector<16xi32>,
    %swap3A_632 = vector.shape_cast %swap3A_631 : vector<16xi32> to vector<16xi32>
    %swap3A_633 = vector.shape_cast %get3A_629 : vector<16xi32> to vector<16xi32>
    tpu.vector_store %arg10[%swap3A_630], %swap3A_633 {strides = array<i32>} : memref<128xi32, #tpu.memory_space<vmem>>, vector<16xi32>,
    %get3A_634 = arith.constant 1 : i32
    %get3A_635 = arith.index_cast %get3A_634 : i32 to index
    %get3A_636 = arith.constant 64 : index
    %get3A_637 = tpu.vector_load %arg6[%get3A_635, %get3A_636] {strides = array<i32>} : memref<5x128xi32, #tpu.memory_space<vmem>>, vector<1x16xi32>,
    %get3A_638 = vector.shape_cast %get3A_637 : vector<1x16xi32> to vector<16xi32>
    %swap3A_639 = arith.constant 64 : index
    %swap3A_640 = tpu.vector_load %arg10[%swap3A_639] {strides = array<i32>} : memref<128xi32, #tpu.memory_space<vmem>>, vector<16xi32>,
    %swap3A_641 = vector.shape_cast %swap3A_640 : vector<16xi32> to vector<16xi32>
    %swap3A_642 = vector.shape_cast %get3A_638 : vector<16xi32> to vector<16xi32>
    tpu.vector_store %arg10[%swap3A_639], %swap3A_642 {strides = array<i32>} : memref<128xi32, #tpu.memory_space<vmem>>, vector<16xi32>,
    %get3A_643 = arith.constant 1 : i32
    %get3A_644 = arith.index_cast %get3A_643 : i32 to index
    %get3A_645 = arith.constant 80 : index
    %get3A_646 = tpu.vector_load %arg6[%get3A_644, %get3A_645] {strides = array<i32>} : memref<5x128xi32, #tpu.memory_space<vmem>>, vector<1x16xi32>,
    %get3A_647 = vector.shape_cast %get3A_646 : vector<1x16xi32> to vector<16xi32>
    %swap3A_648 = arith.constant 80 : index
    %swap3A_649 = tpu.vector_load %arg10[%swap3A_648] {strides = array<i32>} : memref<128xi32, #tpu.memory_space<vmem>>, vector<16xi32>,
    %swap3A_650 = vector.shape_cast %swap3A_649 : vector<16xi32> to vector<16xi32>
    %swap3A_651 = vector.shape_cast %get3A_647 : vector<16xi32> to vector<16xi32>
    tpu.vector_store %arg10[%swap3A_648], %swap3A_651 {strides = array<i32>} : memref<128xi32, #tpu.memory_space<vmem>>, vector<16xi32>,
    %get3A_652 = arith.constant 1 : i32
    %get3A_653 = arith.index_cast %get3A_652 : i32 to index
    %get3A_654 = arith.constant 96 : index
    %get3A_655 = tpu.vector_load %arg6[%get3A_653, %get3A_654] {strides = array<i32>} : memref<5x128xi32, #tpu.memory_space<vmem>>, vector<1x16xi32>,
    %get3A_656 = vector.shape_cast %get3A_655 : vector<1x16xi32> to vector<16xi32>
    %swap3A_657 = arith.constant 96 : index
    %swap3A_658 = tpu.vector_load %arg10[%swap3A_657] {strides = array<i32>} : memref<128xi32, #tpu.memory_space<vmem>>, vector<16xi32>,
    %swap3A_659 = vector.shape_cast %swap3A_658 : vector<16xi32> to vector<16xi32>
    %swap3A_660 = vector.shape_cast %get3A_656 : vector<16xi32> to vector<16xi32>
    tpu.vector_store %arg10[%swap3A_657], %swap3A_660 {strides = array<i32>} : memref<128xi32, #tpu.memory_space<vmem>>, vector<16xi32>,
    %get3A_661 = arith.constant 1 : i32
    %get3A_662 = arith.index_cast %get3A_661 : i32 to index
    %get3A_663 = arith.constant 112 : index
    %get3A_664 = tpu.vector_load %arg6[%get3A_662, %get3A_663] {strides = array<i32>} : memref<5x128xi32, #tpu.memory_space<vmem>>, vector<1x16xi32>,
    %get3A_665 = vector.shape_cast %get3A_664 : vector<1x16xi32> to vector<16xi32>
    %swap3A_666 = arith.constant 112 : index
    %swap3A_667 = tpu.vector_load %arg10[%swap3A_666] {strides = array<i32>} : memref<128xi32, #tpu.memory_space<vmem>>, vector<16xi32>,
    %swap3A_668 = vector.shape_cast %swap3A_667 : vector<16xi32> to vector<16xi32>
    %swap3A_669 = vector.shape_cast %get3A_665 : vector<16xi32> to vector<16xi32>
    tpu.vector_store %arg10[%swap3A_666], %swap3A_669 {strides = array<i32>} : memref<128xi32, #tpu.memory_space<vmem>>, vector<16xi32>,
    %dma_start3A_670 = arith.constant 0 : i32
    %dma_start3A_671 = tpu.memref_slice %arg11[%dma_start3A_670] : memref<10240xf32, #tpu.memory_space<vmem_shared>> -> memref<10240xf32, #tpu.memory_space<vmem_shared>>
    tpu.enqueue_indirect_dma source(%dma_start3A_671 : memref<10240xf32, #tpu.memory_space<vmem_shared>>) target(%arg8 : memref<128xf32, #tpu.memory_space<vmem>>) offsets(%arg10 : memref<128xi32, #tpu.memory_space<vmem>>) semaphore(%arg12 : memref<!tpu.dma_semaphore, #tpu.memory_space<semaphore_mem>>)
    %dma_wait3A_672 = arith.constant 0 : i32
    %dma_wait3A_673 = tpu.memref_slice %arg11[%dma_wait3A_672] : memref<10240xf32, #tpu.memory_space<vmem_shared>> -> memref<10240xf32, #tpu.memory_space<vmem_shared>>
    tpu.wait_indirect_dma semaphore(%arg12 : memref<!tpu.dma_semaphore, #tpu.memory_space<semaphore_mem>>) src(%dma_wait3A_673 : memref<10240xf32, #tpu.memory_space<vmem_shared>>) dst(%arg8 : memref<128xf32, #tpu.memory_space<vmem>>)
    %get3A_674 = arith.constant 0 : index
    %get3A_675 = tpu.vector_load %arg8[%get3A_674] {strides = array<i32>} : memref<128xf32, #tpu.memory_space<vmem>>, vector<16xf32>,
    %get3A_676 = vector.shape_cast %get3A_675 : vector<16xf32> to vector<16xf32>
    %swap3A_677 = arith.constant 1 : i32
    %swap3A_678 = arith.index_cast %swap3A_677 : i32 to index
    %swap3A_679 = arith.constant 0 : index
    %swap3A_680 = tpu.vector_load %arg9[%swap3A_678, %swap3A_679] {strides = array<i32>} : memref<8x128xf32, #tpu.memory_space<vmem>>, vector<1x16xf32>,
    %swap3A_681 = vector.shape_cast %swap3A_680 : vector<1x16xf32> to vector<16xf32>
    %swap3A_682 = vector.shape_cast %get3A_676 : vector<16xf32> to vector<1x16xf32>
    tpu.vector_store %arg9[%swap3A_678, %swap3A_679], %swap3A_682 {strides = array<i32>} : memref<8x128xf32, #tpu.memory_space<vmem>>, vector<1x16xf32>,
    %get3A_683 = arith.constant 16 : index
    %get3A_684 = tpu.vector_load %arg8[%get3A_683] {strides = array<i32>} : memref<128xf32, #tpu.memory_space<vmem>>, vector<16xf32>,
    %get3A_685 = vector.shape_cast %get3A_684 : vector<16xf32> to vector<16xf32>
    %swap3A_686 = arith.constant 1 : i32
    %swap3A_687 = arith.index_cast %swap3A_686 : i32 to index
    %swap3A_688 = arith.constant 16 : index
    %swap3A_689 = tpu.vector_load %arg9[%swap3A_687, %swap3A_688] {strides = array<i32>} : memref<8x128xf32, #tpu.memory_space<vmem>>, vector<1x16xf32>,
    %swap3A_690 = vector.shape_cast %swap3A_689 : vector<1x16xf32> to vector<16xf32>
    %swap3A_691 = vector.shape_cast %get3A_685 : vector<16xf32> to vector<1x16xf32>
    tpu.vector_store %arg9[%swap3A_687, %swap3A_688], %swap3A_691 {strides = array<i32>} : memref<8x128xf32, #tpu.memory_space<vmem>>, vector<1x16xf32>,
    %get3A_692 = arith.constant 32 : index
    %get3A_693 = tpu.vector_load %arg8[%get3A_692] {strides = array<i32>} : memref<128xf32, #tpu.memory_space<vmem>>, vector<16xf32>,
    %get3A_694 = vector.shape_cast %get3A_693 : vector<16xf32> to vector<16xf32>
    %swap3A_695 = arith.constant 1 : i32
    %swap3A_696 = arith.index_cast %swap3A_695 : i32 to index
    %swap3A_697 = arith.constant 32 : index
    %swap3A_698 = tpu.vector_load %arg9[%swap3A_696, %swap3A_697] {strides = array<i32>} : memref<8x128xf32, #tpu.memory_space<vmem>>, vector<1x16xf32>,
    %swap3A_699 = vector.shape_cast %swap3A_698 : vector<1x16xf32> to vector<16xf32>
    %swap3A_700 = vector.shape_cast %get3A_694 : vector<16xf32> to vector<1x16xf32>
    tpu.vector_store %arg9[%swap3A_696, %swap3A_697], %swap3A_700 {strides = array<i32>} : memref<8x128xf32, #tpu.memory_space<vmem>>, vector<1x16xf32>,
    %get3A_701 = arith.constant 48 : index
    %get3A_702 = tpu.vector_load %arg8[%get3A_701] {strides = array<i32>} : memref<128xf32, #tpu.memory_space<vmem>>, vector<16xf32>,
    %get3A_703 = vector.shape_cast %get3A_702 : vector<16xf32> to vector<16xf32>
    %swap3A_704 = arith.constant 1 : i32
    %swap3A_705 = arith.index_cast %swap3A_704 : i32 to index
    %swap3A_706 = arith.constant 48 : index
    %swap3A_707 = tpu.vector_load %arg9[%swap3A_705, %swap3A_706] {strides = array<i32>} : memref<8x128xf32, #tpu.memory_space<vmem>>, vector<1x16xf32>,
    %swap3A_708 = vector.shape_cast %swap3A_707 : vector<1x16xf32> to vector<16xf32>
    %swap3A_709 = vector.shape_cast %get3A_703 : vector<16xf32> to vector<1x16xf32>
    tpu.vector_store %arg9[%swap3A_705, %swap3A_706], %swap3A_709 {strides = array<i32>} : memref<8x128xf32, #tpu.memory_space<vmem>>, vector<1x16xf32>,
    %get3A_710 = arith.constant 64 : index
    %get3A_711 = tpu.vector_load %arg8[%get3A_710] {strides = array<i32>} : memref<128xf32, #tpu.memory_space<vmem>>, vector<16xf32>,
    %get3A_712 = vector.shape_cast %get3A_711 : vector<16xf32> to vector<16xf32>
    %swap3A_713 = arith.constant 1 : i32
    %swap3A_714 = arith.index_cast %swap3A_713 : i32 to index
    %swap3A_715 = arith.constant 64 : index
    %swap3A_716 = tpu.vector_load %arg9[%swap3A_714, %swap3A_715] {strides = array<i32>} : memref<8x128xf32, #tpu.memory_space<vmem>>, vector<1x16xf32>,
    %swap3A_717 = vector.shape_cast %swap3A_716 : vector<1x16xf32> to vector<16xf32>
    %swap3A_718 = vector.shape_cast %get3A_712 : vector<16xf32> to vector<1x16xf32>
    tpu.vector_store %arg9[%swap3A_714, %swap3A_715], %swap3A_718 {strides = array<i32>} : memref<8x128xf32, #tpu.memory_space<vmem>>, vector<1x16xf32>,
    %get3A_719 = arith.constant 80 : index
    %get3A_720 = tpu.vector_load %arg8[%get3A_719] {strides = array<i32>} : memref<128xf32, #tpu.memory_space<vmem>>, vector<16xf32>,
    %get3A_721 = vector.shape_cast %get3A_720 : vector<16xf32> to vector<16xf32>
    %swap3A_722 = arith.constant 1 : i32
    %swap3A_723 = arith.index_cast %swap3A_722 : i32 to index
    %swap3A_724 = arith.constant 80 : index
    %swap3A_725 = tpu.vector_load %arg9[%swap3A_723, %swap3A_724] {strides = array<i32>} : memref<8x128xf32, #tpu.memory_space<vmem>>, vector<1x16xf32>,
    %swap3A_726 = vector.shape_cast %swap3A_725 : vector<1x16xf32> to vector<16xf32>
    %swap3A_727 = vector.shape_cast %get3A_721 : vector<16xf32> to vector<1x16xf32>
    tpu.vector_store %arg9[%swap3A_723, %swap3A_724], %swap3A_727 {strides = array<i32>} : memref<8x128xf32, #tpu.memory_space<vmem>>, vector<1x16xf32>,
    %get3A_728 = arith.constant 96 : index
    %get3A_729 = tpu.vector_load %arg8[%get3A_728] {strides = array<i32>} : memref<128xf32, #tpu.memory_space<vmem>>, vector<16xf32>,
    %get3A_730 = vector.shape_cast %get3A_729 : vector<16xf32> to vector<16xf32>
    %swap3A_731 = arith.constant 1 : i32
    %swap3A_732 = arith.index_cast %swap3A_731 : i32 to index
    %swap3A_733 = arith.constant 96 : index
    %swap3A_734 = tpu.vector_load %arg9[%swap3A_732, %swap3A_733] {strides = array<i32>} : memref<8x128xf32, #tpu.memory_space<vmem>>, vector<1x16xf32>,
    %swap3A_735 = vector.shape_cast %swap3A_734 : vector<1x16xf32> to vector<16xf32>
    %swap3A_736 = vector.shape_cast %get3A_730 : vector<16xf32> to vector<1x16xf32>
    tpu.vector_store %arg9[%swap3A_732, %swap3A_733], %swap3A_736 {strides = array<i32>} : memref<8x128xf32, #tpu.memory_space<vmem>>, vector<1x16xf32>,
    %get3A_737 = arith.constant 112 : index
    %get3A_738 = tpu.vector_load %arg8[%get3A_737] {strides = array<i32>} : memref<128xf32, #tpu.memory_space<vmem>>, vector<16xf32>,
    %get3A_739 = vector.shape_cast %get3A_738 : vector<16xf32> to vector<16xf32>
    %swap3A_740 = arith.constant 1 : i32
    %swap3A_741 = arith.index_cast %swap3A_740 : i32 to index
    %swap3A_742 = arith.constant 112 : index
    %swap3A_743 = tpu.vector_load %arg9[%swap3A_741, %swap3A_742] {strides = array<i32>} : memref<8x128xf32, #tpu.memory_space<vmem>>, vector<1x16xf32>,
    %swap3A_744 = vector.shape_cast %swap3A_743 : vector<1x16xf32> to vector<16xf32>
    %swap3A_745 = vector.shape_cast %get3A_739 : vector<16xf32> to vector<1x16xf32>
    tpu.vector_store %arg9[%swap3A_741, %swap3A_742], %swap3A_745 {strides = array<i32>} : memref<8x128xf32, #tpu.memory_space<vmem>>, vector<1x16xf32>,
    %get3A_746 = arith.constant 2 : i32
    %get3A_747 = arith.index_cast %get3A_746 : i32 to index
    %get3A_748 = arith.constant 0 : index
    %get3A_749 = tpu.vector_load %arg6[%get3A_747, %get3A_748] {strides = array<i32>} : memref<5x128xi32, #tpu.memory_space<vmem>>, vector<1x16xi32>,
    %get3A_750 = vector.shape_cast %get3A_749 : vector<1x16xi32> to vector<16xi32>
    %swap3A_751 = arith.constant 0 : index
    %swap3A_752 = tpu.vector_load %arg10[%swap3A_751] {strides = array<i32>} : memref<128xi32, #tpu.memory_space<vmem>>, vector<16xi32>,
    %swap3A_753 = vector.shape_cast %swap3A_752 : vector<16xi32> to vector<16xi32>
    %swap3A_754 = vector.shape_cast %get3A_750 : vector<16xi32> to vector<16xi32>
    tpu.vector_store %arg10[%swap3A_751], %swap3A_754 {strides = array<i32>} : memref<128xi32, #tpu.memory_space<vmem>>, vector<16xi32>,
    %get3A_755 = arith.constant 2 : i32
    %get3A_756 = arith.index_cast %get3A_755 : i32 to index
    %get3A_757 = arith.constant 16 : index
    %get3A_758 = tpu.vector_load %arg6[%get3A_756, %get3A_757] {strides = array<i32>} : memref<5x128xi32, #tpu.memory_space<vmem>>, vector<1x16xi32>,
    %get3A_759 = vector.shape_cast %get3A_758 : vector<1x16xi32> to vector<16xi32>
    %swap3A_760 = arith.constant 16 : index
    %swap3A_761 = tpu.vector_load %arg10[%swap3A_760] {strides = array<i32>} : memref<128xi32, #tpu.memory_space<vmem>>, vector<16xi32>,
    %swap3A_762 = vector.shape_cast %swap3A_761 : vector<16xi32> to vector<16xi32>
    %swap3A_763 = vector.shape_cast %get3A_759 : vector<16xi32> to vector<16xi32>
    tpu.vector_store %arg10[%swap3A_760], %swap3A_763 {strides = array<i32>} : memref<128xi32, #tpu.memory_space<vmem>>, vector<16xi32>,
    %get3A_764 = arith.constant 2 : i32
    %get3A_765 = arith.index_cast %get3A_764 : i32 to index
    %get3A_766 = arith.constant 32 : index
    %get3A_767 = tpu.vector_load %arg6[%get3A_765, %get3A_766] {strides = array<i32>} : memref<5x128xi32, #tpu.memory_space<vmem>>, vector<1x16xi32>,
    %get3A_768 = vector.shape_cast %get3A_767 : vector<1x16xi32> to vector<16xi32>
    %swap3A_769 = arith.constant 32 : index
    %swap3A_770 = tpu.vector_load %arg10[%swap3A_769] {strides = array<i32>} : memref<128xi32, #tpu.memory_space<vmem>>, vector<16xi32>,
    %swap3A_771 = vector.shape_cast %swap3A_770 : vector<16xi32> to vector<16xi32>
    %swap3A_772 = vector.shape_cast %get3A_768 : vector<16xi32> to vector<16xi32>
    tpu.vector_store %arg10[%swap3A_769], %swap3A_772 {strides = array<i32>} : memref<128xi32, #tpu.memory_space<vmem>>, vector<16xi32>,
    %get3A_773 = arith.constant 2 : i32
    %get3A_774 = arith.index_cast %get3A_773 : i32 to index
    %get3A_775 = arith.constant 48 : index
    %get3A_776 = tpu.vector_load %arg6[%get3A_774, %get3A_775] {strides = array<i32>} : memref<5x128xi32, #tpu.memory_space<vmem>>, vector<1x16xi32>,
    %get3A_777 = vector.shape_cast %get3A_776 : vector<1x16xi32> to vector<16xi32>
    %swap3A_778 = arith.constant 48 : index
    %swap3A_779 = tpu.vector_load %arg10[%swap3A_778] {strides = array<i32>} : memref<128xi32, #tpu.memory_space<vmem>>, vector<16xi32>,
    %swap3A_780 = vector.shape_cast %swap3A_779 : vector<16xi32> to vector<16xi32>
    %swap3A_781 = vector.shape_cast %get3A_777 : vector<16xi32> to vector<16xi32>
    tpu.vector_store %arg10[%swap3A_778], %swap3A_781 {strides = array<i32>} : memref<128xi32, #tpu.memory_space<vmem>>, vector<16xi32>,
    %get3A_782 = arith.constant 2 : i32
    %get3A_783 = arith.index_cast %get3A_782 : i32 to index
    %get3A_784 = arith.constant 64 : index
    %get3A_785 = tpu.vector_load %arg6[%get3A_783, %get3A_784] {strides = array<i32>} : memref<5x128xi32, #tpu.memory_space<vmem>>, vector<1x16xi32>,
    %get3A_786 = vector.shape_cast %get3A_785 : vector<1x16xi32> to vector<16xi32>
    %swap3A_787 = arith.constant 64 : index
    %swap3A_788 = tpu.vector_load %arg10[%swap3A_787] {strides = array<i32>} : memref<128xi32, #tpu.memory_space<vmem>>, vector<16xi32>,
    %swap3A_789 = vector.shape_cast %swap3A_788 : vector<16xi32> to vector<16xi32>
    %swap3A_790 = vector.shape_cast %get3A_786 : vector<16xi32> to vector<16xi32>
    tpu.vector_store %arg10[%swap3A_787], %swap3A_790 {strides = array<i32>} : memref<128xi32, #tpu.memory_space<vmem>>, vector<16xi32>,
    %get3A_791 = arith.constant 2 : i32
    %get3A_792 = arith.index_cast %get3A_791 : i32 to index
    %get3A_793 = arith.constant 80 : index
    %get3A_794 = tpu.vector_load %arg6[%get3A_792, %get3A_793] {strides = array<i32>} : memref<5x128xi32, #tpu.memory_space<vmem>>, vector<1x16xi32>,
    %get3A_795 = vector.shape_cast %get3A_794 : vector<1x16xi32> to vector<16xi32>
    %swap3A_796 = arith.constant 80 : index
    %swap3A_797 = tpu.vector_load %arg10[%swap3A_796] {strides = array<i32>} : memref<128xi32, #tpu.memory_space<vmem>>, vector<16xi32>,
    %swap3A_798 = vector.shape_cast %swap3A_797 : vector<16xi32> to vector<16xi32>
    %swap3A_799 = vector.shape_cast %get3A_795 : vector<16xi32> to vector<16xi32>
    tpu.vector_store %arg10[%swap3A_796], %swap3A_799 {strides = array<i32>} : memref<128xi32, #tpu.memory_space<vmem>>, vector<16xi32>,
    %get3A_800 = arith.constant 2 : i32
    %get3A_801 = arith.index_cast %get3A_800 : i32 to index
    %get3A_802 = arith.constant 96 : index
    %get3A_803 = tpu.vector_load %arg6[%get3A_801, %get3A_802] {strides = array<i32>} : memref<5x128xi32, #tpu.memory_space<vmem>>, vector<1x16xi32>,
    %get3A_804 = vector.shape_cast %get3A_803 : vector<1x16xi32> to vector<16xi32>
    %swap3A_805 = arith.constant 96 : index
    %swap3A_806 = tpu.vector_load %arg10[%swap3A_805] {strides = array<i32>} : memref<128xi32, #tpu.memory_space<vmem>>, vector<16xi32>,
    %swap3A_807 = vector.shape_cast %swap3A_806 : vector<16xi32> to vector<16xi32>
    %swap3A_808 = vector.shape_cast %get3A_804 : vector<16xi32> to vector<16xi32>
    tpu.vector_store %arg10[%swap3A_805], %swap3A_808 {strides = array<i32>} : memref<128xi32, #tpu.memory_space<vmem>>, vector<16xi32>,
    %get3A_809 = arith.constant 2 : i32
    %get3A_810 = arith.index_cast %get3A_809 : i32 to index
    %get3A_811 = arith.constant 112 : index
    %get3A_812 = tpu.vector_load %arg6[%get3A_810, %get3A_811] {strides = array<i32>} : memref<5x128xi32, #tpu.memory_space<vmem>>, vector<1x16xi32>,
    %get3A_813 = vector.shape_cast %get3A_812 : vector<1x16xi32> to vector<16xi32>
    %swap3A_814 = arith.constant 112 : index
    %swap3A_815 = tpu.vector_load %arg10[%swap3A_814] {strides = array<i32>} : memref<128xi32, #tpu.memory_space<vmem>>, vector<16xi32>,
    %swap3A_816 = vector.shape_cast %swap3A_815 : vector<16xi32> to vector<16xi32>
    %swap3A_817 = vector.shape_cast %get3A_813 : vector<16xi32> to vector<16xi32>
    tpu.vector_store %arg10[%swap3A_814], %swap3A_817 {strides = array<i32>} : memref<128xi32, #tpu.memory_space<vmem>>, vector<16xi32>,
    %dma_start3A_818 = arith.constant 0 : i32
    %dma_start3A_819 = tpu.memref_slice %arg11[%dma_start3A_818] : memref<10240xf32, #tpu.memory_space<vmem_shared>> -> memref<10240xf32, #tpu.memory_space<vmem_shared>>
    tpu.enqueue_indirect_dma source(%dma_start3A_819 : memref<10240xf32, #tpu.memory_space<vmem_shared>>) target(%arg8 : memref<128xf32, #tpu.memory_space<vmem>>) offsets(%arg10 : memref<128xi32, #tpu.memory_space<vmem>>) semaphore(%arg12 : memref<!tpu.dma_semaphore, #tpu.memory_space<semaphore_mem>>)
    %dma_wait3A_820 = arith.constant 0 : i32
    %dma_wait3A_821 = tpu.memref_slice %arg11[%dma_wait3A_820] : memref<10240xf32, #tpu.memory_space<vmem_shared>> -> memref<10240xf32, #tpu.memory_space<vmem_shared>>
    tpu.wait_indirect_dma semaphore(%arg12 : memref<!tpu.dma_semaphore, #tpu.memory_space<semaphore_mem>>) src(%dma_wait3A_821 : memref<10240xf32, #tpu.memory_space<vmem_shared>>) dst(%arg8 : memref<128xf32, #tpu.memory_space<vmem>>)
    %get3A_822 = arith.constant 0 : index
    %get3A_823 = tpu.vector_load %arg8[%get3A_822] {strides = array<i32>} : memref<128xf32, #tpu.memory_space<vmem>>, vector<16xf32>,
    %get3A_824 = vector.shape_cast %get3A_823 : vector<16xf32> to vector<16xf32>
    %swap3A_825 = arith.constant 2 : i32
    %swap3A_826 = arith.index_cast %swap3A_825 : i32 to index
    %swap3A_827 = arith.constant 0 : index
    %swap3A_828 = tpu.vector_load %arg9[%swap3A_826, %swap3A_827] {strides = array<i32>} : memref<8x128xf32, #tpu.memory_space<vmem>>, vector<1x16xf32>,
    %swap3A_829 = vector.shape_cast %swap3A_828 : vector<1x16xf32> to vector<16xf32>
    %swap3A_830 = vector.shape_cast %get3A_824 : vector<16xf32> to vector<1x16xf32>
    tpu.vector_store %arg9[%swap3A_826, %swap3A_827], %swap3A_830 {strides = array<i32>} : memref<8x128xf32, #tpu.memory_space<vmem>>, vector<1x16xf32>,
    %get3A_831 = arith.constant 16 : index
    %get3A_832 = tpu.vector_load %arg8[%get3A_831] {strides = array<i32>} : memref<128xf32, #tpu.memory_space<vmem>>, vector<16xf32>,
    %get3A_833 = vector.shape_cast %get3A_832 : vector<16xf32> to vector<16xf32>
    %swap3A_834 = arith.constant 2 : i32
    %swap3A_835 = arith.index_cast %swap3A_834 : i32 to index
    %swap3A_836 = arith.constant 16 : index
    %swap3A_837 = tpu.vector_load %arg9[%swap3A_835, %swap3A_836] {strides = array<i32>} : memref<8x128xf32, #tpu.memory_space<vmem>>, vector<1x16xf32>,
    %swap3A_838 = vector.shape_cast %swap3A_837 : vector<1x16xf32> to vector<16xf32>
    %swap3A_839 = vector.shape_cast %get3A_833 : vector<16xf32> to vector<1x16xf32>
    tpu.vector_store %arg9[%swap3A_835, %swap3A_836], %swap3A_839 {strides = array<i32>} : memref<8x128xf32, #tpu.memory_space<vmem>>, vector<1x16xf32>,
    %get3A_840 = arith.constant 32 : index
    %get3A_841 = tpu.vector_load %arg8[%get3A_840] {strides = array<i32>} : memref<128xf32, #tpu.memory_space<vmem>>, vector<16xf32>,
    %get3A_842 = vector.shape_cast %get3A_841 : vector<16xf32> to vector<16xf32>
    %swap3A_843 = arith.constant 2 : i32
    %swap3A_844 = arith.index_cast %swap3A_843 : i32 to index
    %swap3A_845 = arith.constant 32 : index
    %swap3A_846 = tpu.vector_load %arg9[%swap3A_844, %swap3A_845] {strides = array<i32>} : memref<8x128xf32, #tpu.memory_space<vmem>>, vector<1x16xf32>,
    %swap3A_847 = vector.shape_cast %swap3A_846 : vector<1x16xf32> to vector<16xf32>
    %swap3A_848 = vector.shape_cast %get3A_842 : vector<16xf32> to vector<1x16xf32>
    tpu.vector_store %arg9[%swap3A_844, %swap3A_845], %swap3A_848 {strides = array<i32>} : memref<8x128xf32, #tpu.memory_space<vmem>>, vector<1x16xf32>,
    %get3A_849 = arith.constant 48 : index
    %get3A_850 = tpu.vector_load %arg8[%get3A_849] {strides = array<i32>} : memref<128xf32, #tpu.memory_space<vmem>>, vector<16xf32>,
    %get3A_851 = vector.shape_cast %get3A_850 : vector<16xf32> to vector<16xf32>
    %swap3A_852 = arith.constant 2 : i32
    %swap3A_853 = arith.index_cast %swap3A_852 : i32 to index
    %swap3A_854 = arith.constant 48 : index
    %swap3A_855 = tpu.vector_load %arg9[%swap3A_853, %swap3A_854] {strides = array<i32>} : memref<8x128xf32, #tpu.memory_space<vmem>>, vector<1x16xf32>,
    %swap3A_856 = vector.shape_cast %swap3A_855 : vector<1x16xf32> to vector<16xf32>
    %swap3A_857 = vector.shape_cast %get3A_851 : vector<16xf32> to vector<1x16xf32>
    tpu.vector_store %arg9[%swap3A_853, %swap3A_854], %swap3A_857 {strides = array<i32>} : memref<8x128xf32, #tpu.memory_space<vmem>>, vector<1x16xf32>,
    %get3A_858 = arith.constant 64 : index
    %get3A_859 = tpu.vector_load %arg8[%get3A_858] {strides = array<i32>} : memref<128xf32, #tpu.memory_space<vmem>>, vector<16xf32>,
    %get3A_860 = vector.shape_cast %get3A_859 : vector<16xf32> to vector<16xf32>
    %swap3A_861 = arith.constant 2 : i32
    %swap3A_862 = arith.index_cast %swap3A_861 : i32 to index
    %swap3A_863 = arith.constant 64 : index
    %swap3A_864 = tpu.vector_load %arg9[%swap3A_862, %swap3A_863] {strides = array<i32>} : memref<8x128xf32, #tpu.memory_space<vmem>>, vector<1x16xf32>,
    %swap3A_865 = vector.shape_cast %swap3A_864 : vector<1x16xf32> to vector<16xf32>
    %swap3A_866 = vector.shape_cast %get3A_860 : vector<16xf32> to vector<1x16xf32>
    tpu.vector_store %arg9[%swap3A_862, %swap3A_863], %swap3A_866 {strides = array<i32>} : memref<8x128xf32, #tpu.memory_space<vmem>>, vector<1x16xf32>,
    %get3A_867 = arith.constant 80 : index
    %get3A_868 = tpu.vector_load %arg8[%get3A_867] {strides = array<i32>} : memref<128xf32, #tpu.memory_space<vmem>>, vector<16xf32>,
    %get3A_869 = vector.shape_cast %get3A_868 : vector<16xf32> to vector<16xf32>
    %swap3A_870 = arith.constant 2 : i32
    %swap3A_871 = arith.index_cast %swap3A_870 : i32 to index
    %swap3A_872 = arith.constant 80 : index
    %swap3A_873 = tpu.vector_load %arg9[%swap3A_871, %swap3A_872] {strides = array<i32>} : memref<8x128xf32, #tpu.memory_space<vmem>>, vector<1x16xf32>,
    %swap3A_874 = vector.shape_cast %swap3A_873 : vector<1x16xf32> to vector<16xf32>
    %swap3A_875 = vector.shape_cast %get3A_869 : vector<16xf32> to vector<1x16xf32>
    tpu.vector_store %arg9[%swap3A_871, %swap3A_872], %swap3A_875 {strides = array<i32>} : memref<8x128xf32, #tpu.memory_space<vmem>>, vector<1x16xf32>,
    %get3A_876 = arith.constant 96 : index
    %get3A_877 = tpu.vector_load %arg8[%get3A_876] {strides = array<i32>} : memref<128xf32, #tpu.memory_space<vmem>>, vector<16xf32>,
    %get3A_878 = vector.shape_cast %get3A_877 : vector<16xf32> to vector<16xf32>
    %swap3A_879 = arith.constant 2 : i32
    %swap3A_880 = arith.index_cast %swap3A_879 : i32 to index
    %swap3A_881 = arith.constant 96 : index
    %swap3A_882 = tpu.vector_load %arg9[%swap3A_880, %swap3A_881] {strides = array<i32>} : memref<8x128xf32, #tpu.memory_space<vmem>>, vector<1x16xf32>,
    %swap3A_883 = vector.shape_cast %swap3A_882 : vector<1x16xf32> to vector<16xf32>
    %swap3A_884 = vector.shape_cast %get3A_878 : vector<16xf32> to vector<1x16xf32>
    tpu.vector_store %arg9[%swap3A_880, %swap3A_881], %swap3A_884 {strides = array<i32>} : memref<8x128xf32, #tpu.memory_space<vmem>>, vector<1x16xf32>,
    %get3A_885 = arith.constant 112 : index
    %get3A_886 = tpu.vector_load %arg8[%get3A_885] {strides = array<i32>} : memref<128xf32, #tpu.memory_space<vmem>>, vector<16xf32>,
    %get3A_887 = vector.shape_cast %get3A_886 : vector<16xf32> to vector<16xf32>
    %swap3A_888 = arith.constant 2 : i32
    %swap3A_889 = arith.index_cast %swap3A_888 : i32 to index
    %swap3A_890 = arith.constant 112 : index
    %swap3A_891 = tpu.vector_load %arg9[%swap3A_889, %swap3A_890] {strides = array<i32>} : memref<8x128xf32, #tpu.memory_space<vmem>>, vector<1x16xf32>,
    %swap3A_892 = vector.shape_cast %swap3A_891 : vector<1x16xf32> to vector<16xf32>
    %swap3A_893 = vector.shape_cast %get3A_887 : vector<16xf32> to vector<1x16xf32>
    tpu.vector_store %arg9[%swap3A_889, %swap3A_890], %swap3A_893 {strides = array<i32>} : memref<8x128xf32, #tpu.memory_space<vmem>>, vector<1x16xf32>,
    %get3A_894 = arith.constant 3 : i32
    %get3A_895 = arith.index_cast %get3A_894 : i32 to index
    %get3A_896 = arith.constant 0 : index
    %get3A_897 = tpu.vector_load %arg6[%get3A_895, %get3A_896] {strides = array<i32>} : memref<5x128xi32, #tpu.memory_space<vmem>>, vector<1x16xi32>,
    %get3A_898 = vector.shape_cast %get3A_897 : vector<1x16xi32> to vector<16xi32>
    %swap3A_899 = arith.constant 0 : index
    %swap3A_900 = tpu.vector_load %arg10[%swap3A_899] {strides = array<i32>} : memref<128xi32, #tpu.memory_space<vmem>>, vector<16xi32>,
    %swap3A_901 = vector.shape_cast %swap3A_900 : vector<16xi32> to vector<16xi32>
    %swap3A_902 = vector.shape_cast %get3A_898 : vector<16xi32> to vector<16xi32>
    tpu.vector_store %arg10[%swap3A_899], %swap3A_902 {strides = array<i32>} : memref<128xi32, #tpu.memory_space<vmem>>, vector<16xi32>,
    %get3A_903 = arith.constant 3 : i32
    %get3A_904 = arith.index_cast %get3A_903 : i32 to index
    %get3A_905 = arith.constant 16 : index
    %get3A_906 = tpu.vector_load %arg6[%get3A_904, %get3A_905] {strides = array<i32>} : memref<5x128xi32, #tpu.memory_space<vmem>>, vector<1x16xi32>,
    %get3A_907 = vector.shape_cast %get3A_906 : vector<1x16xi32> to vector<16xi32>
    %swap3A_908 = arith.constant 16 : index
    %swap3A_909 = tpu.vector_load %arg10[%swap3A_908] {strides = array<i32>} : memref<128xi32, #tpu.memory_space<vmem>>, vector<16xi32>,
    %swap3A_910 = vector.shape_cast %swap3A_909 : vector<16xi32> to vector<16xi32>
    %swap3A_911 = vector.shape_cast %get3A_907 : vector<16xi32> to vector<16xi32>
    tpu.vector_store %arg10[%swap3A_908], %swap3A_911 {strides = array<i32>} : memref<128xi32, #tpu.memory_space<vmem>>, vector<16xi32>,
    %get3A_912 = arith.constant 3 : i32
    %get3A_913 = arith.index_cast %get3A_912 : i32 to index
    %get3A_914 = arith.constant 32 : index
    %get3A_915 = tpu.vector_load %arg6[%get3A_913, %get3A_914] {strides = array<i32>} : memref<5x128xi32, #tpu.memory_space<vmem>>, vector<1x16xi32>,
    %get3A_916 = vector.shape_cast %get3A_915 : vector<1x16xi32> to vector<16xi32>
    %swap3A_917 = arith.constant 32 : index
    %swap3A_918 = tpu.vector_load %arg10[%swap3A_917] {strides = array<i32>} : memref<128xi32, #tpu.memory_space<vmem>>, vector<16xi32>,
    %swap3A_919 = vector.shape_cast %swap3A_918 : vector<16xi32> to vector<16xi32>
    %swap3A_920 = vector.shape_cast %get3A_916 : vector<16xi32> to vector<16xi32>
    tpu.vector_store %arg10[%swap3A_917], %swap3A_920 {strides = array<i32>} : memref<128xi32, #tpu.memory_space<vmem>>, vector<16xi32>,
    %get3A_921 = arith.constant 3 : i32
    %get3A_922 = arith.index_cast %get3A_921 : i32 to index
    %get3A_923 = arith.constant 48 : index
    %get3A_924 = tpu.vector_load %arg6[%get3A_922, %get3A_923] {strides = array<i32>} : memref<5x128xi32, #tpu.memory_space<vmem>>, vector<1x16xi32>,
    %get3A_925 = vector.shape_cast %get3A_924 : vector<1x16xi32> to vector<16xi32>
    %swap3A_926 = arith.constant 48 : index
    %swap3A_927 = tpu.vector_load %arg10[%swap3A_926] {strides = array<i32>} : memref<128xi32, #tpu.memory_space<vmem>>, vector<16xi32>,
    %swap3A_928 = vector.shape_cast %swap3A_927 : vector<16xi32> to vector<16xi32>
    %swap3A_929 = vector.shape_cast %get3A_925 : vector<16xi32> to vector<16xi32>
    tpu.vector_store %arg10[%swap3A_926], %swap3A_929 {strides = array<i32>} : memref<128xi32, #tpu.memory_space<vmem>>, vector<16xi32>,
    %get3A_930 = arith.constant 3 : i32
    %get3A_931 = arith.index_cast %get3A_930 : i32 to index
    %get3A_932 = arith.constant 64 : index
    %get3A_933 = tpu.vector_load %arg6[%get3A_931, %get3A_932] {strides = array<i32>} : memref<5x128xi32, #tpu.memory_space<vmem>>, vector<1x16xi32>,
    %get3A_934 = vector.shape_cast %get3A_933 : vector<1x16xi32> to vector<16xi32>
    %swap3A_935 = arith.constant 64 : index
    %swap3A_936 = tpu.vector_load %arg10[%swap3A_935] {strides = array<i32>} : memref<128xi32, #tpu.memory_space<vmem>>, vector<16xi32>,
    %swap3A_937 = vector.shape_cast %swap3A_936 : vector<16xi32> to vector<16xi32>
    %swap3A_938 = vector.shape_cast %get3A_934 : vector<16xi32> to vector<16xi32>
    tpu.vector_store %arg10[%swap3A_935], %swap3A_938 {strides = array<i32>} : memref<128xi32, #tpu.memory_space<vmem>>, vector<16xi32>,
    %get3A_939 = arith.constant 3 : i32
    %get3A_940 = arith.index_cast %get3A_939 : i32 to index
    %get3A_941 = arith.constant 80 : index
    %get3A_942 = tpu.vector_load %arg6[%get3A_940, %get3A_941] {strides = array<i32>} : memref<5x128xi32, #tpu.memory_space<vmem>>, vector<1x16xi32>,
    %get3A_943 = vector.shape_cast %get3A_942 : vector<1x16xi32> to vector<16xi32>
    %swap3A_944 = arith.constant 80 : index
    %swap3A_945 = tpu.vector_load %arg10[%swap3A_944] {strides = array<i32>} : memref<128xi32, #tpu.memory_space<vmem>>, vector<16xi32>,
    %swap3A_946 = vector.shape_cast %swap3A_945 : vector<16xi32> to vector<16xi32>
    %swap3A_947 = vector.shape_cast %get3A_943 : vector<16xi32> to vector<16xi32>
    tpu.vector_store %arg10[%swap3A_944], %swap3A_947 {strides = array<i32>} : memref<128xi32, #tpu.memory_space<vmem>>, vector<16xi32>,
    %get3A_948 = arith.constant 3 : i32
    %get3A_949 = arith.index_cast %get3A_948 : i32 to index
    %get3A_950 = arith.constant 96 : index
    %get3A_951 = tpu.vector_load %arg6[%get3A_949, %get3A_950] {strides = array<i32>} : memref<5x128xi32, #tpu.memory_space<vmem>>, vector<1x16xi32>,
    %get3A_952 = vector.shape_cast %get3A_951 : vector<1x16xi32> to vector<16xi32>
    %swap3A_953 = arith.constant 96 : index
    %swap3A_954 = tpu.vector_load %arg10[%swap3A_953] {strides = array<i32>} : memref<128xi32, #tpu.memory_space<vmem>>, vector<16xi32>,
    %swap3A_955 = vector.shape_cast %swap3A_954 : vector<16xi32> to vector<16xi32>
    %swap3A_956 = vector.shape_cast %get3A_952 : vector<16xi32> to vector<16xi32>
    tpu.vector_store %arg10[%swap3A_953], %swap3A_956 {strides = array<i32>} : memref<128xi32, #tpu.memory_space<vmem>>, vector<16xi32>,
    %get3A_957 = arith.constant 3 : i32
    %get3A_958 = arith.index_cast %get3A_957 : i32 to index
    %get3A_959 = arith.constant 112 : index
    %get3A_960 = tpu.vector_load %arg6[%get3A_958, %get3A_959] {strides = array<i32>} : memref<5x128xi32, #tpu.memory_space<vmem>>, vector<1x16xi32>,
    %get3A_961 = vector.shape_cast %get3A_960 : vector<1x16xi32> to vector<16xi32>
    %swap3A_962 = arith.constant 112 : index
    %swap3A_963 = tpu.vector_load %arg10[%swap3A_962] {strides = array<i32>} : memref<128xi32, #tpu.memory_space<vmem>>, vector<16xi32>,
    %swap3A_964 = vector.shape_cast %swap3A_963 : vector<16xi32> to vector<16xi32>
    %swap3A_965 = vector.shape_cast %get3A_961 : vector<16xi32> to vector<16xi32>
    tpu.vector_store %arg10[%swap3A_962], %swap3A_965 {strides = array<i32>} : memref<128xi32, #tpu.memory_space<vmem>>, vector<16xi32>,
    %dma_start3A_966 = arith.constant 0 : i32
    %dma_start3A_967 = tpu.memref_slice %arg11[%dma_start3A_966] : memref<10240xf32, #tpu.memory_space<vmem_shared>> -> memref<10240xf32, #tpu.memory_space<vmem_shared>>
    tpu.enqueue_indirect_dma source(%dma_start3A_967 : memref<10240xf32, #tpu.memory_space<vmem_shared>>) target(%arg8 : memref<128xf32, #tpu.memory_space<vmem>>) offsets(%arg10 : memref<128xi32, #tpu.memory_space<vmem>>) semaphore(%arg12 : memref<!tpu.dma_semaphore, #tpu.memory_space<semaphore_mem>>)
    %dma_wait3A_968 = arith.constant 0 : i32
    %dma_wait3A_969 = tpu.memref_slice %arg11[%dma_wait3A_968] : memref<10240xf32, #tpu.memory_space<vmem_shared>> -> memref<10240xf32, #tpu.memory_space<vmem_shared>>
    tpu.wait_indirect_dma semaphore(%arg12 : memref<!tpu.dma_semaphore, #tpu.memory_space<semaphore_mem>>) src(%dma_wait3A_969 : memref<10240xf32, #tpu.memory_space<vmem_shared>>) dst(%arg8 : memref<128xf32, #tpu.memory_space<vmem>>)
    %get3A_970 = arith.constant 0 : index
    %get3A_971 = tpu.vector_load %arg8[%get3A_970] {strides = array<i32>} : memref<128xf32, #tpu.memory_space<vmem>>, vector<16xf32>,
    %get3A_972 = vector.shape_cast %get3A_971 : vector<16xf32> to vector<16xf32>
    %swap3A_973 = arith.constant 3 : i32
    %swap3A_974 = arith.index_cast %swap3A_973 : i32 to index
    %swap3A_975 = arith.constant 0 : index
    %swap3A_976 = tpu.vector_load %arg9[%swap3A_974, %swap3A_975] {strides = array<i32>} : memref<8x128xf32, #tpu.memory_space<vmem>>, vector<1x16xf32>,
    %swap3A_977 = vector.shape_cast %swap3A_976 : vector<1x16xf32> to vector<16xf32>
    %swap3A_978 = vector.shape_cast %get3A_972 : vector<16xf32> to vector<1x16xf32>
    tpu.vector_store %arg9[%swap3A_974, %swap3A_975], %swap3A_978 {strides = array<i32>} : memref<8x128xf32, #tpu.memory_space<vmem>>, vector<1x16xf32>,
    %get3A_979 = arith.constant 16 : index
    %get3A_980 = tpu.vector_load %arg8[%get3A_979] {strides = array<i32>} : memref<128xf32, #tpu.memory_space<vmem>>, vector<16xf32>,
    %get3A_981 = vector.shape_cast %get3A_980 : vector<16xf32> to vector<16xf32>
    %swap3A_982 = arith.constant 3 : i32
    %swap3A_983 = arith.index_cast %swap3A_982 : i32 to index
    %swap3A_984 = arith.constant 16 : index
    %swap3A_985 = tpu.vector_load %arg9[%swap3A_983, %swap3A_984] {strides = array<i32>} : memref<8x128xf32, #tpu.memory_space<vmem>>, vector<1x16xf32>,
    %swap3A_986 = vector.shape_cast %swap3A_985 : vector<1x16xf32> to vector<16xf32>
    %swap3A_987 = vector.shape_cast %get3A_981 : vector<16xf32> to vector<1x16xf32>
    tpu.vector_store %arg9[%swap3A_983, %swap3A_984], %swap3A_987 {strides = array<i32>} : memref<8x128xf32, #tpu.memory_space<vmem>>, vector<1x16xf32>,
    %get3A_988 = arith.constant 32 : index
    %get3A_989 = tpu.vector_load %arg8[%get3A_988] {strides = array<i32>} : memref<128xf32, #tpu.memory_space<vmem>>, vector<16xf32>,
    %get3A_990 = vector.shape_cast %get3A_989 : vector<16xf32> to vector<16xf32>
    %swap3A_991 = arith.constant 3 : i32
    %swap3A_992 = arith.index_cast %swap3A_991 : i32 to index
    %swap3A_993 = arith.constant 32 : index
    %swap3A_994 = tpu.vector_load %arg9[%swap3A_992, %swap3A_993] {strides = array<i32>} : memref<8x128xf32, #tpu.memory_space<vmem>>, vector<1x16xf32>,
    %swap3A_995 = vector.shape_cast %swap3A_994 : vector<1x16xf32> to vector<16xf32>
    %swap3A_996 = vector.shape_cast %get3A_990 : vector<16xf32> to vector<1x16xf32>
    tpu.vector_store %arg9[%swap3A_992, %swap3A_993], %swap3A_996 {strides = array<i32>} : memref<8x128xf32, #tpu.memory_space<vmem>>, vector<1x16xf32>,
    %get3A_997 = arith.constant 48 : index
    %get3A_998 = tpu.vector_load %arg8[%get3A_997] {strides = array<i32>} : memref<128xf32, #tpu.memory_space<vmem>>, vector<16xf32>,
    %get3A_999 = vector.shape_cast %get3A_998 : vector<16xf32> to vector<16xf32>
    %swap3A_1000 = arith.constant 3 : i32
    %swap3A_1001 = arith.index_cast %swap3A_1000 : i32 to index
    %swap3A_1002 = arith.constant 48 : index
    %swap3A_1003 = tpu.vector_load %arg9[%swap3A_1001, %swap3A_1002] {strides = array<i32>} : memref<8x128xf32, #tpu.memory_space<vmem>>, vector<1x16xf32>,
    %swap3A_1004 = vector.shape_cast %swap3A_1003 : vector<1x16xf32> to vector<16xf32>
    %swap3A_1005 = vector.shape_cast %get3A_999 : vector<16xf32> to vector<1x16xf32>
    tpu.vector_store %arg9[%swap3A_1001, %swap3A_1002], %swap3A_1005 {strides = array<i32>} : memref<8x128xf32, #tpu.memory_space<vmem>>, vector<1x16xf32>,
    %get3A_1006 = arith.constant 64 : index
    %get3A_1007 = tpu.vector_load %arg8[%get3A_1006] {strides = array<i32>} : memref<128xf32, #tpu.memory_space<vmem>>, vector<16xf32>,
    %get3A_1008 = vector.shape_cast %get3A_1007 : vector<16xf32> to vector<16xf32>
    %swap3A_1009 = arith.constant 3 : i32
    %swap3A_1010 = arith.index_cast %swap3A_1009 : i32 to index
    %swap3A_1011 = arith.constant 64 : index
    %swap3A_1012 = tpu.vector_load %arg9[%swap3A_1010, %swap3A_1011] {strides = array<i32>} : memref<8x128xf32, #tpu.memory_space<vmem>>, vector<1x16xf32>,
    %swap3A_1013 = vector.shape_cast %swap3A_1012 : vector<1x16xf32> to vector<16xf32>
    %swap3A_1014 = vector.shape_cast %get3A_1008 : vector<16xf32> to vector<1x16xf32>
    tpu.vector_store %arg9[%swap3A_1010, %swap3A_1011], %swap3A_1014 {strides = array<i32>} : memref<8x128xf32, #tpu.memory_space<vmem>>, vector<1x16xf32>,
    %get3A_1015 = arith.constant 80 : index
    %get3A_1016 = tpu.vector_load %arg8[%get3A_1015] {strides = array<i32>} : memref<128xf32, #tpu.memory_space<vmem>>, vector<16xf32>,
    %get3A_1017 = vector.shape_cast %get3A_1016 : vector<16xf32> to vector<16xf32>
    %swap3A_1018 = arith.constant 3 : i32
    %swap3A_1019 = arith.index_cast %swap3A_1018 : i32 to index
    %swap3A_1020 = arith.constant 80 : index
    %swap3A_1021 = tpu.vector_load %arg9[%swap3A_1019, %swap3A_1020] {strides = array<i32>} : memref<8x128xf32, #tpu.memory_space<vmem>>, vector<1x16xf32>,
    %swap3A_1022 = vector.shape_cast %swap3A_1021 : vector<1x16xf32> to vector<16xf32>
    %swap3A_1023 = vector.shape_cast %get3A_1017 : vector<16xf32> to vector<1x16xf32>
    tpu.vector_store %arg9[%swap3A_1019, %swap3A_1020], %swap3A_1023 {strides = array<i32>} : memref<8x128xf32, #tpu.memory_space<vmem>>, vector<1x16xf32>,
    %get3A_1024 = arith.constant 96 : index
    %get3A_1025 = tpu.vector_load %arg8[%get3A_1024] {strides = array<i32>} : memref<128xf32, #tpu.memory_space<vmem>>, vector<16xf32>,
    %get3A_1026 = vector.shape_cast %get3A_1025 : vector<16xf32> to vector<16xf32>
    %swap3A_1027 = arith.constant 3 : i32
    %swap3A_1028 = arith.index_cast %swap3A_1027 : i32 to index
    %swap3A_1029 = arith.constant 96 : index
    %swap3A_1030 = tpu.vector_load %arg9[%swap3A_1028, %swap3A_1029] {strides = array<i32>} : memref<8x128xf32, #tpu.memory_space<vmem>>, vector<1x16xf32>,
    %swap3A_1031 = vector.shape_cast %swap3A_1030 : vector<1x16xf32> to vector<16xf32>
    %swap3A_1032 = vector.shape_cast %get3A_1026 : vector<16xf32> to vector<1x16xf32>
    tpu.vector_store %arg9[%swap3A_1028, %swap3A_1029], %swap3A_1032 {strides = array<i32>} : memref<8x128xf32, #tpu.memory_space<vmem>>, vector<1x16xf32>,
    %get3A_1033 = arith.constant 112 : index
    %get3A_1034 = tpu.vector_load %arg8[%get3A_1033] {strides = array<i32>} : memref<128xf32, #tpu.memory_space<vmem>>, vector<16xf32>,
    %get3A_1035 = vector.shape_cast %get3A_1034 : vector<16xf32> to vector<16xf32>
    %swap3A_1036 = arith.constant 3 : i32
    %swap3A_1037 = arith.index_cast %swap3A_1036 : i32 to index
    %swap3A_1038 = arith.constant 112 : index
    %swap3A_1039 = tpu.vector_load %arg9[%swap3A_1037, %swap3A_1038] {strides = array<i32>} : memref<8x128xf32, #tpu.memory_space<vmem>>, vector<1x16xf32>,
    %swap3A_1040 = vector.shape_cast %swap3A_1039 : vector<1x16xf32> to vector<16xf32>
    %swap3A_1041 = vector.shape_cast %get3A_1035 : vector<16xf32> to vector<1x16xf32>
    tpu.vector_store %arg9[%swap3A_1037, %swap3A_1038], %swap3A_1041 {strides = array<i32>} : memref<8x128xf32, #tpu.memory_space<vmem>>, vector<1x16xf32>,
    %get3A_1042 = arith.constant 4 : i32
    %get3A_1043 = arith.index_cast %get3A_1042 : i32 to index
    %get3A_1044 = arith.constant 0 : index
    %get3A_1045 = tpu.vector_load %arg6[%get3A_1043, %get3A_1044] {strides = array<i32>} : memref<5x128xi32, #tpu.memory_space<vmem>>, vector<1x16xi32>,
    %get3A_1046 = vector.shape_cast %get3A_1045 : vector<1x16xi32> to vector<16xi32>
    %swap3A_1047 = arith.constant 0 : index
    %swap3A_1048 = tpu.vector_load %arg10[%swap3A_1047] {strides = array<i32>} : memref<128xi32, #tpu.memory_space<vmem>>, vector<16xi32>,
    %swap3A_1049 = vector.shape_cast %swap3A_1048 : vector<16xi32> to vector<16xi32>
    %swap3A_1050 = vector.shape_cast %get3A_1046 : vector<16xi32> to vector<16xi32>
    tpu.vector_store %arg10[%swap3A_1047], %swap3A_1050 {strides = array<i32>} : memref<128xi32, #tpu.memory_space<vmem>>, vector<16xi32>,
    %get3A_1051 = arith.constant 4 : i32
    %get3A_1052 = arith.index_cast %get3A_1051 : i32 to index
    %get3A_1053 = arith.constant 16 : index
    %get3A_1054 = tpu.vector_load %arg6[%get3A_1052, %get3A_1053] {strides = array<i32>} : memref<5x128xi32, #tpu.memory_space<vmem>>, vector<1x16xi32>,
    %get3A_1055 = vector.shape_cast %get3A_1054 : vector<1x16xi32> to vector<16xi32>
    %swap3A_1056 = arith.constant 16 : index
    %swap3A_1057 = tpu.vector_load %arg10[%swap3A_1056] {strides = array<i32>} : memref<128xi32, #tpu.memory_space<vmem>>, vector<16xi32>,
    %swap3A_1058 = vector.shape_cast %swap3A_1057 : vector<16xi32> to vector<16xi32>
    %swap3A_1059 = vector.shape_cast %get3A_1055 : vector<16xi32> to vector<16xi32>
    tpu.vector_store %arg10[%swap3A_1056], %swap3A_1059 {strides = array<i32>} : memref<128xi32, #tpu.memory_space<vmem>>, vector<16xi32>,
    %get3A_1060 = arith.constant 4 : i32
    %get3A_1061 = arith.index_cast %get3A_1060 : i32 to index
    %get3A_1062 = arith.constant 32 : index
    %get3A_1063 = tpu.vector_load %arg6[%get3A_1061, %get3A_1062] {strides = array<i32>} : memref<5x128xi32, #tpu.memory_space<vmem>>, vector<1x16xi32>,
    %get3A_1064 = vector.shape_cast %get3A_1063 : vector<1x16xi32> to vector<16xi32>
    %swap3A_1065 = arith.constant 32 : index
    %swap3A_1066 = tpu.vector_load %arg10[%swap3A_1065] {strides = array<i32>} : memref<128xi32, #tpu.memory_space<vmem>>, vector<16xi32>,
    %swap3A_1067 = vector.shape_cast %swap3A_1066 : vector<16xi32> to vector<16xi32>
    %swap3A_1068 = vector.shape_cast %get3A_1064 : vector<16xi32> to vector<16xi32>
    tpu.vector_store %arg10[%swap3A_1065], %swap3A_1068 {strides = array<i32>} : memref<128xi32, #tpu.memory_space<vmem>>, vector<16xi32>,
    %get3A_1069 = arith.constant 4 : i32
    %get3A_1070 = arith.index_cast %get3A_1069 : i32 to index
    %get3A_1071 = arith.constant 48 : index
    %get3A_1072 = tpu.vector_load %arg6[%get3A_1070, %get3A_1071] {strides = array<i32>} : memref<5x128xi32, #tpu.memory_space<vmem>>, vector<1x16xi32>,
    %get3A_1073 = vector.shape_cast %get3A_1072 : vector<1x16xi32> to vector<16xi32>
    %swap3A_1074 = arith.constant 48 : index
    %swap3A_1075 = tpu.vector_load %arg10[%swap3A_1074] {strides = array<i32>} : memref<128xi32, #tpu.memory_space<vmem>>, vector<16xi32>,
    %swap3A_1076 = vector.shape_cast %swap3A_1075 : vector<16xi32> to vector<16xi32>
    %swap3A_1077 = vector.shape_cast %get3A_1073 : vector<16xi32> to vector<16xi32>
    tpu.vector_store %arg10[%swap3A_1074], %swap3A_1077 {strides = array<i32>} : memref<128xi32, #tpu.memory_space<vmem>>, vector<16xi32>,
    %get3A_1078 = arith.constant 4 : i32
    %get3A_1079 = arith.index_cast %get3A_1078 : i32 to index
    %get3A_1080 = arith.constant 64 : index
    %get3A_1081 = tpu.vector_load %arg6[%get3A_1079, %get3A_1080] {strides = array<i32>} : memref<5x128xi32, #tpu.memory_space<vmem>>, vector<1x16xi32>,
    %get3A_1082 = vector.shape_cast %get3A_1081 : vector<1x16xi32> to vector<16xi32>
    %swap3A_1083 = arith.constant 64 : index
    %swap3A_1084 = tpu.vector_load %arg10[%swap3A_1083] {strides = array<i32>} : memref<128xi32, #tpu.memory_space<vmem>>, vector<16xi32>,
    %swap3A_1085 = vector.shape_cast %swap3A_1084 : vector<16xi32> to vector<16xi32>
    %swap3A_1086 = vector.shape_cast %get3A_1082 : vector<16xi32> to vector<16xi32>
    tpu.vector_store %arg10[%swap3A_1083], %swap3A_1086 {strides = array<i32>} : memref<128xi32, #tpu.memory_space<vmem>>, vector<16xi32>,
    %get3A_1087 = arith.constant 4 : i32
    %get3A_1088 = arith.index_cast %get3A_1087 : i32 to index
    %get3A_1089 = arith.constant 80 : index
    %get3A_1090 = tpu.vector_load %arg6[%get3A_1088, %get3A_1089] {strides = array<i32>} : memref<5x128xi32, #tpu.memory_space<vmem>>, vector<1x16xi32>,
    %get3A_1091 = vector.shape_cast %get3A_1090 : vector<1x16xi32> to vector<16xi32>
    %swap3A_1092 = arith.constant 80 : index
    %swap3A_1093 = tpu.vector_load %arg10[%swap3A_1092] {strides = array<i32>} : memref<128xi32, #tpu.memory_space<vmem>>, vector<16xi32>,
    %swap3A_1094 = vector.shape_cast %swap3A_1093 : vector<16xi32> to vector<16xi32>
    %swap3A_1095 = vector.shape_cast %get3A_1091 : vector<16xi32> to vector<16xi32>
    tpu.vector_store %arg10[%swap3A_1092], %swap3A_1095 {strides = array<i32>} : memref<128xi32, #tpu.memory_space<vmem>>, vector<16xi32>,
    %get3A_1096 = arith.constant 4 : i32
    %get3A_1097 = arith.index_cast %get3A_1096 : i32 to index
    %get3A_1098 = arith.constant 96 : index
    %get3A_1099 = tpu.vector_load %arg6[%get3A_1097, %get3A_1098] {strides = array<i32>} : memref<5x128xi32, #tpu.memory_space<vmem>>, vector<1x16xi32>,
    %get3A_1100 = vector.shape_cast %get3A_1099 : vector<1x16xi32> to vector<16xi32>
    %swap3A_1101 = arith.constant 96 : index
    %swap3A_1102 = tpu.vector_load %arg10[%swap3A_1101] {strides = array<i32>} : memref<128xi32, #tpu.memory_space<vmem>>, vector<16xi32>,
    %swap3A_1103 = vector.shape_cast %swap3A_1102 : vector<16xi32> to vector<16xi32>
    %swap3A_1104 = vector.shape_cast %get3A_1100 : vector<16xi32> to vector<16xi32>
    tpu.vector_store %arg10[%swap3A_1101], %swap3A_1104 {strides = array<i32>} : memref<128xi32, #tpu.memory_space<vmem>>, vector<16xi32>,
    %get3A_1105 = arith.constant 4 : i32
    %get3A_1106 = arith.index_cast %get3A_1105 : i32 to index
    %get3A_1107 = arith.constant 112 : index
    %get3A_1108 = tpu.vector_load %arg6[%get3A_1106, %get3A_1107] {strides = array<i32>} : memref<5x128xi32, #tpu.memory_space<vmem>>, vector<1x16xi32>,
    %get3A_1109 = vector.shape_cast %get3A_1108 : vector<1x16xi32> to vector<16xi32>
    %swap3A_1110 = arith.constant 112 : index
    %swap3A_1111 = tpu.vector_load %arg10[%swap3A_1110] {strides = array<i32>} : memref<128xi32, #tpu.memory_space<vmem>>, vector<16xi32>,
    %swap3A_1112 = vector.shape_cast %swap3A_1111 : vector<16xi32> to vector<16xi32>
    %swap3A_1113 = vector.shape_cast %get3A_1109 : vector<16xi32> to vector<16xi32>
    tpu.vector_store %arg10[%swap3A_1110], %swap3A_1113 {strides = array<i32>} : memref<128xi32, #tpu.memory_space<vmem>>, vector<16xi32>,
    %dma_start3A_1114 = arith.constant 0 : i32
    %dma_start3A_1115 = tpu.memref_slice %arg11[%dma_start3A_1114] : memref<10240xf32, #tpu.memory_space<vmem_shared>> -> memref<10240xf32, #tpu.memory_space<vmem_shared>>
    tpu.enqueue_indirect_dma source(%dma_start3A_1115 : memref<10240xf32, #tpu.memory_space<vmem_shared>>) target(%arg8 : memref<128xf32, #tpu.memory_space<vmem>>) offsets(%arg10 : memref<128xi32, #tpu.memory_space<vmem>>) semaphore(%arg12 : memref<!tpu.dma_semaphore, #tpu.memory_space<semaphore_mem>>)
    %dma_wait3A_1116 = arith.constant 0 : i32
    %dma_wait3A_1117 = tpu.memref_slice %arg11[%dma_wait3A_1116] : memref<10240xf32, #tpu.memory_space<vmem_shared>> -> memref<10240xf32, #tpu.memory_space<vmem_shared>>
    tpu.wait_indirect_dma semaphore(%arg12 : memref<!tpu.dma_semaphore, #tpu.memory_space<semaphore_mem>>) src(%dma_wait3A_1117 : memref<10240xf32, #tpu.memory_space<vmem_shared>>) dst(%arg8 : memref<128xf32, #tpu.memory_space<vmem>>)
    %get3A_1118 = arith.constant 0 : index
    %get3A_1119 = tpu.vector_load %arg8[%get3A_1118] {strides = array<i32>} : memref<128xf32, #tpu.memory_space<vmem>>, vector<16xf32>,
    %get3A_1120 = vector.shape_cast %get3A_1119 : vector<16xf32> to vector<16xf32>
    %swap3A_1121 = arith.constant 4 : i32
    %swap3A_1122 = arith.index_cast %swap3A_1121 : i32 to index
    %swap3A_1123 = arith.constant 0 : index
    %swap3A_1124 = tpu.vector_load %arg9[%swap3A_1122, %swap3A_1123] {strides = array<i32>} : memref<8x128xf32, #tpu.memory_space<vmem>>, vector<1x16xf32>,
    %swap3A_1125 = vector.shape_cast %swap3A_1124 : vector<1x16xf32> to vector<16xf32>
    %swap3A_1126 = vector.shape_cast %get3A_1120 : vector<16xf32> to vector<1x16xf32>
    tpu.vector_store %arg9[%swap3A_1122, %swap3A_1123], %swap3A_1126 {strides = array<i32>} : memref<8x128xf32, #tpu.memory_space<vmem>>, vector<1x16xf32>,
    %get3A_1127 = arith.constant 16 : index
    %get3A_1128 = tpu.vector_load %arg8[%get3A_1127] {strides = array<i32>} : memref<128xf32, #tpu.memory_space<vmem>>, vector<16xf32>,
    %get3A_1129 = vector.shape_cast %get3A_1128 : vector<16xf32> to vector<16xf32>
    %swap3A_1130 = arith.constant 4 : i32
    %swap3A_1131 = arith.index_cast %swap3A_1130 : i32 to index
    %swap3A_1132 = arith.constant 16 : index
    %swap3A_1133 = tpu.vector_load %arg9[%swap3A_1131, %swap3A_1132] {strides = array<i32>} : memref<8x128xf32, #tpu.memory_space<vmem>>, vector<1x16xf32>,
    %swap3A_1134 = vector.shape_cast %swap3A_1133 : vector<1x16xf32> to vector<16xf32>
    %swap3A_1135 = vector.shape_cast %get3A_1129 : vector<16xf32> to vector<1x16xf32>
    tpu.vector_store %arg9[%swap3A_1131, %swap3A_1132], %swap3A_1135 {strides = array<i32>} : memref<8x128xf32, #tpu.memory_space<vmem>>, vector<1x16xf32>,
    %get3A_1136 = arith.constant 32 : index
    %get3A_1137 = tpu.vector_load %arg8[%get3A_1136] {strides = array<i32>} : memref<128xf32, #tpu.memory_space<vmem>>, vector<16xf32>,
    %get3A_1138 = vector.shape_cast %get3A_1137 : vector<16xf32> to vector<16xf32>
    %swap3A_1139 = arith.constant 4 : i32
    %swap3A_1140 = arith.index_cast %swap3A_1139 : i32 to index
    %swap3A_1141 = arith.constant 32 : index
    %swap3A_1142 = tpu.vector_load %arg9[%swap3A_1140, %swap3A_1141] {strides = array<i32>} : memref<8x128xf32, #tpu.memory_space<vmem>>, vector<1x16xf32>,
    %swap3A_1143 = vector.shape_cast %swap3A_1142 : vector<1x16xf32> to vector<16xf32>
    %swap3A_1144 = vector.shape_cast %get3A_1138 : vector<16xf32> to vector<1x16xf32>
    tpu.vector_store %arg9[%swap3A_1140, %swap3A_1141], %swap3A_1144 {strides = array<i32>} : memref<8x128xf32, #tpu.memory_space<vmem>>, vector<1x16xf32>,
    %get3A_1145 = arith.constant 48 : index
    %get3A_1146 = tpu.vector_load %arg8[%get3A_1145] {strides = array<i32>} : memref<128xf32, #tpu.memory_space<vmem>>, vector<16xf32>,
    %get3A_1147 = vector.shape_cast %get3A_1146 : vector<16xf32> to vector<16xf32>
    %swap3A_1148 = arith.constant 4 : i32
    %swap3A_1149 = arith.index_cast %swap3A_1148 : i32 to index
    %swap3A_1150 = arith.constant 48 : index
    %swap3A_1151 = tpu.vector_load %arg9[%swap3A_1149, %swap3A_1150] {strides = array<i32>} : memref<8x128xf32, #tpu.memory_space<vmem>>, vector<1x16xf32>,
    %swap3A_1152 = vector.shape_cast %swap3A_1151 : vector<1x16xf32> to vector<16xf32>
    %swap3A_1153 = vector.shape_cast %get3A_1147 : vector<16xf32> to vector<1x16xf32>
    tpu.vector_store %arg9[%swap3A_1149, %swap3A_1150], %swap3A_1153 {strides = array<i32>} : memref<8x128xf32, #tpu.memory_space<vmem>>, vector<1x16xf32>,
    %get3A_1154 = arith.constant 64 : index
    %get3A_1155 = tpu.vector_load %arg8[%get3A_1154] {strides = array<i32>} : memref<128xf32, #tpu.memory_space<vmem>>, vector<16xf32>,
    %get3A_1156 = vector.shape_cast %get3A_1155 : vector<16xf32> to vector<16xf32>
    %swap3A_1157 = arith.constant 4 : i32
    %swap3A_1158 = arith.index_cast %swap3A_1157 : i32 to index
    %swap3A_1159 = arith.constant 64 : index
    %swap3A_1160 = tpu.vector_load %arg9[%swap3A_1158, %swap3A_1159] {strides = array<i32>} : memref<8x128xf32, #tpu.memory_space<vmem>>, vector<1x16xf32>,
    %swap3A_1161 = vector.shape_cast %swap3A_1160 : vector<1x16xf32> to vector<16xf32>
    %swap3A_1162 = vector.shape_cast %get3A_1156 : vector<16xf32> to vector<1x16xf32>
    tpu.vector_store %arg9[%swap3A_1158, %swap3A_1159], %swap3A_1162 {strides = array<i32>} : memref<8x128xf32, #tpu.memory_space<vmem>>, vector<1x16xf32>,
    %get3A_1163 = arith.constant 80 : index
    %get3A_1164 = tpu.vector_load %arg8[%get3A_1163] {strides = array<i32>} : memref<128xf32, #tpu.memory_space<vmem>>, vector<16xf32>,
    %get3A_1165 = vector.shape_cast %get3A_1164 : vector<16xf32> to vector<16xf32>
    %swap3A_1166 = arith.constant 4 : i32
    %swap3A_1167 = arith.index_cast %swap3A_1166 : i32 to index
    %swap3A_1168 = arith.constant 80 : index
    %swap3A_1169 = tpu.vector_load %arg9[%swap3A_1167, %swap3A_1168] {strides = array<i32>} : memref<8x128xf32, #tpu.memory_space<vmem>>, vector<1x16xf32>,
    %swap3A_1170 = vector.shape_cast %swap3A_1169 : vector<1x16xf32> to vector<16xf32>
    %swap3A_1171 = vector.shape_cast %get3A_1165 : vector<16xf32> to vector<1x16xf32>
    tpu.vector_store %arg9[%swap3A_1167, %swap3A_1168], %swap3A_1171 {strides = array<i32>} : memref<8x128xf32, #tpu.memory_space<vmem>>, vector<1x16xf32>,
    %get3A_1172 = arith.constant 96 : index
    %get3A_1173 = tpu.vector_load %arg8[%get3A_1172] {strides = array<i32>} : memref<128xf32, #tpu.memory_space<vmem>>, vector<16xf32>,
    %get3A_1174 = vector.shape_cast %get3A_1173 : vector<16xf32> to vector<16xf32>
    %swap3A_1175 = arith.constant 4 : i32
    %swap3A_1176 = arith.index_cast %swap3A_1175 : i32 to index
    %swap3A_1177 = arith.constant 96 : index
    %swap3A_1178 = tpu.vector_load %arg9[%swap3A_1176, %swap3A_1177] {strides = array<i32>} : memref<8x128xf32, #tpu.memory_space<vmem>>, vector<1x16xf32>,
    %swap3A_1179 = vector.shape_cast %swap3A_1178 : vector<1x16xf32> to vector<16xf32>
    %swap3A_1180 = vector.shape_cast %get3A_1174 : vector<16xf32> to vector<1x16xf32>
    tpu.vector_store %arg9[%swap3A_1176, %swap3A_1177], %swap3A_1180 {strides = array<i32>} : memref<8x128xf32, #tpu.memory_space<vmem>>, vector<1x16xf32>,
    %get3A_1181 = arith.constant 112 : index
    %get3A_1182 = tpu.vector_load %arg8[%get3A_1181] {strides = array<i32>} : memref<128xf32, #tpu.memory_space<vmem>>, vector<16xf32>,
    %get3A_1183 = vector.shape_cast %get3A_1182 : vector<16xf32> to vector<16xf32>
    %swap3A_1184 = arith.constant 4 : i32
    %swap3A_1185 = arith.index_cast %swap3A_1184 : i32 to index
    %swap3A_1186 = arith.constant 112 : index
    %swap3A_1187 = tpu.vector_load %arg9[%swap3A_1185, %swap3A_1186] {strides = array<i32>} : memref<8x128xf32, #tpu.memory_space<vmem>>, vector<1x16xf32>,
    %swap3A_1188 = vector.shape_cast %swap3A_1187 : vector<1x16xf32> to vector<16xf32>
    %swap3A_1189 = vector.shape_cast %get3A_1183 : vector<16xf32> to vector<1x16xf32>
    tpu.vector_store %arg9[%swap3A_1185, %swap3A_1186], %swap3A_1189 {strides = array<i32>} : memref<8x128xf32, #tpu.memory_space<vmem>>, vector<1x16xf32>,
    "tpu.region"() ({
      %run_scoped3A = tpu.sem_alloc : memref<!tpu.dma_semaphore, #tpu.memory_space<semaphore_mem>>
      %dma_start3A_1190 = arith.constant 0 : i32
      %dma_start3A_1191 = arith.constant 0 : i32
      %dma_start3A_1192 = tpu.memref_slice %arg4[%arg0, %arg1, %dma_start3A_1190, %dma_start3A_1191] : memref<2x16x8x128xf32, #tpu.memory_space<hbm>> -> memref<1x1x8x128xf32, #tpu.memory_space<hbm>>
      %dma_start3A_1193 = tpu.memref_squeeze %dma_start3A_1192 : memref<1x1x8x128xf32, #tpu.memory_space<hbm>> -> memref<8x128xf32, #tpu.memory_space<hbm>>
      %dma_start3A_1194 = arith.constant 0 : i32
      %dma_start3A_1195 = arith.constant 0 : i32
      %dma_start3A_1196 = tpu.memref_slice %arg4[%arg0, %arg1, %dma_start3A_1194, %dma_start3A_1195] : memref<2x16x8x128xf32, #tpu.memory_space<hbm>> -> memref<1x1x8x128xf32, #tpu.memory_space<hbm>>
      %dma_start3A_1197 = tpu.memref_squeeze %dma_start3A_1196 : memref<1x1x8x128xf32, #tpu.memory_space<hbm>> -> memref<8x128xf32, #tpu.memory_space<hbm>>
      tpu.enqueue_dma source(%arg9 : memref<8x128xf32, #tpu.memory_space<vmem>>) target(%dma_start3A_1197 : memref<8x128xf32, #tpu.memory_space<hbm>>) target_semaphore(%run_scoped3A : memref<!tpu.dma_semaphore, #tpu.memory_space<semaphore_mem>>)
      %dma_wait3A_1198 = arith.constant 0 : i32
      %dma_wait3A_1199 = arith.constant 0 : i32
      %dma_wait3A_1200 = tpu.memref_slice %arg4[%arg0, %arg1, %dma_wait3A_1198, %dma_wait3A_1199] : memref<2x16x8x128xf32, #tpu.memory_space<hbm>> -> memref<1x1x8x128xf32, #tpu.memory_space<hbm>>
      %dma_wait3A_1201 = tpu.memref_squeeze %dma_wait3A_1200 : memref<1x1x8x128xf32, #tpu.memory_space<hbm>> -> memref<8x128xf32, #tpu.memory_space<hbm>>
      %dma_wait3A_1202 = arith.constant 0 : i32
      %dma_wait3A_1203 = arith.constant 0 : i32
      %dma_wait3A_1204 = tpu.memref_slice %arg4[%arg0, %arg1, %dma_wait3A_1202, %dma_wait3A_1203] : memref<2x16x8x128xf32, #tpu.memory_space<hbm>> -> memref<1x1x8x128xf32, #tpu.memory_space<hbm>>
      %dma_wait3A_1205 = tpu.memref_squeeze %dma_wait3A_1204 : memref<1x1x8x128xf32, #tpu.memory_space<hbm>> -> memref<8x128xf32, #tpu.memory_space<hbm>>
      tpu.wait_dma2 semaphore(%run_scoped3A : memref<!tpu.dma_semaphore, #tpu.memory_space<semaphore_mem>>) src(%arg9 : memref<8x128xf32, #tpu.memory_space<vmem>>) dst(%dma_wait3A_1205 : memref<8x128xf32, #tpu.memory_space<hbm>>)
      tpu.yield
    }) : () -> ()
    return
  }
}

#map = affine_map<(d0, d1) -> (0, 0)>
#map1 = affine_map<(d0, d1) -> (0, 0, 0)>
module attributes {stable_mosaic.version = 14 : i64} {
  func.func @k(%arg0: i32, %arg1: i32, %arg2: memref<10000x128xf32, #tpu.memory_space<hbm>>, %arg3: memref<32x80x128xi32, #tpu.memory_space<hbm>>, %arg4: memref<32x80x128xi32, #tpu.memory_space<hbm>>, %arg5: memref<16x5x128xi32, #tpu.memory_space<hbm>>, %arg6: memref<2x10240x128xf32, #tpu.memory_space<hbm>>, %arg7: memref<40x128xi32, #tpu.memory_space<vmem>>, %arg8: memref<40x128xi32, #tpu.memory_space<vmem>>, %arg9: memref<5x128xi32, #tpu.memory_space<vmem>>, %arg10: memref<128xi32, #tpu.memory_space<vmem>>, %arg11: memref<128x128xf32, #tpu.memory_space<vmem>>, %arg12: memref<128x128xf32, #tpu.memory_space<vmem>>, %arg13: memref<10240x128xf32, #tpu.memory_space<vmem_shared>>, %arg14: memref<!tpu.dma_semaphore, #tpu.memory_space<semaphore_mem>>, %arg15: memref<!tpu.dma_semaphore, #tpu.memory_space<semaphore_mem>>, %arg16: memref<!tpu.dma_semaphore, #tpu.memory_space<semaphore_mem>>) attributes {dimension_semantics = [#tpu.dimension_semantics<core_parallel>, #tpu.dimension_semantics<subcore_parallel>], iteration_bounds = array<i64: 2, 16>, scalar_prefetch = 0 : i64, scratch_operands = 10 : i64, tpu.core_type = #tpu.core_type<sc_vector_subcore>, window_params = [{transform_indices = #map}, {transform_indices = #map1}, {transform_indices = #map1}, {transform_indices = #map1}, {transform_indices = #map1}]} {
    %mul3A = arith.constant 16 : i32
    %mul3A_0 = arith.muli %arg0, %mul3A : i32
    %add3A = arith.addi %mul3A_0, %arg1 : i32
    "tpu.region"() ({
      %run_scoped3A = tpu.sem_alloc : memref<!tpu.dma_semaphore, #tpu.memory_space<semaphore_mem>>
      %dma_start3A_599 = arith.constant 0 : i32
      %dma_start3A_600 = arith.constant 0 : i32
      %dma_start3A_601 = tpu.memref_slice %arg5[%arg1, %dma_start3A_599, %dma_start3A_600] : memref<16x5x128xi32, #tpu.memory_space<hbm>> -> memref<1x5x128xi32, #tpu.memory_space<hbm>>
      %dma_start3A_602 = tpu.memref_squeeze %dma_start3A_601 : memref<1x5x128xi32, #tpu.memory_space<hbm>> -> memref<5x128xi32, #tpu.memory_space<hbm>>
      %dma_start3A_603 = arith.constant 0 : i32
      %dma_start3A_604 = arith.constant 0 : i32
      %dma_start3A_605 = tpu.memref_slice %arg5[%arg1, %dma_start3A_603, %dma_start3A_604] : memref<16x5x128xi32, #tpu.memory_space<hbm>> -> memref<1x5x128xi32, #tpu.memory_space<hbm>>
      %dma_start3A_606 = tpu.memref_squeeze %dma_start3A_605 : memref<1x5x128xi32, #tpu.memory_space<hbm>> -> memref<5x128xi32, #tpu.memory_space<hbm>>
      tpu.enqueue_dma source(%dma_start3A_606 : memref<5x128xi32, #tpu.memory_space<hbm>>) target(%arg9 : memref<5x128xi32, #tpu.memory_space<vmem>>) target_semaphore(%run_scoped3A : memref<!tpu.dma_semaphore, #tpu.memory_space<semaphore_mem>>)
      %dma_wait3A_607 = arith.constant 0 : i32
      %dma_wait3A_608 = arith.constant 0 : i32
      %dma_wait3A_609 = tpu.memref_slice %arg5[%arg1, %dma_wait3A_607, %dma_wait3A_608] : memref<16x5x128xi32, #tpu.memory_space<hbm>> -> memref<1x5x128xi32, #tpu.memory_space<hbm>>
      %dma_wait3A_610 = tpu.memref_squeeze %dma_wait3A_609 : memref<1x5x128xi32, #tpu.memory_space<hbm>> -> memref<5x128xi32, #tpu.memory_space<hbm>>
      %dma_wait3A_611 = arith.constant 0 : i32
      %dma_wait3A_612 = arith.constant 0 : i32
      %dma_wait3A_613 = tpu.memref_slice %arg5[%arg1, %dma_wait3A_611, %dma_wait3A_612] : memref<16x5x128xi32, #tpu.memory_space<hbm>> -> memref<1x5x128xi32, #tpu.memory_space<hbm>>
      %dma_wait3A_614 = tpu.memref_squeeze %dma_wait3A_613 : memref<1x5x128xi32, #tpu.memory_space<hbm>> -> memref<5x128xi32, #tpu.memory_space<hbm>>
      tpu.wait_dma2 semaphore(%run_scoped3A : memref<!tpu.dma_semaphore, #tpu.memory_space<semaphore_mem>>) src(%dma_wait3A_614 : memref<5x128xi32, #tpu.memory_space<hbm>>) dst(%arg9 : memref<5x128xi32, #tpu.memory_space<vmem>>)
      tpu.yield
    }) : () -> ()
    %scan3A = arith.constant 0 : i32
    %scan3A_1 = arith.constant 0 : i32
    %scan3A_2 = arith.constant 128 : i32
    %scan3A_3 = arith.addi %scan3A_1, %scan3A_2 : i32
    %scan3A_4 = arith.constant 1 : i32
    scf.for %scan3A_599 = %scan3A_1 to %scan3A_3 step %scan3A_4  : i32 {
      %broadcast_in_dim3A = arith.constant 0.000000e+00 : f32
      %broadcast_in_dim3A_600 = vector.broadcast %broadcast_in_dim3A : f32 to vector<16xf32>
      %swap3A_601 = arith.index_cast %scan3A_599 : i32 to index
      %swap3A_602 = arith.constant 0 : index
      %swap3A_603 = tpu.vector_load %arg11[%swap3A_601, %swap3A_602] {strides = array<i32>} : memref<128x128xf32, #tpu.memory_space<vmem>>, vector<1x16xf32>,
      %swap3A_604 = vector.shape_cast %swap3A_603 : vector<1x16xf32> to vector<16xf32>
      %swap3A_605 = vector.shape_cast %broadcast_in_dim3A_600 : vector<16xf32> to vector<1x16xf32>
      tpu.vector_store %arg11[%swap3A_601, %swap3A_602], %swap3A_605 {strides = array<i32>} : memref<128x128xf32, #tpu.memory_space<vmem>>, vector<1x16xf32>,
      %broadcast_in_dim3A_606 = arith.constant 0.000000e+00 : f32
      %broadcast_in_dim3A_607 = vector.broadcast %broadcast_in_dim3A_606 : f32 to vector<16xf32>
      %swap3A_608 = arith.index_cast %scan3A_599 : i32 to index
      %swap3A_609 = arith.constant 16 : index
      %swap3A_610 = tpu.vector_load %arg11[%swap3A_608, %swap3A_609] {strides = array<i32>} : memref<128x128xf32, #tpu.memory_space<vmem>>, vector<1x16xf32>,
      %swap3A_611 = vector.shape_cast %swap3A_610 : vector<1x16xf32> to vector<16xf32>
      %swap3A_612 = vector.shape_cast %broadcast_in_dim3A_607 : vector<16xf32> to vector<1x16xf32>
      tpu.vector_store %arg11[%swap3A_608, %swap3A_609], %swap3A_612 {strides = array<i32>} : memref<128x128xf32, #tpu.memory_space<vmem>>, vector<1x16xf32>,
      %broadcast_in_dim3A_613 = arith.constant 0.000000e+00 : f32
      %broadcast_in_dim3A_614 = vector.broadcast %broadcast_in_dim3A_613 : f32 to vector<16xf32>
      %swap3A_615 = arith.index_cast %scan3A_599 : i32 to index
      %swap3A_616 = arith.constant 32 : index
      %swap3A_617 = tpu.vector_load %arg11[%swap3A_615, %swap3A_616] {strides = array<i32>} : memref<128x128xf32, #tpu.memory_space<vmem>>, vector<1x16xf32>,
      %swap3A_618 = vector.shape_cast %swap3A_617 : vector<1x16xf32> to vector<16xf32>
      %swap3A_619 = vector.shape_cast %broadcast_in_dim3A_614 : vector<16xf32> to vector<1x16xf32>
      tpu.vector_store %arg11[%swap3A_615, %swap3A_616], %swap3A_619 {strides = array<i32>} : memref<128x128xf32, #tpu.memory_space<vmem>>, vector<1x16xf32>,
      %broadcast_in_dim3A_620 = arith.constant 0.000000e+00 : f32
      %broadcast_in_dim3A_621 = vector.broadcast %broadcast_in_dim3A_620 : f32 to vector<16xf32>
      %swap3A_622 = arith.index_cast %scan3A_599 : i32 to index
      %swap3A_623 = arith.constant 48 : index
      %swap3A_624 = tpu.vector_load %arg11[%swap3A_622, %swap3A_623] {strides = array<i32>} : memref<128x128xf32, #tpu.memory_space<vmem>>, vector<1x16xf32>,
      %swap3A_625 = vector.shape_cast %swap3A_624 : vector<1x16xf32> to vector<16xf32>
      %swap3A_626 = vector.shape_cast %broadcast_in_dim3A_621 : vector<16xf32> to vector<1x16xf32>
      tpu.vector_store %arg11[%swap3A_622, %swap3A_623], %swap3A_626 {strides = array<i32>} : memref<128x128xf32, #tpu.memory_space<vmem>>, vector<1x16xf32>,
      %broadcast_in_dim3A_627 = arith.constant 0.000000e+00 : f32
      %broadcast_in_dim3A_628 = vector.broadcast %broadcast_in_dim3A_627 : f32 to vector<16xf32>
      %swap3A_629 = arith.index_cast %scan3A_599 : i32 to index
      %swap3A_630 = arith.constant 64 : index
      %swap3A_631 = tpu.vector_load %arg11[%swap3A_629, %swap3A_630] {strides = array<i32>} : memref<128x128xf32, #tpu.memory_space<vmem>>, vector<1x16xf32>,
      %swap3A_632 = vector.shape_cast %swap3A_631 : vector<1x16xf32> to vector<16xf32>
      %swap3A_633 = vector.shape_cast %broadcast_in_dim3A_628 : vector<16xf32> to vector<1x16xf32>
      tpu.vector_store %arg11[%swap3A_629, %swap3A_630], %swap3A_633 {strides = array<i32>} : memref<128x128xf32, #tpu.memory_space<vmem>>, vector<1x16xf32>,
      %broadcast_in_dim3A_634 = arith.constant 0.000000e+00 : f32
      %broadcast_in_dim3A_635 = vector.broadcast %broadcast_in_dim3A_634 : f32 to vector<16xf32>
      %swap3A_636 = arith.index_cast %scan3A_599 : i32 to index
      %swap3A_637 = arith.constant 80 : index
      %swap3A_638 = tpu.vector_load %arg11[%swap3A_636, %swap3A_637] {strides = array<i32>} : memref<128x128xf32, #tpu.memory_space<vmem>>, vector<1x16xf32>,
      %swap3A_639 = vector.shape_cast %swap3A_638 : vector<1x16xf32> to vector<16xf32>
      %swap3A_640 = vector.shape_cast %broadcast_in_dim3A_635 : vector<16xf32> to vector<1x16xf32>
      tpu.vector_store %arg11[%swap3A_636, %swap3A_637], %swap3A_640 {strides = array<i32>} : memref<128x128xf32, #tpu.memory_space<vmem>>, vector<1x16xf32>,
      %broadcast_in_dim3A_641 = arith.constant 0.000000e+00 : f32
      %broadcast_in_dim3A_642 = vector.broadcast %broadcast_in_dim3A_641 : f32 to vector<16xf32>
      %swap3A_643 = arith.index_cast %scan3A_599 : i32 to index
      %swap3A_644 = arith.constant 96 : index
      %swap3A_645 = tpu.vector_load %arg11[%swap3A_643, %swap3A_644] {strides = array<i32>} : memref<128x128xf32, #tpu.memory_space<vmem>>, vector<1x16xf32>,
      %swap3A_646 = vector.shape_cast %swap3A_645 : vector<1x16xf32> to vector<16xf32>
      %swap3A_647 = vector.shape_cast %broadcast_in_dim3A_642 : vector<16xf32> to vector<1x16xf32>
      tpu.vector_store %arg11[%swap3A_643, %swap3A_644], %swap3A_647 {strides = array<i32>} : memref<128x128xf32, #tpu.memory_space<vmem>>, vector<1x16xf32>,
      %broadcast_in_dim3A_648 = arith.constant 0.000000e+00 : f32
      %broadcast_in_dim3A_649 = vector.broadcast %broadcast_in_dim3A_648 : f32 to vector<16xf32>
      %swap3A_650 = arith.index_cast %scan3A_599 : i32 to index
      %swap3A_651 = arith.constant 112 : index
      %swap3A_652 = tpu.vector_load %arg11[%swap3A_650, %swap3A_651] {strides = array<i32>} : memref<128x128xf32, #tpu.memory_space<vmem>>, vector<1x16xf32>,
      %swap3A_653 = vector.shape_cast %swap3A_652 : vector<1x16xf32> to vector<16xf32>
      %swap3A_654 = vector.shape_cast %broadcast_in_dim3A_649 : vector<16xf32> to vector<1x16xf32>
      tpu.vector_store %arg11[%swap3A_650, %swap3A_651], %swap3A_654 {strides = array<i32>} : memref<128x128xf32, #tpu.memory_space<vmem>>, vector<1x16xf32>,
    }
    %scan3A_5 = arith.constant 128 : i32
    %mul3A_6 = arith.constant 640 : i32
    %mul3A_7 = arith.muli %arg1, %mul3A_6 : i32
    %get3A = arith.constant 0 : i32
    %get3A_8 = arith.index_cast %get3A : i32 to index
    %get3A_9 = arith.constant 0 : index
    %get3A_10 = tpu.vector_load %arg9[%get3A_8, %get3A_9] {strides = array<i32>} : memref<5x128xi32, #tpu.memory_space<vmem>>, vector<1x16xi32>,
    %get3A_11 = vector.shape_cast %get3A_10 : vector<1x16xi32> to vector<16xi32>
    %swap3A = arith.constant 0 : index
    %swap3A_12 = tpu.vector_load %arg10[%swap3A] {strides = array<i32>} : memref<128xi32, #tpu.memory_space<vmem>>, vector<16xi32>,
    %swap3A_13 = vector.shape_cast %swap3A_12 : vector<16xi32> to vector<16xi32>
    %swap3A_14 = vector.shape_cast %get3A_11 : vector<16xi32> to vector<16xi32>
    tpu.vector_store %arg10[%swap3A], %swap3A_14 {strides = array<i32>} : memref<128xi32, #tpu.memory_space<vmem>>, vector<16xi32>,
    %get3A_15 = arith.constant 0 : i32
    %get3A_16 = arith.index_cast %get3A_15 : i32 to index
    %get3A_17 = arith.constant 16 : index
    %get3A_18 = tpu.vector_load %arg9[%get3A_16, %get3A_17] {strides = array<i32>} : memref<5x128xi32, #tpu.memory_space<vmem>>, vector<1x16xi32>,
    %get3A_19 = vector.shape_cast %get3A_18 : vector<1x16xi32> to vector<16xi32>
    %swap3A_20 = arith.constant 16 : index
    %swap3A_21 = tpu.vector_load %arg10[%swap3A_20] {strides = array<i32>} : memref<128xi32, #tpu.memory_space<vmem>>, vector<16xi32>,
    %swap3A_22 = vector.shape_cast %swap3A_21 : vector<16xi32> to vector<16xi32>
    %swap3A_23 = vector.shape_cast %get3A_19 : vector<16xi32> to vector<16xi32>
    tpu.vector_store %arg10[%swap3A_20], %swap3A_23 {strides = array<i32>} : memref<128xi32, #tpu.memory_space<vmem>>, vector<16xi32>,
    %get3A_24 = arith.constant 0 : i32
    %get3A_25 = arith.index_cast %get3A_24 : i32 to index
    %get3A_26 = arith.constant 32 : index
    %get3A_27 = tpu.vector_load %arg9[%get3A_25, %get3A_26] {strides = array<i32>} : memref<5x128xi32, #tpu.memory_space<vmem>>, vector<1x16xi32>,
    %get3A_28 = vector.shape_cast %get3A_27 : vector<1x16xi32> to vector<16xi32>
    %swap3A_29 = arith.constant 32 : index
    %swap3A_30 = tpu.vector_load %arg10[%swap3A_29] {strides = array<i32>} : memref<128xi32, #tpu.memory_space<vmem>>, vector<16xi32>,
    %swap3A_31 = vector.shape_cast %swap3A_30 : vector<16xi32> to vector<16xi32>
    %swap3A_32 = vector.shape_cast %get3A_28 : vector<16xi32> to vector<16xi32>
    tpu.vector_store %arg10[%swap3A_29], %swap3A_32 {strides = array<i32>} : memref<128xi32, #tpu.memory_space<vmem>>, vector<16xi32>,
    %get3A_33 = arith.constant 0 : i32
    %get3A_34 = arith.index_cast %get3A_33 : i32 to index
    %get3A_35 = arith.constant 48 : index
    %get3A_36 = tpu.vector_load %arg9[%get3A_34, %get3A_35] {strides = array<i32>} : memref<5x128xi32, #tpu.memory_space<vmem>>, vector<1x16xi32>,
    %get3A_37 = vector.shape_cast %get3A_36 : vector<1x16xi32> to vector<16xi32>
    %swap3A_38 = arith.constant 48 : index
    %swap3A_39 = tpu.vector_load %arg10[%swap3A_38] {strides = array<i32>} : memref<128xi32, #tpu.memory_space<vmem>>, vector<16xi32>,
    %swap3A_40 = vector.shape_cast %swap3A_39 : vector<16xi32> to vector<16xi32>
    %swap3A_41 = vector.shape_cast %get3A_37 : vector<16xi32> to vector<16xi32>
    tpu.vector_store %arg10[%swap3A_38], %swap3A_41 {strides = array<i32>} : memref<128xi32, #tpu.memory_space<vmem>>, vector<16xi32>,
    %get3A_42 = arith.constant 0 : i32
    %get3A_43 = arith.index_cast %get3A_42 : i32 to index
    %get3A_44 = arith.constant 64 : index
    %get3A_45 = tpu.vector_load %arg9[%get3A_43, %get3A_44] {strides = array<i32>} : memref<5x128xi32, #tpu.memory_space<vmem>>, vector<1x16xi32>,
    %get3A_46 = vector.shape_cast %get3A_45 : vector<1x16xi32> to vector<16xi32>
    %swap3A_47 = arith.constant 64 : index
    %swap3A_48 = tpu.vector_load %arg10[%swap3A_47] {strides = array<i32>} : memref<128xi32, #tpu.memory_space<vmem>>, vector<16xi32>,
    %swap3A_49 = vector.shape_cast %swap3A_48 : vector<16xi32> to vector<16xi32>
    %swap3A_50 = vector.shape_cast %get3A_46 : vector<16xi32> to vector<16xi32>
    tpu.vector_store %arg10[%swap3A_47], %swap3A_50 {strides = array<i32>} : memref<128xi32, #tpu.memory_space<vmem>>, vector<16xi32>,
    %get3A_51 = arith.constant 0 : i32
    %get3A_52 = arith.index_cast %get3A_51 : i32 to index
    %get3A_53 = arith.constant 80 : index
    %get3A_54 = tpu.vector_load %arg9[%get3A_52, %get3A_53] {strides = array<i32>} : memref<5x128xi32, #tpu.memory_space<vmem>>, vector<1x16xi32>,
    %get3A_55 = vector.shape_cast %get3A_54 : vector<1x16xi32> to vector<16xi32>
    %swap3A_56 = arith.constant 80 : index
    %swap3A_57 = tpu.vector_load %arg10[%swap3A_56] {strides = array<i32>} : memref<128xi32, #tpu.memory_space<vmem>>, vector<16xi32>,
    %swap3A_58 = vector.shape_cast %swap3A_57 : vector<16xi32> to vector<16xi32>
    %swap3A_59 = vector.shape_cast %get3A_55 : vector<16xi32> to vector<16xi32>
    tpu.vector_store %arg10[%swap3A_56], %swap3A_59 {strides = array<i32>} : memref<128xi32, #tpu.memory_space<vmem>>, vector<16xi32>,
    %get3A_60 = arith.constant 0 : i32
    %get3A_61 = arith.index_cast %get3A_60 : i32 to index
    %get3A_62 = arith.constant 96 : index
    %get3A_63 = tpu.vector_load %arg9[%get3A_61, %get3A_62] {strides = array<i32>} : memref<5x128xi32, #tpu.memory_space<vmem>>, vector<1x16xi32>,
    %get3A_64 = vector.shape_cast %get3A_63 : vector<1x16xi32> to vector<16xi32>
    %swap3A_65 = arith.constant 96 : index
    %swap3A_66 = tpu.vector_load %arg10[%swap3A_65] {strides = array<i32>} : memref<128xi32, #tpu.memory_space<vmem>>, vector<16xi32>,
    %swap3A_67 = vector.shape_cast %swap3A_66 : vector<16xi32> to vector<16xi32>
    %swap3A_68 = vector.shape_cast %get3A_64 : vector<16xi32> to vector<16xi32>
    tpu.vector_store %arg10[%swap3A_65], %swap3A_68 {strides = array<i32>} : memref<128xi32, #tpu.memory_space<vmem>>, vector<16xi32>,
    %get3A_69 = arith.constant 0 : i32
    %get3A_70 = arith.index_cast %get3A_69 : i32 to index
    %get3A_71 = arith.constant 112 : index
    %get3A_72 = tpu.vector_load %arg9[%get3A_70, %get3A_71] {strides = array<i32>} : memref<5x128xi32, #tpu.memory_space<vmem>>, vector<1x16xi32>,
    %get3A_73 = vector.shape_cast %get3A_72 : vector<1x16xi32> to vector<16xi32>
    %swap3A_74 = arith.constant 112 : index
    %swap3A_75 = tpu.vector_load %arg10[%swap3A_74] {strides = array<i32>} : memref<128xi32, #tpu.memory_space<vmem>>, vector<16xi32>,
    %swap3A_76 = vector.shape_cast %swap3A_75 : vector<16xi32> to vector<16xi32>
    %swap3A_77 = vector.shape_cast %get3A_73 : vector<16xi32> to vector<16xi32>
    tpu.vector_store %arg10[%swap3A_74], %swap3A_77 {strides = array<i32>} : memref<128xi32, #tpu.memory_space<vmem>>, vector<16xi32>,
    %dma_start3A = arith.constant 0 : i32
    %dma_start3A_78 = arith.constant 0 : i32
    %dma_start3A_79 = tpu.memref_slice %arg13[%dma_start3A, %dma_start3A_78] : memref<10240x128xf32, #tpu.memory_space<vmem_shared>> -> memref<10240x128xf32, #tpu.memory_space<vmem_shared>>
    tpu.enqueue_indirect_dma source(%arg11 : memref<128x128xf32, #tpu.memory_space<vmem>>) target(%dma_start3A_79 : memref<10240x128xf32, #tpu.memory_space<vmem_shared>>) offsets(%arg10 : memref<128xi32, #tpu.memory_space<vmem>>) semaphore(%arg14 : memref<!tpu.dma_semaphore, #tpu.memory_space<semaphore_mem>>)
    %dma_wait3A = arith.constant 0 : i32
    %dma_wait3A_80 = arith.constant 0 : i32
    %dma_wait3A_81 = tpu.memref_slice %arg13[%dma_wait3A, %dma_wait3A_80] : memref<10240x128xf32, #tpu.memory_space<vmem_shared>> -> memref<10240x128xf32, #tpu.memory_space<vmem_shared>>
    tpu.wait_indirect_dma semaphore(%arg14 : memref<!tpu.dma_semaphore, #tpu.memory_space<semaphore_mem>>) src(%arg11 : memref<128x128xf32, #tpu.memory_space<vmem>>) dst(%dma_wait3A_81 : memref<10240x128xf32, #tpu.memory_space<vmem_shared>>)
    %get3A_82 = arith.constant 1 : i32
    %get3A_83 = arith.index_cast %get3A_82 : i32 to index
    %get3A_84 = arith.constant 0 : index
    %get3A_85 = tpu.vector_load %arg9[%get3A_83, %get3A_84] {strides = array<i32>} : memref<5x128xi32, #tpu.memory_space<vmem>>, vector<1x16xi32>,
    %get3A_86 = vector.shape_cast %get3A_85 : vector<1x16xi32> to vector<16xi32>
    %swap3A_87 = arith.constant 0 : index
    %swap3A_88 = tpu.vector_load %arg10[%swap3A_87] {strides = array<i32>} : memref<128xi32, #tpu.memory_space<vmem>>, vector<16xi32>,
    %swap3A_89 = vector.shape_cast %swap3A_88 : vector<16xi32> to vector<16xi32>
    %swap3A_90 = vector.shape_cast %get3A_86 : vector<16xi32> to vector<16xi32>
    tpu.vector_store %arg10[%swap3A_87], %swap3A_90 {strides = array<i32>} : memref<128xi32, #tpu.memory_space<vmem>>, vector<16xi32>,
    %get3A_91 = arith.constant 1 : i32
    %get3A_92 = arith.index_cast %get3A_91 : i32 to index
    %get3A_93 = arith.constant 16 : index
    %get3A_94 = tpu.vector_load %arg9[%get3A_92, %get3A_93] {strides = array<i32>} : memref<5x128xi32, #tpu.memory_space<vmem>>, vector<1x16xi32>,
    %get3A_95 = vector.shape_cast %get3A_94 : vector<1x16xi32> to vector<16xi32>
    %swap3A_96 = arith.constant 16 : index
    %swap3A_97 = tpu.vector_load %arg10[%swap3A_96] {strides = array<i32>} : memref<128xi32, #tpu.memory_space<vmem>>, vector<16xi32>,
    %swap3A_98 = vector.shape_cast %swap3A_97 : vector<16xi32> to vector<16xi32>
    %swap3A_99 = vector.shape_cast %get3A_95 : vector<16xi32> to vector<16xi32>
    tpu.vector_store %arg10[%swap3A_96], %swap3A_99 {strides = array<i32>} : memref<128xi32, #tpu.memory_space<vmem>>, vector<16xi32>,
    %get3A_100 = arith.constant 1 : i32
    %get3A_101 = arith.index_cast %get3A_100 : i32 to index
    %get3A_102 = arith.constant 32 : index
    %get3A_103 = tpu.vector_load %arg9[%get3A_101, %get3A_102] {strides = array<i32>} : memref<5x128xi32, #tpu.memory_space<vmem>>, vector<1x16xi32>,
    %get3A_104 = vector.shape_cast %get3A_103 : vector<1x16xi32> to vector<16xi32>
    %swap3A_105 = arith.constant 32 : index
    %swap3A_106 = tpu.vector_load %arg10[%swap3A_105] {strides = array<i32>} : memref<128xi32, #tpu.memory_space<vmem>>, vector<16xi32>,
    %swap3A_107 = vector.shape_cast %swap3A_106 : vector<16xi32> to vector<16xi32>
    %swap3A_108 = vector.shape_cast %get3A_104 : vector<16xi32> to vector<16xi32>
    tpu.vector_store %arg10[%swap3A_105], %swap3A_108 {strides = array<i32>} : memref<128xi32, #tpu.memory_space<vmem>>, vector<16xi32>,
    %get3A_109 = arith.constant 1 : i32
    %get3A_110 = arith.index_cast %get3A_109 : i32 to index
    %get3A_111 = arith.constant 48 : index
    %get3A_112 = tpu.vector_load %arg9[%get3A_110, %get3A_111] {strides = array<i32>} : memref<5x128xi32, #tpu.memory_space<vmem>>, vector<1x16xi32>,
    %get3A_113 = vector.shape_cast %get3A_112 : vector<1x16xi32> to vector<16xi32>
    %swap3A_114 = arith.constant 48 : index
    %swap3A_115 = tpu.vector_load %arg10[%swap3A_114] {strides = array<i32>} : memref<128xi32, #tpu.memory_space<vmem>>, vector<16xi32>,
    %swap3A_116 = vector.shape_cast %swap3A_115 : vector<16xi32> to vector<16xi32>
    %swap3A_117 = vector.shape_cast %get3A_113 : vector<16xi32> to vector<16xi32>
    tpu.vector_store %arg10[%swap3A_114], %swap3A_117 {strides = array<i32>} : memref<128xi32, #tpu.memory_space<vmem>>, vector<16xi32>,
    %get3A_118 = arith.constant 1 : i32
    %get3A_119 = arith.index_cast %get3A_118 : i32 to index
    %get3A_120 = arith.constant 64 : index
    %get3A_121 = tpu.vector_load %arg9[%get3A_119, %get3A_120] {strides = array<i32>} : memref<5x128xi32, #tpu.memory_space<vmem>>, vector<1x16xi32>,
    %get3A_122 = vector.shape_cast %get3A_121 : vector<1x16xi32> to vector<16xi32>
    %swap3A_123 = arith.constant 64 : index
    %swap3A_124 = tpu.vector_load %arg10[%swap3A_123] {strides = array<i32>} : memref<128xi32, #tpu.memory_space<vmem>>, vector<16xi32>,
    %swap3A_125 = vector.shape_cast %swap3A_124 : vector<16xi32> to vector<16xi32>
    %swap3A_126 = vector.shape_cast %get3A_122 : vector<16xi32> to vector<16xi32>
    tpu.vector_store %arg10[%swap3A_123], %swap3A_126 {strides = array<i32>} : memref<128xi32, #tpu.memory_space<vmem>>, vector<16xi32>,
    %get3A_127 = arith.constant 1 : i32
    %get3A_128 = arith.index_cast %get3A_127 : i32 to index
    %get3A_129 = arith.constant 80 : index
    %get3A_130 = tpu.vector_load %arg9[%get3A_128, %get3A_129] {strides = array<i32>} : memref<5x128xi32, #tpu.memory_space<vmem>>, vector<1x16xi32>,
    %get3A_131 = vector.shape_cast %get3A_130 : vector<1x16xi32> to vector<16xi32>
    %swap3A_132 = arith.constant 80 : index
    %swap3A_133 = tpu.vector_load %arg10[%swap3A_132] {strides = array<i32>} : memref<128xi32, #tpu.memory_space<vmem>>, vector<16xi32>,
    %swap3A_134 = vector.shape_cast %swap3A_133 : vector<16xi32> to vector<16xi32>
    %swap3A_135 = vector.shape_cast %get3A_131 : vector<16xi32> to vector<16xi32>
    tpu.vector_store %arg10[%swap3A_132], %swap3A_135 {strides = array<i32>} : memref<128xi32, #tpu.memory_space<vmem>>, vector<16xi32>,
    %get3A_136 = arith.constant 1 : i32
    %get3A_137 = arith.index_cast %get3A_136 : i32 to index
    %get3A_138 = arith.constant 96 : index
    %get3A_139 = tpu.vector_load %arg9[%get3A_137, %get3A_138] {strides = array<i32>} : memref<5x128xi32, #tpu.memory_space<vmem>>, vector<1x16xi32>,
    %get3A_140 = vector.shape_cast %get3A_139 : vector<1x16xi32> to vector<16xi32>
    %swap3A_141 = arith.constant 96 : index
    %swap3A_142 = tpu.vector_load %arg10[%swap3A_141] {strides = array<i32>} : memref<128xi32, #tpu.memory_space<vmem>>, vector<16xi32>,
    %swap3A_143 = vector.shape_cast %swap3A_142 : vector<16xi32> to vector<16xi32>
    %swap3A_144 = vector.shape_cast %get3A_140 : vector<16xi32> to vector<16xi32>
    tpu.vector_store %arg10[%swap3A_141], %swap3A_144 {strides = array<i32>} : memref<128xi32, #tpu.memory_space<vmem>>, vector<16xi32>,
    %get3A_145 = arith.constant 1 : i32
    %get3A_146 = arith.index_cast %get3A_145 : i32 to index
    %get3A_147 = arith.constant 112 : index
    %get3A_148 = tpu.vector_load %arg9[%get3A_146, %get3A_147] {strides = array<i32>} : memref<5x128xi32, #tpu.memory_space<vmem>>, vector<1x16xi32>,
    %get3A_149 = vector.shape_cast %get3A_148 : vector<1x16xi32> to vector<16xi32>
    %swap3A_150 = arith.constant 112 : index
    %swap3A_151 = tpu.vector_load %arg10[%swap3A_150] {strides = array<i32>} : memref<128xi32, #tpu.memory_space<vmem>>, vector<16xi32>,
    %swap3A_152 = vector.shape_cast %swap3A_151 : vector<16xi32> to vector<16xi32>
    %swap3A_153 = vector.shape_cast %get3A_149 : vector<16xi32> to vector<16xi32>
    tpu.vector_store %arg10[%swap3A_150], %swap3A_153 {strides = array<i32>} : memref<128xi32, #tpu.memory_space<vmem>>, vector<16xi32>,
    %dma_start3A_154 = arith.constant 0 : i32
    %dma_start3A_155 = arith.constant 0 : i32
    %dma_start3A_156 = tpu.memref_slice %arg13[%dma_start3A_154, %dma_start3A_155] : memref<10240x128xf32, #tpu.memory_space<vmem_shared>> -> memref<10240x128xf32, #tpu.memory_space<vmem_shared>>
    tpu.enqueue_indirect_dma source(%arg11 : memref<128x128xf32, #tpu.memory_space<vmem>>) target(%dma_start3A_156 : memref<10240x128xf32, #tpu.memory_space<vmem_shared>>) offsets(%arg10 : memref<128xi32, #tpu.memory_space<vmem>>) semaphore(%arg14 : memref<!tpu.dma_semaphore, #tpu.memory_space<semaphore_mem>>)
    %dma_wait3A_157 = arith.constant 0 : i32
    %dma_wait3A_158 = arith.constant 0 : i32
    %dma_wait3A_159 = tpu.memref_slice %arg13[%dma_wait3A_157, %dma_wait3A_158] : memref<10240x128xf32, #tpu.memory_space<vmem_shared>> -> memref<10240x128xf32, #tpu.memory_space<vmem_shared>>
    tpu.wait_indirect_dma semaphore(%arg14 : memref<!tpu.dma_semaphore, #tpu.memory_space<semaphore_mem>>) src(%arg11 : memref<128x128xf32, #tpu.memory_space<vmem>>) dst(%dma_wait3A_159 : memref<10240x128xf32, #tpu.memory_space<vmem_shared>>)
    %get3A_160 = arith.constant 2 : i32
    %get3A_161 = arith.index_cast %get3A_160 : i32 to index
    %get3A_162 = arith.constant 0 : index
    %get3A_163 = tpu.vector_load %arg9[%get3A_161, %get3A_162] {strides = array<i32>} : memref<5x128xi32, #tpu.memory_space<vmem>>, vector<1x16xi32>,
    %get3A_164 = vector.shape_cast %get3A_163 : vector<1x16xi32> to vector<16xi32>
    %swap3A_165 = arith.constant 0 : index
    %swap3A_166 = tpu.vector_load %arg10[%swap3A_165] {strides = array<i32>} : memref<128xi32, #tpu.memory_space<vmem>>, vector<16xi32>,
    %swap3A_167 = vector.shape_cast %swap3A_166 : vector<16xi32> to vector<16xi32>
    %swap3A_168 = vector.shape_cast %get3A_164 : vector<16xi32> to vector<16xi32>
    tpu.vector_store %arg10[%swap3A_165], %swap3A_168 {strides = array<i32>} : memref<128xi32, #tpu.memory_space<vmem>>, vector<16xi32>,
    %get3A_169 = arith.constant 2 : i32
    %get3A_170 = arith.index_cast %get3A_169 : i32 to index
    %get3A_171 = arith.constant 16 : index
    %get3A_172 = tpu.vector_load %arg9[%get3A_170, %get3A_171] {strides = array<i32>} : memref<5x128xi32, #tpu.memory_space<vmem>>, vector<1x16xi32>,
    %get3A_173 = vector.shape_cast %get3A_172 : vector<1x16xi32> to vector<16xi32>
    %swap3A_174 = arith.constant 16 : index
    %swap3A_175 = tpu.vector_load %arg10[%swap3A_174] {strides = array<i32>} : memref<128xi32, #tpu.memory_space<vmem>>, vector<16xi32>,
    %swap3A_176 = vector.shape_cast %swap3A_175 : vector<16xi32> to vector<16xi32>
    %swap3A_177 = vector.shape_cast %get3A_173 : vector<16xi32> to vector<16xi32>
    tpu.vector_store %arg10[%swap3A_174], %swap3A_177 {strides = array<i32>} : memref<128xi32, #tpu.memory_space<vmem>>, vector<16xi32>,
    %get3A_178 = arith.constant 2 : i32
    %get3A_179 = arith.index_cast %get3A_178 : i32 to index
    %get3A_180 = arith.constant 32 : index
    %get3A_181 = tpu.vector_load %arg9[%get3A_179, %get3A_180] {strides = array<i32>} : memref<5x128xi32, #tpu.memory_space<vmem>>, vector<1x16xi32>,
    %get3A_182 = vector.shape_cast %get3A_181 : vector<1x16xi32> to vector<16xi32>
    %swap3A_183 = arith.constant 32 : index
    %swap3A_184 = tpu.vector_load %arg10[%swap3A_183] {strides = array<i32>} : memref<128xi32, #tpu.memory_space<vmem>>, vector<16xi32>,
    %swap3A_185 = vector.shape_cast %swap3A_184 : vector<16xi32> to vector<16xi32>
    %swap3A_186 = vector.shape_cast %get3A_182 : vector<16xi32> to vector<16xi32>
    tpu.vector_store %arg10[%swap3A_183], %swap3A_186 {strides = array<i32>} : memref<128xi32, #tpu.memory_space<vmem>>, vector<16xi32>,
    %get3A_187 = arith.constant 2 : i32
    %get3A_188 = arith.index_cast %get3A_187 : i32 to index
    %get3A_189 = arith.constant 48 : index
    %get3A_190 = tpu.vector_load %arg9[%get3A_188, %get3A_189] {strides = array<i32>} : memref<5x128xi32, #tpu.memory_space<vmem>>, vector<1x16xi32>,
    %get3A_191 = vector.shape_cast %get3A_190 : vector<1x16xi32> to vector<16xi32>
    %swap3A_192 = arith.constant 48 : index
    %swap3A_193 = tpu.vector_load %arg10[%swap3A_192] {strides = array<i32>} : memref<128xi32, #tpu.memory_space<vmem>>, vector<16xi32>,
    %swap3A_194 = vector.shape_cast %swap3A_193 : vector<16xi32> to vector<16xi32>
    %swap3A_195 = vector.shape_cast %get3A_191 : vector<16xi32> to vector<16xi32>
    tpu.vector_store %arg10[%swap3A_192], %swap3A_195 {strides = array<i32>} : memref<128xi32, #tpu.memory_space<vmem>>, vector<16xi32>,
    %get3A_196 = arith.constant 2 : i32
    %get3A_197 = arith.index_cast %get3A_196 : i32 to index
    %get3A_198 = arith.constant 64 : index
    %get3A_199 = tpu.vector_load %arg9[%get3A_197, %get3A_198] {strides = array<i32>} : memref<5x128xi32, #tpu.memory_space<vmem>>, vector<1x16xi32>,
    %get3A_200 = vector.shape_cast %get3A_199 : vector<1x16xi32> to vector<16xi32>
    %swap3A_201 = arith.constant 64 : index
    %swap3A_202 = tpu.vector_load %arg10[%swap3A_201] {strides = array<i32>} : memref<128xi32, #tpu.memory_space<vmem>>, vector<16xi32>,
    %swap3A_203 = vector.shape_cast %swap3A_202 : vector<16xi32> to vector<16xi32>
    %swap3A_204 = vector.shape_cast %get3A_200 : vector<16xi32> to vector<16xi32>
    tpu.vector_store %arg10[%swap3A_201], %swap3A_204 {strides = array<i32>} : memref<128xi32, #tpu.memory_space<vmem>>, vector<16xi32>,
    %get3A_205 = arith.constant 2 : i32
    %get3A_206 = arith.index_cast %get3A_205 : i32 to index
    %get3A_207 = arith.constant 80 : index
    %get3A_208 = tpu.vector_load %arg9[%get3A_206, %get3A_207] {strides = array<i32>} : memref<5x128xi32, #tpu.memory_space<vmem>>, vector<1x16xi32>,
    %get3A_209 = vector.shape_cast %get3A_208 : vector<1x16xi32> to vector<16xi32>
    %swap3A_210 = arith.constant 80 : index
    %swap3A_211 = tpu.vector_load %arg10[%swap3A_210] {strides = array<i32>} : memref<128xi32, #tpu.memory_space<vmem>>, vector<16xi32>,
    %swap3A_212 = vector.shape_cast %swap3A_211 : vector<16xi32> to vector<16xi32>
    %swap3A_213 = vector.shape_cast %get3A_209 : vector<16xi32> to vector<16xi32>
    tpu.vector_store %arg10[%swap3A_210], %swap3A_213 {strides = array<i32>} : memref<128xi32, #tpu.memory_space<vmem>>, vector<16xi32>,
    %get3A_214 = arith.constant 2 : i32
    %get3A_215 = arith.index_cast %get3A_214 : i32 to index
    %get3A_216 = arith.constant 96 : index
    %get3A_217 = tpu.vector_load %arg9[%get3A_215, %get3A_216] {strides = array<i32>} : memref<5x128xi32, #tpu.memory_space<vmem>>, vector<1x16xi32>,
    %get3A_218 = vector.shape_cast %get3A_217 : vector<1x16xi32> to vector<16xi32>
    %swap3A_219 = arith.constant 96 : index
    %swap3A_220 = tpu.vector_load %arg10[%swap3A_219] {strides = array<i32>} : memref<128xi32, #tpu.memory_space<vmem>>, vector<16xi32>,
    %swap3A_221 = vector.shape_cast %swap3A_220 : vector<16xi32> to vector<16xi32>
    %swap3A_222 = vector.shape_cast %get3A_218 : vector<16xi32> to vector<16xi32>
    tpu.vector_store %arg10[%swap3A_219], %swap3A_222 {strides = array<i32>} : memref<128xi32, #tpu.memory_space<vmem>>, vector<16xi32>,
    %get3A_223 = arith.constant 2 : i32
    %get3A_224 = arith.index_cast %get3A_223 : i32 to index
    %get3A_225 = arith.constant 112 : index
    %get3A_226 = tpu.vector_load %arg9[%get3A_224, %get3A_225] {strides = array<i32>} : memref<5x128xi32, #tpu.memory_space<vmem>>, vector<1x16xi32>,
    %get3A_227 = vector.shape_cast %get3A_226 : vector<1x16xi32> to vector<16xi32>
    %swap3A_228 = arith.constant 112 : index
    %swap3A_229 = tpu.vector_load %arg10[%swap3A_228] {strides = array<i32>} : memref<128xi32, #tpu.memory_space<vmem>>, vector<16xi32>,
    %swap3A_230 = vector.shape_cast %swap3A_229 : vector<16xi32> to vector<16xi32>
    %swap3A_231 = vector.shape_cast %get3A_227 : vector<16xi32> to vector<16xi32>
    tpu.vector_store %arg10[%swap3A_228], %swap3A_231 {strides = array<i32>} : memref<128xi32, #tpu.memory_space<vmem>>, vector<16xi32>,
    %dma_start3A_232 = arith.constant 0 : i32
    %dma_start3A_233 = arith.constant 0 : i32
    %dma_start3A_234 = tpu.memref_slice %arg13[%dma_start3A_232, %dma_start3A_233] : memref<10240x128xf32, #tpu.memory_space<vmem_shared>> -> memref<10240x128xf32, #tpu.memory_space<vmem_shared>>
    tpu.enqueue_indirect_dma source(%arg11 : memref<128x128xf32, #tpu.memory_space<vmem>>) target(%dma_start3A_234 : memref<10240x128xf32, #tpu.memory_space<vmem_shared>>) offsets(%arg10 : memref<128xi32, #tpu.memory_space<vmem>>) semaphore(%arg14 : memref<!tpu.dma_semaphore, #tpu.memory_space<semaphore_mem>>)
    %dma_wait3A_235 = arith.constant 0 : i32
    %dma_wait3A_236 = arith.constant 0 : i32
    %dma_wait3A_237 = tpu.memref_slice %arg13[%dma_wait3A_235, %dma_wait3A_236] : memref<10240x128xf32, #tpu.memory_space<vmem_shared>> -> memref<10240x128xf32, #tpu.memory_space<vmem_shared>>
    tpu.wait_indirect_dma semaphore(%arg14 : memref<!tpu.dma_semaphore, #tpu.memory_space<semaphore_mem>>) src(%arg11 : memref<128x128xf32, #tpu.memory_space<vmem>>) dst(%dma_wait3A_237 : memref<10240x128xf32, #tpu.memory_space<vmem_shared>>)
    %get3A_238 = arith.constant 3 : i32
    %get3A_239 = arith.index_cast %get3A_238 : i32 to index
    %get3A_240 = arith.constant 0 : index
    %get3A_241 = tpu.vector_load %arg9[%get3A_239, %get3A_240] {strides = array<i32>} : memref<5x128xi32, #tpu.memory_space<vmem>>, vector<1x16xi32>,
    %get3A_242 = vector.shape_cast %get3A_241 : vector<1x16xi32> to vector<16xi32>
    %swap3A_243 = arith.constant 0 : index
    %swap3A_244 = tpu.vector_load %arg10[%swap3A_243] {strides = array<i32>} : memref<128xi32, #tpu.memory_space<vmem>>, vector<16xi32>,
    %swap3A_245 = vector.shape_cast %swap3A_244 : vector<16xi32> to vector<16xi32>
    %swap3A_246 = vector.shape_cast %get3A_242 : vector<16xi32> to vector<16xi32>
    tpu.vector_store %arg10[%swap3A_243], %swap3A_246 {strides = array<i32>} : memref<128xi32, #tpu.memory_space<vmem>>, vector<16xi32>,
    %get3A_247 = arith.constant 3 : i32
    %get3A_248 = arith.index_cast %get3A_247 : i32 to index
    %get3A_249 = arith.constant 16 : index
    %get3A_250 = tpu.vector_load %arg9[%get3A_248, %get3A_249] {strides = array<i32>} : memref<5x128xi32, #tpu.memory_space<vmem>>, vector<1x16xi32>,
    %get3A_251 = vector.shape_cast %get3A_250 : vector<1x16xi32> to vector<16xi32>
    %swap3A_252 = arith.constant 16 : index
    %swap3A_253 = tpu.vector_load %arg10[%swap3A_252] {strides = array<i32>} : memref<128xi32, #tpu.memory_space<vmem>>, vector<16xi32>,
    %swap3A_254 = vector.shape_cast %swap3A_253 : vector<16xi32> to vector<16xi32>
    %swap3A_255 = vector.shape_cast %get3A_251 : vector<16xi32> to vector<16xi32>
    tpu.vector_store %arg10[%swap3A_252], %swap3A_255 {strides = array<i32>} : memref<128xi32, #tpu.memory_space<vmem>>, vector<16xi32>,
    %get3A_256 = arith.constant 3 : i32
    %get3A_257 = arith.index_cast %get3A_256 : i32 to index
    %get3A_258 = arith.constant 32 : index
    %get3A_259 = tpu.vector_load %arg9[%get3A_257, %get3A_258] {strides = array<i32>} : memref<5x128xi32, #tpu.memory_space<vmem>>, vector<1x16xi32>,
    %get3A_260 = vector.shape_cast %get3A_259 : vector<1x16xi32> to vector<16xi32>
    %swap3A_261 = arith.constant 32 : index
    %swap3A_262 = tpu.vector_load %arg10[%swap3A_261] {strides = array<i32>} : memref<128xi32, #tpu.memory_space<vmem>>, vector<16xi32>,
    %swap3A_263 = vector.shape_cast %swap3A_262 : vector<16xi32> to vector<16xi32>
    %swap3A_264 = vector.shape_cast %get3A_260 : vector<16xi32> to vector<16xi32>
    tpu.vector_store %arg10[%swap3A_261], %swap3A_264 {strides = array<i32>} : memref<128xi32, #tpu.memory_space<vmem>>, vector<16xi32>,
    %get3A_265 = arith.constant 3 : i32
    %get3A_266 = arith.index_cast %get3A_265 : i32 to index
    %get3A_267 = arith.constant 48 : index
    %get3A_268 = tpu.vector_load %arg9[%get3A_266, %get3A_267] {strides = array<i32>} : memref<5x128xi32, #tpu.memory_space<vmem>>, vector<1x16xi32>,
    %get3A_269 = vector.shape_cast %get3A_268 : vector<1x16xi32> to vector<16xi32>
    %swap3A_270 = arith.constant 48 : index
    %swap3A_271 = tpu.vector_load %arg10[%swap3A_270] {strides = array<i32>} : memref<128xi32, #tpu.memory_space<vmem>>, vector<16xi32>,
    %swap3A_272 = vector.shape_cast %swap3A_271 : vector<16xi32> to vector<16xi32>
    %swap3A_273 = vector.shape_cast %get3A_269 : vector<16xi32> to vector<16xi32>
    tpu.vector_store %arg10[%swap3A_270], %swap3A_273 {strides = array<i32>} : memref<128xi32, #tpu.memory_space<vmem>>, vector<16xi32>,
    %get3A_274 = arith.constant 3 : i32
    %get3A_275 = arith.index_cast %get3A_274 : i32 to index
    %get3A_276 = arith.constant 64 : index
    %get3A_277 = tpu.vector_load %arg9[%get3A_275, %get3A_276] {strides = array<i32>} : memref<5x128xi32, #tpu.memory_space<vmem>>, vector<1x16xi32>,
    %get3A_278 = vector.shape_cast %get3A_277 : vector<1x16xi32> to vector<16xi32>
    %swap3A_279 = arith.constant 64 : index
    %swap3A_280 = tpu.vector_load %arg10[%swap3A_279] {strides = array<i32>} : memref<128xi32, #tpu.memory_space<vmem>>, vector<16xi32>,
    %swap3A_281 = vector.shape_cast %swap3A_280 : vector<16xi32> to vector<16xi32>
    %swap3A_282 = vector.shape_cast %get3A_278 : vector<16xi32> to vector<16xi32>
    tpu.vector_store %arg10[%swap3A_279], %swap3A_282 {strides = array<i32>} : memref<128xi32, #tpu.memory_space<vmem>>, vector<16xi32>,
    %get3A_283 = arith.constant 3 : i32
    %get3A_284 = arith.index_cast %get3A_283 : i32 to index
    %get3A_285 = arith.constant 80 : index
    %get3A_286 = tpu.vector_load %arg9[%get3A_284, %get3A_285] {strides = array<i32>} : memref<5x128xi32, #tpu.memory_space<vmem>>, vector<1x16xi32>,
    %get3A_287 = vector.shape_cast %get3A_286 : vector<1x16xi32> to vector<16xi32>
    %swap3A_288 = arith.constant 80 : index
    %swap3A_289 = tpu.vector_load %arg10[%swap3A_288] {strides = array<i32>} : memref<128xi32, #tpu.memory_space<vmem>>, vector<16xi32>,
    %swap3A_290 = vector.shape_cast %swap3A_289 : vector<16xi32> to vector<16xi32>
    %swap3A_291 = vector.shape_cast %get3A_287 : vector<16xi32> to vector<16xi32>
    tpu.vector_store %arg10[%swap3A_288], %swap3A_291 {strides = array<i32>} : memref<128xi32, #tpu.memory_space<vmem>>, vector<16xi32>,
    %get3A_292 = arith.constant 3 : i32
    %get3A_293 = arith.index_cast %get3A_292 : i32 to index
    %get3A_294 = arith.constant 96 : index
    %get3A_295 = tpu.vector_load %arg9[%get3A_293, %get3A_294] {strides = array<i32>} : memref<5x128xi32, #tpu.memory_space<vmem>>, vector<1x16xi32>,
    %get3A_296 = vector.shape_cast %get3A_295 : vector<1x16xi32> to vector<16xi32>
    %swap3A_297 = arith.constant 96 : index
    %swap3A_298 = tpu.vector_load %arg10[%swap3A_297] {strides = array<i32>} : memref<128xi32, #tpu.memory_space<vmem>>, vector<16xi32>,
    %swap3A_299 = vector.shape_cast %swap3A_298 : vector<16xi32> to vector<16xi32>
    %swap3A_300 = vector.shape_cast %get3A_296 : vector<16xi32> to vector<16xi32>
    tpu.vector_store %arg10[%swap3A_297], %swap3A_300 {strides = array<i32>} : memref<128xi32, #tpu.memory_space<vmem>>, vector<16xi32>,
    %get3A_301 = arith.constant 3 : i32
    %get3A_302 = arith.index_cast %get3A_301 : i32 to index
    %get3A_303 = arith.constant 112 : index
    %get3A_304 = tpu.vector_load %arg9[%get3A_302, %get3A_303] {strides = array<i32>} : memref<5x128xi32, #tpu.memory_space<vmem>>, vector<1x16xi32>,
    %get3A_305 = vector.shape_cast %get3A_304 : vector<1x16xi32> to vector<16xi32>
    %swap3A_306 = arith.constant 112 : index
    %swap3A_307 = tpu.vector_load %arg10[%swap3A_306] {strides = array<i32>} : memref<128xi32, #tpu.memory_space<vmem>>, vector<16xi32>,
    %swap3A_308 = vector.shape_cast %swap3A_307 : vector<16xi32> to vector<16xi32>
    %swap3A_309 = vector.shape_cast %get3A_305 : vector<16xi32> to vector<16xi32>
    tpu.vector_store %arg10[%swap3A_306], %swap3A_309 {strides = array<i32>} : memref<128xi32, #tpu.memory_space<vmem>>, vector<16xi32>,
    %dma_start3A_310 = arith.constant 0 : i32
    %dma_start3A_311 = arith.constant 0 : i32
    %dma_start3A_312 = tpu.memref_slice %arg13[%dma_start3A_310, %dma_start3A_311] : memref<10240x128xf32, #tpu.memory_space<vmem_shared>> -> memref<10240x128xf32, #tpu.memory_space<vmem_shared>>
    tpu.enqueue_indirect_dma source(%arg11 : memref<128x128xf32, #tpu.memory_space<vmem>>) target(%dma_start3A_312 : memref<10240x128xf32, #tpu.memory_space<vmem_shared>>) offsets(%arg10 : memref<128xi32, #tpu.memory_space<vmem>>) semaphore(%arg14 : memref<!tpu.dma_semaphore, #tpu.memory_space<semaphore_mem>>)
    %dma_wait3A_313 = arith.constant 0 : i32
    %dma_wait3A_314 = arith.constant 0 : i32
    %dma_wait3A_315 = tpu.memref_slice %arg13[%dma_wait3A_313, %dma_wait3A_314] : memref<10240x128xf32, #tpu.memory_space<vmem_shared>> -> memref<10240x128xf32, #tpu.memory_space<vmem_shared>>
    tpu.wait_indirect_dma semaphore(%arg14 : memref<!tpu.dma_semaphore, #tpu.memory_space<semaphore_mem>>) src(%arg11 : memref<128x128xf32, #tpu.memory_space<vmem>>) dst(%dma_wait3A_315 : memref<10240x128xf32, #tpu.memory_space<vmem_shared>>)
    %get3A_316 = arith.constant 4 : i32
    %get3A_317 = arith.index_cast %get3A_316 : i32 to index
    %get3A_318 = arith.constant 0 : index
    %get3A_319 = tpu.vector_load %arg9[%get3A_317, %get3A_318] {strides = array<i32>} : memref<5x128xi32, #tpu.memory_space<vmem>>, vector<1x16xi32>,
    %get3A_320 = vector.shape_cast %get3A_319 : vector<1x16xi32> to vector<16xi32>
    %swap3A_321 = arith.constant 0 : index
    %swap3A_322 = tpu.vector_load %arg10[%swap3A_321] {strides = array<i32>} : memref<128xi32, #tpu.memory_space<vmem>>, vector<16xi32>,
    %swap3A_323 = vector.shape_cast %swap3A_322 : vector<16xi32> to vector<16xi32>
    %swap3A_324 = vector.shape_cast %get3A_320 : vector<16xi32> to vector<16xi32>
    tpu.vector_store %arg10[%swap3A_321], %swap3A_324 {strides = array<i32>} : memref<128xi32, #tpu.memory_space<vmem>>, vector<16xi32>,
    %get3A_325 = arith.constant 4 : i32
    %get3A_326 = arith.index_cast %get3A_325 : i32 to index
    %get3A_327 = arith.constant 16 : index
    %get3A_328 = tpu.vector_load %arg9[%get3A_326, %get3A_327] {strides = array<i32>} : memref<5x128xi32, #tpu.memory_space<vmem>>, vector<1x16xi32>,
    %get3A_329 = vector.shape_cast %get3A_328 : vector<1x16xi32> to vector<16xi32>
    %swap3A_330 = arith.constant 16 : index
    %swap3A_331 = tpu.vector_load %arg10[%swap3A_330] {strides = array<i32>} : memref<128xi32, #tpu.memory_space<vmem>>, vector<16xi32>,
    %swap3A_332 = vector.shape_cast %swap3A_331 : vector<16xi32> to vector<16xi32>
    %swap3A_333 = vector.shape_cast %get3A_329 : vector<16xi32> to vector<16xi32>
    tpu.vector_store %arg10[%swap3A_330], %swap3A_333 {strides = array<i32>} : memref<128xi32, #tpu.memory_space<vmem>>, vector<16xi32>,
    %get3A_334 = arith.constant 4 : i32
    %get3A_335 = arith.index_cast %get3A_334 : i32 to index
    %get3A_336 = arith.constant 32 : index
    %get3A_337 = tpu.vector_load %arg9[%get3A_335, %get3A_336] {strides = array<i32>} : memref<5x128xi32, #tpu.memory_space<vmem>>, vector<1x16xi32>,
    %get3A_338 = vector.shape_cast %get3A_337 : vector<1x16xi32> to vector<16xi32>
    %swap3A_339 = arith.constant 32 : index
    %swap3A_340 = tpu.vector_load %arg10[%swap3A_339] {strides = array<i32>} : memref<128xi32, #tpu.memory_space<vmem>>, vector<16xi32>,
    %swap3A_341 = vector.shape_cast %swap3A_340 : vector<16xi32> to vector<16xi32>
    %swap3A_342 = vector.shape_cast %get3A_338 : vector<16xi32> to vector<16xi32>
    tpu.vector_store %arg10[%swap3A_339], %swap3A_342 {strides = array<i32>} : memref<128xi32, #tpu.memory_space<vmem>>, vector<16xi32>,
    %get3A_343 = arith.constant 4 : i32
    %get3A_344 = arith.index_cast %get3A_343 : i32 to index
    %get3A_345 = arith.constant 48 : index
    %get3A_346 = tpu.vector_load %arg9[%get3A_344, %get3A_345] {strides = array<i32>} : memref<5x128xi32, #tpu.memory_space<vmem>>, vector<1x16xi32>,
    %get3A_347 = vector.shape_cast %get3A_346 : vector<1x16xi32> to vector<16xi32>
    %swap3A_348 = arith.constant 48 : index
    %swap3A_349 = tpu.vector_load %arg10[%swap3A_348] {strides = array<i32>} : memref<128xi32, #tpu.memory_space<vmem>>, vector<16xi32>,
    %swap3A_350 = vector.shape_cast %swap3A_349 : vector<16xi32> to vector<16xi32>
    %swap3A_351 = vector.shape_cast %get3A_347 : vector<16xi32> to vector<16xi32>
    tpu.vector_store %arg10[%swap3A_348], %swap3A_351 {strides = array<i32>} : memref<128xi32, #tpu.memory_space<vmem>>, vector<16xi32>,
    %get3A_352 = arith.constant 4 : i32
    %get3A_353 = arith.index_cast %get3A_352 : i32 to index
    %get3A_354 = arith.constant 64 : index
    %get3A_355 = tpu.vector_load %arg9[%get3A_353, %get3A_354] {strides = array<i32>} : memref<5x128xi32, #tpu.memory_space<vmem>>, vector<1x16xi32>,
    %get3A_356 = vector.shape_cast %get3A_355 : vector<1x16xi32> to vector<16xi32>
    %swap3A_357 = arith.constant 64 : index
    %swap3A_358 = tpu.vector_load %arg10[%swap3A_357] {strides = array<i32>} : memref<128xi32, #tpu.memory_space<vmem>>, vector<16xi32>,
    %swap3A_359 = vector.shape_cast %swap3A_358 : vector<16xi32> to vector<16xi32>
    %swap3A_360 = vector.shape_cast %get3A_356 : vector<16xi32> to vector<16xi32>
    tpu.vector_store %arg10[%swap3A_357], %swap3A_360 {strides = array<i32>} : memref<128xi32, #tpu.memory_space<vmem>>, vector<16xi32>,
    %get3A_361 = arith.constant 4 : i32
    %get3A_362 = arith.index_cast %get3A_361 : i32 to index
    %get3A_363 = arith.constant 80 : index
    %get3A_364 = tpu.vector_load %arg9[%get3A_362, %get3A_363] {strides = array<i32>} : memref<5x128xi32, #tpu.memory_space<vmem>>, vector<1x16xi32>,
    %get3A_365 = vector.shape_cast %get3A_364 : vector<1x16xi32> to vector<16xi32>
    %swap3A_366 = arith.constant 80 : index
    %swap3A_367 = tpu.vector_load %arg10[%swap3A_366] {strides = array<i32>} : memref<128xi32, #tpu.memory_space<vmem>>, vector<16xi32>,
    %swap3A_368 = vector.shape_cast %swap3A_367 : vector<16xi32> to vector<16xi32>
    %swap3A_369 = vector.shape_cast %get3A_365 : vector<16xi32> to vector<16xi32>
    tpu.vector_store %arg10[%swap3A_366], %swap3A_369 {strides = array<i32>} : memref<128xi32, #tpu.memory_space<vmem>>, vector<16xi32>,
    %get3A_370 = arith.constant 4 : i32
    %get3A_371 = arith.index_cast %get3A_370 : i32 to index
    %get3A_372 = arith.constant 96 : index
    %get3A_373 = tpu.vector_load %arg9[%get3A_371, %get3A_372] {strides = array<i32>} : memref<5x128xi32, #tpu.memory_space<vmem>>, vector<1x16xi32>,
    %get3A_374 = vector.shape_cast %get3A_373 : vector<1x16xi32> to vector<16xi32>
    %swap3A_375 = arith.constant 96 : index
    %swap3A_376 = tpu.vector_load %arg10[%swap3A_375] {strides = array<i32>} : memref<128xi32, #tpu.memory_space<vmem>>, vector<16xi32>,
    %swap3A_377 = vector.shape_cast %swap3A_376 : vector<16xi32> to vector<16xi32>
    %swap3A_378 = vector.shape_cast %get3A_374 : vector<16xi32> to vector<16xi32>
    tpu.vector_store %arg10[%swap3A_375], %swap3A_378 {strides = array<i32>} : memref<128xi32, #tpu.memory_space<vmem>>, vector<16xi32>,
    %get3A_379 = arith.constant 4 : i32
    %get3A_380 = arith.index_cast %get3A_379 : i32 to index
    %get3A_381 = arith.constant 112 : index
    %get3A_382 = tpu.vector_load %arg9[%get3A_380, %get3A_381] {strides = array<i32>} : memref<5x128xi32, #tpu.memory_space<vmem>>, vector<1x16xi32>,
    %get3A_383 = vector.shape_cast %get3A_382 : vector<1x16xi32> to vector<16xi32>
    %swap3A_384 = arith.constant 112 : index
    %swap3A_385 = tpu.vector_load %arg10[%swap3A_384] {strides = array<i32>} : memref<128xi32, #tpu.memory_space<vmem>>, vector<16xi32>,
    %swap3A_386 = vector.shape_cast %swap3A_385 : vector<16xi32> to vector<16xi32>
    %swap3A_387 = vector.shape_cast %get3A_383 : vector<16xi32> to vector<16xi32>
    tpu.vector_store %arg10[%swap3A_384], %swap3A_387 {strides = array<i32>} : memref<128xi32, #tpu.memory_space<vmem>>, vector<16xi32>,
    %dma_start3A_388 = arith.constant 0 : i32
    %dma_start3A_389 = arith.constant 0 : i32
    %dma_start3A_390 = tpu.memref_slice %arg13[%dma_start3A_388, %dma_start3A_389] : memref<10240x128xf32, #tpu.memory_space<vmem_shared>> -> memref<10240x128xf32, #tpu.memory_space<vmem_shared>>
    tpu.enqueue_indirect_dma source(%arg11 : memref<128x128xf32, #tpu.memory_space<vmem>>) target(%dma_start3A_390 : memref<10240x128xf32, #tpu.memory_space<vmem_shared>>) offsets(%arg10 : memref<128xi32, #tpu.memory_space<vmem>>) semaphore(%arg14 : memref<!tpu.dma_semaphore, #tpu.memory_space<semaphore_mem>>)
    %dma_wait3A_391 = arith.constant 0 : i32
    %dma_wait3A_392 = arith.constant 0 : i32
    %dma_wait3A_393 = tpu.memref_slice %arg13[%dma_wait3A_391, %dma_wait3A_392] : memref<10240x128xf32, #tpu.memory_space<vmem_shared>> -> memref<10240x128xf32, #tpu.memory_space<vmem_shared>>
    tpu.wait_indirect_dma semaphore(%arg14 : memref<!tpu.dma_semaphore, #tpu.memory_space<semaphore_mem>>) src(%arg11 : memref<128x128xf32, #tpu.memory_space<vmem>>) dst(%dma_wait3A_393 : memref<10240x128xf32, #tpu.memory_space<vmem_shared>>)
    %barrier3A = arith.constant 0 : index
    tpu.barrier barrier_id(%barrier3A)
    "tpu.region"() ({
      %run_scoped3A = tpu.sem_alloc : memref<!tpu.dma_semaphore, #tpu.memory_space<semaphore_mem>>
      %dma_start3A_599 = arith.constant 0 : i32
      %dma_start3A_600 = arith.constant 0 : i32
      %dma_start3A_601 = tpu.memref_slice %arg3[%add3A, %dma_start3A_599, %dma_start3A_600] : memref<32x80x128xi32, #tpu.memory_space<hbm>> -> memref<1x40x128xi32, #tpu.memory_space<hbm>>
      %dma_start3A_602 = tpu.memref_squeeze %dma_start3A_601 : memref<1x40x128xi32, #tpu.memory_space<hbm>> -> memref<40x128xi32, #tpu.memory_space<hbm>>
      %dma_start3A_603 = arith.constant 0 : i32
      %dma_start3A_604 = arith.constant 0 : i32
      %dma_start3A_605 = tpu.memref_slice %arg3[%add3A, %dma_start3A_603, %dma_start3A_604] : memref<32x80x128xi32, #tpu.memory_space<hbm>> -> memref<1x40x128xi32, #tpu.memory_space<hbm>>
      %dma_start3A_606 = tpu.memref_squeeze %dma_start3A_605 : memref<1x40x128xi32, #tpu.memory_space<hbm>> -> memref<40x128xi32, #tpu.memory_space<hbm>>
      tpu.enqueue_dma source(%dma_start3A_606 : memref<40x128xi32, #tpu.memory_space<hbm>>) target(%arg7 : memref<40x128xi32, #tpu.memory_space<vmem>>) target_semaphore(%run_scoped3A : memref<!tpu.dma_semaphore, #tpu.memory_space<semaphore_mem>>)
      %dma_wait3A_607 = arith.constant 0 : i32
      %dma_wait3A_608 = arith.constant 0 : i32
      %dma_wait3A_609 = tpu.memref_slice %arg3[%add3A, %dma_wait3A_607, %dma_wait3A_608] : memref<32x80x128xi32, #tpu.memory_space<hbm>> -> memref<1x40x128xi32, #tpu.memory_space<hbm>>
      %dma_wait3A_610 = tpu.memref_squeeze %dma_wait3A_609 : memref<1x40x128xi32, #tpu.memory_space<hbm>> -> memref<40x128xi32, #tpu.memory_space<hbm>>
      %dma_wait3A_611 = arith.constant 0 : i32
      %dma_wait3A_612 = arith.constant 0 : i32
      %dma_wait3A_613 = tpu.memref_slice %arg3[%add3A, %dma_wait3A_611, %dma_wait3A_612] : memref<32x80x128xi32, #tpu.memory_space<hbm>> -> memref<1x40x128xi32, #tpu.memory_space<hbm>>
      %dma_wait3A_614 = tpu.memref_squeeze %dma_wait3A_613 : memref<1x40x128xi32, #tpu.memory_space<hbm>> -> memref<40x128xi32, #tpu.memory_space<hbm>>
      tpu.wait_dma2 semaphore(%run_scoped3A : memref<!tpu.dma_semaphore, #tpu.memory_space<semaphore_mem>>) src(%dma_wait3A_614 : memref<40x128xi32, #tpu.memory_space<hbm>>) dst(%arg7 : memref<40x128xi32, #tpu.memory_space<vmem>>)
      tpu.yield
    }) : () -> ()
    "tpu.region"() ({
      %run_scoped3A = tpu.sem_alloc : memref<!tpu.dma_semaphore, #tpu.memory_space<semaphore_mem>>
      %dma_start3A_599 = arith.constant 0 : i32
      %dma_start3A_600 = arith.constant 0 : i32
      %dma_start3A_601 = tpu.memref_slice %arg4[%add3A, %dma_start3A_599, %dma_start3A_600] : memref<32x80x128xi32, #tpu.memory_space<hbm>> -> memref<1x40x128xi32, #tpu.memory_space<hbm>>
      %dma_start3A_602 = tpu.memref_squeeze %dma_start3A_601 : memref<1x40x128xi32, #tpu.memory_space<hbm>> -> memref<40x128xi32, #tpu.memory_space<hbm>>
      %dma_start3A_603 = arith.constant 0 : i32
      %dma_start3A_604 = arith.constant 0 : i32
      %dma_start3A_605 = tpu.memref_slice %arg4[%add3A, %dma_start3A_603, %dma_start3A_604] : memref<32x80x128xi32, #tpu.memory_space<hbm>> -> memref<1x40x128xi32, #tpu.memory_space<hbm>>
      %dma_start3A_606 = tpu.memref_squeeze %dma_start3A_605 : memref<1x40x128xi32, #tpu.memory_space<hbm>> -> memref<40x128xi32, #tpu.memory_space<hbm>>
      tpu.enqueue_dma source(%dma_start3A_606 : memref<40x128xi32, #tpu.memory_space<hbm>>) target(%arg8 : memref<40x128xi32, #tpu.memory_space<vmem>>) target_semaphore(%run_scoped3A : memref<!tpu.dma_semaphore, #tpu.memory_space<semaphore_mem>>)
      %dma_wait3A_607 = arith.constant 0 : i32
      %dma_wait3A_608 = arith.constant 0 : i32
      %dma_wait3A_609 = tpu.memref_slice %arg4[%add3A, %dma_wait3A_607, %dma_wait3A_608] : memref<32x80x128xi32, #tpu.memory_space<hbm>> -> memref<1x40x128xi32, #tpu.memory_space<hbm>>
      %dma_wait3A_610 = tpu.memref_squeeze %dma_wait3A_609 : memref<1x40x128xi32, #tpu.memory_space<hbm>> -> memref<40x128xi32, #tpu.memory_space<hbm>>
      %dma_wait3A_611 = arith.constant 0 : i32
      %dma_wait3A_612 = arith.constant 0 : i32
      %dma_wait3A_613 = tpu.memref_slice %arg4[%add3A, %dma_wait3A_611, %dma_wait3A_612] : memref<32x80x128xi32, #tpu.memory_space<hbm>> -> memref<1x40x128xi32, #tpu.memory_space<hbm>>
      %dma_wait3A_614 = tpu.memref_squeeze %dma_wait3A_613 : memref<1x40x128xi32, #tpu.memory_space<hbm>> -> memref<40x128xi32, #tpu.memory_space<hbm>>
      tpu.wait_dma2 semaphore(%run_scoped3A : memref<!tpu.dma_semaphore, #tpu.memory_space<semaphore_mem>>) src(%dma_wait3A_614 : memref<40x128xi32, #tpu.memory_space<hbm>>) dst(%arg8 : memref<40x128xi32, #tpu.memory_space<vmem>>)
      tpu.yield
    }) : () -> ()
    %dma_start3A_394 = arith.constant 0 : i32
    %dma_start3A_395 = arith.constant 0 : i32
    %dma_start3A_396 = tpu.memref_slice %arg7[%dma_start3A_394, %dma_start3A_395] : memref<40x128xi32, #tpu.memory_space<vmem>> -> memref<1x128xi32, #tpu.memory_space<vmem>>
    %dma_start3A_397 = tpu.memref_squeeze %dma_start3A_396 : memref<1x128xi32, #tpu.memory_space<vmem>> -> memref<128xi32, #tpu.memory_space<vmem>>
    %dma_start3A_398 = arith.constant 0 : i32
    %dma_start3A_399 = arith.constant 0 : i32
    %dma_start3A_400 = tpu.memref_slice %arg2[%dma_start3A_398, %dma_start3A_399] : memref<10000x128xf32, #tpu.memory_space<hbm>> -> memref<10000x128xf32, #tpu.memory_space<hbm>>
    tpu.enqueue_indirect_dma source(%dma_start3A_400 : memref<10000x128xf32, #tpu.memory_space<hbm>>) target(%arg11 : memref<128x128xf32, #tpu.memory_space<vmem>>) offsets(%dma_start3A_397 : memref<128xi32, #tpu.memory_space<vmem>>) semaphore(%arg14 : memref<!tpu.dma_semaphore, #tpu.memory_space<semaphore_mem>>)
    %dma_start3A_401 = arith.constant 1 : i32
    %dma_start3A_402 = arith.constant 0 : i32
    %dma_start3A_403 = tpu.memref_slice %arg7[%dma_start3A_401, %dma_start3A_402] : memref<40x128xi32, #tpu.memory_space<vmem>> -> memref<1x128xi32, #tpu.memory_space<vmem>>
    %dma_start3A_404 = tpu.memref_squeeze %dma_start3A_403 : memref<1x128xi32, #tpu.memory_space<vmem>> -> memref<128xi32, #tpu.memory_space<vmem>>
    %dma_start3A_405 = arith.constant 0 : i32
    %dma_start3A_406 = arith.constant 0 : i32
    %dma_start3A_407 = tpu.memref_slice %arg2[%dma_start3A_405, %dma_start3A_406] : memref<10000x128xf32, #tpu.memory_space<hbm>> -> memref<10000x128xf32, #tpu.memory_space<hbm>>
    tpu.enqueue_indirect_dma source(%dma_start3A_407 : memref<10000x128xf32, #tpu.memory_space<hbm>>) target(%arg12 : memref<128x128xf32, #tpu.memory_space<vmem>>) offsets(%dma_start3A_404 : memref<128xi32, #tpu.memory_space<vmem>>) semaphore(%arg16 : memref<!tpu.dma_semaphore, #tpu.memory_space<semaphore_mem>>)
    %scan3A_408 = arith.constant 0 : i32
    %scan3A_409 = arith.constant 0 : i32
    %scan3A_410 = arith.constant 19 : i32
    %scan3A_411 = arith.addi %scan3A_409, %scan3A_410 : i32
    %scan3A_412 = arith.constant 1 : i32
    scf.for %scan3A_599 = %scan3A_409 to %scan3A_411 step %scan3A_412  : i32 {
      %mul3A_600 = arith.constant 2 : i32
      %mul3A_601 = arith.muli %mul3A_600, %scan3A_599 : i32
      %dma_wait3A_602 = arith.constant 0 : i32
      %dma_wait3A_603 = tpu.memref_slice %arg7[%mul3A_601, %dma_wait3A_602] : memref<40x128xi32, #tpu.memory_space<vmem>> -> memref<1x128xi32, #tpu.memory_space<vmem>>
      %dma_wait3A_604 = tpu.memref_squeeze %dma_wait3A_603 : memref<1x128xi32, #tpu.memory_space<vmem>> -> memref<128xi32, #tpu.memory_space<vmem>>
      %dma_wait3A_605 = arith.constant 0 : i32
      %dma_wait3A_606 = arith.constant 0 : i32
      %dma_wait3A_607 = tpu.memref_slice %arg2[%dma_wait3A_605, %dma_wait3A_606] : memref<10000x128xf32, #tpu.memory_space<hbm>> -> memref<10000x128xf32, #tpu.memory_space<hbm>>
      tpu.wait_indirect_dma semaphore(%arg14 : memref<!tpu.dma_semaphore, #tpu.memory_space<semaphore_mem>>) src(%dma_wait3A_607 : memref<10000x128xf32, #tpu.memory_space<hbm>>) dst(%arg11 : memref<128x128xf32, #tpu.memory_space<vmem>>)
      %dma_start3A_608 = arith.constant 0 : i32
      %dma_start3A_609 = tpu.memref_slice %arg8[%mul3A_601, %dma_start3A_608] : memref<40x128xi32, #tpu.memory_space<vmem>> -> memref<1x128xi32, #tpu.memory_space<vmem>>
      %dma_start3A_610 = tpu.memref_squeeze %dma_start3A_609 : memref<1x128xi32, #tpu.memory_space<vmem>> -> memref<128xi32, #tpu.memory_space<vmem>>
      %dma_start3A_611 = arith.constant 0 : i32
      %dma_start3A_612 = arith.constant 0 : i32
      %dma_start3A_613 = tpu.memref_slice %arg13[%dma_start3A_611, %dma_start3A_612] : memref<10240x128xf32, #tpu.memory_space<vmem_shared>> -> memref<10240x128xf32, #tpu.memory_space<vmem_shared>>
      tpu.enqueue_indirect_dma source(%arg11 : memref<128x128xf32, #tpu.memory_space<vmem>>) target(%dma_start3A_613 : memref<10240x128xf32, #tpu.memory_space<vmem_shared>>) offsets(%dma_start3A_610 : memref<128xi32, #tpu.memory_space<vmem>>) semaphore(%arg15 : memref<!tpu.dma_semaphore, #tpu.memory_space<semaphore_mem>>) {add = true}
      %dma_wait3A_614 = arith.constant 0 : i32
      %dma_wait3A_615 = tpu.memref_slice %arg8[%mul3A_601, %dma_wait3A_614] : memref<40x128xi32, #tpu.memory_space<vmem>> -> memref<1x128xi32, #tpu.memory_space<vmem>>
      %dma_wait3A_616 = tpu.memref_squeeze %dma_wait3A_615 : memref<1x128xi32, #tpu.memory_space<vmem>> -> memref<128xi32, #tpu.memory_space<vmem>>
      %dma_wait3A_617 = arith.constant 0 : i32
      %dma_wait3A_618 = arith.constant 0 : i32
      %dma_wait3A_619 = tpu.memref_slice %arg13[%dma_wait3A_617, %dma_wait3A_618] : memref<10240x128xf32, #tpu.memory_space<vmem_shared>> -> memref<10240x128xf32, #tpu.memory_space<vmem_shared>>
      tpu.wait_indirect_dma semaphore(%arg15 : memref<!tpu.dma_semaphore, #tpu.memory_space<semaphore_mem>>) src(%arg11 : memref<128x128xf32, #tpu.memory_space<vmem>>) dst(%dma_wait3A_619 : memref<10240x128xf32, #tpu.memory_space<vmem_shared>>)
      %add3A_620 = arith.constant 2 : i32
      %add3A_621 = arith.addi %mul3A_601, %add3A_620 : i32
      %dma_start3A_622 = arith.constant 0 : i32
      %dma_start3A_623 = tpu.memref_slice %arg7[%add3A_621, %dma_start3A_622] : memref<40x128xi32, #tpu.memory_space<vmem>> -> memref<1x128xi32, #tpu.memory_space<vmem>>
      %dma_start3A_624 = tpu.memref_squeeze %dma_start3A_623 : memref<1x128xi32, #tpu.memory_space<vmem>> -> memref<128xi32, #tpu.memory_space<vmem>>
      %dma_start3A_625 = arith.constant 0 : i32
      %dma_start3A_626 = arith.constant 0 : i32
      %dma_start3A_627 = tpu.memref_slice %arg2[%dma_start3A_625, %dma_start3A_626] : memref<10000x128xf32, #tpu.memory_space<hbm>> -> memref<10000x128xf32, #tpu.memory_space<hbm>>
      tpu.enqueue_indirect_dma source(%dma_start3A_627 : memref<10000x128xf32, #tpu.memory_space<hbm>>) target(%arg11 : memref<128x128xf32, #tpu.memory_space<vmem>>) offsets(%dma_start3A_624 : memref<128xi32, #tpu.memory_space<vmem>>) semaphore(%arg14 : memref<!tpu.dma_semaphore, #tpu.memory_space<semaphore_mem>>)
      %add3A_628 = arith.constant 1 : i32
      %add3A_629 = arith.addi %mul3A_601, %add3A_628 : i32
      %dma_wait3A_630 = arith.constant 0 : i32
      %dma_wait3A_631 = tpu.memref_slice %arg7[%add3A_629, %dma_wait3A_630] : memref<40x128xi32, #tpu.memory_space<vmem>> -> memref<1x128xi32, #tpu.memory_space<vmem>>
      %dma_wait3A_632 = tpu.memref_squeeze %dma_wait3A_631 : memref<1x128xi32, #tpu.memory_space<vmem>> -> memref<128xi32, #tpu.memory_space<vmem>>
      %dma_wait3A_633 = arith.constant 0 : i32
      %dma_wait3A_634 = arith.constant 0 : i32
      %dma_wait3A_635 = tpu.memref_slice %arg2[%dma_wait3A_633, %dma_wait3A_634] : memref<10000x128xf32, #tpu.memory_space<hbm>> -> memref<10000x128xf32, #tpu.memory_space<hbm>>
      tpu.wait_indirect_dma semaphore(%arg16 : memref<!tpu.dma_semaphore, #tpu.memory_space<semaphore_mem>>) src(%dma_wait3A_635 : memref<10000x128xf32, #tpu.memory_space<hbm>>) dst(%arg12 : memref<128x128xf32, #tpu.memory_space<vmem>>)
      %add3A_636 = arith.constant 1 : i32
      %add3A_637 = arith.addi %mul3A_601, %add3A_636 : i32
      %dma_start3A_638 = arith.constant 0 : i32
      %dma_start3A_639 = tpu.memref_slice %arg8[%add3A_637, %dma_start3A_638] : memref<40x128xi32, #tpu.memory_space<vmem>> -> memref<1x128xi32, #tpu.memory_space<vmem>>
      %dma_start3A_640 = tpu.memref_squeeze %dma_start3A_639 : memref<1x128xi32, #tpu.memory_space<vmem>> -> memref<128xi32, #tpu.memory_space<vmem>>
      %dma_start3A_641 = arith.constant 0 : i32
      %dma_start3A_642 = arith.constant 0 : i32
      %dma_start3A_643 = tpu.memref_slice %arg13[%dma_start3A_641, %dma_start3A_642] : memref<10240x128xf32, #tpu.memory_space<vmem_shared>> -> memref<10240x128xf32, #tpu.memory_space<vmem_shared>>
      tpu.enqueue_indirect_dma source(%arg12 : memref<128x128xf32, #tpu.memory_space<vmem>>) target(%dma_start3A_643 : memref<10240x128xf32, #tpu.memory_space<vmem_shared>>) offsets(%dma_start3A_640 : memref<128xi32, #tpu.memory_space<vmem>>) semaphore(%arg15 : memref<!tpu.dma_semaphore, #tpu.memory_space<semaphore_mem>>) {add = true}
      %dma_wait3A_644 = arith.constant 0 : i32
      %dma_wait3A_645 = tpu.memref_slice %arg8[%add3A_637, %dma_wait3A_644] : memref<40x128xi32, #tpu.memory_space<vmem>> -> memref<1x128xi32, #tpu.memory_space<vmem>>
      %dma_wait3A_646 = tpu.memref_squeeze %dma_wait3A_645 : memref<1x128xi32, #tpu.memory_space<vmem>> -> memref<128xi32, #tpu.memory_space<vmem>>
      %dma_wait3A_647 = arith.constant 0 : i32
      %dma_wait3A_648 = arith.constant 0 : i32
      %dma_wait3A_649 = tpu.memref_slice %arg13[%dma_wait3A_647, %dma_wait3A_648] : memref<10240x128xf32, #tpu.memory_space<vmem_shared>> -> memref<10240x128xf32, #tpu.memory_space<vmem_shared>>
      tpu.wait_indirect_dma semaphore(%arg15 : memref<!tpu.dma_semaphore, #tpu.memory_space<semaphore_mem>>) src(%arg12 : memref<128x128xf32, #tpu.memory_space<vmem>>) dst(%dma_wait3A_649 : memref<10240x128xf32, #tpu.memory_space<vmem_shared>>)
      %add3A_650 = arith.constant 3 : i32
      %add3A_651 = arith.addi %mul3A_601, %add3A_650 : i32
      %dma_start3A_652 = arith.constant 0 : i32
      %dma_start3A_653 = tpu.memref_slice %arg7[%add3A_651, %dma_start3A_652] : memref<40x128xi32, #tpu.memory_space<vmem>> -> memref<1x128xi32, #tpu.memory_space<vmem>>
      %dma_start3A_654 = tpu.memref_squeeze %dma_start3A_653 : memref<1x128xi32, #tpu.memory_space<vmem>> -> memref<128xi32, #tpu.memory_space<vmem>>
      %dma_start3A_655 = arith.constant 0 : i32
      %dma_start3A_656 = arith.constant 0 : i32
      %dma_start3A_657 = tpu.memref_slice %arg2[%dma_start3A_655, %dma_start3A_656] : memref<10000x128xf32, #tpu.memory_space<hbm>> -> memref<10000x128xf32, #tpu.memory_space<hbm>>
      tpu.enqueue_indirect_dma source(%dma_start3A_657 : memref<10000x128xf32, #tpu.memory_space<hbm>>) target(%arg12 : memref<128x128xf32, #tpu.memory_space<vmem>>) offsets(%dma_start3A_654 : memref<128xi32, #tpu.memory_space<vmem>>) semaphore(%arg16 : memref<!tpu.dma_semaphore, #tpu.memory_space<semaphore_mem>>)
    }
    %scan3A_413 = arith.constant 19 : i32
    %dma_wait3A_414 = arith.constant 38 : i32
    %dma_wait3A_415 = arith.constant 0 : i32
    %dma_wait3A_416 = tpu.memref_slice %arg7[%dma_wait3A_414, %dma_wait3A_415] : memref<40x128xi32, #tpu.memory_space<vmem>> -> memref<1x128xi32, #tpu.memory_space<vmem>>
    %dma_wait3A_417 = tpu.memref_squeeze %dma_wait3A_416 : memref<1x128xi32, #tpu.memory_space<vmem>> -> memref<128xi32, #tpu.memory_space<vmem>>
    %dma_wait3A_418 = arith.constant 0 : i32
    %dma_wait3A_419 = arith.constant 0 : i32
    %dma_wait3A_420 = tpu.memref_slice %arg2[%dma_wait3A_418, %dma_wait3A_419] : memref<10000x128xf32, #tpu.memory_space<hbm>> -> memref<10000x128xf32, #tpu.memory_space<hbm>>
    tpu.wait_indirect_dma semaphore(%arg14 : memref<!tpu.dma_semaphore, #tpu.memory_space<semaphore_mem>>) src(%dma_wait3A_420 : memref<10000x128xf32, #tpu.memory_space<hbm>>) dst(%arg11 : memref<128x128xf32, #tpu.memory_space<vmem>>)
    %dma_start3A_421 = arith.constant 38 : i32
    %dma_start3A_422 = arith.constant 0 : i32
    %dma_start3A_423 = tpu.memref_slice %arg8[%dma_start3A_421, %dma_start3A_422] : memref<40x128xi32, #tpu.memory_space<vmem>> -> memref<1x128xi32, #tpu.memory_space<vmem>>
    %dma_start3A_424 = tpu.memref_squeeze %dma_start3A_423 : memref<1x128xi32, #tpu.memory_space<vmem>> -> memref<128xi32, #tpu.memory_space<vmem>>
    %dma_start3A_425 = arith.constant 0 : i32
    %dma_start3A_426 = arith.constant 0 : i32
    %dma_start3A_427 = tpu.memref_slice %arg13[%dma_start3A_425, %dma_start3A_426] : memref<10240x128xf32, #tpu.memory_space<vmem_shared>> -> memref<10240x128xf32, #tpu.memory_space<vmem_shared>>
    tpu.enqueue_indirect_dma source(%arg11 : memref<128x128xf32, #tpu.memory_space<vmem>>) target(%dma_start3A_427 : memref<10240x128xf32, #tpu.memory_space<vmem_shared>>) offsets(%dma_start3A_424 : memref<128xi32, #tpu.memory_space<vmem>>) semaphore(%arg15 : memref<!tpu.dma_semaphore, #tpu.memory_space<semaphore_mem>>) {add = true}
    %dma_wait3A_428 = arith.constant 38 : i32
    %dma_wait3A_429 = arith.constant 0 : i32
    %dma_wait3A_430 = tpu.memref_slice %arg8[%dma_wait3A_428, %dma_wait3A_429] : memref<40x128xi32, #tpu.memory_space<vmem>> -> memref<1x128xi32, #tpu.memory_space<vmem>>
    %dma_wait3A_431 = tpu.memref_squeeze %dma_wait3A_430 : memref<1x128xi32, #tpu.memory_space<vmem>> -> memref<128xi32, #tpu.memory_space<vmem>>
    %dma_wait3A_432 = arith.constant 0 : i32
    %dma_wait3A_433 = arith.constant 0 : i32
    %dma_wait3A_434 = tpu.memref_slice %arg13[%dma_wait3A_432, %dma_wait3A_433] : memref<10240x128xf32, #tpu.memory_space<vmem_shared>> -> memref<10240x128xf32, #tpu.memory_space<vmem_shared>>
    tpu.wait_indirect_dma semaphore(%arg15 : memref<!tpu.dma_semaphore, #tpu.memory_space<semaphore_mem>>) src(%arg11 : memref<128x128xf32, #tpu.memory_space<vmem>>) dst(%dma_wait3A_434 : memref<10240x128xf32, #tpu.memory_space<vmem_shared>>)
    %dma_wait3A_435 = arith.constant 39 : i32
    %dma_wait3A_436 = arith.constant 0 : i32
    %dma_wait3A_437 = tpu.memref_slice %arg7[%dma_wait3A_435, %dma_wait3A_436] : memref<40x128xi32, #tpu.memory_space<vmem>> -> memref<1x128xi32, #tpu.memory_space<vmem>>
    %dma_wait3A_438 = tpu.memref_squeeze %dma_wait3A_437 : memref<1x128xi32, #tpu.memory_space<vmem>> -> memref<128xi32, #tpu.memory_space<vmem>>
    %dma_wait3A_439 = arith.constant 0 : i32
    %dma_wait3A_440 = arith.constant 0 : i32
    %dma_wait3A_441 = tpu.memref_slice %arg2[%dma_wait3A_439, %dma_wait3A_440] : memref<10000x128xf32, #tpu.memory_space<hbm>> -> memref<10000x128xf32, #tpu.memory_space<hbm>>
    tpu.wait_indirect_dma semaphore(%arg16 : memref<!tpu.dma_semaphore, #tpu.memory_space<semaphore_mem>>) src(%dma_wait3A_441 : memref<10000x128xf32, #tpu.memory_space<hbm>>) dst(%arg12 : memref<128x128xf32, #tpu.memory_space<vmem>>)
    %dma_start3A_442 = arith.constant 39 : i32
    %dma_start3A_443 = arith.constant 0 : i32
    %dma_start3A_444 = tpu.memref_slice %arg8[%dma_start3A_442, %dma_start3A_443] : memref<40x128xi32, #tpu.memory_space<vmem>> -> memref<1x128xi32, #tpu.memory_space<vmem>>
    %dma_start3A_445 = tpu.memref_squeeze %dma_start3A_444 : memref<1x128xi32, #tpu.memory_space<vmem>> -> memref<128xi32, #tpu.memory_space<vmem>>
    %dma_start3A_446 = arith.constant 0 : i32
    %dma_start3A_447 = arith.constant 0 : i32
    %dma_start3A_448 = tpu.memref_slice %arg13[%dma_start3A_446, %dma_start3A_447] : memref<10240x128xf32, #tpu.memory_space<vmem_shared>> -> memref<10240x128xf32, #tpu.memory_space<vmem_shared>>
    tpu.enqueue_indirect_dma source(%arg12 : memref<128x128xf32, #tpu.memory_space<vmem>>) target(%dma_start3A_448 : memref<10240x128xf32, #tpu.memory_space<vmem_shared>>) offsets(%dma_start3A_445 : memref<128xi32, #tpu.memory_space<vmem>>) semaphore(%arg15 : memref<!tpu.dma_semaphore, #tpu.memory_space<semaphore_mem>>) {add = true}
    %dma_wait3A_449 = arith.constant 39 : i32
    %dma_wait3A_450 = arith.constant 0 : i32
    %dma_wait3A_451 = tpu.memref_slice %arg8[%dma_wait3A_449, %dma_wait3A_450] : memref<40x128xi32, #tpu.memory_space<vmem>> -> memref<1x128xi32, #tpu.memory_space<vmem>>
    %dma_wait3A_452 = tpu.memref_squeeze %dma_wait3A_451 : memref<1x128xi32, #tpu.memory_space<vmem>> -> memref<128xi32, #tpu.memory_space<vmem>>
    %dma_wait3A_453 = arith.constant 0 : i32
    %dma_wait3A_454 = arith.constant 0 : i32
    %dma_wait3A_455 = tpu.memref_slice %arg13[%dma_wait3A_453, %dma_wait3A_454] : memref<10240x128xf32, #tpu.memory_space<vmem_shared>> -> memref<10240x128xf32, #tpu.memory_space<vmem_shared>>
    tpu.wait_indirect_dma semaphore(%arg15 : memref<!tpu.dma_semaphore, #tpu.memory_space<semaphore_mem>>) src(%arg12 : memref<128x128xf32, #tpu.memory_space<vmem>>) dst(%dma_wait3A_455 : memref<10240x128xf32, #tpu.memory_space<vmem_shared>>)
    "tpu.region"() ({
      %run_scoped3A = tpu.sem_alloc : memref<!tpu.dma_semaphore, #tpu.memory_space<semaphore_mem>>
      %dma_start3A_599 = arith.constant 40 : i32
      %dma_start3A_600 = arith.constant 0 : i32
      %dma_start3A_601 = tpu.memref_slice %arg3[%add3A, %dma_start3A_599, %dma_start3A_600] : memref<32x80x128xi32, #tpu.memory_space<hbm>> -> memref<1x40x128xi32, #tpu.memory_space<hbm>>
      %dma_start3A_602 = tpu.memref_squeeze %dma_start3A_601 : memref<1x40x128xi32, #tpu.memory_space<hbm>> -> memref<40x128xi32, #tpu.memory_space<hbm>>
      %dma_start3A_603 = arith.constant 40 : i32
      %dma_start3A_604 = arith.constant 0 : i32
      %dma_start3A_605 = tpu.memref_slice %arg3[%add3A, %dma_start3A_603, %dma_start3A_604] : memref<32x80x128xi32, #tpu.memory_space<hbm>> -> memref<1x40x128xi32, #tpu.memory_space<hbm>>
      %dma_start3A_606 = tpu.memref_squeeze %dma_start3A_605 : memref<1x40x128xi32, #tpu.memory_space<hbm>> -> memref<40x128xi32, #tpu.memory_space<hbm>>
      tpu.enqueue_dma source(%dma_start3A_606 : memref<40x128xi32, #tpu.memory_space<hbm>>) target(%arg7 : memref<40x128xi32, #tpu.memory_space<vmem>>) target_semaphore(%run_scoped3A : memref<!tpu.dma_semaphore, #tpu.memory_space<semaphore_mem>>)
      %dma_wait3A_607 = arith.constant 40 : i32
      %dma_wait3A_608 = arith.constant 0 : i32
      %dma_wait3A_609 = tpu.memref_slice %arg3[%add3A, %dma_wait3A_607, %dma_wait3A_608] : memref<32x80x128xi32, #tpu.memory_space<hbm>> -> memref<1x40x128xi32, #tpu.memory_space<hbm>>
      %dma_wait3A_610 = tpu.memref_squeeze %dma_wait3A_609 : memref<1x40x128xi32, #tpu.memory_space<hbm>> -> memref<40x128xi32, #tpu.memory_space<hbm>>
      %dma_wait3A_611 = arith.constant 40 : i32
      %dma_wait3A_612 = arith.constant 0 : i32
      %dma_wait3A_613 = tpu.memref_slice %arg3[%add3A, %dma_wait3A_611, %dma_wait3A_612] : memref<32x80x128xi32, #tpu.memory_space<hbm>> -> memref<1x40x128xi32, #tpu.memory_space<hbm>>
      %dma_wait3A_614 = tpu.memref_squeeze %dma_wait3A_613 : memref<1x40x128xi32, #tpu.memory_space<hbm>> -> memref<40x128xi32, #tpu.memory_space<hbm>>
      tpu.wait_dma2 semaphore(%run_scoped3A : memref<!tpu.dma_semaphore, #tpu.memory_space<semaphore_mem>>) src(%dma_wait3A_614 : memref<40x128xi32, #tpu.memory_space<hbm>>) dst(%arg7 : memref<40x128xi32, #tpu.memory_space<vmem>>)
      tpu.yield
    }) : () -> ()
    "tpu.region"() ({
      %run_scoped3A = tpu.sem_alloc : memref<!tpu.dma_semaphore, #tpu.memory_space<semaphore_mem>>
      %dma_start3A_599 = arith.constant 40 : i32
      %dma_start3A_600 = arith.constant 0 : i32
      %dma_start3A_601 = tpu.memref_slice %arg4[%add3A, %dma_start3A_599, %dma_start3A_600] : memref<32x80x128xi32, #tpu.memory_space<hbm>> -> memref<1x40x128xi32, #tpu.memory_space<hbm>>
      %dma_start3A_602 = tpu.memref_squeeze %dma_start3A_601 : memref<1x40x128xi32, #tpu.memory_space<hbm>> -> memref<40x128xi32, #tpu.memory_space<hbm>>
      %dma_start3A_603 = arith.constant 40 : i32
      %dma_start3A_604 = arith.constant 0 : i32
      %dma_start3A_605 = tpu.memref_slice %arg4[%add3A, %dma_start3A_603, %dma_start3A_604] : memref<32x80x128xi32, #tpu.memory_space<hbm>> -> memref<1x40x128xi32, #tpu.memory_space<hbm>>
      %dma_start3A_606 = tpu.memref_squeeze %dma_start3A_605 : memref<1x40x128xi32, #tpu.memory_space<hbm>> -> memref<40x128xi32, #tpu.memory_space<hbm>>
      tpu.enqueue_dma source(%dma_start3A_606 : memref<40x128xi32, #tpu.memory_space<hbm>>) target(%arg8 : memref<40x128xi32, #tpu.memory_space<vmem>>) target_semaphore(%run_scoped3A : memref<!tpu.dma_semaphore, #tpu.memory_space<semaphore_mem>>)
      %dma_wait3A_607 = arith.constant 40 : i32
      %dma_wait3A_608 = arith.constant 0 : i32
      %dma_wait3A_609 = tpu.memref_slice %arg4[%add3A, %dma_wait3A_607, %dma_wait3A_608] : memref<32x80x128xi32, #tpu.memory_space<hbm>> -> memref<1x40x128xi32, #tpu.memory_space<hbm>>
      %dma_wait3A_610 = tpu.memref_squeeze %dma_wait3A_609 : memref<1x40x128xi32, #tpu.memory_space<hbm>> -> memref<40x128xi32, #tpu.memory_space<hbm>>
      %dma_wait3A_611 = arith.constant 40 : i32
      %dma_wait3A_612 = arith.constant 0 : i32
      %dma_wait3A_613 = tpu.memref_slice %arg4[%add3A, %dma_wait3A_611, %dma_wait3A_612] : memref<32x80x128xi32, #tpu.memory_space<hbm>> -> memref<1x40x128xi32, #tpu.memory_space<hbm>>
      %dma_wait3A_614 = tpu.memref_squeeze %dma_wait3A_613 : memref<1x40x128xi32, #tpu.memory_space<hbm>> -> memref<40x128xi32, #tpu.memory_space<hbm>>
      tpu.wait_dma2 semaphore(%run_scoped3A : memref<!tpu.dma_semaphore, #tpu.memory_space<semaphore_mem>>) src(%dma_wait3A_614 : memref<40x128xi32, #tpu.memory_space<hbm>>) dst(%arg8 : memref<40x128xi32, #tpu.memory_space<vmem>>)
      tpu.yield
    }) : () -> ()
    %dma_start3A_456 = arith.constant 0 : i32
    %dma_start3A_457 = arith.constant 0 : i32
    %dma_start3A_458 = tpu.memref_slice %arg7[%dma_start3A_456, %dma_start3A_457] : memref<40x128xi32, #tpu.memory_space<vmem>> -> memref<1x128xi32, #tpu.memory_space<vmem>>
    %dma_start3A_459 = tpu.memref_squeeze %dma_start3A_458 : memref<1x128xi32, #tpu.memory_space<vmem>> -> memref<128xi32, #tpu.memory_space<vmem>>
    %dma_start3A_460 = arith.constant 0 : i32
    %dma_start3A_461 = arith.constant 0 : i32
    %dma_start3A_462 = tpu.memref_slice %arg2[%dma_start3A_460, %dma_start3A_461] : memref<10000x128xf32, #tpu.memory_space<hbm>> -> memref<10000x128xf32, #tpu.memory_space<hbm>>
    tpu.enqueue_indirect_dma source(%dma_start3A_462 : memref<10000x128xf32, #tpu.memory_space<hbm>>) target(%arg11 : memref<128x128xf32, #tpu.memory_space<vmem>>) offsets(%dma_start3A_459 : memref<128xi32, #tpu.memory_space<vmem>>) semaphore(%arg14 : memref<!tpu.dma_semaphore, #tpu.memory_space<semaphore_mem>>)
    %dma_start3A_463 = arith.constant 1 : i32
    %dma_start3A_464 = arith.constant 0 : i32
    %dma_start3A_465 = tpu.memref_slice %arg7[%dma_start3A_463, %dma_start3A_464] : memref<40x128xi32, #tpu.memory_space<vmem>> -> memref<1x128xi32, #tpu.memory_space<vmem>>
    %dma_start3A_466 = tpu.memref_squeeze %dma_start3A_465 : memref<1x128xi32, #tpu.memory_space<vmem>> -> memref<128xi32, #tpu.memory_space<vmem>>
    %dma_start3A_467 = arith.constant 0 : i32
    %dma_start3A_468 = arith.constant 0 : i32
    %dma_start3A_469 = tpu.memref_slice %arg2[%dma_start3A_467, %dma_start3A_468] : memref<10000x128xf32, #tpu.memory_space<hbm>> -> memref<10000x128xf32, #tpu.memory_space<hbm>>
    tpu.enqueue_indirect_dma source(%dma_start3A_469 : memref<10000x128xf32, #tpu.memory_space<hbm>>) target(%arg12 : memref<128x128xf32, #tpu.memory_space<vmem>>) offsets(%dma_start3A_466 : memref<128xi32, #tpu.memory_space<vmem>>) semaphore(%arg16 : memref<!tpu.dma_semaphore, #tpu.memory_space<semaphore_mem>>)
    %scan3A_470 = arith.constant 0 : i32
    %scan3A_471 = arith.constant 0 : i32
    %scan3A_472 = arith.constant 19 : i32
    %scan3A_473 = arith.addi %scan3A_471, %scan3A_472 : i32
    %scan3A_474 = arith.constant 1 : i32
    scf.for %scan3A_599 = %scan3A_471 to %scan3A_473 step %scan3A_474  : i32 {
      %mul3A_600 = arith.constant 2 : i32
      %mul3A_601 = arith.muli %mul3A_600, %scan3A_599 : i32
      %dma_wait3A_602 = arith.constant 0 : i32
      %dma_wait3A_603 = tpu.memref_slice %arg7[%mul3A_601, %dma_wait3A_602] : memref<40x128xi32, #tpu.memory_space<vmem>> -> memref<1x128xi32, #tpu.memory_space<vmem>>
      %dma_wait3A_604 = tpu.memref_squeeze %dma_wait3A_603 : memref<1x128xi32, #tpu.memory_space<vmem>> -> memref<128xi32, #tpu.memory_space<vmem>>
      %dma_wait3A_605 = arith.constant 0 : i32
      %dma_wait3A_606 = arith.constant 0 : i32
      %dma_wait3A_607 = tpu.memref_slice %arg2[%dma_wait3A_605, %dma_wait3A_606] : memref<10000x128xf32, #tpu.memory_space<hbm>> -> memref<10000x128xf32, #tpu.memory_space<hbm>>
      tpu.wait_indirect_dma semaphore(%arg14 : memref<!tpu.dma_semaphore, #tpu.memory_space<semaphore_mem>>) src(%dma_wait3A_607 : memref<10000x128xf32, #tpu.memory_space<hbm>>) dst(%arg11 : memref<128x128xf32, #tpu.memory_space<vmem>>)
      %dma_start3A_608 = arith.constant 0 : i32
      %dma_start3A_609 = tpu.memref_slice %arg8[%mul3A_601, %dma_start3A_608] : memref<40x128xi32, #tpu.memory_space<vmem>> -> memref<1x128xi32, #tpu.memory_space<vmem>>
      %dma_start3A_610 = tpu.memref_squeeze %dma_start3A_609 : memref<1x128xi32, #tpu.memory_space<vmem>> -> memref<128xi32, #tpu.memory_space<vmem>>
      %dma_start3A_611 = arith.constant 0 : i32
      %dma_start3A_612 = arith.constant 0 : i32
      %dma_start3A_613 = tpu.memref_slice %arg13[%dma_start3A_611, %dma_start3A_612] : memref<10240x128xf32, #tpu.memory_space<vmem_shared>> -> memref<10240x128xf32, #tpu.memory_space<vmem_shared>>
      tpu.enqueue_indirect_dma source(%arg11 : memref<128x128xf32, #tpu.memory_space<vmem>>) target(%dma_start3A_613 : memref<10240x128xf32, #tpu.memory_space<vmem_shared>>) offsets(%dma_start3A_610 : memref<128xi32, #tpu.memory_space<vmem>>) semaphore(%arg15 : memref<!tpu.dma_semaphore, #tpu.memory_space<semaphore_mem>>) {add = true}
      %dma_wait3A_614 = arith.constant 0 : i32
      %dma_wait3A_615 = tpu.memref_slice %arg8[%mul3A_601, %dma_wait3A_614] : memref<40x128xi32, #tpu.memory_space<vmem>> -> memref<1x128xi32, #tpu.memory_space<vmem>>
      %dma_wait3A_616 = tpu.memref_squeeze %dma_wait3A_615 : memref<1x128xi32, #tpu.memory_space<vmem>> -> memref<128xi32, #tpu.memory_space<vmem>>
      %dma_wait3A_617 = arith.constant 0 : i32
      %dma_wait3A_618 = arith.constant 0 : i32
      %dma_wait3A_619 = tpu.memref_slice %arg13[%dma_wait3A_617, %dma_wait3A_618] : memref<10240x128xf32, #tpu.memory_space<vmem_shared>> -> memref<10240x128xf32, #tpu.memory_space<vmem_shared>>
      tpu.wait_indirect_dma semaphore(%arg15 : memref<!tpu.dma_semaphore, #tpu.memory_space<semaphore_mem>>) src(%arg11 : memref<128x128xf32, #tpu.memory_space<vmem>>) dst(%dma_wait3A_619 : memref<10240x128xf32, #tpu.memory_space<vmem_shared>>)
      %add3A_620 = arith.constant 2 : i32
      %add3A_621 = arith.addi %mul3A_601, %add3A_620 : i32
      %dma_start3A_622 = arith.constant 0 : i32
      %dma_start3A_623 = tpu.memref_slice %arg7[%add3A_621, %dma_start3A_622] : memref<40x128xi32, #tpu.memory_space<vmem>> -> memref<1x128xi32, #tpu.memory_space<vmem>>
      %dma_start3A_624 = tpu.memref_squeeze %dma_start3A_623 : memref<1x128xi32, #tpu.memory_space<vmem>> -> memref<128xi32, #tpu.memory_space<vmem>>
      %dma_start3A_625 = arith.constant 0 : i32
      %dma_start3A_626 = arith.constant 0 : i32
      %dma_start3A_627 = tpu.memref_slice %arg2[%dma_start3A_625, %dma_start3A_626] : memref<10000x128xf32, #tpu.memory_space<hbm>> -> memref<10000x128xf32, #tpu.memory_space<hbm>>
      tpu.enqueue_indirect_dma source(%dma_start3A_627 : memref<10000x128xf32, #tpu.memory_space<hbm>>) target(%arg11 : memref<128x128xf32, #tpu.memory_space<vmem>>) offsets(%dma_start3A_624 : memref<128xi32, #tpu.memory_space<vmem>>) semaphore(%arg14 : memref<!tpu.dma_semaphore, #tpu.memory_space<semaphore_mem>>)
      %add3A_628 = arith.constant 1 : i32
      %add3A_629 = arith.addi %mul3A_601, %add3A_628 : i32
      %dma_wait3A_630 = arith.constant 0 : i32
      %dma_wait3A_631 = tpu.memref_slice %arg7[%add3A_629, %dma_wait3A_630] : memref<40x128xi32, #tpu.memory_space<vmem>> -> memref<1x128xi32, #tpu.memory_space<vmem>>
      %dma_wait3A_632 = tpu.memref_squeeze %dma_wait3A_631 : memref<1x128xi32, #tpu.memory_space<vmem>> -> memref<128xi32, #tpu.memory_space<vmem>>
      %dma_wait3A_633 = arith.constant 0 : i32
      %dma_wait3A_634 = arith.constant 0 : i32
      %dma_wait3A_635 = tpu.memref_slice %arg2[%dma_wait3A_633, %dma_wait3A_634] : memref<10000x128xf32, #tpu.memory_space<hbm>> -> memref<10000x128xf32, #tpu.memory_space<hbm>>
      tpu.wait_indirect_dma semaphore(%arg16 : memref<!tpu.dma_semaphore, #tpu.memory_space<semaphore_mem>>) src(%dma_wait3A_635 : memref<10000x128xf32, #tpu.memory_space<hbm>>) dst(%arg12 : memref<128x128xf32, #tpu.memory_space<vmem>>)
      %add3A_636 = arith.constant 1 : i32
      %add3A_637 = arith.addi %mul3A_601, %add3A_636 : i32
      %dma_start3A_638 = arith.constant 0 : i32
      %dma_start3A_639 = tpu.memref_slice %arg8[%add3A_637, %dma_start3A_638] : memref<40x128xi32, #tpu.memory_space<vmem>> -> memref<1x128xi32, #tpu.memory_space<vmem>>
      %dma_start3A_640 = tpu.memref_squeeze %dma_start3A_639 : memref<1x128xi32, #tpu.memory_space<vmem>> -> memref<128xi32, #tpu.memory_space<vmem>>
      %dma_start3A_641 = arith.constant 0 : i32
      %dma_start3A_642 = arith.constant 0 : i32
      %dma_start3A_643 = tpu.memref_slice %arg13[%dma_start3A_641, %dma_start3A_642] : memref<10240x128xf32, #tpu.memory_space<vmem_shared>> -> memref<10240x128xf32, #tpu.memory_space<vmem_shared>>
      tpu.enqueue_indirect_dma source(%arg12 : memref<128x128xf32, #tpu.memory_space<vmem>>) target(%dma_start3A_643 : memref<10240x128xf32, #tpu.memory_space<vmem_shared>>) offsets(%dma_start3A_640 : memref<128xi32, #tpu.memory_space<vmem>>) semaphore(%arg15 : memref<!tpu.dma_semaphore, #tpu.memory_space<semaphore_mem>>) {add = true}
      %dma_wait3A_644 = arith.constant 0 : i32
      %dma_wait3A_645 = tpu.memref_slice %arg8[%add3A_637, %dma_wait3A_644] : memref<40x128xi32, #tpu.memory_space<vmem>> -> memref<1x128xi32, #tpu.memory_space<vmem>>
      %dma_wait3A_646 = tpu.memref_squeeze %dma_wait3A_645 : memref<1x128xi32, #tpu.memory_space<vmem>> -> memref<128xi32, #tpu.memory_space<vmem>>
      %dma_wait3A_647 = arith.constant 0 : i32
      %dma_wait3A_648 = arith.constant 0 : i32
      %dma_wait3A_649 = tpu.memref_slice %arg13[%dma_wait3A_647, %dma_wait3A_648] : memref<10240x128xf32, #tpu.memory_space<vmem_shared>> -> memref<10240x128xf32, #tpu.memory_space<vmem_shared>>
      tpu.wait_indirect_dma semaphore(%arg15 : memref<!tpu.dma_semaphore, #tpu.memory_space<semaphore_mem>>) src(%arg12 : memref<128x128xf32, #tpu.memory_space<vmem>>) dst(%dma_wait3A_649 : memref<10240x128xf32, #tpu.memory_space<vmem_shared>>)
      %add3A_650 = arith.constant 3 : i32
      %add3A_651 = arith.addi %mul3A_601, %add3A_650 : i32
      %dma_start3A_652 = arith.constant 0 : i32
      %dma_start3A_653 = tpu.memref_slice %arg7[%add3A_651, %dma_start3A_652] : memref<40x128xi32, #tpu.memory_space<vmem>> -> memref<1x128xi32, #tpu.memory_space<vmem>>
      %dma_start3A_654 = tpu.memref_squeeze %dma_start3A_653 : memref<1x128xi32, #tpu.memory_space<vmem>> -> memref<128xi32, #tpu.memory_space<vmem>>
      %dma_start3A_655 = arith.constant 0 : i32
      %dma_start3A_656 = arith.constant 0 : i32
      %dma_start3A_657 = tpu.memref_slice %arg2[%dma_start3A_655, %dma_start3A_656] : memref<10000x128xf32, #tpu.memory_space<hbm>> -> memref<10000x128xf32, #tpu.memory_space<hbm>>
      tpu.enqueue_indirect_dma source(%dma_start3A_657 : memref<10000x128xf32, #tpu.memory_space<hbm>>) target(%arg12 : memref<128x128xf32, #tpu.memory_space<vmem>>) offsets(%dma_start3A_654 : memref<128xi32, #tpu.memory_space<vmem>>) semaphore(%arg16 : memref<!tpu.dma_semaphore, #tpu.memory_space<semaphore_mem>>)
    }
    %scan3A_475 = arith.constant 19 : i32
    %dma_wait3A_476 = arith.constant 38 : i32
    %dma_wait3A_477 = arith.constant 0 : i32
    %dma_wait3A_478 = tpu.memref_slice %arg7[%dma_wait3A_476, %dma_wait3A_477] : memref<40x128xi32, #tpu.memory_space<vmem>> -> memref<1x128xi32, #tpu.memory_space<vmem>>
    %dma_wait3A_479 = tpu.memref_squeeze %dma_wait3A_478 : memref<1x128xi32, #tpu.memory_space<vmem>> -> memref<128xi32, #tpu.memory_space<vmem>>
    %dma_wait3A_480 = arith.constant 0 : i32
    %dma_wait3A_481 = arith.constant 0 : i32
    %dma_wait3A_482 = tpu.memref_slice %arg2[%dma_wait3A_480, %dma_wait3A_481] : memref<10000x128xf32, #tpu.memory_space<hbm>> -> memref<10000x128xf32, #tpu.memory_space<hbm>>
    tpu.wait_indirect_dma semaphore(%arg14 : memref<!tpu.dma_semaphore, #tpu.memory_space<semaphore_mem>>) src(%dma_wait3A_482 : memref<10000x128xf32, #tpu.memory_space<hbm>>) dst(%arg11 : memref<128x128xf32, #tpu.memory_space<vmem>>)
    %dma_start3A_483 = arith.constant 38 : i32
    %dma_start3A_484 = arith.constant 0 : i32
    %dma_start3A_485 = tpu.memref_slice %arg8[%dma_start3A_483, %dma_start3A_484] : memref<40x128xi32, #tpu.memory_space<vmem>> -> memref<1x128xi32, #tpu.memory_space<vmem>>
    %dma_start3A_486 = tpu.memref_squeeze %dma_start3A_485 : memref<1x128xi32, #tpu.memory_space<vmem>> -> memref<128xi32, #tpu.memory_space<vmem>>
    %dma_start3A_487 = arith.constant 0 : i32
    %dma_start3A_488 = arith.constant 0 : i32
    %dma_start3A_489 = tpu.memref_slice %arg13[%dma_start3A_487, %dma_start3A_488] : memref<10240x128xf32, #tpu.memory_space<vmem_shared>> -> memref<10240x128xf32, #tpu.memory_space<vmem_shared>>
    tpu.enqueue_indirect_dma source(%arg11 : memref<128x128xf32, #tpu.memory_space<vmem>>) target(%dma_start3A_489 : memref<10240x128xf32, #tpu.memory_space<vmem_shared>>) offsets(%dma_start3A_486 : memref<128xi32, #tpu.memory_space<vmem>>) semaphore(%arg15 : memref<!tpu.dma_semaphore, #tpu.memory_space<semaphore_mem>>) {add = true}
    %dma_wait3A_490 = arith.constant 38 : i32
    %dma_wait3A_491 = arith.constant 0 : i32
    %dma_wait3A_492 = tpu.memref_slice %arg8[%dma_wait3A_490, %dma_wait3A_491] : memref<40x128xi32, #tpu.memory_space<vmem>> -> memref<1x128xi32, #tpu.memory_space<vmem>>
    %dma_wait3A_493 = tpu.memref_squeeze %dma_wait3A_492 : memref<1x128xi32, #tpu.memory_space<vmem>> -> memref<128xi32, #tpu.memory_space<vmem>>
    %dma_wait3A_494 = arith.constant 0 : i32
    %dma_wait3A_495 = arith.constant 0 : i32
    %dma_wait3A_496 = tpu.memref_slice %arg13[%dma_wait3A_494, %dma_wait3A_495] : memref<10240x128xf32, #tpu.memory_space<vmem_shared>> -> memref<10240x128xf32, #tpu.memory_space<vmem_shared>>
    tpu.wait_indirect_dma semaphore(%arg15 : memref<!tpu.dma_semaphore, #tpu.memory_space<semaphore_mem>>) src(%arg11 : memref<128x128xf32, #tpu.memory_space<vmem>>) dst(%dma_wait3A_496 : memref<10240x128xf32, #tpu.memory_space<vmem_shared>>)
    %dma_wait3A_497 = arith.constant 39 : i32
    %dma_wait3A_498 = arith.constant 0 : i32
    %dma_wait3A_499 = tpu.memref_slice %arg7[%dma_wait3A_497, %dma_wait3A_498] : memref<40x128xi32, #tpu.memory_space<vmem>> -> memref<1x128xi32, #tpu.memory_space<vmem>>
    %dma_wait3A_500 = tpu.memref_squeeze %dma_wait3A_499 : memref<1x128xi32, #tpu.memory_space<vmem>> -> memref<128xi32, #tpu.memory_space<vmem>>
    %dma_wait3A_501 = arith.constant 0 : i32
    %dma_wait3A_502 = arith.constant 0 : i32
    %dma_wait3A_503 = tpu.memref_slice %arg2[%dma_wait3A_501, %dma_wait3A_502] : memref<10000x128xf32, #tpu.memory_space<hbm>> -> memref<10000x128xf32, #tpu.memory_space<hbm>>
    tpu.wait_indirect_dma semaphore(%arg16 : memref<!tpu.dma_semaphore, #tpu.memory_space<semaphore_mem>>) src(%dma_wait3A_503 : memref<10000x128xf32, #tpu.memory_space<hbm>>) dst(%arg12 : memref<128x128xf32, #tpu.memory_space<vmem>>)
    %dma_start3A_504 = arith.constant 39 : i32
    %dma_start3A_505 = arith.constant 0 : i32
    %dma_start3A_506 = tpu.memref_slice %arg8[%dma_start3A_504, %dma_start3A_505] : memref<40x128xi32, #tpu.memory_space<vmem>> -> memref<1x128xi32, #tpu.memory_space<vmem>>
    %dma_start3A_507 = tpu.memref_squeeze %dma_start3A_506 : memref<1x128xi32, #tpu.memory_space<vmem>> -> memref<128xi32, #tpu.memory_space<vmem>>
    %dma_start3A_508 = arith.constant 0 : i32
    %dma_start3A_509 = arith.constant 0 : i32
    %dma_start3A_510 = tpu.memref_slice %arg13[%dma_start3A_508, %dma_start3A_509] : memref<10240x128xf32, #tpu.memory_space<vmem_shared>> -> memref<10240x128xf32, #tpu.memory_space<vmem_shared>>
    tpu.enqueue_indirect_dma source(%arg12 : memref<128x128xf32, #tpu.memory_space<vmem>>) target(%dma_start3A_510 : memref<10240x128xf32, #tpu.memory_space<vmem_shared>>) offsets(%dma_start3A_507 : memref<128xi32, #tpu.memory_space<vmem>>) semaphore(%arg15 : memref<!tpu.dma_semaphore, #tpu.memory_space<semaphore_mem>>) {add = true}
    %dma_wait3A_511 = arith.constant 39 : i32
    %dma_wait3A_512 = arith.constant 0 : i32
    %dma_wait3A_513 = tpu.memref_slice %arg8[%dma_wait3A_511, %dma_wait3A_512] : memref<40x128xi32, #tpu.memory_space<vmem>> -> memref<1x128xi32, #tpu.memory_space<vmem>>
    %dma_wait3A_514 = tpu.memref_squeeze %dma_wait3A_513 : memref<1x128xi32, #tpu.memory_space<vmem>> -> memref<128xi32, #tpu.memory_space<vmem>>
    %dma_wait3A_515 = arith.constant 0 : i32
    %dma_wait3A_516 = arith.constant 0 : i32
    %dma_wait3A_517 = tpu.memref_slice %arg13[%dma_wait3A_515, %dma_wait3A_516] : memref<10240x128xf32, #tpu.memory_space<vmem_shared>> -> memref<10240x128xf32, #tpu.memory_space<vmem_shared>>
    tpu.wait_indirect_dma semaphore(%arg15 : memref<!tpu.dma_semaphore, #tpu.memory_space<semaphore_mem>>) src(%arg12 : memref<128x128xf32, #tpu.memory_space<vmem>>) dst(%dma_wait3A_517 : memref<10240x128xf32, #tpu.memory_space<vmem_shared>>)
    %barrier3A_518 = arith.constant 0 : index
    tpu.barrier barrier_id(%barrier3A_518)
    %dma_start3A_519 = arith.constant 0 : i32
    %dma_start3A_520 = arith.constant 0 : i32
    %dma_start3A_521 = tpu.memref_slice %arg9[%dma_start3A_519, %dma_start3A_520] : memref<5x128xi32, #tpu.memory_space<vmem>> -> memref<1x128xi32, #tpu.memory_space<vmem>>
    %dma_start3A_522 = tpu.memref_squeeze %dma_start3A_521 : memref<1x128xi32, #tpu.memory_space<vmem>> -> memref<128xi32, #tpu.memory_space<vmem>>
    %dma_start3A_523 = arith.constant 0 : i32
    %dma_start3A_524 = arith.constant 0 : i32
    %dma_start3A_525 = tpu.memref_slice %arg13[%dma_start3A_523, %dma_start3A_524] : memref<10240x128xf32, #tpu.memory_space<vmem_shared>> -> memref<10240x128xf32, #tpu.memory_space<vmem_shared>>
    tpu.enqueue_indirect_dma source(%dma_start3A_525 : memref<10240x128xf32, #tpu.memory_space<vmem_shared>>) target(%arg11 : memref<128x128xf32, #tpu.memory_space<vmem>>) offsets(%dma_start3A_522 : memref<128xi32, #tpu.memory_space<vmem>>) semaphore(%arg14 : memref<!tpu.dma_semaphore, #tpu.memory_space<semaphore_mem>>)
    %dma_wait3A_526 = arith.constant 0 : i32
    %dma_wait3A_527 = arith.constant 0 : i32
    %dma_wait3A_528 = tpu.memref_slice %arg9[%dma_wait3A_526, %dma_wait3A_527] : memref<5x128xi32, #tpu.memory_space<vmem>> -> memref<1x128xi32, #tpu.memory_space<vmem>>
    %dma_wait3A_529 = tpu.memref_squeeze %dma_wait3A_528 : memref<1x128xi32, #tpu.memory_space<vmem>> -> memref<128xi32, #tpu.memory_space<vmem>>
    %dma_wait3A_530 = arith.constant 0 : i32
    %dma_wait3A_531 = arith.constant 0 : i32
    %dma_wait3A_532 = tpu.memref_slice %arg13[%dma_wait3A_530, %dma_wait3A_531] : memref<10240x128xf32, #tpu.memory_space<vmem_shared>> -> memref<10240x128xf32, #tpu.memory_space<vmem_shared>>
    tpu.wait_indirect_dma semaphore(%arg14 : memref<!tpu.dma_semaphore, #tpu.memory_space<semaphore_mem>>) src(%dma_wait3A_532 : memref<10240x128xf32, #tpu.memory_space<vmem_shared>>) dst(%arg11 : memref<128x128xf32, #tpu.memory_space<vmem>>)
    %dma_start3A_533 = arith.constant 1 : i32
    %dma_start3A_534 = arith.constant 0 : i32
    %dma_start3A_535 = tpu.memref_slice %arg9[%dma_start3A_533, %dma_start3A_534] : memref<5x128xi32, #tpu.memory_space<vmem>> -> memref<1x128xi32, #tpu.memory_space<vmem>>
    %dma_start3A_536 = tpu.memref_squeeze %dma_start3A_535 : memref<1x128xi32, #tpu.memory_space<vmem>> -> memref<128xi32, #tpu.memory_space<vmem>>
    %dma_start3A_537 = arith.constant 0 : i32
    %dma_start3A_538 = arith.constant 0 : i32
    %dma_start3A_539 = tpu.memref_slice %arg13[%dma_start3A_537, %dma_start3A_538] : memref<10240x128xf32, #tpu.memory_space<vmem_shared>> -> memref<10240x128xf32, #tpu.memory_space<vmem_shared>>
    tpu.enqueue_indirect_dma source(%dma_start3A_539 : memref<10240x128xf32, #tpu.memory_space<vmem_shared>>) target(%arg12 : memref<128x128xf32, #tpu.memory_space<vmem>>) offsets(%dma_start3A_536 : memref<128xi32, #tpu.memory_space<vmem>>) semaphore(%arg16 : memref<!tpu.dma_semaphore, #tpu.memory_space<semaphore_mem>>)
    %add3A_540 = arith.constant 0 : i32
    %add3A_541 = arith.addi %mul3A_7, %add3A_540 : i32
    "tpu.region"() ({
      %run_scoped3A = tpu.sem_alloc : memref<!tpu.dma_semaphore, #tpu.memory_space<semaphore_mem>>
      %dma_start3A_599 = arith.constant 0 : i32
      %dma_start3A_600 = tpu.memref_slice %arg6[%arg0, %add3A_541, %dma_start3A_599] : memref<2x10240x128xf32, #tpu.memory_space<hbm>> -> memref<1x128x128xf32, #tpu.memory_space<hbm>>
      %dma_start3A_601 = tpu.memref_squeeze %dma_start3A_600 : memref<1x128x128xf32, #tpu.memory_space<hbm>> -> memref<128x128xf32, #tpu.memory_space<hbm>>
      %dma_start3A_602 = arith.constant 0 : i32
      %dma_start3A_603 = tpu.memref_slice %arg6[%arg0, %add3A_541, %dma_start3A_602] : memref<2x10240x128xf32, #tpu.memory_space<hbm>> -> memref<1x128x128xf32, #tpu.memory_space<hbm>>
      %dma_start3A_604 = tpu.memref_squeeze %dma_start3A_603 : memref<1x128x128xf32, #tpu.memory_space<hbm>> -> memref<128x128xf32, #tpu.memory_space<hbm>>
      tpu.enqueue_dma source(%arg11 : memref<128x128xf32, #tpu.memory_space<vmem>>) target(%dma_start3A_604 : memref<128x128xf32, #tpu.memory_space<hbm>>) target_semaphore(%run_scoped3A : memref<!tpu.dma_semaphore, #tpu.memory_space<semaphore_mem>>)
      %dma_wait3A_605 = arith.constant 0 : i32
      %dma_wait3A_606 = tpu.memref_slice %arg6[%arg0, %add3A_541, %dma_wait3A_605] : memref<2x10240x128xf32, #tpu.memory_space<hbm>> -> memref<1x128x128xf32, #tpu.memory_space<hbm>>
      %dma_wait3A_607 = tpu.memref_squeeze %dma_wait3A_606 : memref<1x128x128xf32, #tpu.memory_space<hbm>> -> memref<128x128xf32, #tpu.memory_space<hbm>>
      %dma_wait3A_608 = arith.constant 0 : i32
      %dma_wait3A_609 = tpu.memref_slice %arg6[%arg0, %add3A_541, %dma_wait3A_608] : memref<2x10240x128xf32, #tpu.memory_space<hbm>> -> memref<1x128x128xf32, #tpu.memory_space<hbm>>
      %dma_wait3A_610 = tpu.memref_squeeze %dma_wait3A_609 : memref<1x128x128xf32, #tpu.memory_space<hbm>> -> memref<128x128xf32, #tpu.memory_space<hbm>>
      tpu.wait_dma2 semaphore(%run_scoped3A : memref<!tpu.dma_semaphore, #tpu.memory_space<semaphore_mem>>) src(%arg11 : memref<128x128xf32, #tpu.memory_space<vmem>>) dst(%dma_wait3A_610 : memref<128x128xf32, #tpu.memory_space<hbm>>)
      tpu.yield
    }) : () -> ()
    %dma_wait3A_542 = arith.constant 1 : i32
    %dma_wait3A_543 = arith.constant 0 : i32
    %dma_wait3A_544 = tpu.memref_slice %arg9[%dma_wait3A_542, %dma_wait3A_543] : memref<5x128xi32, #tpu.memory_space<vmem>> -> memref<1x128xi32, #tpu.memory_space<vmem>>
    %dma_wait3A_545 = tpu.memref_squeeze %dma_wait3A_544 : memref<1x128xi32, #tpu.memory_space<vmem>> -> memref<128xi32, #tpu.memory_space<vmem>>
    %dma_wait3A_546 = arith.constant 0 : i32
    %dma_wait3A_547 = arith.constant 0 : i32
    %dma_wait3A_548 = tpu.memref_slice %arg13[%dma_wait3A_546, %dma_wait3A_547] : memref<10240x128xf32, #tpu.memory_space<vmem_shared>> -> memref<10240x128xf32, #tpu.memory_space<vmem_shared>>
    tpu.wait_indirect_dma semaphore(%arg16 : memref<!tpu.dma_semaphore, #tpu.memory_space<semaphore_mem>>) src(%dma_wait3A_548 : memref<10240x128xf32, #tpu.memory_space<vmem_shared>>) dst(%arg12 : memref<128x128xf32, #tpu.memory_space<vmem>>)
    %dma_start3A_549 = arith.constant 2 : i32
    %dma_start3A_550 = arith.constant 0 : i32
    %dma_start3A_551 = tpu.memref_slice %arg9[%dma_start3A_549, %dma_start3A_550] : memref<5x128xi32, #tpu.memory_space<vmem>> -> memref<1x128xi32, #tpu.memory_space<vmem>>
    %dma_start3A_552 = tpu.memref_squeeze %dma_start3A_551 : memref<1x128xi32, #tpu.memory_space<vmem>> -> memref<128xi32, #tpu.memory_space<vmem>>
    %dma_start3A_553 = arith.constant 0 : i32
    %dma_start3A_554 = arith.constant 0 : i32
    %dma_start3A_555 = tpu.memref_slice %arg13[%dma_start3A_553, %dma_start3A_554] : memref<10240x128xf32, #tpu.memory_space<vmem_shared>> -> memref<10240x128xf32, #tpu.memory_space<vmem_shared>>
    tpu.enqueue_indirect_dma source(%dma_start3A_555 : memref<10240x128xf32, #tpu.memory_space<vmem_shared>>) target(%arg11 : memref<128x128xf32, #tpu.memory_space<vmem>>) offsets(%dma_start3A_552 : memref<128xi32, #tpu.memory_space<vmem>>) semaphore(%arg14 : memref<!tpu.dma_semaphore, #tpu.memory_space<semaphore_mem>>)
    %add3A_556 = arith.constant 128 : i32
    %add3A_557 = arith.addi %mul3A_7, %add3A_556 : i32
    "tpu.region"() ({
      %run_scoped3A = tpu.sem_alloc : memref<!tpu.dma_semaphore, #tpu.memory_space<semaphore_mem>>
      %dma_start3A_599 = arith.constant 0 : i32
      %dma_start3A_600 = tpu.memref_slice %arg6[%arg0, %add3A_557, %dma_start3A_599] : memref<2x10240x128xf32, #tpu.memory_space<hbm>> -> memref<1x128x128xf32, #tpu.memory_space<hbm>>
      %dma_start3A_601 = tpu.memref_squeeze %dma_start3A_600 : memref<1x128x128xf32, #tpu.memory_space<hbm>> -> memref<128x128xf32, #tpu.memory_space<hbm>>
      %dma_start3A_602 = arith.constant 0 : i32
      %dma_start3A_603 = tpu.memref_slice %arg6[%arg0, %add3A_557, %dma_start3A_602] : memref<2x10240x128xf32, #tpu.memory_space<hbm>> -> memref<1x128x128xf32, #tpu.memory_space<hbm>>
      %dma_start3A_604 = tpu.memref_squeeze %dma_start3A_603 : memref<1x128x128xf32, #tpu.memory_space<hbm>> -> memref<128x128xf32, #tpu.memory_space<hbm>>
      tpu.enqueue_dma source(%arg12 : memref<128x128xf32, #tpu.memory_space<vmem>>) target(%dma_start3A_604 : memref<128x128xf32, #tpu.memory_space<hbm>>) target_semaphore(%run_scoped3A : memref<!tpu.dma_semaphore, #tpu.memory_space<semaphore_mem>>)
      %dma_wait3A_605 = arith.constant 0 : i32
      %dma_wait3A_606 = tpu.memref_slice %arg6[%arg0, %add3A_557, %dma_wait3A_605] : memref<2x10240x128xf32, #tpu.memory_space<hbm>> -> memref<1x128x128xf32, #tpu.memory_space<hbm>>
      %dma_wait3A_607 = tpu.memref_squeeze %dma_wait3A_606 : memref<1x128x128xf32, #tpu.memory_space<hbm>> -> memref<128x128xf32, #tpu.memory_space<hbm>>
      %dma_wait3A_608 = arith.constant 0 : i32
      %dma_wait3A_609 = tpu.memref_slice %arg6[%arg0, %add3A_557, %dma_wait3A_608] : memref<2x10240x128xf32, #tpu.memory_space<hbm>> -> memref<1x128x128xf32, #tpu.memory_space<hbm>>
      %dma_wait3A_610 = tpu.memref_squeeze %dma_wait3A_609 : memref<1x128x128xf32, #tpu.memory_space<hbm>> -> memref<128x128xf32, #tpu.memory_space<hbm>>
      tpu.wait_dma2 semaphore(%run_scoped3A : memref<!tpu.dma_semaphore, #tpu.memory_space<semaphore_mem>>) src(%arg12 : memref<128x128xf32, #tpu.memory_space<vmem>>) dst(%dma_wait3A_610 : memref<128x128xf32, #tpu.memory_space<hbm>>)
      tpu.yield
    }) : () -> ()
    %dma_wait3A_558 = arith.constant 2 : i32
    %dma_wait3A_559 = arith.constant 0 : i32
    %dma_wait3A_560 = tpu.memref_slice %arg9[%dma_wait3A_558, %dma_wait3A_559] : memref<5x128xi32, #tpu.memory_space<vmem>> -> memref<1x128xi32, #tpu.memory_space<vmem>>
    %dma_wait3A_561 = tpu.memref_squeeze %dma_wait3A_560 : memref<1x128xi32, #tpu.memory_space<vmem>> -> memref<128xi32, #tpu.memory_space<vmem>>
    %dma_wait3A_562 = arith.constant 0 : i32
    %dma_wait3A_563 = arith.constant 0 : i32
    %dma_wait3A_564 = tpu.memref_slice %arg13[%dma_wait3A_562, %dma_wait3A_563] : memref<10240x128xf32, #tpu.memory_space<vmem_shared>> -> memref<10240x128xf32, #tpu.memory_space<vmem_shared>>
    tpu.wait_indirect_dma semaphore(%arg14 : memref<!tpu.dma_semaphore, #tpu.memory_space<semaphore_mem>>) src(%dma_wait3A_564 : memref<10240x128xf32, #tpu.memory_space<vmem_shared>>) dst(%arg11 : memref<128x128xf32, #tpu.memory_space<vmem>>)
    %dma_start3A_565 = arith.constant 3 : i32
    %dma_start3A_566 = arith.constant 0 : i32
    %dma_start3A_567 = tpu.memref_slice %arg9[%dma_start3A_565, %dma_start3A_566] : memref<5x128xi32, #tpu.memory_space<vmem>> -> memref<1x128xi32, #tpu.memory_space<vmem>>
    %dma_start3A_568 = tpu.memref_squeeze %dma_start3A_567 : memref<1x128xi32, #tpu.memory_space<vmem>> -> memref<128xi32, #tpu.memory_space<vmem>>
    %dma_start3A_569 = arith.constant 0 : i32
    %dma_start3A_570 = arith.constant 0 : i32
    %dma_start3A_571 = tpu.memref_slice %arg13[%dma_start3A_569, %dma_start3A_570] : memref<10240x128xf32, #tpu.memory_space<vmem_shared>> -> memref<10240x128xf32, #tpu.memory_space<vmem_shared>>
    tpu.enqueue_indirect_dma source(%dma_start3A_571 : memref<10240x128xf32, #tpu.memory_space<vmem_shared>>) target(%arg12 : memref<128x128xf32, #tpu.memory_space<vmem>>) offsets(%dma_start3A_568 : memref<128xi32, #tpu.memory_space<vmem>>) semaphore(%arg16 : memref<!tpu.dma_semaphore, #tpu.memory_space<semaphore_mem>>)
    %add3A_572 = arith.constant 256 : i32
    %add3A_573 = arith.addi %mul3A_7, %add3A_572 : i32
    "tpu.region"() ({
      %run_scoped3A = tpu.sem_alloc : memref<!tpu.dma_semaphore, #tpu.memory_space<semaphore_mem>>
      %dma_start3A_599 = arith.constant 0 : i32
      %dma_start3A_600 = tpu.memref_slice %arg6[%arg0, %add3A_573, %dma_start3A_599] : memref<2x10240x128xf32, #tpu.memory_space<hbm>> -> memref<1x128x128xf32, #tpu.memory_space<hbm>>
      %dma_start3A_601 = tpu.memref_squeeze %dma_start3A_600 : memref<1x128x128xf32, #tpu.memory_space<hbm>> -> memref<128x128xf32, #tpu.memory_space<hbm>>
      %dma_start3A_602 = arith.constant 0 : i32
      %dma_start3A_603 = tpu.memref_slice %arg6[%arg0, %add3A_573, %dma_start3A_602] : memref<2x10240x128xf32, #tpu.memory_space<hbm>> -> memref<1x128x128xf32, #tpu.memory_space<hbm>>
      %dma_start3A_604 = tpu.memref_squeeze %dma_start3A_603 : memref<1x128x128xf32, #tpu.memory_space<hbm>> -> memref<128x128xf32, #tpu.memory_space<hbm>>
      tpu.enqueue_dma source(%arg11 : memref<128x128xf32, #tpu.memory_space<vmem>>) target(%dma_start3A_604 : memref<128x128xf32, #tpu.memory_space<hbm>>) target_semaphore(%run_scoped3A : memref<!tpu.dma_semaphore, #tpu.memory_space<semaphore_mem>>)
      %dma_wait3A_605 = arith.constant 0 : i32
      %dma_wait3A_606 = tpu.memref_slice %arg6[%arg0, %add3A_573, %dma_wait3A_605] : memref<2x10240x128xf32, #tpu.memory_space<hbm>> -> memref<1x128x128xf32, #tpu.memory_space<hbm>>
      %dma_wait3A_607 = tpu.memref_squeeze %dma_wait3A_606 : memref<1x128x128xf32, #tpu.memory_space<hbm>> -> memref<128x128xf32, #tpu.memory_space<hbm>>
      %dma_wait3A_608 = arith.constant 0 : i32
      %dma_wait3A_609 = tpu.memref_slice %arg6[%arg0, %add3A_573, %dma_wait3A_608] : memref<2x10240x128xf32, #tpu.memory_space<hbm>> -> memref<1x128x128xf32, #tpu.memory_space<hbm>>
      %dma_wait3A_610 = tpu.memref_squeeze %dma_wait3A_609 : memref<1x128x128xf32, #tpu.memory_space<hbm>> -> memref<128x128xf32, #tpu.memory_space<hbm>>
      tpu.wait_dma2 semaphore(%run_scoped3A : memref<!tpu.dma_semaphore, #tpu.memory_space<semaphore_mem>>) src(%arg11 : memref<128x128xf32, #tpu.memory_space<vmem>>) dst(%dma_wait3A_610 : memref<128x128xf32, #tpu.memory_space<hbm>>)
      tpu.yield
    }) : () -> ()
    %dma_wait3A_574 = arith.constant 3 : i32
    %dma_wait3A_575 = arith.constant 0 : i32
    %dma_wait3A_576 = tpu.memref_slice %arg9[%dma_wait3A_574, %dma_wait3A_575] : memref<5x128xi32, #tpu.memory_space<vmem>> -> memref<1x128xi32, #tpu.memory_space<vmem>>
    %dma_wait3A_577 = tpu.memref_squeeze %dma_wait3A_576 : memref<1x128xi32, #tpu.memory_space<vmem>> -> memref<128xi32, #tpu.memory_space<vmem>>
    %dma_wait3A_578 = arith.constant 0 : i32
    %dma_wait3A_579 = arith.constant 0 : i32
    %dma_wait3A_580 = tpu.memref_slice %arg13[%dma_wait3A_578, %dma_wait3A_579] : memref<10240x128xf32, #tpu.memory_space<vmem_shared>> -> memref<10240x128xf32, #tpu.memory_space<vmem_shared>>
    tpu.wait_indirect_dma semaphore(%arg16 : memref<!tpu.dma_semaphore, #tpu.memory_space<semaphore_mem>>) src(%dma_wait3A_580 : memref<10240x128xf32, #tpu.memory_space<vmem_shared>>) dst(%arg12 : memref<128x128xf32, #tpu.memory_space<vmem>>)
    %dma_start3A_581 = arith.constant 4 : i32
    %dma_start3A_582 = arith.constant 0 : i32
    %dma_start3A_583 = tpu.memref_slice %arg9[%dma_start3A_581, %dma_start3A_582] : memref<5x128xi32, #tpu.memory_space<vmem>> -> memref<1x128xi32, #tpu.memory_space<vmem>>
    %dma_start3A_584 = tpu.memref_squeeze %dma_start3A_583 : memref<1x128xi32, #tpu.memory_space<vmem>> -> memref<128xi32, #tpu.memory_space<vmem>>
    %dma_start3A_585 = arith.constant 0 : i32
    %dma_start3A_586 = arith.constant 0 : i32
    %dma_start3A_587 = tpu.memref_slice %arg13[%dma_start3A_585, %dma_start3A_586] : memref<10240x128xf32, #tpu.memory_space<vmem_shared>> -> memref<10240x128xf32, #tpu.memory_space<vmem_shared>>
    tpu.enqueue_indirect_dma source(%dma_start3A_587 : memref<10240x128xf32, #tpu.memory_space<vmem_shared>>) target(%arg11 : memref<128x128xf32, #tpu.memory_space<vmem>>) offsets(%dma_start3A_584 : memref<128xi32, #tpu.memory_space<vmem>>) semaphore(%arg14 : memref<!tpu.dma_semaphore, #tpu.memory_space<semaphore_mem>>)
    %add3A_588 = arith.constant 384 : i32
    %add3A_589 = arith.addi %mul3A_7, %add3A_588 : i32
    "tpu.region"() ({
      %run_scoped3A = tpu.sem_alloc : memref<!tpu.dma_semaphore, #tpu.memory_space<semaphore_mem>>
      %dma_start3A_599 = arith.constant 0 : i32
      %dma_start3A_600 = tpu.memref_slice %arg6[%arg0, %add3A_589, %dma_start3A_599] : memref<2x10240x128xf32, #tpu.memory_space<hbm>> -> memref<1x128x128xf32, #tpu.memory_space<hbm>>
      %dma_start3A_601 = tpu.memref_squeeze %dma_start3A_600 : memref<1x128x128xf32, #tpu.memory_space<hbm>> -> memref<128x128xf32, #tpu.memory_space<hbm>>
      %dma_start3A_602 = arith.constant 0 : i32
      %dma_start3A_603 = tpu.memref_slice %arg6[%arg0, %add3A_589, %dma_start3A_602] : memref<2x10240x128xf32, #tpu.memory_space<hbm>> -> memref<1x128x128xf32, #tpu.memory_space<hbm>>
      %dma_start3A_604 = tpu.memref_squeeze %dma_start3A_603 : memref<1x128x128xf32, #tpu.memory_space<hbm>> -> memref<128x128xf32, #tpu.memory_space<hbm>>
      tpu.enqueue_dma source(%arg12 : memref<128x128xf32, #tpu.memory_space<vmem>>) target(%dma_start3A_604 : memref<128x128xf32, #tpu.memory_space<hbm>>) target_semaphore(%run_scoped3A : memref<!tpu.dma_semaphore, #tpu.memory_space<semaphore_mem>>)
      %dma_wait3A_605 = arith.constant 0 : i32
      %dma_wait3A_606 = tpu.memref_slice %arg6[%arg0, %add3A_589, %dma_wait3A_605] : memref<2x10240x128xf32, #tpu.memory_space<hbm>> -> memref<1x128x128xf32, #tpu.memory_space<hbm>>
      %dma_wait3A_607 = tpu.memref_squeeze %dma_wait3A_606 : memref<1x128x128xf32, #tpu.memory_space<hbm>> -> memref<128x128xf32, #tpu.memory_space<hbm>>
      %dma_wait3A_608 = arith.constant 0 : i32
      %dma_wait3A_609 = tpu.memref_slice %arg6[%arg0, %add3A_589, %dma_wait3A_608] : memref<2x10240x128xf32, #tpu.memory_space<hbm>> -> memref<1x128x128xf32, #tpu.memory_space<hbm>>
      %dma_wait3A_610 = tpu.memref_squeeze %dma_wait3A_609 : memref<1x128x128xf32, #tpu.memory_space<hbm>> -> memref<128x128xf32, #tpu.memory_space<hbm>>
      tpu.wait_dma2 semaphore(%run_scoped3A : memref<!tpu.dma_semaphore, #tpu.memory_space<semaphore_mem>>) src(%arg12 : memref<128x128xf32, #tpu.memory_space<vmem>>) dst(%dma_wait3A_610 : memref<128x128xf32, #tpu.memory_space<hbm>>)
      tpu.yield
    }) : () -> ()
    %dma_wait3A_590 = arith.constant 4 : i32
    %dma_wait3A_591 = arith.constant 0 : i32
    %dma_wait3A_592 = tpu.memref_slice %arg9[%dma_wait3A_590, %dma_wait3A_591] : memref<5x128xi32, #tpu.memory_space<vmem>> -> memref<1x128xi32, #tpu.memory_space<vmem>>
    %dma_wait3A_593 = tpu.memref_squeeze %dma_wait3A_592 : memref<1x128xi32, #tpu.memory_space<vmem>> -> memref<128xi32, #tpu.memory_space<vmem>>
    %dma_wait3A_594 = arith.constant 0 : i32
    %dma_wait3A_595 = arith.constant 0 : i32
    %dma_wait3A_596 = tpu.memref_slice %arg13[%dma_wait3A_594, %dma_wait3A_595] : memref<10240x128xf32, #tpu.memory_space<vmem_shared>> -> memref<10240x128xf32, #tpu.memory_space<vmem_shared>>
    tpu.wait_indirect_dma semaphore(%arg14 : memref<!tpu.dma_semaphore, #tpu.memory_space<semaphore_mem>>) src(%dma_wait3A_596 : memref<10240x128xf32, #tpu.memory_space<vmem_shared>>) dst(%arg11 : memref<128x128xf32, #tpu.memory_space<vmem>>)
    %add3A_597 = arith.constant 512 : i32
    %add3A_598 = arith.addi %mul3A_7, %add3A_597 : i32
    "tpu.region"() ({
      %run_scoped3A = tpu.sem_alloc : memref<!tpu.dma_semaphore, #tpu.memory_space<semaphore_mem>>
      %dma_start3A_599 = arith.constant 0 : i32
      %dma_start3A_600 = tpu.memref_slice %arg6[%arg0, %add3A_598, %dma_start3A_599] : memref<2x10240x128xf32, #tpu.memory_space<hbm>> -> memref<1x128x128xf32, #tpu.memory_space<hbm>>
      %dma_start3A_601 = tpu.memref_squeeze %dma_start3A_600 : memref<1x128x128xf32, #tpu.memory_space<hbm>> -> memref<128x128xf32, #tpu.memory_space<hbm>>
      %dma_start3A_602 = arith.constant 0 : i32
      %dma_start3A_603 = tpu.memref_slice %arg6[%arg0, %add3A_598, %dma_start3A_602] : memref<2x10240x128xf32, #tpu.memory_space<hbm>> -> memref<1x128x128xf32, #tpu.memory_space<hbm>>
      %dma_start3A_604 = tpu.memref_squeeze %dma_start3A_603 : memref<1x128x128xf32, #tpu.memory_space<hbm>> -> memref<128x128xf32, #tpu.memory_space<hbm>>
      tpu.enqueue_dma source(%arg11 : memref<128x128xf32, #tpu.memory_space<vmem>>) target(%dma_start3A_604 : memref<128x128xf32, #tpu.memory_space<hbm>>) target_semaphore(%run_scoped3A : memref<!tpu.dma_semaphore, #tpu.memory_space<semaphore_mem>>)
      %dma_wait3A_605 = arith.constant 0 : i32
      %dma_wait3A_606 = tpu.memref_slice %arg6[%arg0, %add3A_598, %dma_wait3A_605] : memref<2x10240x128xf32, #tpu.memory_space<hbm>> -> memref<1x128x128xf32, #tpu.memory_space<hbm>>
      %dma_wait3A_607 = tpu.memref_squeeze %dma_wait3A_606 : memref<1x128x128xf32, #tpu.memory_space<hbm>> -> memref<128x128xf32, #tpu.memory_space<hbm>>
      %dma_wait3A_608 = arith.constant 0 : i32
      %dma_wait3A_609 = tpu.memref_slice %arg6[%arg0, %add3A_598, %dma_wait3A_608] : memref<2x10240x128xf32, #tpu.memory_space<hbm>> -> memref<1x128x128xf32, #tpu.memory_space<hbm>>
      %dma_wait3A_610 = tpu.memref_squeeze %dma_wait3A_609 : memref<1x128x128xf32, #tpu.memory_space<hbm>> -> memref<128x128xf32, #tpu.memory_space<hbm>>
      tpu.wait_dma2 semaphore(%run_scoped3A : memref<!tpu.dma_semaphore, #tpu.memory_space<semaphore_mem>>) src(%arg11 : memref<128x128xf32, #tpu.memory_space<vmem>>) dst(%dma_wait3A_610 : memref<128x128xf32, #tpu.memory_space<hbm>>)
      tpu.yield
    }) : () -> ()
    return
  }
}

#map = affine_map<(d0, d1) -> (0, 0)>
#map1 = affine_map<(d0, d1) -> (0, 0, 0)>
module attributes {stable_mosaic.version = 14 : i64} {
  func.func @k(%arg0: i32, %arg1: i32, %arg2: memref<10000x128xf32, #tpu.memory_space<hbm>>, %arg3: memref<32x80x128xi32, #tpu.memory_space<hbm>>, %arg4: memref<32x80x128xi32, #tpu.memory_space<hbm>>, %arg5: memref<16x5x128xi32, #tpu.memory_space<hbm>>, %arg6: memref<2x10240x128xf32, #tpu.memory_space<hbm>>, %arg7: memref<40x128xi32, #tpu.memory_space<vmem>>, %arg8: memref<40x128xi32, #tpu.memory_space<vmem>>, %arg9: memref<5x128xi32, #tpu.memory_space<vmem>>, %arg10: memref<128xi32, #tpu.memory_space<vmem>>, %arg11: memref<128x128xf32, #tpu.memory_space<vmem>>, %arg12: memref<128x128xf32, #tpu.memory_space<vmem>>, %arg13: memref<10240x128xf32, #tpu.memory_space<vmem_shared>>, %arg14: memref<!tpu.dma_semaphore, #tpu.memory_space<semaphore_mem>>, %arg15: memref<!tpu.dma_semaphore, #tpu.memory_space<semaphore_mem>>, %arg16: memref<!tpu.dma_semaphore, #tpu.memory_space<semaphore_mem>>) attributes {dimension_semantics = [#tpu.dimension_semantics<core_parallel>, #tpu.dimension_semantics<subcore_parallel>], iteration_bounds = array<i64: 2, 16>, scalar_prefetch = 0 : i64, scratch_operands = 10 : i64, tpu.core_type = #tpu.core_type<sc_vector_subcore>, window_params = [{transform_indices = #map}, {transform_indices = #map1}, {transform_indices = #map1}, {transform_indices = #map1}, {transform_indices = #map1}]} {
    %mul3A = arith.constant 16 : i32
    %mul3A_0 = arith.muli %arg0, %mul3A : i32
    %add3A = arith.addi %mul3A_0, %arg1 : i32
    "tpu.region"() ({
      %run_scoped3A = tpu.sem_alloc : memref<!tpu.dma_semaphore, #tpu.memory_space<semaphore_mem>>
      %dma_start3A_599 = arith.constant 0 : i32
      %dma_start3A_600 = arith.constant 0 : i32
      %dma_start3A_601 = tpu.memref_slice %arg5[%arg1, %dma_start3A_599, %dma_start3A_600] : memref<16x5x128xi32, #tpu.memory_space<hbm>> -> memref<1x5x128xi32, #tpu.memory_space<hbm>>
      %dma_start3A_602 = tpu.memref_squeeze %dma_start3A_601 : memref<1x5x128xi32, #tpu.memory_space<hbm>> -> memref<5x128xi32, #tpu.memory_space<hbm>>
      %dma_start3A_603 = arith.constant 0 : i32
      %dma_start3A_604 = arith.constant 0 : i32
      %dma_start3A_605 = tpu.memref_slice %arg5[%arg1, %dma_start3A_603, %dma_start3A_604] : memref<16x5x128xi32, #tpu.memory_space<hbm>> -> memref<1x5x128xi32, #tpu.memory_space<hbm>>
      %dma_start3A_606 = tpu.memref_squeeze %dma_start3A_605 : memref<1x5x128xi32, #tpu.memory_space<hbm>> -> memref<5x128xi32, #tpu.memory_space<hbm>>
      tpu.enqueue_dma source(%dma_start3A_606 : memref<5x128xi32, #tpu.memory_space<hbm>>) target(%arg9 : memref<5x128xi32, #tpu.memory_space<vmem>>) target_semaphore(%run_scoped3A : memref<!tpu.dma_semaphore, #tpu.memory_space<semaphore_mem>>)
      %dma_wait3A_607 = arith.constant 0 : i32
      %dma_wait3A_608 = arith.constant 0 : i32
      %dma_wait3A_609 = tpu.memref_slice %arg5[%arg1, %dma_wait3A_607, %dma_wait3A_608] : memref<16x5x128xi32, #tpu.memory_space<hbm>> -> memref<1x5x128xi32, #tpu.memory_space<hbm>>
      %dma_wait3A_610 = tpu.memref_squeeze %dma_wait3A_609 : memref<1x5x128xi32, #tpu.memory_space<hbm>> -> memref<5x128xi32, #tpu.memory_space<hbm>>
      %dma_wait3A_611 = arith.constant 0 : i32
      %dma_wait3A_612 = arith.constant 0 : i32
      %dma_wait3A_613 = tpu.memref_slice %arg5[%arg1, %dma_wait3A_611, %dma_wait3A_612] : memref<16x5x128xi32, #tpu.memory_space<hbm>> -> memref<1x5x128xi32, #tpu.memory_space<hbm>>
      %dma_wait3A_614 = tpu.memref_squeeze %dma_wait3A_613 : memref<1x5x128xi32, #tpu.memory_space<hbm>> -> memref<5x128xi32, #tpu.memory_space<hbm>>
      tpu.wait_dma2 semaphore(%run_scoped3A : memref<!tpu.dma_semaphore, #tpu.memory_space<semaphore_mem>>) src(%dma_wait3A_614 : memref<5x128xi32, #tpu.memory_space<hbm>>) dst(%arg9 : memref<5x128xi32, #tpu.memory_space<vmem>>)
      tpu.yield
    }) : () -> ()
    %scan3A = arith.constant 0 : i32
    %scan3A_1 = arith.constant 0 : i32
    %scan3A_2 = arith.constant 128 : i32
    %scan3A_3 = arith.addi %scan3A_1, %scan3A_2 : i32
    %scan3A_4 = arith.constant 1 : i32
    scf.for %scan3A_599 = %scan3A_1 to %scan3A_3 step %scan3A_4  : i32 {
      %broadcast_in_dim3A = arith.constant 0.000000e+00 : f32
      %broadcast_in_dim3A_600 = vector.broadcast %broadcast_in_dim3A : f32 to vector<16xf32>
      %swap3A_601 = arith.index_cast %scan3A_599 : i32 to index
      %swap3A_602 = arith.constant 0 : index
      %swap3A_603 = tpu.vector_load %arg11[%swap3A_601, %swap3A_602] {strides = array<i32>} : memref<128x128xf32, #tpu.memory_space<vmem>>, vector<1x16xf32>,
      %swap3A_604 = vector.shape_cast %swap3A_603 : vector<1x16xf32> to vector<16xf32>
      %swap3A_605 = vector.shape_cast %broadcast_in_dim3A_600 : vector<16xf32> to vector<1x16xf32>
      tpu.vector_store %arg11[%swap3A_601, %swap3A_602], %swap3A_605 {strides = array<i32>} : memref<128x128xf32, #tpu.memory_space<vmem>>, vector<1x16xf32>,
      %broadcast_in_dim3A_606 = arith.constant 0.000000e+00 : f32
      %broadcast_in_dim3A_607 = vector.broadcast %broadcast_in_dim3A_606 : f32 to vector<16xf32>
      %swap3A_608 = arith.index_cast %scan3A_599 : i32 to index
      %swap3A_609 = arith.constant 16 : index
      %swap3A_610 = tpu.vector_load %arg11[%swap3A_608, %swap3A_609] {strides = array<i32>} : memref<128x128xf32, #tpu.memory_space<vmem>>, vector<1x16xf32>,
      %swap3A_611 = vector.shape_cast %swap3A_610 : vector<1x16xf32> to vector<16xf32>
      %swap3A_612 = vector.shape_cast %broadcast_in_dim3A_607 : vector<16xf32> to vector<1x16xf32>
      tpu.vector_store %arg11[%swap3A_608, %swap3A_609], %swap3A_612 {strides = array<i32>} : memref<128x128xf32, #tpu.memory_space<vmem>>, vector<1x16xf32>,
      %broadcast_in_dim3A_613 = arith.constant 0.000000e+00 : f32
      %broadcast_in_dim3A_614 = vector.broadcast %broadcast_in_dim3A_613 : f32 to vector<16xf32>
      %swap3A_615 = arith.index_cast %scan3A_599 : i32 to index
      %swap3A_616 = arith.constant 32 : index
      %swap3A_617 = tpu.vector_load %arg11[%swap3A_615, %swap3A_616] {strides = array<i32>} : memref<128x128xf32, #tpu.memory_space<vmem>>, vector<1x16xf32>,
      %swap3A_618 = vector.shape_cast %swap3A_617 : vector<1x16xf32> to vector<16xf32>
      %swap3A_619 = vector.shape_cast %broadcast_in_dim3A_614 : vector<16xf32> to vector<1x16xf32>
      tpu.vector_store %arg11[%swap3A_615, %swap3A_616], %swap3A_619 {strides = array<i32>} : memref<128x128xf32, #tpu.memory_space<vmem>>, vector<1x16xf32>,
      %broadcast_in_dim3A_620 = arith.constant 0.000000e+00 : f32
      %broadcast_in_dim3A_621 = vector.broadcast %broadcast_in_dim3A_620 : f32 to vector<16xf32>
      %swap3A_622 = arith.index_cast %scan3A_599 : i32 to index
      %swap3A_623 = arith.constant 48 : index
      %swap3A_624 = tpu.vector_load %arg11[%swap3A_622, %swap3A_623] {strides = array<i32>} : memref<128x128xf32, #tpu.memory_space<vmem>>, vector<1x16xf32>,
      %swap3A_625 = vector.shape_cast %swap3A_624 : vector<1x16xf32> to vector<16xf32>
      %swap3A_626 = vector.shape_cast %broadcast_in_dim3A_621 : vector<16xf32> to vector<1x16xf32>
      tpu.vector_store %arg11[%swap3A_622, %swap3A_623], %swap3A_626 {strides = array<i32>} : memref<128x128xf32, #tpu.memory_space<vmem>>, vector<1x16xf32>,
      %broadcast_in_dim3A_627 = arith.constant 0.000000e+00 : f32
      %broadcast_in_dim3A_628 = vector.broadcast %broadcast_in_dim3A_627 : f32 to vector<16xf32>
      %swap3A_629 = arith.index_cast %scan3A_599 : i32 to index
      %swap3A_630 = arith.constant 64 : index
      %swap3A_631 = tpu.vector_load %arg11[%swap3A_629, %swap3A_630] {strides = array<i32>} : memref<128x128xf32, #tpu.memory_space<vmem>>, vector<1x16xf32>,
      %swap3A_632 = vector.shape_cast %swap3A_631 : vector<1x16xf32> to vector<16xf32>
      %swap3A_633 = vector.shape_cast %broadcast_in_dim3A_628 : vector<16xf32> to vector<1x16xf32>
      tpu.vector_store %arg11[%swap3A_629, %swap3A_630], %swap3A_633 {strides = array<i32>} : memref<128x128xf32, #tpu.memory_space<vmem>>, vector<1x16xf32>,
      %broadcast_in_dim3A_634 = arith.constant 0.000000e+00 : f32
      %broadcast_in_dim3A_635 = vector.broadcast %broadcast_in_dim3A_634 : f32 to vector<16xf32>
      %swap3A_636 = arith.index_cast %scan3A_599 : i32 to index
      %swap3A_637 = arith.constant 80 : index
      %swap3A_638 = tpu.vector_load %arg11[%swap3A_636, %swap3A_637] {strides = array<i32>} : memref<128x128xf32, #tpu.memory_space<vmem>>, vector<1x16xf32>,
      %swap3A_639 = vector.shape_cast %swap3A_638 : vector<1x16xf32> to vector<16xf32>
      %swap3A_640 = vector.shape_cast %broadcast_in_dim3A_635 : vector<16xf32> to vector<1x16xf32>
      tpu.vector_store %arg11[%swap3A_636, %swap3A_637], %swap3A_640 {strides = array<i32>} : memref<128x128xf32, #tpu.memory_space<vmem>>, vector<1x16xf32>,
      %broadcast_in_dim3A_641 = arith.constant 0.000000e+00 : f32
      %broadcast_in_dim3A_642 = vector.broadcast %broadcast_in_dim3A_641 : f32 to vector<16xf32>
      %swap3A_643 = arith.index_cast %scan3A_599 : i32 to index
      %swap3A_644 = arith.constant 96 : index
      %swap3A_645 = tpu.vector_load %arg11[%swap3A_643, %swap3A_644] {strides = array<i32>} : memref<128x128xf32, #tpu.memory_space<vmem>>, vector<1x16xf32>,
      %swap3A_646 = vector.shape_cast %swap3A_645 : vector<1x16xf32> to vector<16xf32>
      %swap3A_647 = vector.shape_cast %broadcast_in_dim3A_642 : vector<16xf32> to vector<1x16xf32>
      tpu.vector_store %arg11[%swap3A_643, %swap3A_644], %swap3A_647 {strides = array<i32>} : memref<128x128xf32, #tpu.memory_space<vmem>>, vector<1x16xf32>,
      %broadcast_in_dim3A_648 = arith.constant 0.000000e+00 : f32
      %broadcast_in_dim3A_649 = vector.broadcast %broadcast_in_dim3A_648 : f32 to vector<16xf32>
      %swap3A_650 = arith.index_cast %scan3A_599 : i32 to index
      %swap3A_651 = arith.constant 112 : index
      %swap3A_652 = tpu.vector_load %arg11[%swap3A_650, %swap3A_651] {strides = array<i32>} : memref<128x128xf32, #tpu.memory_space<vmem>>, vector<1x16xf32>,
      %swap3A_653 = vector.shape_cast %swap3A_652 : vector<1x16xf32> to vector<16xf32>
      %swap3A_654 = vector.shape_cast %broadcast_in_dim3A_649 : vector<16xf32> to vector<1x16xf32>
      tpu.vector_store %arg11[%swap3A_650, %swap3A_651], %swap3A_654 {strides = array<i32>} : memref<128x128xf32, #tpu.memory_space<vmem>>, vector<1x16xf32>,
    }
    %scan3A_5 = arith.constant 128 : i32
    %mul3A_6 = arith.constant 640 : i32
    %mul3A_7 = arith.muli %arg1, %mul3A_6 : i32
    %get3A = arith.constant 0 : i32
    %get3A_8 = arith.index_cast %get3A : i32 to index
    %get3A_9 = arith.constant 0 : index
    %get3A_10 = tpu.vector_load %arg9[%get3A_8, %get3A_9] {strides = array<i32>} : memref<5x128xi32, #tpu.memory_space<vmem>>, vector<1x16xi32>,
    %get3A_11 = vector.shape_cast %get3A_10 : vector<1x16xi32> to vector<16xi32>
    %swap3A = arith.constant 0 : index
    %swap3A_12 = tpu.vector_load %arg10[%swap3A] {strides = array<i32>} : memref<128xi32, #tpu.memory_space<vmem>>, vector<16xi32>,
    %swap3A_13 = vector.shape_cast %swap3A_12 : vector<16xi32> to vector<16xi32>
    %swap3A_14 = vector.shape_cast %get3A_11 : vector<16xi32> to vector<16xi32>
    tpu.vector_store %arg10[%swap3A], %swap3A_14 {strides = array<i32>} : memref<128xi32, #tpu.memory_space<vmem>>, vector<16xi32>,
    %get3A_15 = arith.constant 0 : i32
    %get3A_16 = arith.index_cast %get3A_15 : i32 to index
    %get3A_17 = arith.constant 16 : index
    %get3A_18 = tpu.vector_load %arg9[%get3A_16, %get3A_17] {strides = array<i32>} : memref<5x128xi32, #tpu.memory_space<vmem>>, vector<1x16xi32>,
    %get3A_19 = vector.shape_cast %get3A_18 : vector<1x16xi32> to vector<16xi32>
    %swap3A_20 = arith.constant 16 : index
    %swap3A_21 = tpu.vector_load %arg10[%swap3A_20] {strides = array<i32>} : memref<128xi32, #tpu.memory_space<vmem>>, vector<16xi32>,
    %swap3A_22 = vector.shape_cast %swap3A_21 : vector<16xi32> to vector<16xi32>
    %swap3A_23 = vector.shape_cast %get3A_19 : vector<16xi32> to vector<16xi32>
    tpu.vector_store %arg10[%swap3A_20], %swap3A_23 {strides = array<i32>} : memref<128xi32, #tpu.memory_space<vmem>>, vector<16xi32>,
    %get3A_24 = arith.constant 0 : i32
    %get3A_25 = arith.index_cast %get3A_24 : i32 to index
    %get3A_26 = arith.constant 32 : index
    %get3A_27 = tpu.vector_load %arg9[%get3A_25, %get3A_26] {strides = array<i32>} : memref<5x128xi32, #tpu.memory_space<vmem>>, vector<1x16xi32>,
    %get3A_28 = vector.shape_cast %get3A_27 : vector<1x16xi32> to vector<16xi32>
    %swap3A_29 = arith.constant 32 : index
    %swap3A_30 = tpu.vector_load %arg10[%swap3A_29] {strides = array<i32>} : memref<128xi32, #tpu.memory_space<vmem>>, vector<16xi32>,
    %swap3A_31 = vector.shape_cast %swap3A_30 : vector<16xi32> to vector<16xi32>
    %swap3A_32 = vector.shape_cast %get3A_28 : vector<16xi32> to vector<16xi32>
    tpu.vector_store %arg10[%swap3A_29], %swap3A_32 {strides = array<i32>} : memref<128xi32, #tpu.memory_space<vmem>>, vector<16xi32>,
    %get3A_33 = arith.constant 0 : i32
    %get3A_34 = arith.index_cast %get3A_33 : i32 to index
    %get3A_35 = arith.constant 48 : index
    %get3A_36 = tpu.vector_load %arg9[%get3A_34, %get3A_35] {strides = array<i32>} : memref<5x128xi32, #tpu.memory_space<vmem>>, vector<1x16xi32>,
    %get3A_37 = vector.shape_cast %get3A_36 : vector<1x16xi32> to vector<16xi32>
    %swap3A_38 = arith.constant 48 : index
    %swap3A_39 = tpu.vector_load %arg10[%swap3A_38] {strides = array<i32>} : memref<128xi32, #tpu.memory_space<vmem>>, vector<16xi32>,
    %swap3A_40 = vector.shape_cast %swap3A_39 : vector<16xi32> to vector<16xi32>
    %swap3A_41 = vector.shape_cast %get3A_37 : vector<16xi32> to vector<16xi32>
    tpu.vector_store %arg10[%swap3A_38], %swap3A_41 {strides = array<i32>} : memref<128xi32, #tpu.memory_space<vmem>>, vector<16xi32>,
    %get3A_42 = arith.constant 0 : i32
    %get3A_43 = arith.index_cast %get3A_42 : i32 to index
    %get3A_44 = arith.constant 64 : index
    %get3A_45 = tpu.vector_load %arg9[%get3A_43, %get3A_44] {strides = array<i32>} : memref<5x128xi32, #tpu.memory_space<vmem>>, vector<1x16xi32>,
    %get3A_46 = vector.shape_cast %get3A_45 : vector<1x16xi32> to vector<16xi32>
    %swap3A_47 = arith.constant 64 : index
    %swap3A_48 = tpu.vector_load %arg10[%swap3A_47] {strides = array<i32>} : memref<128xi32, #tpu.memory_space<vmem>>, vector<16xi32>,
    %swap3A_49 = vector.shape_cast %swap3A_48 : vector<16xi32> to vector<16xi32>
    %swap3A_50 = vector.shape_cast %get3A_46 : vector<16xi32> to vector<16xi32>
    tpu.vector_store %arg10[%swap3A_47], %swap3A_50 {strides = array<i32>} : memref<128xi32, #tpu.memory_space<vmem>>, vector<16xi32>,
    %get3A_51 = arith.constant 0 : i32
    %get3A_52 = arith.index_cast %get3A_51 : i32 to index
    %get3A_53 = arith.constant 80 : index
    %get3A_54 = tpu.vector_load %arg9[%get3A_52, %get3A_53] {strides = array<i32>} : memref<5x128xi32, #tpu.memory_space<vmem>>, vector<1x16xi32>,
    %get3A_55 = vector.shape_cast %get3A_54 : vector<1x16xi32> to vector<16xi32>
    %swap3A_56 = arith.constant 80 : index
    %swap3A_57 = tpu.vector_load %arg10[%swap3A_56] {strides = array<i32>} : memref<128xi32, #tpu.memory_space<vmem>>, vector<16xi32>,
    %swap3A_58 = vector.shape_cast %swap3A_57 : vector<16xi32> to vector<16xi32>
    %swap3A_59 = vector.shape_cast %get3A_55 : vector<16xi32> to vector<16xi32>
    tpu.vector_store %arg10[%swap3A_56], %swap3A_59 {strides = array<i32>} : memref<128xi32, #tpu.memory_space<vmem>>, vector<16xi32>,
    %get3A_60 = arith.constant 0 : i32
    %get3A_61 = arith.index_cast %get3A_60 : i32 to index
    %get3A_62 = arith.constant 96 : index
    %get3A_63 = tpu.vector_load %arg9[%get3A_61, %get3A_62] {strides = array<i32>} : memref<5x128xi32, #tpu.memory_space<vmem>>, vector<1x16xi32>,
    %get3A_64 = vector.shape_cast %get3A_63 : vector<1x16xi32> to vector<16xi32>
    %swap3A_65 = arith.constant 96 : index
    %swap3A_66 = tpu.vector_load %arg10[%swap3A_65] {strides = array<i32>} : memref<128xi32, #tpu.memory_space<vmem>>, vector<16xi32>,
    %swap3A_67 = vector.shape_cast %swap3A_66 : vector<16xi32> to vector<16xi32>
    %swap3A_68 = vector.shape_cast %get3A_64 : vector<16xi32> to vector<16xi32>
    tpu.vector_store %arg10[%swap3A_65], %swap3A_68 {strides = array<i32>} : memref<128xi32, #tpu.memory_space<vmem>>, vector<16xi32>,
    %get3A_69 = arith.constant 0 : i32
    %get3A_70 = arith.index_cast %get3A_69 : i32 to index
    %get3A_71 = arith.constant 112 : index
    %get3A_72 = tpu.vector_load %arg9[%get3A_70, %get3A_71] {strides = array<i32>} : memref<5x128xi32, #tpu.memory_space<vmem>>, vector<1x16xi32>,
    %get3A_73 = vector.shape_cast %get3A_72 : vector<1x16xi32> to vector<16xi32>
    %swap3A_74 = arith.constant 112 : index
    %swap3A_75 = tpu.vector_load %arg10[%swap3A_74] {strides = array<i32>} : memref<128xi32, #tpu.memory_space<vmem>>, vector<16xi32>,
    %swap3A_76 = vector.shape_cast %swap3A_75 : vector<16xi32> to vector<16xi32>
    %swap3A_77 = vector.shape_cast %get3A_73 : vector<16xi32> to vector<16xi32>
    tpu.vector_store %arg10[%swap3A_74], %swap3A_77 {strides = array<i32>} : memref<128xi32, #tpu.memory_space<vmem>>, vector<16xi32>,
    %dma_start3A = arith.constant 0 : i32
    %dma_start3A_78 = arith.constant 0 : i32
    %dma_start3A_79 = tpu.memref_slice %arg13[%dma_start3A, %dma_start3A_78] : memref<10240x128xf32, #tpu.memory_space<vmem_shared>> -> memref<10240x128xf32, #tpu.memory_space<vmem_shared>>
    tpu.enqueue_indirect_dma source(%arg11 : memref<128x128xf32, #tpu.memory_space<vmem>>) target(%dma_start3A_79 : memref<10240x128xf32, #tpu.memory_space<vmem_shared>>) offsets(%arg10 : memref<128xi32, #tpu.memory_space<vmem>>) semaphore(%arg14 : memref<!tpu.dma_semaphore, #tpu.memory_space<semaphore_mem>>)
    %dma_wait3A = arith.constant 0 : i32
    %dma_wait3A_80 = arith.constant 0 : i32
    %dma_wait3A_81 = tpu.memref_slice %arg13[%dma_wait3A, %dma_wait3A_80] : memref<10240x128xf32, #tpu.memory_space<vmem_shared>> -> memref<10240x128xf32, #tpu.memory_space<vmem_shared>>
    tpu.wait_indirect_dma semaphore(%arg14 : memref<!tpu.dma_semaphore, #tpu.memory_space<semaphore_mem>>) src(%arg11 : memref<128x128xf32, #tpu.memory_space<vmem>>) dst(%dma_wait3A_81 : memref<10240x128xf32, #tpu.memory_space<vmem_shared>>)
    %get3A_82 = arith.constant 1 : i32
    %get3A_83 = arith.index_cast %get3A_82 : i32 to index
    %get3A_84 = arith.constant 0 : index
    %get3A_85 = tpu.vector_load %arg9[%get3A_83, %get3A_84] {strides = array<i32>} : memref<5x128xi32, #tpu.memory_space<vmem>>, vector<1x16xi32>,
    %get3A_86 = vector.shape_cast %get3A_85 : vector<1x16xi32> to vector<16xi32>
    %swap3A_87 = arith.constant 0 : index
    %swap3A_88 = tpu.vector_load %arg10[%swap3A_87] {strides = array<i32>} : memref<128xi32, #tpu.memory_space<vmem>>, vector<16xi32>,
    %swap3A_89 = vector.shape_cast %swap3A_88 : vector<16xi32> to vector<16xi32>
    %swap3A_90 = vector.shape_cast %get3A_86 : vector<16xi32> to vector<16xi32>
    tpu.vector_store %arg10[%swap3A_87], %swap3A_90 {strides = array<i32>} : memref<128xi32, #tpu.memory_space<vmem>>, vector<16xi32>,
    %get3A_91 = arith.constant 1 : i32
    %get3A_92 = arith.index_cast %get3A_91 : i32 to index
    %get3A_93 = arith.constant 16 : index
    %get3A_94 = tpu.vector_load %arg9[%get3A_92, %get3A_93] {strides = array<i32>} : memref<5x128xi32, #tpu.memory_space<vmem>>, vector<1x16xi32>,
    %get3A_95 = vector.shape_cast %get3A_94 : vector<1x16xi32> to vector<16xi32>
    %swap3A_96 = arith.constant 16 : index
    %swap3A_97 = tpu.vector_load %arg10[%swap3A_96] {strides = array<i32>} : memref<128xi32, #tpu.memory_space<vmem>>, vector<16xi32>,
    %swap3A_98 = vector.shape_cast %swap3A_97 : vector<16xi32> to vector<16xi32>
    %swap3A_99 = vector.shape_cast %get3A_95 : vector<16xi32> to vector<16xi32>
    tpu.vector_store %arg10[%swap3A_96], %swap3A_99 {strides = array<i32>} : memref<128xi32, #tpu.memory_space<vmem>>, vector<16xi32>,
    %get3A_100 = arith.constant 1 : i32
    %get3A_101 = arith.index_cast %get3A_100 : i32 to index
    %get3A_102 = arith.constant 32 : index
    %get3A_103 = tpu.vector_load %arg9[%get3A_101, %get3A_102] {strides = array<i32>} : memref<5x128xi32, #tpu.memory_space<vmem>>, vector<1x16xi32>,
    %get3A_104 = vector.shape_cast %get3A_103 : vector<1x16xi32> to vector<16xi32>
    %swap3A_105 = arith.constant 32 : index
    %swap3A_106 = tpu.vector_load %arg10[%swap3A_105] {strides = array<i32>} : memref<128xi32, #tpu.memory_space<vmem>>, vector<16xi32>,
    %swap3A_107 = vector.shape_cast %swap3A_106 : vector<16xi32> to vector<16xi32>
    %swap3A_108 = vector.shape_cast %get3A_104 : vector<16xi32> to vector<16xi32>
    tpu.vector_store %arg10[%swap3A_105], %swap3A_108 {strides = array<i32>} : memref<128xi32, #tpu.memory_space<vmem>>, vector<16xi32>,
    %get3A_109 = arith.constant 1 : i32
    %get3A_110 = arith.index_cast %get3A_109 : i32 to index
    %get3A_111 = arith.constant 48 : index
    %get3A_112 = tpu.vector_load %arg9[%get3A_110, %get3A_111] {strides = array<i32>} : memref<5x128xi32, #tpu.memory_space<vmem>>, vector<1x16xi32>,
    %get3A_113 = vector.shape_cast %get3A_112 : vector<1x16xi32> to vector<16xi32>
    %swap3A_114 = arith.constant 48 : index
    %swap3A_115 = tpu.vector_load %arg10[%swap3A_114] {strides = array<i32>} : memref<128xi32, #tpu.memory_space<vmem>>, vector<16xi32>,
    %swap3A_116 = vector.shape_cast %swap3A_115 : vector<16xi32> to vector<16xi32>
    %swap3A_117 = vector.shape_cast %get3A_113 : vector<16xi32> to vector<16xi32>
    tpu.vector_store %arg10[%swap3A_114], %swap3A_117 {strides = array<i32>} : memref<128xi32, #tpu.memory_space<vmem>>, vector<16xi32>,
    %get3A_118 = arith.constant 1 : i32
    %get3A_119 = arith.index_cast %get3A_118 : i32 to index
    %get3A_120 = arith.constant 64 : index
    %get3A_121 = tpu.vector_load %arg9[%get3A_119, %get3A_120] {strides = array<i32>} : memref<5x128xi32, #tpu.memory_space<vmem>>, vector<1x16xi32>,
    %get3A_122 = vector.shape_cast %get3A_121 : vector<1x16xi32> to vector<16xi32>
    %swap3A_123 = arith.constant 64 : index
    %swap3A_124 = tpu.vector_load %arg10[%swap3A_123] {strides = array<i32>} : memref<128xi32, #tpu.memory_space<vmem>>, vector<16xi32>,
    %swap3A_125 = vector.shape_cast %swap3A_124 : vector<16xi32> to vector<16xi32>
    %swap3A_126 = vector.shape_cast %get3A_122 : vector<16xi32> to vector<16xi32>
    tpu.vector_store %arg10[%swap3A_123], %swap3A_126 {strides = array<i32>} : memref<128xi32, #tpu.memory_space<vmem>>, vector<16xi32>,
    %get3A_127 = arith.constant 1 : i32
    %get3A_128 = arith.index_cast %get3A_127 : i32 to index
    %get3A_129 = arith.constant 80 : index
    %get3A_130 = tpu.vector_load %arg9[%get3A_128, %get3A_129] {strides = array<i32>} : memref<5x128xi32, #tpu.memory_space<vmem>>, vector<1x16xi32>,
    %get3A_131 = vector.shape_cast %get3A_130 : vector<1x16xi32> to vector<16xi32>
    %swap3A_132 = arith.constant 80 : index
    %swap3A_133 = tpu.vector_load %arg10[%swap3A_132] {strides = array<i32>} : memref<128xi32, #tpu.memory_space<vmem>>, vector<16xi32>,
    %swap3A_134 = vector.shape_cast %swap3A_133 : vector<16xi32> to vector<16xi32>
    %swap3A_135 = vector.shape_cast %get3A_131 : vector<16xi32> to vector<16xi32>
    tpu.vector_store %arg10[%swap3A_132], %swap3A_135 {strides = array<i32>} : memref<128xi32, #tpu.memory_space<vmem>>, vector<16xi32>,
    %get3A_136 = arith.constant 1 : i32
    %get3A_137 = arith.index_cast %get3A_136 : i32 to index
    %get3A_138 = arith.constant 96 : index
    %get3A_139 = tpu.vector_load %arg9[%get3A_137, %get3A_138] {strides = array<i32>} : memref<5x128xi32, #tpu.memory_space<vmem>>, vector<1x16xi32>,
    %get3A_140 = vector.shape_cast %get3A_139 : vector<1x16xi32> to vector<16xi32>
    %swap3A_141 = arith.constant 96 : index
    %swap3A_142 = tpu.vector_load %arg10[%swap3A_141] {strides = array<i32>} : memref<128xi32, #tpu.memory_space<vmem>>, vector<16xi32>,
    %swap3A_143 = vector.shape_cast %swap3A_142 : vector<16xi32> to vector<16xi32>
    %swap3A_144 = vector.shape_cast %get3A_140 : vector<16xi32> to vector<16xi32>
    tpu.vector_store %arg10[%swap3A_141], %swap3A_144 {strides = array<i32>} : memref<128xi32, #tpu.memory_space<vmem>>, vector<16xi32>,
    %get3A_145 = arith.constant 1 : i32
    %get3A_146 = arith.index_cast %get3A_145 : i32 to index
    %get3A_147 = arith.constant 112 : index
    %get3A_148 = tpu.vector_load %arg9[%get3A_146, %get3A_147] {strides = array<i32>} : memref<5x128xi32, #tpu.memory_space<vmem>>, vector<1x16xi32>,
    %get3A_149 = vector.shape_cast %get3A_148 : vector<1x16xi32> to vector<16xi32>
    %swap3A_150 = arith.constant 112 : index
    %swap3A_151 = tpu.vector_load %arg10[%swap3A_150] {strides = array<i32>} : memref<128xi32, #tpu.memory_space<vmem>>, vector<16xi32>,
    %swap3A_152 = vector.shape_cast %swap3A_151 : vector<16xi32> to vector<16xi32>
    %swap3A_153 = vector.shape_cast %get3A_149 : vector<16xi32> to vector<16xi32>
    tpu.vector_store %arg10[%swap3A_150], %swap3A_153 {strides = array<i32>} : memref<128xi32, #tpu.memory_space<vmem>>, vector<16xi32>,
    %dma_start3A_154 = arith.constant 0 : i32
    %dma_start3A_155 = arith.constant 0 : i32
    %dma_start3A_156 = tpu.memref_slice %arg13[%dma_start3A_154, %dma_start3A_155] : memref<10240x128xf32, #tpu.memory_space<vmem_shared>> -> memref<10240x128xf32, #tpu.memory_space<vmem_shared>>
    tpu.enqueue_indirect_dma source(%arg11 : memref<128x128xf32, #tpu.memory_space<vmem>>) target(%dma_start3A_156 : memref<10240x128xf32, #tpu.memory_space<vmem_shared>>) offsets(%arg10 : memref<128xi32, #tpu.memory_space<vmem>>) semaphore(%arg14 : memref<!tpu.dma_semaphore, #tpu.memory_space<semaphore_mem>>)
    %dma_wait3A_157 = arith.constant 0 : i32
    %dma_wait3A_158 = arith.constant 0 : i32
    %dma_wait3A_159 = tpu.memref_slice %arg13[%dma_wait3A_157, %dma_wait3A_158] : memref<10240x128xf32, #tpu.memory_space<vmem_shared>> -> memref<10240x128xf32, #tpu.memory_space<vmem_shared>>
    tpu.wait_indirect_dma semaphore(%arg14 : memref<!tpu.dma_semaphore, #tpu.memory_space<semaphore_mem>>) src(%arg11 : memref<128x128xf32, #tpu.memory_space<vmem>>) dst(%dma_wait3A_159 : memref<10240x128xf32, #tpu.memory_space<vmem_shared>>)
    %get3A_160 = arith.constant 2 : i32
    %get3A_161 = arith.index_cast %get3A_160 : i32 to index
    %get3A_162 = arith.constant 0 : index
    %get3A_163 = tpu.vector_load %arg9[%get3A_161, %get3A_162] {strides = array<i32>} : memref<5x128xi32, #tpu.memory_space<vmem>>, vector<1x16xi32>,
    %get3A_164 = vector.shape_cast %get3A_163 : vector<1x16xi32> to vector<16xi32>
    %swap3A_165 = arith.constant 0 : index
    %swap3A_166 = tpu.vector_load %arg10[%swap3A_165] {strides = array<i32>} : memref<128xi32, #tpu.memory_space<vmem>>, vector<16xi32>,
    %swap3A_167 = vector.shape_cast %swap3A_166 : vector<16xi32> to vector<16xi32>
    %swap3A_168 = vector.shape_cast %get3A_164 : vector<16xi32> to vector<16xi32>
    tpu.vector_store %arg10[%swap3A_165], %swap3A_168 {strides = array<i32>} : memref<128xi32, #tpu.memory_space<vmem>>, vector<16xi32>,
    %get3A_169 = arith.constant 2 : i32
    %get3A_170 = arith.index_cast %get3A_169 : i32 to index
    %get3A_171 = arith.constant 16 : index
    %get3A_172 = tpu.vector_load %arg9[%get3A_170, %get3A_171] {strides = array<i32>} : memref<5x128xi32, #tpu.memory_space<vmem>>, vector<1x16xi32>,
    %get3A_173 = vector.shape_cast %get3A_172 : vector<1x16xi32> to vector<16xi32>
    %swap3A_174 = arith.constant 16 : index
    %swap3A_175 = tpu.vector_load %arg10[%swap3A_174] {strides = array<i32>} : memref<128xi32, #tpu.memory_space<vmem>>, vector<16xi32>,
    %swap3A_176 = vector.shape_cast %swap3A_175 : vector<16xi32> to vector<16xi32>
    %swap3A_177 = vector.shape_cast %get3A_173 : vector<16xi32> to vector<16xi32>
    tpu.vector_store %arg10[%swap3A_174], %swap3A_177 {strides = array<i32>} : memref<128xi32, #tpu.memory_space<vmem>>, vector<16xi32>,
    %get3A_178 = arith.constant 2 : i32
    %get3A_179 = arith.index_cast %get3A_178 : i32 to index
    %get3A_180 = arith.constant 32 : index
    %get3A_181 = tpu.vector_load %arg9[%get3A_179, %get3A_180] {strides = array<i32>} : memref<5x128xi32, #tpu.memory_space<vmem>>, vector<1x16xi32>,
    %get3A_182 = vector.shape_cast %get3A_181 : vector<1x16xi32> to vector<16xi32>
    %swap3A_183 = arith.constant 32 : index
    %swap3A_184 = tpu.vector_load %arg10[%swap3A_183] {strides = array<i32>} : memref<128xi32, #tpu.memory_space<vmem>>, vector<16xi32>,
    %swap3A_185 = vector.shape_cast %swap3A_184 : vector<16xi32> to vector<16xi32>
    %swap3A_186 = vector.shape_cast %get3A_182 : vector<16xi32> to vector<16xi32>
    tpu.vector_store %arg10[%swap3A_183], %swap3A_186 {strides = array<i32>} : memref<128xi32, #tpu.memory_space<vmem>>, vector<16xi32>,
    %get3A_187 = arith.constant 2 : i32
    %get3A_188 = arith.index_cast %get3A_187 : i32 to index
    %get3A_189 = arith.constant 48 : index
    %get3A_190 = tpu.vector_load %arg9[%get3A_188, %get3A_189] {strides = array<i32>} : memref<5x128xi32, #tpu.memory_space<vmem>>, vector<1x16xi32>,
    %get3A_191 = vector.shape_cast %get3A_190 : vector<1x16xi32> to vector<16xi32>
    %swap3A_192 = arith.constant 48 : index
    %swap3A_193 = tpu.vector_load %arg10[%swap3A_192] {strides = array<i32>} : memref<128xi32, #tpu.memory_space<vmem>>, vector<16xi32>,
    %swap3A_194 = vector.shape_cast %swap3A_193 : vector<16xi32> to vector<16xi32>
    %swap3A_195 = vector.shape_cast %get3A_191 : vector<16xi32> to vector<16xi32>
    tpu.vector_store %arg10[%swap3A_192], %swap3A_195 {strides = array<i32>} : memref<128xi32, #tpu.memory_space<vmem>>, vector<16xi32>,
    %get3A_196 = arith.constant 2 : i32
    %get3A_197 = arith.index_cast %get3A_196 : i32 to index
    %get3A_198 = arith.constant 64 : index
    %get3A_199 = tpu.vector_load %arg9[%get3A_197, %get3A_198] {strides = array<i32>} : memref<5x128xi32, #tpu.memory_space<vmem>>, vector<1x16xi32>,
    %get3A_200 = vector.shape_cast %get3A_199 : vector<1x16xi32> to vector<16xi32>
    %swap3A_201 = arith.constant 64 : index
    %swap3A_202 = tpu.vector_load %arg10[%swap3A_201] {strides = array<i32>} : memref<128xi32, #tpu.memory_space<vmem>>, vector<16xi32>,
    %swap3A_203 = vector.shape_cast %swap3A_202 : vector<16xi32> to vector<16xi32>
    %swap3A_204 = vector.shape_cast %get3A_200 : vector<16xi32> to vector<16xi32>
    tpu.vector_store %arg10[%swap3A_201], %swap3A_204 {strides = array<i32>} : memref<128xi32, #tpu.memory_space<vmem>>, vector<16xi32>,
    %get3A_205 = arith.constant 2 : i32
    %get3A_206 = arith.index_cast %get3A_205 : i32 to index
    %get3A_207 = arith.constant 80 : index
    %get3A_208 = tpu.vector_load %arg9[%get3A_206, %get3A_207] {strides = array<i32>} : memref<5x128xi32, #tpu.memory_space<vmem>>, vector<1x16xi32>,
    %get3A_209 = vector.shape_cast %get3A_208 : vector<1x16xi32> to vector<16xi32>
    %swap3A_210 = arith.constant 80 : index
    %swap3A_211 = tpu.vector_load %arg10[%swap3A_210] {strides = array<i32>} : memref<128xi32, #tpu.memory_space<vmem>>, vector<16xi32>,
    %swap3A_212 = vector.shape_cast %swap3A_211 : vector<16xi32> to vector<16xi32>
    %swap3A_213 = vector.shape_cast %get3A_209 : vector<16xi32> to vector<16xi32>
    tpu.vector_store %arg10[%swap3A_210], %swap3A_213 {strides = array<i32>} : memref<128xi32, #tpu.memory_space<vmem>>, vector<16xi32>,
    %get3A_214 = arith.constant 2 : i32
    %get3A_215 = arith.index_cast %get3A_214 : i32 to index
    %get3A_216 = arith.constant 96 : index
    %get3A_217 = tpu.vector_load %arg9[%get3A_215, %get3A_216] {strides = array<i32>} : memref<5x128xi32, #tpu.memory_space<vmem>>, vector<1x16xi32>,
    %get3A_218 = vector.shape_cast %get3A_217 : vector<1x16xi32> to vector<16xi32>
    %swap3A_219 = arith.constant 96 : index
    %swap3A_220 = tpu.vector_load %arg10[%swap3A_219] {strides = array<i32>} : memref<128xi32, #tpu.memory_space<vmem>>, vector<16xi32>,
    %swap3A_221 = vector.shape_cast %swap3A_220 : vector<16xi32> to vector<16xi32>
    %swap3A_222 = vector.shape_cast %get3A_218 : vector<16xi32> to vector<16xi32>
    tpu.vector_store %arg10[%swap3A_219], %swap3A_222 {strides = array<i32>} : memref<128xi32, #tpu.memory_space<vmem>>, vector<16xi32>,
    %get3A_223 = arith.constant 2 : i32
    %get3A_224 = arith.index_cast %get3A_223 : i32 to index
    %get3A_225 = arith.constant 112 : index
    %get3A_226 = tpu.vector_load %arg9[%get3A_224, %get3A_225] {strides = array<i32>} : memref<5x128xi32, #tpu.memory_space<vmem>>, vector<1x16xi32>,
    %get3A_227 = vector.shape_cast %get3A_226 : vector<1x16xi32> to vector<16xi32>
    %swap3A_228 = arith.constant 112 : index
    %swap3A_229 = tpu.vector_load %arg10[%swap3A_228] {strides = array<i32>} : memref<128xi32, #tpu.memory_space<vmem>>, vector<16xi32>,
    %swap3A_230 = vector.shape_cast %swap3A_229 : vector<16xi32> to vector<16xi32>
    %swap3A_231 = vector.shape_cast %get3A_227 : vector<16xi32> to vector<16xi32>
    tpu.vector_store %arg10[%swap3A_228], %swap3A_231 {strides = array<i32>} : memref<128xi32, #tpu.memory_space<vmem>>, vector<16xi32>,
    %dma_start3A_232 = arith.constant 0 : i32
    %dma_start3A_233 = arith.constant 0 : i32
    %dma_start3A_234 = tpu.memref_slice %arg13[%dma_start3A_232, %dma_start3A_233] : memref<10240x128xf32, #tpu.memory_space<vmem_shared>> -> memref<10240x128xf32, #tpu.memory_space<vmem_shared>>
    tpu.enqueue_indirect_dma source(%arg11 : memref<128x128xf32, #tpu.memory_space<vmem>>) target(%dma_start3A_234 : memref<10240x128xf32, #tpu.memory_space<vmem_shared>>) offsets(%arg10 : memref<128xi32, #tpu.memory_space<vmem>>) semaphore(%arg14 : memref<!tpu.dma_semaphore, #tpu.memory_space<semaphore_mem>>)
    %dma_wait3A_235 = arith.constant 0 : i32
    %dma_wait3A_236 = arith.constant 0 : i32
    %dma_wait3A_237 = tpu.memref_slice %arg13[%dma_wait3A_235, %dma_wait3A_236] : memref<10240x128xf32, #tpu.memory_space<vmem_shared>> -> memref<10240x128xf32, #tpu.memory_space<vmem_shared>>
    tpu.wait_indirect_dma semaphore(%arg14 : memref<!tpu.dma_semaphore, #tpu.memory_space<semaphore_mem>>) src(%arg11 : memref<128x128xf32, #tpu.memory_space<vmem>>) dst(%dma_wait3A_237 : memref<10240x128xf32, #tpu.memory_space<vmem_shared>>)
    %get3A_238 = arith.constant 3 : i32
    %get3A_239 = arith.index_cast %get3A_238 : i32 to index
    %get3A_240 = arith.constant 0 : index
    %get3A_241 = tpu.vector_load %arg9[%get3A_239, %get3A_240] {strides = array<i32>} : memref<5x128xi32, #tpu.memory_space<vmem>>, vector<1x16xi32>,
    %get3A_242 = vector.shape_cast %get3A_241 : vector<1x16xi32> to vector<16xi32>
    %swap3A_243 = arith.constant 0 : index
    %swap3A_244 = tpu.vector_load %arg10[%swap3A_243] {strides = array<i32>} : memref<128xi32, #tpu.memory_space<vmem>>, vector<16xi32>,
    %swap3A_245 = vector.shape_cast %swap3A_244 : vector<16xi32> to vector<16xi32>
    %swap3A_246 = vector.shape_cast %get3A_242 : vector<16xi32> to vector<16xi32>
    tpu.vector_store %arg10[%swap3A_243], %swap3A_246 {strides = array<i32>} : memref<128xi32, #tpu.memory_space<vmem>>, vector<16xi32>,
    %get3A_247 = arith.constant 3 : i32
    %get3A_248 = arith.index_cast %get3A_247 : i32 to index
    %get3A_249 = arith.constant 16 : index
    %get3A_250 = tpu.vector_load %arg9[%get3A_248, %get3A_249] {strides = array<i32>} : memref<5x128xi32, #tpu.memory_space<vmem>>, vector<1x16xi32>,
    %get3A_251 = vector.shape_cast %get3A_250 : vector<1x16xi32> to vector<16xi32>
    %swap3A_252 = arith.constant 16 : index
    %swap3A_253 = tpu.vector_load %arg10[%swap3A_252] {strides = array<i32>} : memref<128xi32, #tpu.memory_space<vmem>>, vector<16xi32>,
    %swap3A_254 = vector.shape_cast %swap3A_253 : vector<16xi32> to vector<16xi32>
    %swap3A_255 = vector.shape_cast %get3A_251 : vector<16xi32> to vector<16xi32>
    tpu.vector_store %arg10[%swap3A_252], %swap3A_255 {strides = array<i32>} : memref<128xi32, #tpu.memory_space<vmem>>, vector<16xi32>,
    %get3A_256 = arith.constant 3 : i32
    %get3A_257 = arith.index_cast %get3A_256 : i32 to index
    %get3A_258 = arith.constant 32 : index
    %get3A_259 = tpu.vector_load %arg9[%get3A_257, %get3A_258] {strides = array<i32>} : memref<5x128xi32, #tpu.memory_space<vmem>>, vector<1x16xi32>,
    %get3A_260 = vector.shape_cast %get3A_259 : vector<1x16xi32> to vector<16xi32>
    %swap3A_261 = arith.constant 32 : index
    %swap3A_262 = tpu.vector_load %arg10[%swap3A_261] {strides = array<i32>} : memref<128xi32, #tpu.memory_space<vmem>>, vector<16xi32>,
    %swap3A_263 = vector.shape_cast %swap3A_262 : vector<16xi32> to vector<16xi32>
    %swap3A_264 = vector.shape_cast %get3A_260 : vector<16xi32> to vector<16xi32>
    tpu.vector_store %arg10[%swap3A_261], %swap3A_264 {strides = array<i32>} : memref<128xi32, #tpu.memory_space<vmem>>, vector<16xi32>,
    %get3A_265 = arith.constant 3 : i32
    %get3A_266 = arith.index_cast %get3A_265 : i32 to index
    %get3A_267 = arith.constant 48 : index
    %get3A_268 = tpu.vector_load %arg9[%get3A_266, %get3A_267] {strides = array<i32>} : memref<5x128xi32, #tpu.memory_space<vmem>>, vector<1x16xi32>,
    %get3A_269 = vector.shape_cast %get3A_268 : vector<1x16xi32> to vector<16xi32>
    %swap3A_270 = arith.constant 48 : index
    %swap3A_271 = tpu.vector_load %arg10[%swap3A_270] {strides = array<i32>} : memref<128xi32, #tpu.memory_space<vmem>>, vector<16xi32>,
    %swap3A_272 = vector.shape_cast %swap3A_271 : vector<16xi32> to vector<16xi32>
    %swap3A_273 = vector.shape_cast %get3A_269 : vector<16xi32> to vector<16xi32>
    tpu.vector_store %arg10[%swap3A_270], %swap3A_273 {strides = array<i32>} : memref<128xi32, #tpu.memory_space<vmem>>, vector<16xi32>,
    %get3A_274 = arith.constant 3 : i32
    %get3A_275 = arith.index_cast %get3A_274 : i32 to index
    %get3A_276 = arith.constant 64 : index
    %get3A_277 = tpu.vector_load %arg9[%get3A_275, %get3A_276] {strides = array<i32>} : memref<5x128xi32, #tpu.memory_space<vmem>>, vector<1x16xi32>,
    %get3A_278 = vector.shape_cast %get3A_277 : vector<1x16xi32> to vector<16xi32>
    %swap3A_279 = arith.constant 64 : index
    %swap3A_280 = tpu.vector_load %arg10[%swap3A_279] {strides = array<i32>} : memref<128xi32, #tpu.memory_space<vmem>>, vector<16xi32>,
    %swap3A_281 = vector.shape_cast %swap3A_280 : vector<16xi32> to vector<16xi32>
    %swap3A_282 = vector.shape_cast %get3A_278 : vector<16xi32> to vector<16xi32>
    tpu.vector_store %arg10[%swap3A_279], %swap3A_282 {strides = array<i32>} : memref<128xi32, #tpu.memory_space<vmem>>, vector<16xi32>,
    %get3A_283 = arith.constant 3 : i32
    %get3A_284 = arith.index_cast %get3A_283 : i32 to index
    %get3A_285 = arith.constant 80 : index
    %get3A_286 = tpu.vector_load %arg9[%get3A_284, %get3A_285] {strides = array<i32>} : memref<5x128xi32, #tpu.memory_space<vmem>>, vector<1x16xi32>,
    %get3A_287 = vector.shape_cast %get3A_286 : vector<1x16xi32> to vector<16xi32>
    %swap3A_288 = arith.constant 80 : index
    %swap3A_289 = tpu.vector_load %arg10[%swap3A_288] {strides = array<i32>} : memref<128xi32, #tpu.memory_space<vmem>>, vector<16xi32>,
    %swap3A_290 = vector.shape_cast %swap3A_289 : vector<16xi32> to vector<16xi32>
    %swap3A_291 = vector.shape_cast %get3A_287 : vector<16xi32> to vector<16xi32>
    tpu.vector_store %arg10[%swap3A_288], %swap3A_291 {strides = array<i32>} : memref<128xi32, #tpu.memory_space<vmem>>, vector<16xi32>,
    %get3A_292 = arith.constant 3 : i32
    %get3A_293 = arith.index_cast %get3A_292 : i32 to index
    %get3A_294 = arith.constant 96 : index
    %get3A_295 = tpu.vector_load %arg9[%get3A_293, %get3A_294] {strides = array<i32>} : memref<5x128xi32, #tpu.memory_space<vmem>>, vector<1x16xi32>,
    %get3A_296 = vector.shape_cast %get3A_295 : vector<1x16xi32> to vector<16xi32>
    %swap3A_297 = arith.constant 96 : index
    %swap3A_298 = tpu.vector_load %arg10[%swap3A_297] {strides = array<i32>} : memref<128xi32, #tpu.memory_space<vmem>>, vector<16xi32>,
    %swap3A_299 = vector.shape_cast %swap3A_298 : vector<16xi32> to vector<16xi32>
    %swap3A_300 = vector.shape_cast %get3A_296 : vector<16xi32> to vector<16xi32>
    tpu.vector_store %arg10[%swap3A_297], %swap3A_300 {strides = array<i32>} : memref<128xi32, #tpu.memory_space<vmem>>, vector<16xi32>,
    %get3A_301 = arith.constant 3 : i32
    %get3A_302 = arith.index_cast %get3A_301 : i32 to index
    %get3A_303 = arith.constant 112 : index
    %get3A_304 = tpu.vector_load %arg9[%get3A_302, %get3A_303] {strides = array<i32>} : memref<5x128xi32, #tpu.memory_space<vmem>>, vector<1x16xi32>,
    %get3A_305 = vector.shape_cast %get3A_304 : vector<1x16xi32> to vector<16xi32>
    %swap3A_306 = arith.constant 112 : index
    %swap3A_307 = tpu.vector_load %arg10[%swap3A_306] {strides = array<i32>} : memref<128xi32, #tpu.memory_space<vmem>>, vector<16xi32>,
    %swap3A_308 = vector.shape_cast %swap3A_307 : vector<16xi32> to vector<16xi32>
    %swap3A_309 = vector.shape_cast %get3A_305 : vector<16xi32> to vector<16xi32>
    tpu.vector_store %arg10[%swap3A_306], %swap3A_309 {strides = array<i32>} : memref<128xi32, #tpu.memory_space<vmem>>, vector<16xi32>,
    %dma_start3A_310 = arith.constant 0 : i32
    %dma_start3A_311 = arith.constant 0 : i32
    %dma_start3A_312 = tpu.memref_slice %arg13[%dma_start3A_310, %dma_start3A_311] : memref<10240x128xf32, #tpu.memory_space<vmem_shared>> -> memref<10240x128xf32, #tpu.memory_space<vmem_shared>>
    tpu.enqueue_indirect_dma source(%arg11 : memref<128x128xf32, #tpu.memory_space<vmem>>) target(%dma_start3A_312 : memref<10240x128xf32, #tpu.memory_space<vmem_shared>>) offsets(%arg10 : memref<128xi32, #tpu.memory_space<vmem>>) semaphore(%arg14 : memref<!tpu.dma_semaphore, #tpu.memory_space<semaphore_mem>>)
    %dma_wait3A_313 = arith.constant 0 : i32
    %dma_wait3A_314 = arith.constant 0 : i32
    %dma_wait3A_315 = tpu.memref_slice %arg13[%dma_wait3A_313, %dma_wait3A_314] : memref<10240x128xf32, #tpu.memory_space<vmem_shared>> -> memref<10240x128xf32, #tpu.memory_space<vmem_shared>>
    tpu.wait_indirect_dma semaphore(%arg14 : memref<!tpu.dma_semaphore, #tpu.memory_space<semaphore_mem>>) src(%arg11 : memref<128x128xf32, #tpu.memory_space<vmem>>) dst(%dma_wait3A_315 : memref<10240x128xf32, #tpu.memory_space<vmem_shared>>)
    %get3A_316 = arith.constant 4 : i32
    %get3A_317 = arith.index_cast %get3A_316 : i32 to index
    %get3A_318 = arith.constant 0 : index
    %get3A_319 = tpu.vector_load %arg9[%get3A_317, %get3A_318] {strides = array<i32>} : memref<5x128xi32, #tpu.memory_space<vmem>>, vector<1x16xi32>,
    %get3A_320 = vector.shape_cast %get3A_319 : vector<1x16xi32> to vector<16xi32>
    %swap3A_321 = arith.constant 0 : index
    %swap3A_322 = tpu.vector_load %arg10[%swap3A_321] {strides = array<i32>} : memref<128xi32, #tpu.memory_space<vmem>>, vector<16xi32>,
    %swap3A_323 = vector.shape_cast %swap3A_322 : vector<16xi32> to vector<16xi32>
    %swap3A_324 = vector.shape_cast %get3A_320 : vector<16xi32> to vector<16xi32>
    tpu.vector_store %arg10[%swap3A_321], %swap3A_324 {strides = array<i32>} : memref<128xi32, #tpu.memory_space<vmem>>, vector<16xi32>,
    %get3A_325 = arith.constant 4 : i32
    %get3A_326 = arith.index_cast %get3A_325 : i32 to index
    %get3A_327 = arith.constant 16 : index
    %get3A_328 = tpu.vector_load %arg9[%get3A_326, %get3A_327] {strides = array<i32>} : memref<5x128xi32, #tpu.memory_space<vmem>>, vector<1x16xi32>,
    %get3A_329 = vector.shape_cast %get3A_328 : vector<1x16xi32> to vector<16xi32>
    %swap3A_330 = arith.constant 16 : index
    %swap3A_331 = tpu.vector_load %arg10[%swap3A_330] {strides = array<i32>} : memref<128xi32, #tpu.memory_space<vmem>>, vector<16xi32>,
    %swap3A_332 = vector.shape_cast %swap3A_331 : vector<16xi32> to vector<16xi32>
    %swap3A_333 = vector.shape_cast %get3A_329 : vector<16xi32> to vector<16xi32>
    tpu.vector_store %arg10[%swap3A_330], %swap3A_333 {strides = array<i32>} : memref<128xi32, #tpu.memory_space<vmem>>, vector<16xi32>,
    %get3A_334 = arith.constant 4 : i32
    %get3A_335 = arith.index_cast %get3A_334 : i32 to index
    %get3A_336 = arith.constant 32 : index
    %get3A_337 = tpu.vector_load %arg9[%get3A_335, %get3A_336] {strides = array<i32>} : memref<5x128xi32, #tpu.memory_space<vmem>>, vector<1x16xi32>,
    %get3A_338 = vector.shape_cast %get3A_337 : vector<1x16xi32> to vector<16xi32>
    %swap3A_339 = arith.constant 32 : index
    %swap3A_340 = tpu.vector_load %arg10[%swap3A_339] {strides = array<i32>} : memref<128xi32, #tpu.memory_space<vmem>>, vector<16xi32>,
    %swap3A_341 = vector.shape_cast %swap3A_340 : vector<16xi32> to vector<16xi32>
    %swap3A_342 = vector.shape_cast %get3A_338 : vector<16xi32> to vector<16xi32>
    tpu.vector_store %arg10[%swap3A_339], %swap3A_342 {strides = array<i32>} : memref<128xi32, #tpu.memory_space<vmem>>, vector<16xi32>,
    %get3A_343 = arith.constant 4 : i32
    %get3A_344 = arith.index_cast %get3A_343 : i32 to index
    %get3A_345 = arith.constant 48 : index
    %get3A_346 = tpu.vector_load %arg9[%get3A_344, %get3A_345] {strides = array<i32>} : memref<5x128xi32, #tpu.memory_space<vmem>>, vector<1x16xi32>,
    %get3A_347 = vector.shape_cast %get3A_346 : vector<1x16xi32> to vector<16xi32>
    %swap3A_348 = arith.constant 48 : index
    %swap3A_349 = tpu.vector_load %arg10[%swap3A_348] {strides = array<i32>} : memref<128xi32, #tpu.memory_space<vmem>>, vector<16xi32>,
    %swap3A_350 = vector.shape_cast %swap3A_349 : vector<16xi32> to vector<16xi32>
    %swap3A_351 = vector.shape_cast %get3A_347 : vector<16xi32> to vector<16xi32>
    tpu.vector_store %arg10[%swap3A_348], %swap3A_351 {strides = array<i32>} : memref<128xi32, #tpu.memory_space<vmem>>, vector<16xi32>,
    %get3A_352 = arith.constant 4 : i32
    %get3A_353 = arith.index_cast %get3A_352 : i32 to index
    %get3A_354 = arith.constant 64 : index
    %get3A_355 = tpu.vector_load %arg9[%get3A_353, %get3A_354] {strides = array<i32>} : memref<5x128xi32, #tpu.memory_space<vmem>>, vector<1x16xi32>,
    %get3A_356 = vector.shape_cast %get3A_355 : vector<1x16xi32> to vector<16xi32>
    %swap3A_357 = arith.constant 64 : index
    %swap3A_358 = tpu.vector_load %arg10[%swap3A_357] {strides = array<i32>} : memref<128xi32, #tpu.memory_space<vmem>>, vector<16xi32>,
    %swap3A_359 = vector.shape_cast %swap3A_358 : vector<16xi32> to vector<16xi32>
    %swap3A_360 = vector.shape_cast %get3A_356 : vector<16xi32> to vector<16xi32>
    tpu.vector_store %arg10[%swap3A_357], %swap3A_360 {strides = array<i32>} : memref<128xi32, #tpu.memory_space<vmem>>, vector<16xi32>,
    %get3A_361 = arith.constant 4 : i32
    %get3A_362 = arith.index_cast %get3A_361 : i32 to index
    %get3A_363 = arith.constant 80 : index
    %get3A_364 = tpu.vector_load %arg9[%get3A_362, %get3A_363] {strides = array<i32>} : memref<5x128xi32, #tpu.memory_space<vmem>>, vector<1x16xi32>,
    %get3A_365 = vector.shape_cast %get3A_364 : vector<1x16xi32> to vector<16xi32>
    %swap3A_366 = arith.constant 80 : index
    %swap3A_367 = tpu.vector_load %arg10[%swap3A_366] {strides = array<i32>} : memref<128xi32, #tpu.memory_space<vmem>>, vector<16xi32>,
    %swap3A_368 = vector.shape_cast %swap3A_367 : vector<16xi32> to vector<16xi32>
    %swap3A_369 = vector.shape_cast %get3A_365 : vector<16xi32> to vector<16xi32>
    tpu.vector_store %arg10[%swap3A_366], %swap3A_369 {strides = array<i32>} : memref<128xi32, #tpu.memory_space<vmem>>, vector<16xi32>,
    %get3A_370 = arith.constant 4 : i32
    %get3A_371 = arith.index_cast %get3A_370 : i32 to index
    %get3A_372 = arith.constant 96 : index
    %get3A_373 = tpu.vector_load %arg9[%get3A_371, %get3A_372] {strides = array<i32>} : memref<5x128xi32, #tpu.memory_space<vmem>>, vector<1x16xi32>,
    %get3A_374 = vector.shape_cast %get3A_373 : vector<1x16xi32> to vector<16xi32>
    %swap3A_375 = arith.constant 96 : index
    %swap3A_376 = tpu.vector_load %arg10[%swap3A_375] {strides = array<i32>} : memref<128xi32, #tpu.memory_space<vmem>>, vector<16xi32>,
    %swap3A_377 = vector.shape_cast %swap3A_376 : vector<16xi32> to vector<16xi32>
    %swap3A_378 = vector.shape_cast %get3A_374 : vector<16xi32> to vector<16xi32>
    tpu.vector_store %arg10[%swap3A_375], %swap3A_378 {strides = array<i32>} : memref<128xi32, #tpu.memory_space<vmem>>, vector<16xi32>,
    %get3A_379 = arith.constant 4 : i32
    %get3A_380 = arith.index_cast %get3A_379 : i32 to index
    %get3A_381 = arith.constant 112 : index
    %get3A_382 = tpu.vector_load %arg9[%get3A_380, %get3A_381] {strides = array<i32>} : memref<5x128xi32, #tpu.memory_space<vmem>>, vector<1x16xi32>,
    %get3A_383 = vector.shape_cast %get3A_382 : vector<1x16xi32> to vector<16xi32>
    %swap3A_384 = arith.constant 112 : index
    %swap3A_385 = tpu.vector_load %arg10[%swap3A_384] {strides = array<i32>} : memref<128xi32, #tpu.memory_space<vmem>>, vector<16xi32>,
    %swap3A_386 = vector.shape_cast %swap3A_385 : vector<16xi32> to vector<16xi32>
    %swap3A_387 = vector.shape_cast %get3A_383 : vector<16xi32> to vector<16xi32>
    tpu.vector_store %arg10[%swap3A_384], %swap3A_387 {strides = array<i32>} : memref<128xi32, #tpu.memory_space<vmem>>, vector<16xi32>,
    %dma_start3A_388 = arith.constant 0 : i32
    %dma_start3A_389 = arith.constant 0 : i32
    %dma_start3A_390 = tpu.memref_slice %arg13[%dma_start3A_388, %dma_start3A_389] : memref<10240x128xf32, #tpu.memory_space<vmem_shared>> -> memref<10240x128xf32, #tpu.memory_space<vmem_shared>>
    tpu.enqueue_indirect_dma source(%arg11 : memref<128x128xf32, #tpu.memory_space<vmem>>) target(%dma_start3A_390 : memref<10240x128xf32, #tpu.memory_space<vmem_shared>>) offsets(%arg10 : memref<128xi32, #tpu.memory_space<vmem>>) semaphore(%arg14 : memref<!tpu.dma_semaphore, #tpu.memory_space<semaphore_mem>>)
    %dma_wait3A_391 = arith.constant 0 : i32
    %dma_wait3A_392 = arith.constant 0 : i32
    %dma_wait3A_393 = tpu.memref_slice %arg13[%dma_wait3A_391, %dma_wait3A_392] : memref<10240x128xf32, #tpu.memory_space<vmem_shared>> -> memref<10240x128xf32, #tpu.memory_space<vmem_shared>>
    tpu.wait_indirect_dma semaphore(%arg14 : memref<!tpu.dma_semaphore, #tpu.memory_space<semaphore_mem>>) src(%arg11 : memref<128x128xf32, #tpu.memory_space<vmem>>) dst(%dma_wait3A_393 : memref<10240x128xf32, #tpu.memory_space<vmem_shared>>)
    %barrier3A = arith.constant 0 : index
    tpu.barrier barrier_id(%barrier3A)
    "tpu.region"() ({
      %run_scoped3A = tpu.sem_alloc : memref<!tpu.dma_semaphore, #tpu.memory_space<semaphore_mem>>
      %dma_start3A_599 = arith.constant 0 : i32
      %dma_start3A_600 = arith.constant 0 : i32
      %dma_start3A_601 = tpu.memref_slice %arg3[%add3A, %dma_start3A_599, %dma_start3A_600] : memref<32x80x128xi32, #tpu.memory_space<hbm>> -> memref<1x40x128xi32, #tpu.memory_space<hbm>>
      %dma_start3A_602 = tpu.memref_squeeze %dma_start3A_601 : memref<1x40x128xi32, #tpu.memory_space<hbm>> -> memref<40x128xi32, #tpu.memory_space<hbm>>
      %dma_start3A_603 = arith.constant 0 : i32
      %dma_start3A_604 = arith.constant 0 : i32
      %dma_start3A_605 = tpu.memref_slice %arg3[%add3A, %dma_start3A_603, %dma_start3A_604] : memref<32x80x128xi32, #tpu.memory_space<hbm>> -> memref<1x40x128xi32, #tpu.memory_space<hbm>>
      %dma_start3A_606 = tpu.memref_squeeze %dma_start3A_605 : memref<1x40x128xi32, #tpu.memory_space<hbm>> -> memref<40x128xi32, #tpu.memory_space<hbm>>
      tpu.enqueue_dma source(%dma_start3A_606 : memref<40x128xi32, #tpu.memory_space<hbm>>) target(%arg7 : memref<40x128xi32, #tpu.memory_space<vmem>>) target_semaphore(%run_scoped3A : memref<!tpu.dma_semaphore, #tpu.memory_space<semaphore_mem>>)
      %dma_wait3A_607 = arith.constant 0 : i32
      %dma_wait3A_608 = arith.constant 0 : i32
      %dma_wait3A_609 = tpu.memref_slice %arg3[%add3A, %dma_wait3A_607, %dma_wait3A_608] : memref<32x80x128xi32, #tpu.memory_space<hbm>> -> memref<1x40x128xi32, #tpu.memory_space<hbm>>
      %dma_wait3A_610 = tpu.memref_squeeze %dma_wait3A_609 : memref<1x40x128xi32, #tpu.memory_space<hbm>> -> memref<40x128xi32, #tpu.memory_space<hbm>>
      %dma_wait3A_611 = arith.constant 0 : i32
      %dma_wait3A_612 = arith.constant 0 : i32
      %dma_wait3A_613 = tpu.memref_slice %arg3[%add3A, %dma_wait3A_611, %dma_wait3A_612] : memref<32x80x128xi32, #tpu.memory_space<hbm>> -> memref<1x40x128xi32, #tpu.memory_space<hbm>>
      %dma_wait3A_614 = tpu.memref_squeeze %dma_wait3A_613 : memref<1x40x128xi32, #tpu.memory_space<hbm>> -> memref<40x128xi32, #tpu.memory_space<hbm>>
      tpu.wait_dma2 semaphore(%run_scoped3A : memref<!tpu.dma_semaphore, #tpu.memory_space<semaphore_mem>>) src(%dma_wait3A_614 : memref<40x128xi32, #tpu.memory_space<hbm>>) dst(%arg7 : memref<40x128xi32, #tpu.memory_space<vmem>>)
      tpu.yield
    }) : () -> ()
    "tpu.region"() ({
      %run_scoped3A = tpu.sem_alloc : memref<!tpu.dma_semaphore, #tpu.memory_space<semaphore_mem>>
      %dma_start3A_599 = arith.constant 0 : i32
      %dma_start3A_600 = arith.constant 0 : i32
      %dma_start3A_601 = tpu.memref_slice %arg4[%add3A, %dma_start3A_599, %dma_start3A_600] : memref<32x80x128xi32, #tpu.memory_space<hbm>> -> memref<1x40x128xi32, #tpu.memory_space<hbm>>
      %dma_start3A_602 = tpu.memref_squeeze %dma_start3A_601 : memref<1x40x128xi32, #tpu.memory_space<hbm>> -> memref<40x128xi32, #tpu.memory_space<hbm>>
      %dma_start3A_603 = arith.constant 0 : i32
      %dma_start3A_604 = arith.constant 0 : i32
      %dma_start3A_605 = tpu.memref_slice %arg4[%add3A, %dma_start3A_603, %dma_start3A_604] : memref<32x80x128xi32, #tpu.memory_space<hbm>> -> memref<1x40x128xi32, #tpu.memory_space<hbm>>
      %dma_start3A_606 = tpu.memref_squeeze %dma_start3A_605 : memref<1x40x128xi32, #tpu.memory_space<hbm>> -> memref<40x128xi32, #tpu.memory_space<hbm>>
      tpu.enqueue_dma source(%dma_start3A_606 : memref<40x128xi32, #tpu.memory_space<hbm>>) target(%arg8 : memref<40x128xi32, #tpu.memory_space<vmem>>) target_semaphore(%run_scoped3A : memref<!tpu.dma_semaphore, #tpu.memory_space<semaphore_mem>>)
      %dma_wait3A_607 = arith.constant 0 : i32
      %dma_wait3A_608 = arith.constant 0 : i32
      %dma_wait3A_609 = tpu.memref_slice %arg4[%add3A, %dma_wait3A_607, %dma_wait3A_608] : memref<32x80x128xi32, #tpu.memory_space<hbm>> -> memref<1x40x128xi32, #tpu.memory_space<hbm>>
      %dma_wait3A_610 = tpu.memref_squeeze %dma_wait3A_609 : memref<1x40x128xi32, #tpu.memory_space<hbm>> -> memref<40x128xi32, #tpu.memory_space<hbm>>
      %dma_wait3A_611 = arith.constant 0 : i32
      %dma_wait3A_612 = arith.constant 0 : i32
      %dma_wait3A_613 = tpu.memref_slice %arg4[%add3A, %dma_wait3A_611, %dma_wait3A_612] : memref<32x80x128xi32, #tpu.memory_space<hbm>> -> memref<1x40x128xi32, #tpu.memory_space<hbm>>
      %dma_wait3A_614 = tpu.memref_squeeze %dma_wait3A_613 : memref<1x40x128xi32, #tpu.memory_space<hbm>> -> memref<40x128xi32, #tpu.memory_space<hbm>>
      tpu.wait_dma2 semaphore(%run_scoped3A : memref<!tpu.dma_semaphore, #tpu.memory_space<semaphore_mem>>) src(%dma_wait3A_614 : memref<40x128xi32, #tpu.memory_space<hbm>>) dst(%arg8 : memref<40x128xi32, #tpu.memory_space<vmem>>)
      tpu.yield
    }) : () -> ()
    %dma_start3A_394 = arith.constant 0 : i32
    %dma_start3A_395 = arith.constant 0 : i32
    %dma_start3A_396 = tpu.memref_slice %arg7[%dma_start3A_394, %dma_start3A_395] : memref<40x128xi32, #tpu.memory_space<vmem>> -> memref<1x128xi32, #tpu.memory_space<vmem>>
    %dma_start3A_397 = tpu.memref_squeeze %dma_start3A_396 : memref<1x128xi32, #tpu.memory_space<vmem>> -> memref<128xi32, #tpu.memory_space<vmem>>
    %dma_start3A_398 = arith.constant 0 : i32
    %dma_start3A_399 = arith.constant 0 : i32
    %dma_start3A_400 = tpu.memref_slice %arg2[%dma_start3A_398, %dma_start3A_399] : memref<10000x128xf32, #tpu.memory_space<hbm>> -> memref<10000x128xf32, #tpu.memory_space<hbm>>
    tpu.enqueue_indirect_dma source(%dma_start3A_400 : memref<10000x128xf32, #tpu.memory_space<hbm>>) target(%arg11 : memref<128x128xf32, #tpu.memory_space<vmem>>) offsets(%dma_start3A_397 : memref<128xi32, #tpu.memory_space<vmem>>) semaphore(%arg14 : memref<!tpu.dma_semaphore, #tpu.memory_space<semaphore_mem>>)
    %dma_start3A_401 = arith.constant 1 : i32
    %dma_start3A_402 = arith.constant 0 : i32
    %dma_start3A_403 = tpu.memref_slice %arg7[%dma_start3A_401, %dma_start3A_402] : memref<40x128xi32, #tpu.memory_space<vmem>> -> memref<1x128xi32, #tpu.memory_space<vmem>>
    %dma_start3A_404 = tpu.memref_squeeze %dma_start3A_403 : memref<1x128xi32, #tpu.memory_space<vmem>> -> memref<128xi32, #tpu.memory_space<vmem>>
    %dma_start3A_405 = arith.constant 0 : i32
    %dma_start3A_406 = arith.constant 0 : i32
    %dma_start3A_407 = tpu.memref_slice %arg2[%dma_start3A_405, %dma_start3A_406] : memref<10000x128xf32, #tpu.memory_space<hbm>> -> memref<10000x128xf32, #tpu.memory_space<hbm>>
    tpu.enqueue_indirect_dma source(%dma_start3A_407 : memref<10000x128xf32, #tpu.memory_space<hbm>>) target(%arg12 : memref<128x128xf32, #tpu.memory_space<vmem>>) offsets(%dma_start3A_404 : memref<128xi32, #tpu.memory_space<vmem>>) semaphore(%arg16 : memref<!tpu.dma_semaphore, #tpu.memory_space<semaphore_mem>>)
    %scan3A_408 = arith.constant 0 : i32
    %scan3A_409 = arith.constant 0 : i32
    %scan3A_410 = arith.constant 19 : i32
    %scan3A_411 = arith.addi %scan3A_409, %scan3A_410 : i32
    %scan3A_412 = arith.constant 1 : i32
    scf.for %scan3A_599 = %scan3A_409 to %scan3A_411 step %scan3A_412  : i32 {
      %mul3A_600 = arith.constant 2 : i32
      %mul3A_601 = arith.muli %mul3A_600, %scan3A_599 : i32
      %dma_wait3A_602 = arith.constant 0 : i32
      %dma_wait3A_603 = tpu.memref_slice %arg7[%mul3A_601, %dma_wait3A_602] : memref<40x128xi32, #tpu.memory_space<vmem>> -> memref<1x128xi32, #tpu.memory_space<vmem>>
      %dma_wait3A_604 = tpu.memref_squeeze %dma_wait3A_603 : memref<1x128xi32, #tpu.memory_space<vmem>> -> memref<128xi32, #tpu.memory_space<vmem>>
      %dma_wait3A_605 = arith.constant 0 : i32
      %dma_wait3A_606 = arith.constant 0 : i32
      %dma_wait3A_607 = tpu.memref_slice %arg2[%dma_wait3A_605, %dma_wait3A_606] : memref<10000x128xf32, #tpu.memory_space<hbm>> -> memref<10000x128xf32, #tpu.memory_space<hbm>>
      tpu.wait_indirect_dma semaphore(%arg14 : memref<!tpu.dma_semaphore, #tpu.memory_space<semaphore_mem>>) src(%dma_wait3A_607 : memref<10000x128xf32, #tpu.memory_space<hbm>>) dst(%arg11 : memref<128x128xf32, #tpu.memory_space<vmem>>)
      %dma_start3A_608 = arith.constant 0 : i32
      %dma_start3A_609 = tpu.memref_slice %arg8[%mul3A_601, %dma_start3A_608] : memref<40x128xi32, #tpu.memory_space<vmem>> -> memref<1x128xi32, #tpu.memory_space<vmem>>
      %dma_start3A_610 = tpu.memref_squeeze %dma_start3A_609 : memref<1x128xi32, #tpu.memory_space<vmem>> -> memref<128xi32, #tpu.memory_space<vmem>>
      %dma_start3A_611 = arith.constant 0 : i32
      %dma_start3A_612 = arith.constant 0 : i32
      %dma_start3A_613 = tpu.memref_slice %arg13[%dma_start3A_611, %dma_start3A_612] : memref<10240x128xf32, #tpu.memory_space<vmem_shared>> -> memref<10240x128xf32, #tpu.memory_space<vmem_shared>>
      tpu.enqueue_indirect_dma source(%arg11 : memref<128x128xf32, #tpu.memory_space<vmem>>) target(%dma_start3A_613 : memref<10240x128xf32, #tpu.memory_space<vmem_shared>>) offsets(%dma_start3A_610 : memref<128xi32, #tpu.memory_space<vmem>>) semaphore(%arg15 : memref<!tpu.dma_semaphore, #tpu.memory_space<semaphore_mem>>) {add = true}
      %dma_wait3A_614 = arith.constant 0 : i32
      %dma_wait3A_615 = tpu.memref_slice %arg8[%mul3A_601, %dma_wait3A_614] : memref<40x128xi32, #tpu.memory_space<vmem>> -> memref<1x128xi32, #tpu.memory_space<vmem>>
      %dma_wait3A_616 = tpu.memref_squeeze %dma_wait3A_615 : memref<1x128xi32, #tpu.memory_space<vmem>> -> memref<128xi32, #tpu.memory_space<vmem>>
      %dma_wait3A_617 = arith.constant 0 : i32
      %dma_wait3A_618 = arith.constant 0 : i32
      %dma_wait3A_619 = tpu.memref_slice %arg13[%dma_wait3A_617, %dma_wait3A_618] : memref<10240x128xf32, #tpu.memory_space<vmem_shared>> -> memref<10240x128xf32, #tpu.memory_space<vmem_shared>>
      tpu.wait_indirect_dma semaphore(%arg15 : memref<!tpu.dma_semaphore, #tpu.memory_space<semaphore_mem>>) src(%arg11 : memref<128x128xf32, #tpu.memory_space<vmem>>) dst(%dma_wait3A_619 : memref<10240x128xf32, #tpu.memory_space<vmem_shared>>)
      %add3A_620 = arith.constant 2 : i32
      %add3A_621 = arith.addi %mul3A_601, %add3A_620 : i32
      %dma_start3A_622 = arith.constant 0 : i32
      %dma_start3A_623 = tpu.memref_slice %arg7[%add3A_621, %dma_start3A_622] : memref<40x128xi32, #tpu.memory_space<vmem>> -> memref<1x128xi32, #tpu.memory_space<vmem>>
      %dma_start3A_624 = tpu.memref_squeeze %dma_start3A_623 : memref<1x128xi32, #tpu.memory_space<vmem>> -> memref<128xi32, #tpu.memory_space<vmem>>
      %dma_start3A_625 = arith.constant 0 : i32
      %dma_start3A_626 = arith.constant 0 : i32
      %dma_start3A_627 = tpu.memref_slice %arg2[%dma_start3A_625, %dma_start3A_626] : memref<10000x128xf32, #tpu.memory_space<hbm>> -> memref<10000x128xf32, #tpu.memory_space<hbm>>
      tpu.enqueue_indirect_dma source(%dma_start3A_627 : memref<10000x128xf32, #tpu.memory_space<hbm>>) target(%arg11 : memref<128x128xf32, #tpu.memory_space<vmem>>) offsets(%dma_start3A_624 : memref<128xi32, #tpu.memory_space<vmem>>) semaphore(%arg14 : memref<!tpu.dma_semaphore, #tpu.memory_space<semaphore_mem>>)
      %add3A_628 = arith.constant 1 : i32
      %add3A_629 = arith.addi %mul3A_601, %add3A_628 : i32
      %dma_wait3A_630 = arith.constant 0 : i32
      %dma_wait3A_631 = tpu.memref_slice %arg7[%add3A_629, %dma_wait3A_630] : memref<40x128xi32, #tpu.memory_space<vmem>> -> memref<1x128xi32, #tpu.memory_space<vmem>>
      %dma_wait3A_632 = tpu.memref_squeeze %dma_wait3A_631 : memref<1x128xi32, #tpu.memory_space<vmem>> -> memref<128xi32, #tpu.memory_space<vmem>>
      %dma_wait3A_633 = arith.constant 0 : i32
      %dma_wait3A_634 = arith.constant 0 : i32
      %dma_wait3A_635 = tpu.memref_slice %arg2[%dma_wait3A_633, %dma_wait3A_634] : memref<10000x128xf32, #tpu.memory_space<hbm>> -> memref<10000x128xf32, #tpu.memory_space<hbm>>
      tpu.wait_indirect_dma semaphore(%arg16 : memref<!tpu.dma_semaphore, #tpu.memory_space<semaphore_mem>>) src(%dma_wait3A_635 : memref<10000x128xf32, #tpu.memory_space<hbm>>) dst(%arg12 : memref<128x128xf32, #tpu.memory_space<vmem>>)
      %add3A_636 = arith.constant 1 : i32
      %add3A_637 = arith.addi %mul3A_601, %add3A_636 : i32
      %dma_start3A_638 = arith.constant 0 : i32
      %dma_start3A_639 = tpu.memref_slice %arg8[%add3A_637, %dma_start3A_638] : memref<40x128xi32, #tpu.memory_space<vmem>> -> memref<1x128xi32, #tpu.memory_space<vmem>>
      %dma_start3A_640 = tpu.memref_squeeze %dma_start3A_639 : memref<1x128xi32, #tpu.memory_space<vmem>> -> memref<128xi32, #tpu.memory_space<vmem>>
      %dma_start3A_641 = arith.constant 0 : i32
      %dma_start3A_642 = arith.constant 0 : i32
      %dma_start3A_643 = tpu.memref_slice %arg13[%dma_start3A_641, %dma_start3A_642] : memref<10240x128xf32, #tpu.memory_space<vmem_shared>> -> memref<10240x128xf32, #tpu.memory_space<vmem_shared>>
      tpu.enqueue_indirect_dma source(%arg12 : memref<128x128xf32, #tpu.memory_space<vmem>>) target(%dma_start3A_643 : memref<10240x128xf32, #tpu.memory_space<vmem_shared>>) offsets(%dma_start3A_640 : memref<128xi32, #tpu.memory_space<vmem>>) semaphore(%arg15 : memref<!tpu.dma_semaphore, #tpu.memory_space<semaphore_mem>>) {add = true}
      %dma_wait3A_644 = arith.constant 0 : i32
      %dma_wait3A_645 = tpu.memref_slice %arg8[%add3A_637, %dma_wait3A_644] : memref<40x128xi32, #tpu.memory_space<vmem>> -> memref<1x128xi32, #tpu.memory_space<vmem>>
      %dma_wait3A_646 = tpu.memref_squeeze %dma_wait3A_645 : memref<1x128xi32, #tpu.memory_space<vmem>> -> memref<128xi32, #tpu.memory_space<vmem>>
      %dma_wait3A_647 = arith.constant 0 : i32
      %dma_wait3A_648 = arith.constant 0 : i32
      %dma_wait3A_649 = tpu.memref_slice %arg13[%dma_wait3A_647, %dma_wait3A_648] : memref<10240x128xf32, #tpu.memory_space<vmem_shared>> -> memref<10240x128xf32, #tpu.memory_space<vmem_shared>>
      tpu.wait_indirect_dma semaphore(%arg15 : memref<!tpu.dma_semaphore, #tpu.memory_space<semaphore_mem>>) src(%arg12 : memref<128x128xf32, #tpu.memory_space<vmem>>) dst(%dma_wait3A_649 : memref<10240x128xf32, #tpu.memory_space<vmem_shared>>)
      %add3A_650 = arith.constant 3 : i32
      %add3A_651 = arith.addi %mul3A_601, %add3A_650 : i32
      %dma_start3A_652 = arith.constant 0 : i32
      %dma_start3A_653 = tpu.memref_slice %arg7[%add3A_651, %dma_start3A_652] : memref<40x128xi32, #tpu.memory_space<vmem>> -> memref<1x128xi32, #tpu.memory_space<vmem>>
      %dma_start3A_654 = tpu.memref_squeeze %dma_start3A_653 : memref<1x128xi32, #tpu.memory_space<vmem>> -> memref<128xi32, #tpu.memory_space<vmem>>
      %dma_start3A_655 = arith.constant 0 : i32
      %dma_start3A_656 = arith.constant 0 : i32
      %dma_start3A_657 = tpu.memref_slice %arg2[%dma_start3A_655, %dma_start3A_656] : memref<10000x128xf32, #tpu.memory_space<hbm>> -> memref<10000x128xf32, #tpu.memory_space<hbm>>
      tpu.enqueue_indirect_dma source(%dma_start3A_657 : memref<10000x128xf32, #tpu.memory_space<hbm>>) target(%arg12 : memref<128x128xf32, #tpu.memory_space<vmem>>) offsets(%dma_start3A_654 : memref<128xi32, #tpu.memory_space<vmem>>) semaphore(%arg16 : memref<!tpu.dma_semaphore, #tpu.memory_space<semaphore_mem>>)
    }
    %scan3A_413 = arith.constant 19 : i32
    %dma_wait3A_414 = arith.constant 38 : i32
    %dma_wait3A_415 = arith.constant 0 : i32
    %dma_wait3A_416 = tpu.memref_slice %arg7[%dma_wait3A_414, %dma_wait3A_415] : memref<40x128xi32, #tpu.memory_space<vmem>> -> memref<1x128xi32, #tpu.memory_space<vmem>>
    %dma_wait3A_417 = tpu.memref_squeeze %dma_wait3A_416 : memref<1x128xi32, #tpu.memory_space<vmem>> -> memref<128xi32, #tpu.memory_space<vmem>>
    %dma_wait3A_418 = arith.constant 0 : i32
    %dma_wait3A_419 = arith.constant 0 : i32
    %dma_wait3A_420 = tpu.memref_slice %arg2[%dma_wait3A_418, %dma_wait3A_419] : memref<10000x128xf32, #tpu.memory_space<hbm>> -> memref<10000x128xf32, #tpu.memory_space<hbm>>
    tpu.wait_indirect_dma semaphore(%arg14 : memref<!tpu.dma_semaphore, #tpu.memory_space<semaphore_mem>>) src(%dma_wait3A_420 : memref<10000x128xf32, #tpu.memory_space<hbm>>) dst(%arg11 : memref<128x128xf32, #tpu.memory_space<vmem>>)
    %dma_start3A_421 = arith.constant 38 : i32
    %dma_start3A_422 = arith.constant 0 : i32
    %dma_start3A_423 = tpu.memref_slice %arg8[%dma_start3A_421, %dma_start3A_422] : memref<40x128xi32, #tpu.memory_space<vmem>> -> memref<1x128xi32, #tpu.memory_space<vmem>>
    %dma_start3A_424 = tpu.memref_squeeze %dma_start3A_423 : memref<1x128xi32, #tpu.memory_space<vmem>> -> memref<128xi32, #tpu.memory_space<vmem>>
    %dma_start3A_425 = arith.constant 0 : i32
    %dma_start3A_426 = arith.constant 0 : i32
    %dma_start3A_427 = tpu.memref_slice %arg13[%dma_start3A_425, %dma_start3A_426] : memref<10240x128xf32, #tpu.memory_space<vmem_shared>> -> memref<10240x128xf32, #tpu.memory_space<vmem_shared>>
    tpu.enqueue_indirect_dma source(%arg11 : memref<128x128xf32, #tpu.memory_space<vmem>>) target(%dma_start3A_427 : memref<10240x128xf32, #tpu.memory_space<vmem_shared>>) offsets(%dma_start3A_424 : memref<128xi32, #tpu.memory_space<vmem>>) semaphore(%arg15 : memref<!tpu.dma_semaphore, #tpu.memory_space<semaphore_mem>>) {add = true}
    %dma_wait3A_428 = arith.constant 38 : i32
    %dma_wait3A_429 = arith.constant 0 : i32
    %dma_wait3A_430 = tpu.memref_slice %arg8[%dma_wait3A_428, %dma_wait3A_429] : memref<40x128xi32, #tpu.memory_space<vmem>> -> memref<1x128xi32, #tpu.memory_space<vmem>>
    %dma_wait3A_431 = tpu.memref_squeeze %dma_wait3A_430 : memref<1x128xi32, #tpu.memory_space<vmem>> -> memref<128xi32, #tpu.memory_space<vmem>>
    %dma_wait3A_432 = arith.constant 0 : i32
    %dma_wait3A_433 = arith.constant 0 : i32
    %dma_wait3A_434 = tpu.memref_slice %arg13[%dma_wait3A_432, %dma_wait3A_433] : memref<10240x128xf32, #tpu.memory_space<vmem_shared>> -> memref<10240x128xf32, #tpu.memory_space<vmem_shared>>
    tpu.wait_indirect_dma semaphore(%arg15 : memref<!tpu.dma_semaphore, #tpu.memory_space<semaphore_mem>>) src(%arg11 : memref<128x128xf32, #tpu.memory_space<vmem>>) dst(%dma_wait3A_434 : memref<10240x128xf32, #tpu.memory_space<vmem_shared>>)
    %dma_wait3A_435 = arith.constant 39 : i32
    %dma_wait3A_436 = arith.constant 0 : i32
    %dma_wait3A_437 = tpu.memref_slice %arg7[%dma_wait3A_435, %dma_wait3A_436] : memref<40x128xi32, #tpu.memory_space<vmem>> -> memref<1x128xi32, #tpu.memory_space<vmem>>
    %dma_wait3A_438 = tpu.memref_squeeze %dma_wait3A_437 : memref<1x128xi32, #tpu.memory_space<vmem>> -> memref<128xi32, #tpu.memory_space<vmem>>
    %dma_wait3A_439 = arith.constant 0 : i32
    %dma_wait3A_440 = arith.constant 0 : i32
    %dma_wait3A_441 = tpu.memref_slice %arg2[%dma_wait3A_439, %dma_wait3A_440] : memref<10000x128xf32, #tpu.memory_space<hbm>> -> memref<10000x128xf32, #tpu.memory_space<hbm>>
    tpu.wait_indirect_dma semaphore(%arg16 : memref<!tpu.dma_semaphore, #tpu.memory_space<semaphore_mem>>) src(%dma_wait3A_441 : memref<10000x128xf32, #tpu.memory_space<hbm>>) dst(%arg12 : memref<128x128xf32, #tpu.memory_space<vmem>>)
    %dma_start3A_442 = arith.constant 39 : i32
    %dma_start3A_443 = arith.constant 0 : i32
    %dma_start3A_444 = tpu.memref_slice %arg8[%dma_start3A_442, %dma_start3A_443] : memref<40x128xi32, #tpu.memory_space<vmem>> -> memref<1x128xi32, #tpu.memory_space<vmem>>
    %dma_start3A_445 = tpu.memref_squeeze %dma_start3A_444 : memref<1x128xi32, #tpu.memory_space<vmem>> -> memref<128xi32, #tpu.memory_space<vmem>>
    %dma_start3A_446 = arith.constant 0 : i32
    %dma_start3A_447 = arith.constant 0 : i32
    %dma_start3A_448 = tpu.memref_slice %arg13[%dma_start3A_446, %dma_start3A_447] : memref<10240x128xf32, #tpu.memory_space<vmem_shared>> -> memref<10240x128xf32, #tpu.memory_space<vmem_shared>>
    tpu.enqueue_indirect_dma source(%arg12 : memref<128x128xf32, #tpu.memory_space<vmem>>) target(%dma_start3A_448 : memref<10240x128xf32, #tpu.memory_space<vmem_shared>>) offsets(%dma_start3A_445 : memref<128xi32, #tpu.memory_space<vmem>>) semaphore(%arg15 : memref<!tpu.dma_semaphore, #tpu.memory_space<semaphore_mem>>) {add = true}
    %dma_wait3A_449 = arith.constant 39 : i32
    %dma_wait3A_450 = arith.constant 0 : i32
    %dma_wait3A_451 = tpu.memref_slice %arg8[%dma_wait3A_449, %dma_wait3A_450] : memref<40x128xi32, #tpu.memory_space<vmem>> -> memref<1x128xi32, #tpu.memory_space<vmem>>
    %dma_wait3A_452 = tpu.memref_squeeze %dma_wait3A_451 : memref<1x128xi32, #tpu.memory_space<vmem>> -> memref<128xi32, #tpu.memory_space<vmem>>
    %dma_wait3A_453 = arith.constant 0 : i32
    %dma_wait3A_454 = arith.constant 0 : i32
    %dma_wait3A_455 = tpu.memref_slice %arg13[%dma_wait3A_453, %dma_wait3A_454] : memref<10240x128xf32, #tpu.memory_space<vmem_shared>> -> memref<10240x128xf32, #tpu.memory_space<vmem_shared>>
    tpu.wait_indirect_dma semaphore(%arg15 : memref<!tpu.dma_semaphore, #tpu.memory_space<semaphore_mem>>) src(%arg12 : memref<128x128xf32, #tpu.memory_space<vmem>>) dst(%dma_wait3A_455 : memref<10240x128xf32, #tpu.memory_space<vmem_shared>>)
    "tpu.region"() ({
      %run_scoped3A = tpu.sem_alloc : memref<!tpu.dma_semaphore, #tpu.memory_space<semaphore_mem>>
      %dma_start3A_599 = arith.constant 40 : i32
      %dma_start3A_600 = arith.constant 0 : i32
      %dma_start3A_601 = tpu.memref_slice %arg3[%add3A, %dma_start3A_599, %dma_start3A_600] : memref<32x80x128xi32, #tpu.memory_space<hbm>> -> memref<1x40x128xi32, #tpu.memory_space<hbm>>
      %dma_start3A_602 = tpu.memref_squeeze %dma_start3A_601 : memref<1x40x128xi32, #tpu.memory_space<hbm>> -> memref<40x128xi32, #tpu.memory_space<hbm>>
      %dma_start3A_603 = arith.constant 40 : i32
      %dma_start3A_604 = arith.constant 0 : i32
      %dma_start3A_605 = tpu.memref_slice %arg3[%add3A, %dma_start3A_603, %dma_start3A_604] : memref<32x80x128xi32, #tpu.memory_space<hbm>> -> memref<1x40x128xi32, #tpu.memory_space<hbm>>
      %dma_start3A_606 = tpu.memref_squeeze %dma_start3A_605 : memref<1x40x128xi32, #tpu.memory_space<hbm>> -> memref<40x128xi32, #tpu.memory_space<hbm>>
      tpu.enqueue_dma source(%dma_start3A_606 : memref<40x128xi32, #tpu.memory_space<hbm>>) target(%arg7 : memref<40x128xi32, #tpu.memory_space<vmem>>) target_semaphore(%run_scoped3A : memref<!tpu.dma_semaphore, #tpu.memory_space<semaphore_mem>>)
      %dma_wait3A_607 = arith.constant 40 : i32
      %dma_wait3A_608 = arith.constant 0 : i32
      %dma_wait3A_609 = tpu.memref_slice %arg3[%add3A, %dma_wait3A_607, %dma_wait3A_608] : memref<32x80x128xi32, #tpu.memory_space<hbm>> -> memref<1x40x128xi32, #tpu.memory_space<hbm>>
      %dma_wait3A_610 = tpu.memref_squeeze %dma_wait3A_609 : memref<1x40x128xi32, #tpu.memory_space<hbm>> -> memref<40x128xi32, #tpu.memory_space<hbm>>
      %dma_wait3A_611 = arith.constant 40 : i32
      %dma_wait3A_612 = arith.constant 0 : i32
      %dma_wait3A_613 = tpu.memref_slice %arg3[%add3A, %dma_wait3A_611, %dma_wait3A_612] : memref<32x80x128xi32, #tpu.memory_space<hbm>> -> memref<1x40x128xi32, #tpu.memory_space<hbm>>
      %dma_wait3A_614 = tpu.memref_squeeze %dma_wait3A_613 : memref<1x40x128xi32, #tpu.memory_space<hbm>> -> memref<40x128xi32, #tpu.memory_space<hbm>>
      tpu.wait_dma2 semaphore(%run_scoped3A : memref<!tpu.dma_semaphore, #tpu.memory_space<semaphore_mem>>) src(%dma_wait3A_614 : memref<40x128xi32, #tpu.memory_space<hbm>>) dst(%arg7 : memref<40x128xi32, #tpu.memory_space<vmem>>)
      tpu.yield
    }) : () -> ()
    "tpu.region"() ({
      %run_scoped3A = tpu.sem_alloc : memref<!tpu.dma_semaphore, #tpu.memory_space<semaphore_mem>>
      %dma_start3A_599 = arith.constant 40 : i32
      %dma_start3A_600 = arith.constant 0 : i32
      %dma_start3A_601 = tpu.memref_slice %arg4[%add3A, %dma_start3A_599, %dma_start3A_600] : memref<32x80x128xi32, #tpu.memory_space<hbm>> -> memref<1x40x128xi32, #tpu.memory_space<hbm>>
      %dma_start3A_602 = tpu.memref_squeeze %dma_start3A_601 : memref<1x40x128xi32, #tpu.memory_space<hbm>> -> memref<40x128xi32, #tpu.memory_space<hbm>>
      %dma_start3A_603 = arith.constant 40 : i32
      %dma_start3A_604 = arith.constant 0 : i32
      %dma_start3A_605 = tpu.memref_slice %arg4[%add3A, %dma_start3A_603, %dma_start3A_604] : memref<32x80x128xi32, #tpu.memory_space<hbm>> -> memref<1x40x128xi32, #tpu.memory_space<hbm>>
      %dma_start3A_606 = tpu.memref_squeeze %dma_start3A_605 : memref<1x40x128xi32, #tpu.memory_space<hbm>> -> memref<40x128xi32, #tpu.memory_space<hbm>>
      tpu.enqueue_dma source(%dma_start3A_606 : memref<40x128xi32, #tpu.memory_space<hbm>>) target(%arg8 : memref<40x128xi32, #tpu.memory_space<vmem>>) target_semaphore(%run_scoped3A : memref<!tpu.dma_semaphore, #tpu.memory_space<semaphore_mem>>)
      %dma_wait3A_607 = arith.constant 40 : i32
      %dma_wait3A_608 = arith.constant 0 : i32
      %dma_wait3A_609 = tpu.memref_slice %arg4[%add3A, %dma_wait3A_607, %dma_wait3A_608] : memref<32x80x128xi32, #tpu.memory_space<hbm>> -> memref<1x40x128xi32, #tpu.memory_space<hbm>>
      %dma_wait3A_610 = tpu.memref_squeeze %dma_wait3A_609 : memref<1x40x128xi32, #tpu.memory_space<hbm>> -> memref<40x128xi32, #tpu.memory_space<hbm>>
      %dma_wait3A_611 = arith.constant 40 : i32
      %dma_wait3A_612 = arith.constant 0 : i32
      %dma_wait3A_613 = tpu.memref_slice %arg4[%add3A, %dma_wait3A_611, %dma_wait3A_612] : memref<32x80x128xi32, #tpu.memory_space<hbm>> -> memref<1x40x128xi32, #tpu.memory_space<hbm>>
      %dma_wait3A_614 = tpu.memref_squeeze %dma_wait3A_613 : memref<1x40x128xi32, #tpu.memory_space<hbm>> -> memref<40x128xi32, #tpu.memory_space<hbm>>
      tpu.wait_dma2 semaphore(%run_scoped3A : memref<!tpu.dma_semaphore, #tpu.memory_space<semaphore_mem>>) src(%dma_wait3A_614 : memref<40x128xi32, #tpu.memory_space<hbm>>) dst(%arg8 : memref<40x128xi32, #tpu.memory_space<vmem>>)
      tpu.yield
    }) : () -> ()
    %dma_start3A_456 = arith.constant 0 : i32
    %dma_start3A_457 = arith.constant 0 : i32
    %dma_start3A_458 = tpu.memref_slice %arg7[%dma_start3A_456, %dma_start3A_457] : memref<40x128xi32, #tpu.memory_space<vmem>> -> memref<1x128xi32, #tpu.memory_space<vmem>>
    %dma_start3A_459 = tpu.memref_squeeze %dma_start3A_458 : memref<1x128xi32, #tpu.memory_space<vmem>> -> memref<128xi32, #tpu.memory_space<vmem>>
    %dma_start3A_460 = arith.constant 0 : i32
    %dma_start3A_461 = arith.constant 0 : i32
    %dma_start3A_462 = tpu.memref_slice %arg2[%dma_start3A_460, %dma_start3A_461] : memref<10000x128xf32, #tpu.memory_space<hbm>> -> memref<10000x128xf32, #tpu.memory_space<hbm>>
    tpu.enqueue_indirect_dma source(%dma_start3A_462 : memref<10000x128xf32, #tpu.memory_space<hbm>>) target(%arg11 : memref<128x128xf32, #tpu.memory_space<vmem>>) offsets(%dma_start3A_459 : memref<128xi32, #tpu.memory_space<vmem>>) semaphore(%arg14 : memref<!tpu.dma_semaphore, #tpu.memory_space<semaphore_mem>>)
    %dma_start3A_463 = arith.constant 1 : i32
    %dma_start3A_464 = arith.constant 0 : i32
    %dma_start3A_465 = tpu.memref_slice %arg7[%dma_start3A_463, %dma_start3A_464] : memref<40x128xi32, #tpu.memory_space<vmem>> -> memref<1x128xi32, #tpu.memory_space<vmem>>
    %dma_start3A_466 = tpu.memref_squeeze %dma_start3A_465 : memref<1x128xi32, #tpu.memory_space<vmem>> -> memref<128xi32, #tpu.memory_space<vmem>>
    %dma_start3A_467 = arith.constant 0 : i32
    %dma_start3A_468 = arith.constant 0 : i32
    %dma_start3A_469 = tpu.memref_slice %arg2[%dma_start3A_467, %dma_start3A_468] : memref<10000x128xf32, #tpu.memory_space<hbm>> -> memref<10000x128xf32, #tpu.memory_space<hbm>>
    tpu.enqueue_indirect_dma source(%dma_start3A_469 : memref<10000x128xf32, #tpu.memory_space<hbm>>) target(%arg12 : memref<128x128xf32, #tpu.memory_space<vmem>>) offsets(%dma_start3A_466 : memref<128xi32, #tpu.memory_space<vmem>>) semaphore(%arg16 : memref<!tpu.dma_semaphore, #tpu.memory_space<semaphore_mem>>)
    %scan3A_470 = arith.constant 0 : i32
    %scan3A_471 = arith.constant 0 : i32
    %scan3A_472 = arith.constant 19 : i32
    %scan3A_473 = arith.addi %scan3A_471, %scan3A_472 : i32
    %scan3A_474 = arith.constant 1 : i32
    scf.for %scan3A_599 = %scan3A_471 to %scan3A_473 step %scan3A_474  : i32 {
      %mul3A_600 = arith.constant 2 : i32
      %mul3A_601 = arith.muli %mul3A_600, %scan3A_599 : i32
      %dma_wait3A_602 = arith.constant 0 : i32
      %dma_wait3A_603 = tpu.memref_slice %arg7[%mul3A_601, %dma_wait3A_602] : memref<40x128xi32, #tpu.memory_space<vmem>> -> memref<1x128xi32, #tpu.memory_space<vmem>>
      %dma_wait3A_604 = tpu.memref_squeeze %dma_wait3A_603 : memref<1x128xi32, #tpu.memory_space<vmem>> -> memref<128xi32, #tpu.memory_space<vmem>>
      %dma_wait3A_605 = arith.constant 0 : i32
      %dma_wait3A_606 = arith.constant 0 : i32
      %dma_wait3A_607 = tpu.memref_slice %arg2[%dma_wait3A_605, %dma_wait3A_606] : memref<10000x128xf32, #tpu.memory_space<hbm>> -> memref<10000x128xf32, #tpu.memory_space<hbm>>
      tpu.wait_indirect_dma semaphore(%arg14 : memref<!tpu.dma_semaphore, #tpu.memory_space<semaphore_mem>>) src(%dma_wait3A_607 : memref<10000x128xf32, #tpu.memory_space<hbm>>) dst(%arg11 : memref<128x128xf32, #tpu.memory_space<vmem>>)
      %dma_start3A_608 = arith.constant 0 : i32
      %dma_start3A_609 = tpu.memref_slice %arg8[%mul3A_601, %dma_start3A_608] : memref<40x128xi32, #tpu.memory_space<vmem>> -> memref<1x128xi32, #tpu.memory_space<vmem>>
      %dma_start3A_610 = tpu.memref_squeeze %dma_start3A_609 : memref<1x128xi32, #tpu.memory_space<vmem>> -> memref<128xi32, #tpu.memory_space<vmem>>
      %dma_start3A_611 = arith.constant 0 : i32
      %dma_start3A_612 = arith.constant 0 : i32
      %dma_start3A_613 = tpu.memref_slice %arg13[%dma_start3A_611, %dma_start3A_612] : memref<10240x128xf32, #tpu.memory_space<vmem_shared>> -> memref<10240x128xf32, #tpu.memory_space<vmem_shared>>
      tpu.enqueue_indirect_dma source(%arg11 : memref<128x128xf32, #tpu.memory_space<vmem>>) target(%dma_start3A_613 : memref<10240x128xf32, #tpu.memory_space<vmem_shared>>) offsets(%dma_start3A_610 : memref<128xi32, #tpu.memory_space<vmem>>) semaphore(%arg15 : memref<!tpu.dma_semaphore, #tpu.memory_space<semaphore_mem>>) {add = true}
      %dma_wait3A_614 = arith.constant 0 : i32
      %dma_wait3A_615 = tpu.memref_slice %arg8[%mul3A_601, %dma_wait3A_614] : memref<40x128xi32, #tpu.memory_space<vmem>> -> memref<1x128xi32, #tpu.memory_space<vmem>>
      %dma_wait3A_616 = tpu.memref_squeeze %dma_wait3A_615 : memref<1x128xi32, #tpu.memory_space<vmem>> -> memref<128xi32, #tpu.memory_space<vmem>>
      %dma_wait3A_617 = arith.constant 0 : i32
      %dma_wait3A_618 = arith.constant 0 : i32
      %dma_wait3A_619 = tpu.memref_slice %arg13[%dma_wait3A_617, %dma_wait3A_618] : memref<10240x128xf32, #tpu.memory_space<vmem_shared>> -> memref<10240x128xf32, #tpu.memory_space<vmem_shared>>
      tpu.wait_indirect_dma semaphore(%arg15 : memref<!tpu.dma_semaphore, #tpu.memory_space<semaphore_mem>>) src(%arg11 : memref<128x128xf32, #tpu.memory_space<vmem>>) dst(%dma_wait3A_619 : memref<10240x128xf32, #tpu.memory_space<vmem_shared>>)
      %add3A_620 = arith.constant 2 : i32
      %add3A_621 = arith.addi %mul3A_601, %add3A_620 : i32
      %dma_start3A_622 = arith.constant 0 : i32
      %dma_start3A_623 = tpu.memref_slice %arg7[%add3A_621, %dma_start3A_622] : memref<40x128xi32, #tpu.memory_space<vmem>> -> memref<1x128xi32, #tpu.memory_space<vmem>>
      %dma_start3A_624 = tpu.memref_squeeze %dma_start3A_623 : memref<1x128xi32, #tpu.memory_space<vmem>> -> memref<128xi32, #tpu.memory_space<vmem>>
      %dma_start3A_625 = arith.constant 0 : i32
      %dma_start3A_626 = arith.constant 0 : i32
      %dma_start3A_627 = tpu.memref_slice %arg2[%dma_start3A_625, %dma_start3A_626] : memref<10000x128xf32, #tpu.memory_space<hbm>> -> memref<10000x128xf32, #tpu.memory_space<hbm>>
      tpu.enqueue_indirect_dma source(%dma_start3A_627 : memref<10000x128xf32, #tpu.memory_space<hbm>>) target(%arg11 : memref<128x128xf32, #tpu.memory_space<vmem>>) offsets(%dma_start3A_624 : memref<128xi32, #tpu.memory_space<vmem>>) semaphore(%arg14 : memref<!tpu.dma_semaphore, #tpu.memory_space<semaphore_mem>>)
      %add3A_628 = arith.constant 1 : i32
      %add3A_629 = arith.addi %mul3A_601, %add3A_628 : i32
      %dma_wait3A_630 = arith.constant 0 : i32
      %dma_wait3A_631 = tpu.memref_slice %arg7[%add3A_629, %dma_wait3A_630] : memref<40x128xi32, #tpu.memory_space<vmem>> -> memref<1x128xi32, #tpu.memory_space<vmem>>
      %dma_wait3A_632 = tpu.memref_squeeze %dma_wait3A_631 : memref<1x128xi32, #tpu.memory_space<vmem>> -> memref<128xi32, #tpu.memory_space<vmem>>
      %dma_wait3A_633 = arith.constant 0 : i32
      %dma_wait3A_634 = arith.constant 0 : i32
      %dma_wait3A_635 = tpu.memref_slice %arg2[%dma_wait3A_633, %dma_wait3A_634] : memref<10000x128xf32, #tpu.memory_space<hbm>> -> memref<10000x128xf32, #tpu.memory_space<hbm>>
      tpu.wait_indirect_dma semaphore(%arg16 : memref<!tpu.dma_semaphore, #tpu.memory_space<semaphore_mem>>) src(%dma_wait3A_635 : memref<10000x128xf32, #tpu.memory_space<hbm>>) dst(%arg12 : memref<128x128xf32, #tpu.memory_space<vmem>>)
      %add3A_636 = arith.constant 1 : i32
      %add3A_637 = arith.addi %mul3A_601, %add3A_636 : i32
      %dma_start3A_638 = arith.constant 0 : i32
      %dma_start3A_639 = tpu.memref_slice %arg8[%add3A_637, %dma_start3A_638] : memref<40x128xi32, #tpu.memory_space<vmem>> -> memref<1x128xi32, #tpu.memory_space<vmem>>
      %dma_start3A_640 = tpu.memref_squeeze %dma_start3A_639 : memref<1x128xi32, #tpu.memory_space<vmem>> -> memref<128xi32, #tpu.memory_space<vmem>>
      %dma_start3A_641 = arith.constant 0 : i32
      %dma_start3A_642 = arith.constant 0 : i32
      %dma_start3A_643 = tpu.memref_slice %arg13[%dma_start3A_641, %dma_start3A_642] : memref<10240x128xf32, #tpu.memory_space<vmem_shared>> -> memref<10240x128xf32, #tpu.memory_space<vmem_shared>>
      tpu.enqueue_indirect_dma source(%arg12 : memref<128x128xf32, #tpu.memory_space<vmem>>) target(%dma_start3A_643 : memref<10240x128xf32, #tpu.memory_space<vmem_shared>>) offsets(%dma_start3A_640 : memref<128xi32, #tpu.memory_space<vmem>>) semaphore(%arg15 : memref<!tpu.dma_semaphore, #tpu.memory_space<semaphore_mem>>) {add = true}
      %dma_wait3A_644 = arith.constant 0 : i32
      %dma_wait3A_645 = tpu.memref_slice %arg8[%add3A_637, %dma_wait3A_644] : memref<40x128xi32, #tpu.memory_space<vmem>> -> memref<1x128xi32, #tpu.memory_space<vmem>>
      %dma_wait3A_646 = tpu.memref_squeeze %dma_wait3A_645 : memref<1x128xi32, #tpu.memory_space<vmem>> -> memref<128xi32, #tpu.memory_space<vmem>>
      %dma_wait3A_647 = arith.constant 0 : i32
      %dma_wait3A_648 = arith.constant 0 : i32
      %dma_wait3A_649 = tpu.memref_slice %arg13[%dma_wait3A_647, %dma_wait3A_648] : memref<10240x128xf32, #tpu.memory_space<vmem_shared>> -> memref<10240x128xf32, #tpu.memory_space<vmem_shared>>
      tpu.wait_indirect_dma semaphore(%arg15 : memref<!tpu.dma_semaphore, #tpu.memory_space<semaphore_mem>>) src(%arg12 : memref<128x128xf32, #tpu.memory_space<vmem>>) dst(%dma_wait3A_649 : memref<10240x128xf32, #tpu.memory_space<vmem_shared>>)
      %add3A_650 = arith.constant 3 : i32
      %add3A_651 = arith.addi %mul3A_601, %add3A_650 : i32
      %dma_start3A_652 = arith.constant 0 : i32
      %dma_start3A_653 = tpu.memref_slice %arg7[%add3A_651, %dma_start3A_652] : memref<40x128xi32, #tpu.memory_space<vmem>> -> memref<1x128xi32, #tpu.memory_space<vmem>>
      %dma_start3A_654 = tpu.memref_squeeze %dma_start3A_653 : memref<1x128xi32, #tpu.memory_space<vmem>> -> memref<128xi32, #tpu.memory_space<vmem>>
      %dma_start3A_655 = arith.constant 0 : i32
      %dma_start3A_656 = arith.constant 0 : i32
      %dma_start3A_657 = tpu.memref_slice %arg2[%dma_start3A_655, %dma_start3A_656] : memref<10000x128xf32, #tpu.memory_space<hbm>> -> memref<10000x128xf32, #tpu.memory_space<hbm>>
      tpu.enqueue_indirect_dma source(%dma_start3A_657 : memref<10000x128xf32, #tpu.memory_space<hbm>>) target(%arg12 : memref<128x128xf32, #tpu.memory_space<vmem>>) offsets(%dma_start3A_654 : memref<128xi32, #tpu.memory_space<vmem>>) semaphore(%arg16 : memref<!tpu.dma_semaphore, #tpu.memory_space<semaphore_mem>>)
    }
    %scan3A_475 = arith.constant 19 : i32
    %dma_wait3A_476 = arith.constant 38 : i32
    %dma_wait3A_477 = arith.constant 0 : i32
    %dma_wait3A_478 = tpu.memref_slice %arg7[%dma_wait3A_476, %dma_wait3A_477] : memref<40x128xi32, #tpu.memory_space<vmem>> -> memref<1x128xi32, #tpu.memory_space<vmem>>
    %dma_wait3A_479 = tpu.memref_squeeze %dma_wait3A_478 : memref<1x128xi32, #tpu.memory_space<vmem>> -> memref<128xi32, #tpu.memory_space<vmem>>
    %dma_wait3A_480 = arith.constant 0 : i32
    %dma_wait3A_481 = arith.constant 0 : i32
    %dma_wait3A_482 = tpu.memref_slice %arg2[%dma_wait3A_480, %dma_wait3A_481] : memref<10000x128xf32, #tpu.memory_space<hbm>> -> memref<10000x128xf32, #tpu.memory_space<hbm>>
    tpu.wait_indirect_dma semaphore(%arg14 : memref<!tpu.dma_semaphore, #tpu.memory_space<semaphore_mem>>) src(%dma_wait3A_482 : memref<10000x128xf32, #tpu.memory_space<hbm>>) dst(%arg11 : memref<128x128xf32, #tpu.memory_space<vmem>>)
    %dma_start3A_483 = arith.constant 38 : i32
    %dma_start3A_484 = arith.constant 0 : i32
    %dma_start3A_485 = tpu.memref_slice %arg8[%dma_start3A_483, %dma_start3A_484] : memref<40x128xi32, #tpu.memory_space<vmem>> -> memref<1x128xi32, #tpu.memory_space<vmem>>
    %dma_start3A_486 = tpu.memref_squeeze %dma_start3A_485 : memref<1x128xi32, #tpu.memory_space<vmem>> -> memref<128xi32, #tpu.memory_space<vmem>>
    %dma_start3A_487 = arith.constant 0 : i32
    %dma_start3A_488 = arith.constant 0 : i32
    %dma_start3A_489 = tpu.memref_slice %arg13[%dma_start3A_487, %dma_start3A_488] : memref<10240x128xf32, #tpu.memory_space<vmem_shared>> -> memref<10240x128xf32, #tpu.memory_space<vmem_shared>>
    tpu.enqueue_indirect_dma source(%arg11 : memref<128x128xf32, #tpu.memory_space<vmem>>) target(%dma_start3A_489 : memref<10240x128xf32, #tpu.memory_space<vmem_shared>>) offsets(%dma_start3A_486 : memref<128xi32, #tpu.memory_space<vmem>>) semaphore(%arg15 : memref<!tpu.dma_semaphore, #tpu.memory_space<semaphore_mem>>) {add = true}
    %dma_wait3A_490 = arith.constant 38 : i32
    %dma_wait3A_491 = arith.constant 0 : i32
    %dma_wait3A_492 = tpu.memref_slice %arg8[%dma_wait3A_490, %dma_wait3A_491] : memref<40x128xi32, #tpu.memory_space<vmem>> -> memref<1x128xi32, #tpu.memory_space<vmem>>
    %dma_wait3A_493 = tpu.memref_squeeze %dma_wait3A_492 : memref<1x128xi32, #tpu.memory_space<vmem>> -> memref<128xi32, #tpu.memory_space<vmem>>
    %dma_wait3A_494 = arith.constant 0 : i32
    %dma_wait3A_495 = arith.constant 0 : i32
    %dma_wait3A_496 = tpu.memref_slice %arg13[%dma_wait3A_494, %dma_wait3A_495] : memref<10240x128xf32, #tpu.memory_space<vmem_shared>> -> memref<10240x128xf32, #tpu.memory_space<vmem_shared>>
    tpu.wait_indirect_dma semaphore(%arg15 : memref<!tpu.dma_semaphore, #tpu.memory_space<semaphore_mem>>) src(%arg11 : memref<128x128xf32, #tpu.memory_space<vmem>>) dst(%dma_wait3A_496 : memref<10240x128xf32, #tpu.memory_space<vmem_shared>>)
    %dma_wait3A_497 = arith.constant 39 : i32
    %dma_wait3A_498 = arith.constant 0 : i32
    %dma_wait3A_499 = tpu.memref_slice %arg7[%dma_wait3A_497, %dma_wait3A_498] : memref<40x128xi32, #tpu.memory_space<vmem>> -> memref<1x128xi32, #tpu.memory_space<vmem>>
    %dma_wait3A_500 = tpu.memref_squeeze %dma_wait3A_499 : memref<1x128xi32, #tpu.memory_space<vmem>> -> memref<128xi32, #tpu.memory_space<vmem>>
    %dma_wait3A_501 = arith.constant 0 : i32
    %dma_wait3A_502 = arith.constant 0 : i32
    %dma_wait3A_503 = tpu.memref_slice %arg2[%dma_wait3A_501, %dma_wait3A_502] : memref<10000x128xf32, #tpu.memory_space<hbm>> -> memref<10000x128xf32, #tpu.memory_space<hbm>>
    tpu.wait_indirect_dma semaphore(%arg16 : memref<!tpu.dma_semaphore, #tpu.memory_space<semaphore_mem>>) src(%dma_wait3A_503 : memref<10000x128xf32, #tpu.memory_space<hbm>>) dst(%arg12 : memref<128x128xf32, #tpu.memory_space<vmem>>)
    %dma_start3A_504 = arith.constant 39 : i32
    %dma_start3A_505 = arith.constant 0 : i32
    %dma_start3A_506 = tpu.memref_slice %arg8[%dma_start3A_504, %dma_start3A_505] : memref<40x128xi32, #tpu.memory_space<vmem>> -> memref<1x128xi32, #tpu.memory_space<vmem>>
    %dma_start3A_507 = tpu.memref_squeeze %dma_start3A_506 : memref<1x128xi32, #tpu.memory_space<vmem>> -> memref<128xi32, #tpu.memory_space<vmem>>
    %dma_start3A_508 = arith.constant 0 : i32
    %dma_start3A_509 = arith.constant 0 : i32
    %dma_start3A_510 = tpu.memref_slice %arg13[%dma_start3A_508, %dma_start3A_509] : memref<10240x128xf32, #tpu.memory_space<vmem_shared>> -> memref<10240x128xf32, #tpu.memory_space<vmem_shared>>
    tpu.enqueue_indirect_dma source(%arg12 : memref<128x128xf32, #tpu.memory_space<vmem>>) target(%dma_start3A_510 : memref<10240x128xf32, #tpu.memory_space<vmem_shared>>) offsets(%dma_start3A_507 : memref<128xi32, #tpu.memory_space<vmem>>) semaphore(%arg15 : memref<!tpu.dma_semaphore, #tpu.memory_space<semaphore_mem>>) {add = true}
    %dma_wait3A_511 = arith.constant 39 : i32
    %dma_wait3A_512 = arith.constant 0 : i32
    %dma_wait3A_513 = tpu.memref_slice %arg8[%dma_wait3A_511, %dma_wait3A_512] : memref<40x128xi32, #tpu.memory_space<vmem>> -> memref<1x128xi32, #tpu.memory_space<vmem>>
    %dma_wait3A_514 = tpu.memref_squeeze %dma_wait3A_513 : memref<1x128xi32, #tpu.memory_space<vmem>> -> memref<128xi32, #tpu.memory_space<vmem>>
    %dma_wait3A_515 = arith.constant 0 : i32
    %dma_wait3A_516 = arith.constant 0 : i32
    %dma_wait3A_517 = tpu.memref_slice %arg13[%dma_wait3A_515, %dma_wait3A_516] : memref<10240x128xf32, #tpu.memory_space<vmem_shared>> -> memref<10240x128xf32, #tpu.memory_space<vmem_shared>>
    tpu.wait_indirect_dma semaphore(%arg15 : memref<!tpu.dma_semaphore, #tpu.memory_space<semaphore_mem>>) src(%arg12 : memref<128x128xf32, #tpu.memory_space<vmem>>) dst(%dma_wait3A_517 : memref<10240x128xf32, #tpu.memory_space<vmem_shared>>)
    %barrier3A_518 = arith.constant 0 : index
    tpu.barrier barrier_id(%barrier3A_518)
    %dma_start3A_519 = arith.constant 0 : i32
    %dma_start3A_520 = arith.constant 0 : i32
    %dma_start3A_521 = tpu.memref_slice %arg9[%dma_start3A_519, %dma_start3A_520] : memref<5x128xi32, #tpu.memory_space<vmem>> -> memref<1x128xi32, #tpu.memory_space<vmem>>
    %dma_start3A_522 = tpu.memref_squeeze %dma_start3A_521 : memref<1x128xi32, #tpu.memory_space<vmem>> -> memref<128xi32, #tpu.memory_space<vmem>>
    %dma_start3A_523 = arith.constant 0 : i32
    %dma_start3A_524 = arith.constant 0 : i32
    %dma_start3A_525 = tpu.memref_slice %arg13[%dma_start3A_523, %dma_start3A_524] : memref<10240x128xf32, #tpu.memory_space<vmem_shared>> -> memref<10240x128xf32, #tpu.memory_space<vmem_shared>>
    tpu.enqueue_indirect_dma source(%dma_start3A_525 : memref<10240x128xf32, #tpu.memory_space<vmem_shared>>) target(%arg11 : memref<128x128xf32, #tpu.memory_space<vmem>>) offsets(%dma_start3A_522 : memref<128xi32, #tpu.memory_space<vmem>>) semaphore(%arg14 : memref<!tpu.dma_semaphore, #tpu.memory_space<semaphore_mem>>)
    %dma_wait3A_526 = arith.constant 0 : i32
    %dma_wait3A_527 = arith.constant 0 : i32
    %dma_wait3A_528 = tpu.memref_slice %arg9[%dma_wait3A_526, %dma_wait3A_527] : memref<5x128xi32, #tpu.memory_space<vmem>> -> memref<1x128xi32, #tpu.memory_space<vmem>>
    %dma_wait3A_529 = tpu.memref_squeeze %dma_wait3A_528 : memref<1x128xi32, #tpu.memory_space<vmem>> -> memref<128xi32, #tpu.memory_space<vmem>>
    %dma_wait3A_530 = arith.constant 0 : i32
    %dma_wait3A_531 = arith.constant 0 : i32
    %dma_wait3A_532 = tpu.memref_slice %arg13[%dma_wait3A_530, %dma_wait3A_531] : memref<10240x128xf32, #tpu.memory_space<vmem_shared>> -> memref<10240x128xf32, #tpu.memory_space<vmem_shared>>
    tpu.wait_indirect_dma semaphore(%arg14 : memref<!tpu.dma_semaphore, #tpu.memory_space<semaphore_mem>>) src(%dma_wait3A_532 : memref<10240x128xf32, #tpu.memory_space<vmem_shared>>) dst(%arg11 : memref<128x128xf32, #tpu.memory_space<vmem>>)
    %dma_start3A_533 = arith.constant 1 : i32
    %dma_start3A_534 = arith.constant 0 : i32
    %dma_start3A_535 = tpu.memref_slice %arg9[%dma_start3A_533, %dma_start3A_534] : memref<5x128xi32, #tpu.memory_space<vmem>> -> memref<1x128xi32, #tpu.memory_space<vmem>>
    %dma_start3A_536 = tpu.memref_squeeze %dma_start3A_535 : memref<1x128xi32, #tpu.memory_space<vmem>> -> memref<128xi32, #tpu.memory_space<vmem>>
    %dma_start3A_537 = arith.constant 0 : i32
    %dma_start3A_538 = arith.constant 0 : i32
    %dma_start3A_539 = tpu.memref_slice %arg13[%dma_start3A_537, %dma_start3A_538] : memref<10240x128xf32, #tpu.memory_space<vmem_shared>> -> memref<10240x128xf32, #tpu.memory_space<vmem_shared>>
    tpu.enqueue_indirect_dma source(%dma_start3A_539 : memref<10240x128xf32, #tpu.memory_space<vmem_shared>>) target(%arg12 : memref<128x128xf32, #tpu.memory_space<vmem>>) offsets(%dma_start3A_536 : memref<128xi32, #tpu.memory_space<vmem>>) semaphore(%arg16 : memref<!tpu.dma_semaphore, #tpu.memory_space<semaphore_mem>>)
    %add3A_540 = arith.constant 0 : i32
    %add3A_541 = arith.addi %mul3A_7, %add3A_540 : i32
    "tpu.region"() ({
      %run_scoped3A = tpu.sem_alloc : memref<!tpu.dma_semaphore, #tpu.memory_space<semaphore_mem>>
      %dma_start3A_599 = arith.constant 0 : i32
      %dma_start3A_600 = tpu.memref_slice %arg6[%arg0, %add3A_541, %dma_start3A_599] : memref<2x10240x128xf32, #tpu.memory_space<hbm>> -> memref<1x128x128xf32, #tpu.memory_space<hbm>>
      %dma_start3A_601 = tpu.memref_squeeze %dma_start3A_600 : memref<1x128x128xf32, #tpu.memory_space<hbm>> -> memref<128x128xf32, #tpu.memory_space<hbm>>
      %dma_start3A_602 = arith.constant 0 : i32
      %dma_start3A_603 = tpu.memref_slice %arg6[%arg0, %add3A_541, %dma_start3A_602] : memref<2x10240x128xf32, #tpu.memory_space<hbm>> -> memref<1x128x128xf32, #tpu.memory_space<hbm>>
      %dma_start3A_604 = tpu.memref_squeeze %dma_start3A_603 : memref<1x128x128xf32, #tpu.memory_space<hbm>> -> memref<128x128xf32, #tpu.memory_space<hbm>>
      tpu.enqueue_dma source(%arg11 : memref<128x128xf32, #tpu.memory_space<vmem>>) target(%dma_start3A_604 : memref<128x128xf32, #tpu.memory_space<hbm>>) target_semaphore(%run_scoped3A : memref<!tpu.dma_semaphore, #tpu.memory_space<semaphore_mem>>)
      %dma_wait3A_605 = arith.constant 0 : i32
      %dma_wait3A_606 = tpu.memref_slice %arg6[%arg0, %add3A_541, %dma_wait3A_605] : memref<2x10240x128xf32, #tpu.memory_space<hbm>> -> memref<1x128x128xf32, #tpu.memory_space<hbm>>
      %dma_wait3A_607 = tpu.memref_squeeze %dma_wait3A_606 : memref<1x128x128xf32, #tpu.memory_space<hbm>> -> memref<128x128xf32, #tpu.memory_space<hbm>>
      %dma_wait3A_608 = arith.constant 0 : i32
      %dma_wait3A_609 = tpu.memref_slice %arg6[%arg0, %add3A_541, %dma_wait3A_608] : memref<2x10240x128xf32, #tpu.memory_space<hbm>> -> memref<1x128x128xf32, #tpu.memory_space<hbm>>
      %dma_wait3A_610 = tpu.memref_squeeze %dma_wait3A_609 : memref<1x128x128xf32, #tpu.memory_space<hbm>> -> memref<128x128xf32, #tpu.memory_space<hbm>>
      tpu.wait_dma2 semaphore(%run_scoped3A : memref<!tpu.dma_semaphore, #tpu.memory_space<semaphore_mem>>) src(%arg11 : memref<128x128xf32, #tpu.memory_space<vmem>>) dst(%dma_wait3A_610 : memref<128x128xf32, #tpu.memory_space<hbm>>)
      tpu.yield
    }) : () -> ()
    %dma_wait3A_542 = arith.constant 1 : i32
    %dma_wait3A_543 = arith.constant 0 : i32
    %dma_wait3A_544 = tpu.memref_slice %arg9[%dma_wait3A_542, %dma_wait3A_543] : memref<5x128xi32, #tpu.memory_space<vmem>> -> memref<1x128xi32, #tpu.memory_space<vmem>>
    %dma_wait3A_545 = tpu.memref_squeeze %dma_wait3A_544 : memref<1x128xi32, #tpu.memory_space<vmem>> -> memref<128xi32, #tpu.memory_space<vmem>>
    %dma_wait3A_546 = arith.constant 0 : i32
    %dma_wait3A_547 = arith.constant 0 : i32
    %dma_wait3A_548 = tpu.memref_slice %arg13[%dma_wait3A_546, %dma_wait3A_547] : memref<10240x128xf32, #tpu.memory_space<vmem_shared>> -> memref<10240x128xf32, #tpu.memory_space<vmem_shared>>
    tpu.wait_indirect_dma semaphore(%arg16 : memref<!tpu.dma_semaphore, #tpu.memory_space<semaphore_mem>>) src(%dma_wait3A_548 : memref<10240x128xf32, #tpu.memory_space<vmem_shared>>) dst(%arg12 : memref<128x128xf32, #tpu.memory_space<vmem>>)
    %dma_start3A_549 = arith.constant 2 : i32
    %dma_start3A_550 = arith.constant 0 : i32
    %dma_start3A_551 = tpu.memref_slice %arg9[%dma_start3A_549, %dma_start3A_550] : memref<5x128xi32, #tpu.memory_space<vmem>> -> memref<1x128xi32, #tpu.memory_space<vmem>>
    %dma_start3A_552 = tpu.memref_squeeze %dma_start3A_551 : memref<1x128xi32, #tpu.memory_space<vmem>> -> memref<128xi32, #tpu.memory_space<vmem>>
    %dma_start3A_553 = arith.constant 0 : i32
    %dma_start3A_554 = arith.constant 0 : i32
    %dma_start3A_555 = tpu.memref_slice %arg13[%dma_start3A_553, %dma_start3A_554] : memref<10240x128xf32, #tpu.memory_space<vmem_shared>> -> memref<10240x128xf32, #tpu.memory_space<vmem_shared>>
    tpu.enqueue_indirect_dma source(%dma_start3A_555 : memref<10240x128xf32, #tpu.memory_space<vmem_shared>>) target(%arg11 : memref<128x128xf32, #tpu.memory_space<vmem>>) offsets(%dma_start3A_552 : memref<128xi32, #tpu.memory_space<vmem>>) semaphore(%arg14 : memref<!tpu.dma_semaphore, #tpu.memory_space<semaphore_mem>>)
    %add3A_556 = arith.constant 128 : i32
    %add3A_557 = arith.addi %mul3A_7, %add3A_556 : i32
    "tpu.region"() ({
      %run_scoped3A = tpu.sem_alloc : memref<!tpu.dma_semaphore, #tpu.memory_space<semaphore_mem>>
      %dma_start3A_599 = arith.constant 0 : i32
      %dma_start3A_600 = tpu.memref_slice %arg6[%arg0, %add3A_557, %dma_start3A_599] : memref<2x10240x128xf32, #tpu.memory_space<hbm>> -> memref<1x128x128xf32, #tpu.memory_space<hbm>>
      %dma_start3A_601 = tpu.memref_squeeze %dma_start3A_600 : memref<1x128x128xf32, #tpu.memory_space<hbm>> -> memref<128x128xf32, #tpu.memory_space<hbm>>
      %dma_start3A_602 = arith.constant 0 : i32
      %dma_start3A_603 = tpu.memref_slice %arg6[%arg0, %add3A_557, %dma_start3A_602] : memref<2x10240x128xf32, #tpu.memory_space<hbm>> -> memref<1x128x128xf32, #tpu.memory_space<hbm>>
      %dma_start3A_604 = tpu.memref_squeeze %dma_start3A_603 : memref<1x128x128xf32, #tpu.memory_space<hbm>> -> memref<128x128xf32, #tpu.memory_space<hbm>>
      tpu.enqueue_dma source(%arg12 : memref<128x128xf32, #tpu.memory_space<vmem>>) target(%dma_start3A_604 : memref<128x128xf32, #tpu.memory_space<hbm>>) target_semaphore(%run_scoped3A : memref<!tpu.dma_semaphore, #tpu.memory_space<semaphore_mem>>)
      %dma_wait3A_605 = arith.constant 0 : i32
      %dma_wait3A_606 = tpu.memref_slice %arg6[%arg0, %add3A_557, %dma_wait3A_605] : memref<2x10240x128xf32, #tpu.memory_space<hbm>> -> memref<1x128x128xf32, #tpu.memory_space<hbm>>
      %dma_wait3A_607 = tpu.memref_squeeze %dma_wait3A_606 : memref<1x128x128xf32, #tpu.memory_space<hbm>> -> memref<128x128xf32, #tpu.memory_space<hbm>>
      %dma_wait3A_608 = arith.constant 0 : i32
      %dma_wait3A_609 = tpu.memref_slice %arg6[%arg0, %add3A_557, %dma_wait3A_608] : memref<2x10240x128xf32, #tpu.memory_space<hbm>> -> memref<1x128x128xf32, #tpu.memory_space<hbm>>
      %dma_wait3A_610 = tpu.memref_squeeze %dma_wait3A_609 : memref<1x128x128xf32, #tpu.memory_space<hbm>> -> memref<128x128xf32, #tpu.memory_space<hbm>>
      tpu.wait_dma2 semaphore(%run_scoped3A : memref<!tpu.dma_semaphore, #tpu.memory_space<semaphore_mem>>) src(%arg12 : memref<128x128xf32, #tpu.memory_space<vmem>>) dst(%dma_wait3A_610 : memref<128x128xf32, #tpu.memory_space<hbm>>)
      tpu.yield
    }) : () -> ()
    %dma_wait3A_558 = arith.constant 2 : i32
    %dma_wait3A_559 = arith.constant 0 : i32
    %dma_wait3A_560 = tpu.memref_slice %arg9[%dma_wait3A_558, %dma_wait3A_559] : memref<5x128xi32, #tpu.memory_space<vmem>> -> memref<1x128xi32, #tpu.memory_space<vmem>>
    %dma_wait3A_561 = tpu.memref_squeeze %dma_wait3A_560 : memref<1x128xi32, #tpu.memory_space<vmem>> -> memref<128xi32, #tpu.memory_space<vmem>>
    %dma_wait3A_562 = arith.constant 0 : i32
    %dma_wait3A_563 = arith.constant 0 : i32
    %dma_wait3A_564 = tpu.memref_slice %arg13[%dma_wait3A_562, %dma_wait3A_563] : memref<10240x128xf32, #tpu.memory_space<vmem_shared>> -> memref<10240x128xf32, #tpu.memory_space<vmem_shared>>
    tpu.wait_indirect_dma semaphore(%arg14 : memref<!tpu.dma_semaphore, #tpu.memory_space<semaphore_mem>>) src(%dma_wait3A_564 : memref<10240x128xf32, #tpu.memory_space<vmem_shared>>) dst(%arg11 : memref<128x128xf32, #tpu.memory_space<vmem>>)
    %dma_start3A_565 = arith.constant 3 : i32
    %dma_start3A_566 = arith.constant 0 : i32
    %dma_start3A_567 = tpu.memref_slice %arg9[%dma_start3A_565, %dma_start3A_566] : memref<5x128xi32, #tpu.memory_space<vmem>> -> memref<1x128xi32, #tpu.memory_space<vmem>>
    %dma_start3A_568 = tpu.memref_squeeze %dma_start3A_567 : memref<1x128xi32, #tpu.memory_space<vmem>> -> memref<128xi32, #tpu.memory_space<vmem>>
    %dma_start3A_569 = arith.constant 0 : i32
    %dma_start3A_570 = arith.constant 0 : i32
    %dma_start3A_571 = tpu.memref_slice %arg13[%dma_start3A_569, %dma_start3A_570] : memref<10240x128xf32, #tpu.memory_space<vmem_shared>> -> memref<10240x128xf32, #tpu.memory_space<vmem_shared>>
    tpu.enqueue_indirect_dma source(%dma_start3A_571 : memref<10240x128xf32, #tpu.memory_space<vmem_shared>>) target(%arg12 : memref<128x128xf32, #tpu.memory_space<vmem>>) offsets(%dma_start3A_568 : memref<128xi32, #tpu.memory_space<vmem>>) semaphore(%arg16 : memref<!tpu.dma_semaphore, #tpu.memory_space<semaphore_mem>>)
    %add3A_572 = arith.constant 256 : i32
    %add3A_573 = arith.addi %mul3A_7, %add3A_572 : i32
    "tpu.region"() ({
      %run_scoped3A = tpu.sem_alloc : memref<!tpu.dma_semaphore, #tpu.memory_space<semaphore_mem>>
      %dma_start3A_599 = arith.constant 0 : i32
      %dma_start3A_600 = tpu.memref_slice %arg6[%arg0, %add3A_573, %dma_start3A_599] : memref<2x10240x128xf32, #tpu.memory_space<hbm>> -> memref<1x128x128xf32, #tpu.memory_space<hbm>>
      %dma_start3A_601 = tpu.memref_squeeze %dma_start3A_600 : memref<1x128x128xf32, #tpu.memory_space<hbm>> -> memref<128x128xf32, #tpu.memory_space<hbm>>
      %dma_start3A_602 = arith.constant 0 : i32
      %dma_start3A_603 = tpu.memref_slice %arg6[%arg0, %add3A_573, %dma_start3A_602] : memref<2x10240x128xf32, #tpu.memory_space<hbm>> -> memref<1x128x128xf32, #tpu.memory_space<hbm>>
      %dma_start3A_604 = tpu.memref_squeeze %dma_start3A_603 : memref<1x128x128xf32, #tpu.memory_space<hbm>> -> memref<128x128xf32, #tpu.memory_space<hbm>>
      tpu.enqueue_dma source(%arg11 : memref<128x128xf32, #tpu.memory_space<vmem>>) target(%dma_start3A_604 : memref<128x128xf32, #tpu.memory_space<hbm>>) target_semaphore(%run_scoped3A : memref<!tpu.dma_semaphore, #tpu.memory_space<semaphore_mem>>)
      %dma_wait3A_605 = arith.constant 0 : i32
      %dma_wait3A_606 = tpu.memref_slice %arg6[%arg0, %add3A_573, %dma_wait3A_605] : memref<2x10240x128xf32, #tpu.memory_space<hbm>> -> memref<1x128x128xf32, #tpu.memory_space<hbm>>
      %dma_wait3A_607 = tpu.memref_squeeze %dma_wait3A_606 : memref<1x128x128xf32, #tpu.memory_space<hbm>> -> memref<128x128xf32, #tpu.memory_space<hbm>>
      %dma_wait3A_608 = arith.constant 0 : i32
      %dma_wait3A_609 = tpu.memref_slice %arg6[%arg0, %add3A_573, %dma_wait3A_608] : memref<2x10240x128xf32, #tpu.memory_space<hbm>> -> memref<1x128x128xf32, #tpu.memory_space<hbm>>
      %dma_wait3A_610 = tpu.memref_squeeze %dma_wait3A_609 : memref<1x128x128xf32, #tpu.memory_space<hbm>> -> memref<128x128xf32, #tpu.memory_space<hbm>>
      tpu.wait_dma2 semaphore(%run_scoped3A : memref<!tpu.dma_semaphore, #tpu.memory_space<semaphore_mem>>) src(%arg11 : memref<128x128xf32, #tpu.memory_space<vmem>>) dst(%dma_wait3A_610 : memref<128x128xf32, #tpu.memory_space<hbm>>)
      tpu.yield
    }) : () -> ()
    %dma_wait3A_574 = arith.constant 3 : i32
    %dma_wait3A_575 = arith.constant 0 : i32
    %dma_wait3A_576 = tpu.memref_slice %arg9[%dma_wait3A_574, %dma_wait3A_575] : memref<5x128xi32, #tpu.memory_space<vmem>> -> memref<1x128xi32, #tpu.memory_space<vmem>>
    %dma_wait3A_577 = tpu.memref_squeeze %dma_wait3A_576 : memref<1x128xi32, #tpu.memory_space<vmem>> -> memref<128xi32, #tpu.memory_space<vmem>>
    %dma_wait3A_578 = arith.constant 0 : i32
    %dma_wait3A_579 = arith.constant 0 : i32
    %dma_wait3A_580 = tpu.memref_slice %arg13[%dma_wait3A_578, %dma_wait3A_579] : memref<10240x128xf32, #tpu.memory_space<vmem_shared>> -> memref<10240x128xf32, #tpu.memory_space<vmem_shared>>
    tpu.wait_indirect_dma semaphore(%arg16 : memref<!tpu.dma_semaphore, #tpu.memory_space<semaphore_mem>>) src(%dma_wait3A_580 : memref<10240x128xf32, #tpu.memory_space<vmem_shared>>) dst(%arg12 : memref<128x128xf32, #tpu.memory_space<vmem>>)
    %dma_start3A_581 = arith.constant 4 : i32
    %dma_start3A_582 = arith.constant 0 : i32
    %dma_start3A_583 = tpu.memref_slice %arg9[%dma_start3A_581, %dma_start3A_582] : memref<5x128xi32, #tpu.memory_space<vmem>> -> memref<1x128xi32, #tpu.memory_space<vmem>>
    %dma_start3A_584 = tpu.memref_squeeze %dma_start3A_583 : memref<1x128xi32, #tpu.memory_space<vmem>> -> memref<128xi32, #tpu.memory_space<vmem>>
    %dma_start3A_585 = arith.constant 0 : i32
    %dma_start3A_586 = arith.constant 0 : i32
    %dma_start3A_587 = tpu.memref_slice %arg13[%dma_start3A_585, %dma_start3A_586] : memref<10240x128xf32, #tpu.memory_space<vmem_shared>> -> memref<10240x128xf32, #tpu.memory_space<vmem_shared>>
    tpu.enqueue_indirect_dma source(%dma_start3A_587 : memref<10240x128xf32, #tpu.memory_space<vmem_shared>>) target(%arg11 : memref<128x128xf32, #tpu.memory_space<vmem>>) offsets(%dma_start3A_584 : memref<128xi32, #tpu.memory_space<vmem>>) semaphore(%arg14 : memref<!tpu.dma_semaphore, #tpu.memory_space<semaphore_mem>>)
    %add3A_588 = arith.constant 384 : i32
    %add3A_589 = arith.addi %mul3A_7, %add3A_588 : i32
    "tpu.region"() ({
      %run_scoped3A = tpu.sem_alloc : memref<!tpu.dma_semaphore, #tpu.memory_space<semaphore_mem>>
      %dma_start3A_599 = arith.constant 0 : i32
      %dma_start3A_600 = tpu.memref_slice %arg6[%arg0, %add3A_589, %dma_start3A_599] : memref<2x10240x128xf32, #tpu.memory_space<hbm>> -> memref<1x128x128xf32, #tpu.memory_space<hbm>>
      %dma_start3A_601 = tpu.memref_squeeze %dma_start3A_600 : memref<1x128x128xf32, #tpu.memory_space<hbm>> -> memref<128x128xf32, #tpu.memory_space<hbm>>
      %dma_start3A_602 = arith.constant 0 : i32
      %dma_start3A_603 = tpu.memref_slice %arg6[%arg0, %add3A_589, %dma_start3A_602] : memref<2x10240x128xf32, #tpu.memory_space<hbm>> -> memref<1x128x128xf32, #tpu.memory_space<hbm>>
      %dma_start3A_604 = tpu.memref_squeeze %dma_start3A_603 : memref<1x128x128xf32, #tpu.memory_space<hbm>> -> memref<128x128xf32, #tpu.memory_space<hbm>>
      tpu.enqueue_dma source(%arg12 : memref<128x128xf32, #tpu.memory_space<vmem>>) target(%dma_start3A_604 : memref<128x128xf32, #tpu.memory_space<hbm>>) target_semaphore(%run_scoped3A : memref<!tpu.dma_semaphore, #tpu.memory_space<semaphore_mem>>)
      %dma_wait3A_605 = arith.constant 0 : i32
      %dma_wait3A_606 = tpu.memref_slice %arg6[%arg0, %add3A_589, %dma_wait3A_605] : memref<2x10240x128xf32, #tpu.memory_space<hbm>> -> memref<1x128x128xf32, #tpu.memory_space<hbm>>
      %dma_wait3A_607 = tpu.memref_squeeze %dma_wait3A_606 : memref<1x128x128xf32, #tpu.memory_space<hbm>> -> memref<128x128xf32, #tpu.memory_space<hbm>>
      %dma_wait3A_608 = arith.constant 0 : i32
      %dma_wait3A_609 = tpu.memref_slice %arg6[%arg0, %add3A_589, %dma_wait3A_608] : memref<2x10240x128xf32, #tpu.memory_space<hbm>> -> memref<1x128x128xf32, #tpu.memory_space<hbm>>
      %dma_wait3A_610 = tpu.memref_squeeze %dma_wait3A_609 : memref<1x128x128xf32, #tpu.memory_space<hbm>> -> memref<128x128xf32, #tpu.memory_space<hbm>>
      tpu.wait_dma2 semaphore(%run_scoped3A : memref<!tpu.dma_semaphore, #tpu.memory_space<semaphore_mem>>) src(%arg12 : memref<128x128xf32, #tpu.memory_space<vmem>>) dst(%dma_wait3A_610 : memref<128x128xf32, #tpu.memory_space<hbm>>)
      tpu.yield
    }) : () -> ()
    %dma_wait3A_590 = arith.constant 4 : i32
    %dma_wait3A_591 = arith.constant 0 : i32
    %dma_wait3A_592 = tpu.memref_slice %arg9[%dma_wait3A_590, %dma_wait3A_591] : memref<5x128xi32, #tpu.memory_space<vmem>> -> memref<1x128xi32, #tpu.memory_space<vmem>>
    %dma_wait3A_593 = tpu.memref_squeeze %dma_wait3A_592 : memref<1x128xi32, #tpu.memory_space<vmem>> -> memref<128xi32, #tpu.memory_space<vmem>>
    %dma_wait3A_594 = arith.constant 0 : i32
    %dma_wait3A_595 = arith.constant 0 : i32
    %dma_wait3A_596 = tpu.memref_slice %arg13[%dma_wait3A_594, %dma_wait3A_595] : memref<10240x128xf32, #tpu.memory_space<vmem_shared>> -> memref<10240x128xf32, #tpu.memory_space<vmem_shared>>
    tpu.wait_indirect_dma semaphore(%arg14 : memref<!tpu.dma_semaphore, #tpu.memory_space<semaphore_mem>>) src(%dma_wait3A_596 : memref<10240x128xf32, #tpu.memory_space<vmem_shared>>) dst(%arg11 : memref<128x128xf32, #tpu.memory_space<vmem>>)
    %add3A_597 = arith.constant 512 : i32
    %add3A_598 = arith.addi %mul3A_7, %add3A_597 : i32
    "tpu.region"() ({
      %run_scoped3A = tpu.sem_alloc : memref<!tpu.dma_semaphore, #tpu.memory_space<semaphore_mem>>
      %dma_start3A_599 = arith.constant 0 : i32
      %dma_start3A_600 = tpu.memref_slice %arg6[%arg0, %add3A_598, %dma_start3A_599] : memref<2x10240x128xf32, #tpu.memory_space<hbm>> -> memref<1x128x128xf32, #tpu.memory_space<hbm>>
      %dma_start3A_601 = tpu.memref_squeeze %dma_start3A_600 : memref<1x128x128xf32, #tpu.memory_space<hbm>> -> memref<128x128xf32, #tpu.memory_space<hbm>>
      %dma_start3A_602 = arith.constant 0 : i32
      %dma_start3A_603 = tpu.memref_slice %arg6[%arg0, %add3A_598, %dma_start3A_602] : memref<2x10240x128xf32, #tpu.memory_space<hbm>> -> memref<1x128x128xf32, #tpu.memory_space<hbm>>
      %dma_start3A_604 = tpu.memref_squeeze %dma_start3A_603 : memref<1x128x128xf32, #tpu.memory_space<hbm>> -> memref<128x128xf32, #tpu.memory_space<hbm>>
      tpu.enqueue_dma source(%arg11 : memref<128x128xf32, #tpu.memory_space<vmem>>) target(%dma_start3A_604 : memref<128x128xf32, #tpu.memory_space<hbm>>) target_semaphore(%run_scoped3A : memref<!tpu.dma_semaphore, #tpu.memory_space<semaphore_mem>>)
      %dma_wait3A_605 = arith.constant 0 : i32
      %dma_wait3A_606 = tpu.memref_slice %arg6[%arg0, %add3A_598, %dma_wait3A_605] : memref<2x10240x128xf32, #tpu.memory_space<hbm>> -> memref<1x128x128xf32, #tpu.memory_space<hbm>>
      %dma_wait3A_607 = tpu.memref_squeeze %dma_wait3A_606 : memref<1x128x128xf32, #tpu.memory_space<hbm>> -> memref<128x128xf32, #tpu.memory_space<hbm>>
      %dma_wait3A_608 = arith.constant 0 : i32
      %dma_wait3A_609 = tpu.memref_slice %arg6[%arg0, %add3A_598, %dma_wait3A_608] : memref<2x10240x128xf32, #tpu.memory_space<hbm>> -> memref<1x128x128xf32, #tpu.memory_space<hbm>>
      %dma_wait3A_610 = tpu.memref_squeeze %dma_wait3A_609 : memref<1x128x128xf32, #tpu.memory_space<hbm>> -> memref<128x128xf32, #tpu.memory_space<hbm>>
      tpu.wait_dma2 semaphore(%run_scoped3A : memref<!tpu.dma_semaphore, #tpu.memory_space<semaphore_mem>>) src(%arg11 : memref<128x128xf32, #tpu.memory_space<vmem>>) dst(%dma_wait3A_610 : memref<128x128xf32, #tpu.memory_space<hbm>>)
      tpu.yield
    }) : () -> ()
    return
  }
}

module attributes {stable_mosaic.version = 14 : i64} {
  func.func @body(%arg0: i32, %arg1: memref<1000x128xf32, #tpu.memory_space<vmem>>, %arg2: memref<128x128xf32, #tpu.memory_space<vmem>>, %arg3: memref<1x1000x1xf32, #tpu.memory_space<vmem>>, %arg4: memref<1x1000x1xf32, #tpu.memory_space<vmem>>, %arg5: memref<1000x128xf32, #tpu.memory_space<vmem>>) attributes {dimension_semantics = [#tpu.dimension_semantics<arbitrary>], iteration_bounds = array<i64: 10>, scalar_prefetch = 0 : i64, scratch_operands = 0 : i64, tpu.core_type = #tpu.core_type<tc>, window_params = [{transform_indices = @transform_0, window_bounds = array<i64: 1000, 128>}, {pipeline_mode = #tpu.pipeline_mode<synchronous>, transform_indices = @transform_1, window_bounds = array<i64: 128, 128>}, {transform_indices = @transform_2, window_bounds = array<i64: 1, 1000, 1>}, {transform_indices = @transform_3, window_bounds = array<i64: 1, 1000, 1>}, {transform_indices = @transform_4, window_bounds = array<i64: 1000, 128>}]} {
    %get3A = arith.constant 0 : index
    %get3A_0 = arith.constant 0 : index
    %get3A_1 = arith.constant 0 : index
    %get3A_2 = vector.load %arg3[%get3A, %get3A_0, %get3A_1] : memref<1x1000x1xf32, #tpu.memory_space<vmem>>, vector<1x1000x1xf32>
    %squeeze3A = vector.shape_cast %get3A_2 : vector<1x1000x1xf32> to vector<1000x1xf32>
    %get3A_3 = arith.constant 0 : index
    %get3A_4 = arith.constant 0 : index
    %get3A_5 = arith.constant 0 : index
    %get3A_6 = vector.load %arg4[%get3A_3, %get3A_4, %get3A_5] : memref<1x1000x1xf32, #tpu.memory_space<vmem>>, vector<1x1000x1xf32>
    %squeeze3A_7 = vector.shape_cast %get3A_6 : vector<1x1000x1xf32> to vector<1000x1xf32>
    %add3A = arith.addf %squeeze3A, %squeeze3A_7 : vector<1000x1xf32>
    %add3A_8 = arith.constant 1.000000e+00 : f32
    %add3A_9 = vector.broadcast %add3A_8 : f32 to vector<1000x1xf32>
    %add3A_10 = arith.addf %add3A, %add3A_9 : vector<1000x1xf32>
    %rsqrt3A = math.rsqrt %add3A_10 : vector<1000x1xf32>
    %get3A_11 = arith.constant 0 : index
    %get3A_12 = arith.constant 0 : index
    %get3A_13 = vector.load %arg1[%get3A_11, %get3A_12] : memref<1000x128xf32, #tpu.memory_space<vmem>>, vector<1000x128xf32>
    %get3A_14 = arith.constant 0 : index
    %get3A_15 = arith.constant 0 : index
    %get3A_16 = vector.load %arg2[%get3A_14, %get3A_15] : memref<128x128xf32, #tpu.memory_space<vmem>>, vector<128x128xf32>
    %dot_general3A = arith.constant dense<0.000000e+00> : vector<1000x128xf32>
    %dot_general3A_17 = tpu.matmul %get3A_13, %get3A_16, %dot_general3A {dimension_numbers = #tpu.dot_dimension_numbers<[1], [0], [0], [1], [0, 0, 1, 1], [], []>, transpose_lhs_hint = false} : vector<1000x128xf32>, vector<128x128xf32>, vector<1000x128xf32> -> vector<1000x128xf32>
    %mul3A = vector.broadcast %rsqrt3A : vector<1000x1xf32> to vector<1000x128xf32>
    %mul3A_18 = arith.mulf %dot_general3A_17, %mul3A : vector<1000x128xf32>
    %swap3A = arith.constant 0 : index
    %swap3A_19 = arith.constant 0 : index
    %swap3A_20 = vector.load %arg5[%swap3A, %swap3A_19] : memref<1000x128xf32, #tpu.memory_space<vmem>>, vector<1000x128xf32>
    tpu.vector_store %arg5[%swap3A, %swap3A_19], %mul3A_18 {strides = array<i32>} : memref<1000x128xf32, #tpu.memory_space<vmem>>, vector<1000x128xf32>,
    return
  }
  func.func @transform_0(%arg0: i32) -> (i32, i32) {
    %c0_i32 = arith.constant 0 : i32
    %c0_i32_0 = arith.constant 0 : i32
    return %arg0, %c0_i32 : i32, i32
  }
  func.func @transform_1(%arg0: i32) -> (i32, i32) {
    %c0_i32 = arith.constant 0 : i32
    %c0_i32_0 = arith.constant 0 : i32
    %c0_i32_1 = arith.constant 0 : i32
    return %c0_i32, %c0_i32_0 : i32, i32
  }
  func.func @transform_2(%arg0: i32) -> (i32, i32, i32) {
    %c0_i32 = arith.constant 0 : i32
    %c0_i32_0 = arith.constant 0 : i32
    %c0_i32_1 = arith.constant 0 : i32
    return %c0_i32, %arg0, %c0_i32_0 : i32, i32, i32
  }
  func.func @transform_3(%arg0: i32) -> (i32, i32, i32) {
    %c1_i32 = arith.constant 1 : i32
    %c0_i32 = arith.constant 0 : i32
    %c0_i32_0 = arith.constant 0 : i32
    return %c1_i32, %arg0, %c0_i32 : i32, i32, i32
  }
  func.func @transform_4(%arg0: i32) -> (i32, i32) {
    %c0_i32 = arith.constant 0 : i32
    %c0_i32_0 = arith.constant 0 : i32
    return %arg0, %c0_i32 : i32, i32
  }
}

module attributes {stable_mosaic.version = 14 : i64} {
  func.func @body(%arg0: i32, %arg1: memref<1x1000x128xf32, #tpu.memory_space<vmem>>, %arg2: memref<1x1000x128xf32, #tpu.memory_space<vmem>>, %arg3: memref<1000x128xf32, #tpu.memory_space<vmem>>, %arg4: memref<1x1000x1xf32, #tpu.memory_space<vmem>>, %arg5: memref<1x1000x1xf32, #tpu.memory_space<vmem>>, %arg6: memref<1x128xf32, #tpu.memory_space<vmem>>, %arg7: memref<128x128xf32, #tpu.memory_space<vmem>>, %arg8: memref<1000x128xf32, #tpu.memory_space<vmem>>) attributes {dimension_semantics = [#tpu.dimension_semantics<arbitrary>], iteration_bounds = array<i64: 10>, scalar_prefetch = 0 : i64, scratch_operands = 0 : i64, tpu.core_type = #tpu.core_type<tc>, window_params = [{transform_indices = @transform_0, window_bounds = array<i64: 1, 1000, 128>}, {transform_indices = @transform_1, window_bounds = array<i64: 1, 1000, 128>}, {transform_indices = @transform_2, window_bounds = array<i64: 1000, 128>}, {transform_indices = @transform_3, window_bounds = array<i64: 1, 1000, 1>}, {transform_indices = @transform_4, window_bounds = array<i64: 1, 1000, 1>}, {pipeline_mode = #tpu.pipeline_mode<synchronous>, transform_indices = @transform_5, window_bounds = array<i64: 1, 128>}, {pipeline_mode = #tpu.pipeline_mode<synchronous>, transform_indices = @transform_6, window_bounds = array<i64: 128, 128>}, {transform_indices = @transform_7, window_bounds = array<i64: 1000, 128>}]} {
    %get3A = arith.constant 0 : index
    %get3A_0 = arith.constant 0 : index
    %get3A_1 = arith.constant 0 : index
    %get3A_2 = vector.load %arg4[%get3A, %get3A_0, %get3A_1] : memref<1x1000x1xf32, #tpu.memory_space<vmem>>, vector<1x1000x1xf32>
    %squeeze3A = vector.shape_cast %get3A_2 : vector<1x1000x1xf32> to vector<1000x1xf32>
    %get3A_3 = arith.constant 0 : index
    %get3A_4 = arith.constant 0 : index
    %get3A_5 = arith.constant 0 : index
    %get3A_6 = vector.load %arg5[%get3A_3, %get3A_4, %get3A_5] : memref<1x1000x1xf32, #tpu.memory_space<vmem>>, vector<1x1000x1xf32>
    %squeeze3A_7 = vector.shape_cast %get3A_6 : vector<1x1000x1xf32> to vector<1000x1xf32>
    %add3A = arith.addf %squeeze3A, %squeeze3A_7 : vector<1000x1xf32>
    %add3A_8 = arith.constant 1.000000e+00 : f32
    %add3A_9 = vector.broadcast %add3A_8 : f32 to vector<1000x1xf32>
    %add3A_10 = arith.addf %add3A, %add3A_9 : vector<1000x1xf32>
    %rsqrt3A = math.rsqrt %add3A_10 : vector<1000x1xf32>
    %get3A_11 = arith.constant 0 : index
    %get3A_12 = arith.constant 0 : index
    %get3A_13 = arith.constant 0 : index
    %get3A_14 = vector.load %arg1[%get3A_11, %get3A_12, %get3A_13] : memref<1x1000x128xf32, #tpu.memory_space<vmem>>, vector<1x1000x128xf32>
    %squeeze3A_15 = vector.shape_cast %get3A_14 : vector<1x1000x128xf32> to vector<1000x128xf32>
    %get3A_16 = arith.constant 0 : index
    %get3A_17 = arith.constant 0 : index
    %get3A_18 = arith.constant 0 : index
    %get3A_19 = vector.load %arg2[%get3A_16, %get3A_17, %get3A_18] : memref<1x1000x128xf32, #tpu.memory_space<vmem>>, vector<1x1000x128xf32>
    %squeeze3A_20 = vector.shape_cast %get3A_19 : vector<1x1000x128xf32> to vector<1000x128xf32>
    %add3A_21 = arith.addf %squeeze3A_15, %squeeze3A_20 : vector<1000x128xf32>
    %get3A_22 = arith.constant 0 : index
    %get3A_23 = arith.constant 0 : index
    %get3A_24 = vector.load %arg3[%get3A_22, %get3A_23] : memref<1000x128xf32, #tpu.memory_space<vmem>>, vector<1000x128xf32>
    %add3A_25 = arith.addf %add3A_21, %get3A_24 : vector<1000x128xf32>
    %mul3A = vector.broadcast %rsqrt3A : vector<1000x1xf32> to vector<1000x128xf32>
    %mul3A_26 = arith.mulf %add3A_25, %mul3A : vector<1000x128xf32>
    %get3A_27 = arith.constant 0 : index
    %get3A_28 = arith.constant 0 : index
    %get3A_29 = vector.load %arg6[%get3A_27, %get3A_28] : memref<1x128xf32, #tpu.memory_space<vmem>>, vector<1x128xf32>
    %add3A_30 = vector.broadcast %get3A_29 : vector<1x128xf32> to vector<1000x128xf32>
    %add3A_31 = arith.addf %mul3A_26, %add3A_30 : vector<1000x128xf32>
    %max3A = arith.constant 0.000000e+00 : f32
    %max3A_32 = vector.broadcast %max3A : f32 to vector<1000x128xf32>
    %max3A_33 = arith.maximumf %add3A_31, %max3A_32 : vector<1000x128xf32>
    %get3A_34 = arith.constant 0 : index
    %get3A_35 = arith.constant 0 : index
    %get3A_36 = vector.load %arg7[%get3A_34, %get3A_35] : memref<128x128xf32, #tpu.memory_space<vmem>>, vector<128x128xf32>
    %dot_general3A = arith.constant dense<0.000000e+00> : vector<1000x128xf32>
    %dot_general3A_37 = tpu.matmul %max3A_33, %get3A_36, %dot_general3A {dimension_numbers = #tpu.dot_dimension_numbers<[1], [0], [0], [1], [0, 0, 1, 1], [], []>, transpose_lhs_hint = false} : vector<1000x128xf32>, vector<128x128xf32>, vector<1000x128xf32> -> vector<1000x128xf32>
    %mul3A_38 = vector.broadcast %rsqrt3A : vector<1000x1xf32> to vector<1000x128xf32>
    %mul3A_39 = arith.mulf %dot_general3A_37, %mul3A_38 : vector<1000x128xf32>
    %swap3A = arith.constant 0 : index
    %swap3A_40 = arith.constant 0 : index
    %swap3A_41 = vector.load %arg8[%swap3A, %swap3A_40] : memref<1000x128xf32, #tpu.memory_space<vmem>>, vector<1000x128xf32>
    tpu.vector_store %arg8[%swap3A, %swap3A_40], %mul3A_39 {strides = array<i32>} : memref<1000x128xf32, #tpu.memory_space<vmem>>, vector<1000x128xf32>,
    return
  }
  func.func @transform_0(%arg0: i32) -> (i32, i32, i32) {
    %c0_i32 = arith.constant 0 : i32
    %c0_i32_0 = arith.constant 0 : i32
    %c0_i32_1 = arith.constant 0 : i32
    return %c0_i32, %arg0, %c0_i32_0 : i32, i32, i32
  }
  func.func @transform_1(%arg0: i32) -> (i32, i32, i32) {
    %c1_i32 = arith.constant 1 : i32
    %c0_i32 = arith.constant 0 : i32
    %c0_i32_0 = arith.constant 0 : i32
    return %c1_i32, %arg0, %c0_i32 : i32, i32, i32
  }
  func.func @transform_2(%arg0: i32) -> (i32, i32) {
    %c0_i32 = arith.constant 0 : i32
    %c0_i32_0 = arith.constant 0 : i32
    return %arg0, %c0_i32 : i32, i32
  }
  func.func @transform_3(%arg0: i32) -> (i32, i32, i32) {
    %c0_i32 = arith.constant 0 : i32
    %c0_i32_0 = arith.constant 0 : i32
    %c0_i32_1 = arith.constant 0 : i32
    return %c0_i32, %arg0, %c0_i32_0 : i32, i32, i32
  }
  func.func @transform_4(%arg0: i32) -> (i32, i32, i32) {
    %c1_i32 = arith.constant 1 : i32
    %c0_i32 = arith.constant 0 : i32
    %c0_i32_0 = arith.constant 0 : i32
    return %c1_i32, %arg0, %c0_i32 : i32, i32, i32
  }
  func.func @transform_5(%arg0: i32) -> (i32, i32) {
    %c0_i32 = arith.constant 0 : i32
    %c0_i32_0 = arith.constant 0 : i32
    %c0_i32_1 = arith.constant 0 : i32
    return %c0_i32, %c0_i32_0 : i32, i32
  }
  func.func @transform_6(%arg0: i32) -> (i32, i32) {
    %c0_i32 = arith.constant 0 : i32
    %c0_i32_0 = arith.constant 0 : i32
    %c0_i32_1 = arith.constant 0 : i32
    return %c0_i32, %c0_i32_0 : i32, i32
  }
  func.func @transform_7(%arg0: i32) -> (i32, i32) {
    %c0_i32 = arith.constant 0 : i32
    %c0_i32_0 = arith.constant 0 : i32
    return %arg0, %c0_i32 : i32, i32
  }
}

module attributes {stable_mosaic.version = 14 : i64} {
  func.func @body(%arg0: i32, %arg1: memref<1x1000x128xf32, #tpu.memory_space<vmem>>, %arg2: memref<1x1000x128xf32, #tpu.memory_space<vmem>>, %arg3: memref<1000x128xf32, #tpu.memory_space<vmem>>, %arg4: memref<1x1000x1xf32, #tpu.memory_space<vmem>>, %arg5: memref<1x1000x1xf32, #tpu.memory_space<vmem>>, %arg6: memref<1x128xf32, #tpu.memory_space<vmem>>, %arg7: memref<1000x128xf32, #tpu.memory_space<vmem>>) attributes {dimension_semantics = [#tpu.dimension_semantics<arbitrary>], iteration_bounds = array<i64: 10>, scalar_prefetch = 0 : i64, scratch_operands = 0 : i64, tpu.core_type = #tpu.core_type<tc>, window_params = [{transform_indices = @transform_0, window_bounds = array<i64: 1, 1000, 128>}, {transform_indices = @transform_1, window_bounds = array<i64: 1, 1000, 128>}, {transform_indices = @transform_2, window_bounds = array<i64: 1000, 128>}, {transform_indices = @transform_3, window_bounds = array<i64: 1, 1000, 1>}, {transform_indices = @transform_4, window_bounds = array<i64: 1, 1000, 1>}, {pipeline_mode = #tpu.pipeline_mode<synchronous>, transform_indices = @transform_5, window_bounds = array<i64: 1, 128>}, {transform_indices = @transform_6, window_bounds = array<i64: 1000, 128>}]} {
    %get3A = arith.constant 0 : index
    %get3A_0 = arith.constant 0 : index
    %get3A_1 = arith.constant 0 : index
    %get3A_2 = vector.load %arg4[%get3A, %get3A_0, %get3A_1] : memref<1x1000x1xf32, #tpu.memory_space<vmem>>, vector<1x1000x1xf32>
    %squeeze3A = vector.shape_cast %get3A_2 : vector<1x1000x1xf32> to vector<1000x1xf32>
    %get3A_3 = arith.constant 0 : index
    %get3A_4 = arith.constant 0 : index
    %get3A_5 = arith.constant 0 : index
    %get3A_6 = vector.load %arg5[%get3A_3, %get3A_4, %get3A_5] : memref<1x1000x1xf32, #tpu.memory_space<vmem>>, vector<1x1000x1xf32>
    %squeeze3A_7 = vector.shape_cast %get3A_6 : vector<1x1000x1xf32> to vector<1000x1xf32>
    %add3A = arith.addf %squeeze3A, %squeeze3A_7 : vector<1000x1xf32>
    %add3A_8 = arith.constant 1.000000e+00 : f32
    %add3A_9 = vector.broadcast %add3A_8 : f32 to vector<1000x1xf32>
    %add3A_10 = arith.addf %add3A, %add3A_9 : vector<1000x1xf32>
    %rsqrt3A = math.rsqrt %add3A_10 : vector<1000x1xf32>
    %get3A_11 = arith.constant 0 : index
    %get3A_12 = arith.constant 0 : index
    %get3A_13 = arith.constant 0 : index
    %get3A_14 = vector.load %arg1[%get3A_11, %get3A_12, %get3A_13] : memref<1x1000x128xf32, #tpu.memory_space<vmem>>, vector<1x1000x128xf32>
    %squeeze3A_15 = vector.shape_cast %get3A_14 : vector<1x1000x128xf32> to vector<1000x128xf32>
    %get3A_16 = arith.constant 0 : index
    %get3A_17 = arith.constant 0 : index
    %get3A_18 = arith.constant 0 : index
    %get3A_19 = vector.load %arg2[%get3A_16, %get3A_17, %get3A_18] : memref<1x1000x128xf32, #tpu.memory_space<vmem>>, vector<1x1000x128xf32>
    %squeeze3A_20 = vector.shape_cast %get3A_19 : vector<1x1000x128xf32> to vector<1000x128xf32>
    %add3A_21 = arith.addf %squeeze3A_15, %squeeze3A_20 : vector<1000x128xf32>
    %get3A_22 = arith.constant 0 : index
    %get3A_23 = arith.constant 0 : index
    %get3A_24 = vector.load %arg3[%get3A_22, %get3A_23] : memref<1000x128xf32, #tpu.memory_space<vmem>>, vector<1000x128xf32>
    %add3A_25 = arith.addf %add3A_21, %get3A_24 : vector<1000x128xf32>
    %mul3A = vector.broadcast %rsqrt3A : vector<1000x1xf32> to vector<1000x128xf32>
    %mul3A_26 = arith.mulf %add3A_25, %mul3A : vector<1000x128xf32>
    %get3A_27 = arith.constant 0 : index
    %get3A_28 = arith.constant 0 : index
    %get3A_29 = vector.load %arg6[%get3A_27, %get3A_28] : memref<1x128xf32, #tpu.memory_space<vmem>>, vector<1x128xf32>
    %add3A_30 = vector.broadcast %get3A_29 : vector<1x128xf32> to vector<1000x128xf32>
    %add3A_31 = arith.addf %mul3A_26, %add3A_30 : vector<1000x128xf32>
    %max3A = arith.constant 0.000000e+00 : f32
    %max3A_32 = vector.broadcast %max3A : f32 to vector<1000x128xf32>
    %max3A_33 = arith.maximumf %add3A_31, %max3A_32 : vector<1000x128xf32>
    %swap3A = arith.constant 0 : index
    %swap3A_34 = arith.constant 0 : index
    %swap3A_35 = vector.load %arg7[%swap3A, %swap3A_34] : memref<1000x128xf32, #tpu.memory_space<vmem>>, vector<1000x128xf32>
    tpu.vector_store %arg7[%swap3A, %swap3A_34], %max3A_33 {strides = array<i32>} : memref<1000x128xf32, #tpu.memory_space<vmem>>, vector<1000x128xf32>,
    return
  }
  func.func @transform_0(%arg0: i32) -> (i32, i32, i32) {
    %c0_i32 = arith.constant 0 : i32
    %c0_i32_0 = arith.constant 0 : i32
    %c0_i32_1 = arith.constant 0 : i32
    return %c0_i32, %arg0, %c0_i32_0 : i32, i32, i32
  }
  func.func @transform_1(%arg0: i32) -> (i32, i32, i32) {
    %c1_i32 = arith.constant 1 : i32
    %c0_i32 = arith.constant 0 : i32
    %c0_i32_0 = arith.constant 0 : i32
    return %c1_i32, %arg0, %c0_i32 : i32, i32, i32
  }
  func.func @transform_2(%arg0: i32) -> (i32, i32) {
    %c0_i32 = arith.constant 0 : i32
    %c0_i32_0 = arith.constant 0 : i32
    return %arg0, %c0_i32 : i32, i32
  }
  func.func @transform_3(%arg0: i32) -> (i32, i32, i32) {
    %c0_i32 = arith.constant 0 : i32
    %c0_i32_0 = arith.constant 0 : i32
    %c0_i32_1 = arith.constant 0 : i32
    return %c0_i32, %arg0, %c0_i32_0 : i32, i32, i32
  }
  func.func @transform_4(%arg0: i32) -> (i32, i32, i32) {
    %c1_i32 = arith.constant 1 : i32
    %c0_i32 = arith.constant 0 : i32
    %c0_i32_0 = arith.constant 0 : i32
    return %c1_i32, %arg0, %c0_i32 : i32, i32, i32
  }
  func.func @transform_5(%arg0: i32) -> (i32, i32) {
    %c0_i32 = arith.constant 0 : i32
    %c0_i32_0 = arith.constant 0 : i32
    %c0_i32_1 = arith.constant 0 : i32
    return %c0_i32, %c0_i32_0 : i32, i32
  }
  func.func @transform_6(%arg0: i32) -> (i32, i32) {
    %c0_i32 = arith.constant 0 : i32
    %c0_i32_0 = arith.constant 0 : i32
    return %arg0, %c0_i32 : i32, i32
  }
}

</mosaic_0001>

<sc_bundles>
// kernel: kernel.11.cloned.1.call-start
scs
__scs_entry_jumppad:
0x0: {  	(pc) =	sbr.rel $0x88, $3  }
0x1: {  	(tag) =	ssettag $0x0;
	lr =	simm.s32 $0x1  }
0x2: {  	[smem:$0x3F9B] =	sst lr;
	_ =	strace $0xD0000000  }
0x3: {  	_ = 	snop  }
0x4: {  	_ = 	snop  }
0x5: {  	_ = 	snop  }
0x6: {  	_ = 	snop  }
0x7: {  	_ = 	snop  }
__scs_overlays_trampoline_lowered:
0x8: {  	[smem:$0x3FAA] =	sst s0  }
0x9: {  	[smem:$0x3FAB] =	sst s1  }
0xa: {  	[smem:$0x3FAC] =	sst s2  }
0xb: {  	[smem:$0x3FAD] =	sst s3  }
0xc: {  	[smem:$0x3FAE] =	sst s4  }
0xd: {  	[smem:$0x3FAF] =	sst s5  }
0xe: {  	[smem:$0x3FB0] =	sst s6  }
0xf: {  	[smem:$0x3FB1] =	sst s7  }
0x10: {  	[smem:$0x3FB2] =	sst s8  }
0x11: {  	[smem:$0x3FB3] =	sst s9;
	s0 =	simm.s32 @!p0 $0x0  }
0x12: {  	s1 =	sld [smem:$0x3F99];
	s0 =	simm.s32 @p0 $0x1  }
0x13: {  	[smem:$0x3FB4] =	sst s0;
	s0 =	simm.s32 @!p1 $0x0  }
0x14: {  	s2 =	sld [smem:$0x3F98];
	s0 =	simm.s32 @p1 $0x1  }
0x15: {  	[smem:$0x3FB5] =	sst s0;
	s0 =	simm.s32 @!p2 $0x0  }
0x16: {  	s3 =	sld [smem:$0x3FDB];
	s0 =	simm.s32 @p2 $0x1  }
0x17: {  	s4 =	simm.s32 $0x1BF5;
	[smem:$0x3FB7] =	sst s0  }
0x18: {  	s0 =	sld [smem:$0x3F9A];
	_ =	swait.ge [sflag:s4], $0x0  }
0x19: {  	s7 =	sld [smem:$0x3F9B]  }
0x1a: {  	s8 =	sadd.s32 $0xFFFFE003, lr  }
0x1b: {  	s9 =	sadd.s32 $0xFFFFFEF7, lr;
	s5 =	simm.s32 $0xFFFFFFFF;
	p2 =	slt.u32 s8, $0xFFFFF086  }
0x1c: {  	p1 =	slt.u32 s9, $0xF7A;
	s5 =	simm.s32 @!p2 $0x0  }
0x1d: {  	s5 =	simm.s32 @p1 $0x1;
	p0 =	seq.s32 s7, s2  }
0x1e: {  	s7 =	smul.u32 @!p0 $0xF7A, s2;
	p2 =	seq.s32 @!p0 s5, $0x0  }
0x1f: {  	s9 =	smul.u32 $0xF7A, s1;
	s8 =	simm.s32 @!p0 $0x1BF5;
	p2 =	por !p2, p0  }
0x20: {  	[sflag:s8] =	ssyncset.s32 @!p0 $0xFFFFF086;
	s6 =	sadd.s32 @!p0 s3, s7;
	s7 =	simm.s32 @!p0 $0x108  }
0x21: {  	s3 =	sadd.s32 s3, s9;
	s6 =	sadd.s32 @!p0 $0x88, s6;
	s7 =	simm.s32 @p2 $0x1082  }
0x22: {  	[simem:s7], [sflag:s8] =	dma.local @!p0 [hbm:s6], $0xF7A  }
0x23: {  	s9 =	sor.u32 $0xD0000000, s2;
	s6 =	simm.s32 $0x108;
	_ =	swait.ge @!p0 [sflag:s8], $0x0  }
0x24: {  	s3 =	sadd.s32 $0x88, s3;
	s6 =	simm.s32 @!p1 $0x1082;
	[sflag:s4] =	ssyncset.s32 $0xFFFFF086  }
0x25: {  	[simem:s6], [sflag:s4] =	dma.local [hbm:s3], $0xF7A  }
0x26: {  	[smem:$0x3F9B] =	sst s1;
	(tag) =	ssettag s2;
	_ =	strace s9  }
0x27: {  	s1 =	sld [smem:$0x3FAB]  }
0x28: {  	s2 =	sld [smem:$0x3FAC]  }
0x29: {  	s4 =	sld [smem:$0x3FAE]  }
0x2a: {  	p0 =	seq.s32 s5, $0x0;
	s5 =	sld [smem:$0x3FAF]  }
0x2b: {  	s6 =	sld [smem:$0x3FB0]  }
0x2c: {  	s7 =	sld [smem:$0x3FB1]  }
0x2d: {  	s3 =	simm.s32 $0x108;
	s8 =	sld [smem:$0x3FB2]  }
0x2e: {  	s3 =	simm.s32 @!p0 $0x1082;
	s9 =	sld [smem:$0x3FB3]  }
0x2f: {  	lr =	sadd.s32 s0, s3;
	s0 =	sld [smem:$0x3FAA]  }
0x30: {  	s3 =	sld [smem:$0x3FAD]  }
0x31: {  	[smem:$0x3FB6] =	sst s10  }
0x32: {  	s10 =	sld [smem:$0x3FB4];
	_ =	sdelay $0x3  }
0x33: {  	p0 =	seq.s32 s10, $0x1;
	s10 =	sld [smem:$0x3FB6];
	_ =	sdelay $0x3  }
0x34: {  	[smem:$0x3FB6] =	sst s10  }
0x35: {  	s10 =	sld [smem:$0x3FB5];
	_ =	sdelay $0x3  }
0x36: {  	p1 =	seq.s32 s10, $0x1;
	s10 =	sld [smem:$0x3FB6];
	_ =	sdelay $0x3  }
0x37: {  	[smem:$0x3FB6] =	sst s10  }
0x38: {  	s10 =	sld [smem:$0x3FB7]  }
0x39: {  	_ = 	snop;
	(pc) =	sbr.ind lr, $3  }
0x3a: {  	_ = 	snop  }
0x3b: {  	_ = 	snop  }
0x3c: {  	p2 =	seq.s32 s10, $0x1;
	s10 =	sld [smem:$0x3FB6]  }
0x3d: {  	_ =	shalt  }
0x3e: {  	_ =	shalt  }
0x3f: {  	_ =	shalt  }
0x40: {  	_ =	shalt  }
0x41: {  	_ =	shalt  }
0x42: {  	_ =	shalt  }
0x43: {  	_ =	shalt  }
0x44: {  	_ =	shalt  }
0x45: {  	_ =	shalt  }
0x46: {  	_ =	shalt  }
0x47: {  	_ =	shalt  }
0x48: {  	_ =	shalt  }
0x49: {  	_ =	shalt  }
0x4a: {  	_ =	shalt  }
0x4b: {  	_ =	shalt  }
0x4c: {  	_ =	shalt  }
0x4d: {  	_ =	shalt  }
0x4e: {  	_ =	shalt  }
0x4f: {  	_ =	shalt  }
0x50: {  	_ =	shalt  }
0x51: {  	_ =	shalt  }
0x52: {  	_ =	shalt  }
0x53: {  	_ =	shalt  }
0x54: {  	_ =	shalt  }
0x55: {  	_ =	shalt  }
0x56: {  	_ =	shalt  }
0x57: {  	_ =	shalt  }
0x58: {  	_ =	shalt  }
0x59: {  	_ =	shalt  }
0x5a: {  	_ =	shalt  }
0x5b: {  	_ =	shalt  }
0x5c: {  	_ =	shalt  }
0x5d: {  	_ =	shalt  }
0x5e: {  	_ =	shalt  }
0x5f: {  	_ =	shalt  }
0x60: {  	_ =	shalt  }
0x61: {  	_ =	shalt  }
0x62: {  	_ =	shalt  }
0x63: {  	_ =	shalt  }
0x64: {  	_ =	shalt  }
0x65: {  	_ =	shalt  }
0x66: {  	_ =	shalt  }
0x67: {  	_ =	shalt  }
0x68: {  	_ =	shalt  }
0x69: {  	_ =	shalt  }
0x6a: {  	_ =	shalt  }
0x6b: {  	_ =	shalt  }
0x6c: {  	_ =	shalt  }
0x6d: {  	_ =	shalt  }
0x6e: {  	_ =	shalt  }
0x6f: {  	_ =	shalt  }
0x70: {  	_ =	shalt  }
0x71: {  	_ =	shalt  }
0x72: {  	_ =	shalt  }
0x73: {  	_ =	shalt  }
0x74: {  	_ =	shalt  }
0x75: {  	_ =	shalt  }
0x76: {  	_ =	shalt  }
0x77: {  	_ =	shalt  }
0x78: {  	_ =	shalt  }
0x79: {  	_ =	shalt  }
0x7a: {  	_ =	shalt  }
0x7b: {  	_ =	shalt  }
0x7c: {  	_ =	shalt  }
0x7d: {  	_ =	shalt  }
0x7e: {  	_ =	shalt  }
0x7f: {  	_ =	shalt  }
0x80: {  	_ =	shalt  }
0x81: {  	_ =	shalt  }
0x82: {  	_ =	shalt  }
0x83: {  	_ =	shalt  }
0x84: {  	_ =	shalt  }
0x85: {  	_ =	shalt  }
0x86: {  	_ =	shalt  }
0x87: {  	_ =	shalt  }
.Lfunc_end0:
.L_simem_size_0:
called_computation.1_lowered:
.L_overlay_start_0:
0x88: {  	s2 =	sld [smem:$0x3FD9]  }
0x89: {  	s3 =	sld [smem:$0x3FFE];
	_ =	sdelay $0x1  }
0x8a: {  	s1 =	srdreg.scid  }
0x8b: {  	s0 =	sand.u32 $0x1, s1  }
0x8c: {  	s17 =	sshll.u32 s0, $0xA;
	s2 =	sadd.s32 s3, s2  }
0x8d: {  	s2 =	sadd.s32 s2, s17  }
0x8e: {  	[smem:$0x3FC2] =	sst s2  }
0x8f: {  	_ = 	snop  }
0x90: {  	s2 =	sld [smem:$0x3FD0];
	(tm) =	ssettm $0x1  }
0x91: {  	s18 =	sld [smem:$0x3FFB];
	_ =	sdelay $0x3  }
0x92: {  	_ =	strace s18  }
0x93: {  	s3 =	sld [smem:$0x3FFC];
	_ =	sdelay $0x3  }
0x94: {  	_ =	strace s3  }
0x95: {  	s3 =	sld [smem:$0x3FFD];
	_ =	sdelay $0x3  }
0x96: {  	_ =	strace s3  }
0x97: {  	_ =	strace $0x8FFFFFFF  }
0x98: {  	s19 =	sld [smem:$0x3FDB];
	_ =	sdelay $0x1  }
0x99: {  	s4 =	simm.s32 $_scs_section_size  }
0x9a: {  	s5 =	simm.s32 $_size__tile_overlayer_lowered;
	s6 =	simm.s32 $_tile_overlayer_lowered  }
0x9b: {  	s22 =	simm.s32 $0x1BFF;
	s21 =	sshll.u32 s6, $0x1;
	s3 =	sadd.s32 s4, s19  }
0x9c: {  	s7 =	simm.s32 $0x0;
	s20 =	sshll.u32 s5, $0x1;
	s5 =	sadd.s32 s21, s3  }
0x9d: {  	[timem:s7], [sflag:s22] =	dma.local [hbm:s5], s20  }
0x9e: {  	_ =	swait.ge [sflag:s22], s20  }
0x9f: {  	s4 =	ssub.s32 $0x0, s20;
	[sflag:s22] =	ssyncset.done $0x0  }
0xa0: {  	[sflag:s22] =	ssyncadd.s32 s4;
	_ =	sdelay $0x1  }
0xa1: {  	s23 =	simm.s32 $0x1B8B  }
0xa2: {  	_ =	swait.ge [sflag:s23], $0x1  }
0xa3: {  	[sflag:s23] =	ssyncset.done $0x0  }
0xa4: {  	s25 =	simm.s32 $0x1B8E;
	s24 =	sld [smem:$0x3FFE];
	[sflag:s23] =	ssyncadd.s32 $0xFFFFFFFF  }
0xa5: {  	s26 =	simm.s32 $execute0_lowered;
	[smem:$0x3FD2] =	sst s25  }
0xa6: {  	s5 =	sshll.u32 s26, $0x1;
	_ =	strace $0x80000049;
	[dreg:$0x1] =	wrdreg $0xFFFFFFFF  }
0xa7: {  	s28 =	simm.s32 $_size_execute0_lowered;
	s3 =	sadd.s32 s3, s5;
	[dreg:$0x0] =	wrdreg $0x0  }
0xa8: {  	s5 =	sshll.u32 s28, $0x1;
	[dreg:$0x2] =	wrdreg s3  }
0xa9: {  	[dreg:$0x3] =	wrdreg s5  }
0xaa: {  	[dreg:$0x4] =	wrdreg $0xC0  }
0xab: {  	_ =	task [dreg:s7], $0x5FFFF  }
0xac: {  	[dreg:$0x1] =	wrdreg $0xFFFFFFFF  }
0xad: {  	[dreg:$0x0] =	wrdreg $0x60  }
0xae: {  	[dreg:$0x2] =	wrdreg s2  }
0xaf: {  	[dreg:$0x3] =	wrdreg s24  }
0xb0: {  	[dreg:$0x4] =	wrdreg $0xAC800  }
0xb1: {  	[dreg:$0x5] =	wrdreg $0x9  }
0xb2: {  	_ =	task.clear_ibuf [dreg:s7], $0x6FFFF;
	_ =	strace $0x90000049  }
0xb3: {  	s29 =	simm.s32 $0x9;
	_ =	strace $0x8000004B  }
0xb4: {  	_ =	swait.ge [sflag:s29], $0x1  }
0xb5: {  	[sflag:s29] =	ssyncadd.s32 $0xFFFFFFFF  }
0xb6: {  	_ =	strace $0x9000004B  }
0xb7: {  	_ =	sfence  }
0xb8: {  	s30 =	sld [smem:$0x0];
	_ =	sdelay $0x2  }
0xb9: {  	s31 =	sshll.u32 s1, $0xD;
	s1 =	sshrl.u32 s1, $0x2  }
0xba: {  	s3 =	sand.u32 $0x4000, s31;
	s1 =	sadd.s32 s1, s30  }
0xbb: {  	s0 =	sor.u32 s3, s0;
	s1 =	sshll.u32 s1, $0x11  }
0xbc: {  	s0 =	sor.u32 s1, s0  }
0xbd: {  	s0 =	sadd.s32 $0x8F2B, s0  }
0xbe: {  	[sflag:s0] =	ssyncadd.remote.s32 $0x1  }
0xbf: {  	_ =	sfence.sel $0xFFFF  }
0xc0: {  	[dreg:$0x0] =	wrdreg $0xFFFFFFFF;
	(pc) =	sbr.abs _section_cstart, $3  }
0xc1: {  	[dreg:$0x1] =	wrdreg $0xFFFFFFFF  }
0xc2: {  	_ =	task.clear_ibuf [dreg:s7], $0x2FFFF;
	_ =	strace $0x9FFFFFFF  }
0xc3: {  	(tm) =	ssettm $0x7FFFFFFF  }
tec
execute0_lowered:
.L_overlay_start_1:
0x0: {  	(tag) =	ssettag $0x1  }
0x1: {  	s1 =	rddreg [dreg:$0x0]  }
0x2: {  	s0 =	rddreg [dreg:$0x1]  }
0x3: {  	s2 =	rddreg [dreg:$0x2]  }
0x4: {  	s4 =	simm.s32 $0x0;
	s3 =	srdreg.scid;
	s10 =	stileid.u32  }
0x5: {  	s16 =	simm.s32 $0x2800;
	s17 =	simm.s32 $0x4;
	s18 =	simm.s32 $0x80  }
0x6: {  	s19 =	simm.s32 $0x2C00;
	s20 =	simm.s32 $0x2C80;
	s21 =	simm.s32 $0x1  }
0x7: {  	s22 =	simm.s32 $0x1400;
	s23 =	simm.s32 $0x6C80;
	s24 =	simm.s32 $0x2  }
0x8: {  	s25 =	simm.s32 $0x3;
	s28 =	simm.s32 $0x2780;
	[smem:$0x7FF] =	sst s4  }
0x9: {  	s3 =	sand.u32 $0x1, s3;
	s6 =	smul.u32 $0x14000, s10;
	s8 =	sadd.s32 $0xD000, s0  }
0xa: {  	s9 =	sadd.s32 $0x3000, s0;
	s5 =	smul.u32 $0x140000, s3;
	s7 =	sshll.u32 s3, $0x4  }
0xb: {  	_ =	strace $0x8000004A;
	s3 =	ssub.s32 $0x2, s3;
	s7 =	sor.u32 s10, s7  }
0xc: {  	s10 =	sshll.u32 s10, $0x7;
	s30 =	sshrl.u32 s3, $0x1;
	s5 =	sadd.s32 s6, s5  }
0xd: {  	s26 =	smul.u32 $0x2800, s7;
	s29 =	sadd.s32 s10, s0;
	s3 =	ssub.s32 s3, s30  }
0xe: {  	s5 =	sshrl.u32 s5, $0x3;
	s15 =	smax.u32 s3, $0x1;
	s3 =	simm.s32 $0x0  }
0xf: {  	s0 =	sadd.s32 s5, s0;
	s31 =	sshrl.u32 s26, $0x3;
	s5 =	sadd.s32 $0x2800, s29  }
0x10: {  	s26 =	simm.s32 $0x2700;
	s11 =	sadd.s32 $0x280, s31;
	s6 =	sadd.s32 s8, s31  }
0x11: {  	s7 =	sadd.s32 s9, s31;
	s10 =	sadd.s32 $0x67000, s0;
	s12 =	sadd.s32 $0x68000, s0  }
0x12: {  	s13 =	sadd.s32 $0x68800, s0;
	s14 =	sadd.s32 $0x69000, s0;
	s8 =	sadd.s32 s8, s11  }
0x13: {  	v0 =	vimm.f32 $0.0e+00;
	s9 =	sadd.s32 s9, s11;
	s11 =	sadd.s32 $0x67800, s0;
	s0 =	simm.s32 $0x2A00  }
.LBB2_1:
0x14: {  	[tilespmem:s16], [sflag:$0x4] =	stream.linear.gather [hbm4b:s5+s4], $0x280, $0x38;
	[tilespmem:$0x1EC80] =	vst v63  }
0x15: {  	_ =	swait.ge [sflag:s17], $0x280  }
0x16: {  	[sflag:s17] =	ssyncset.done $0x0  }
0x17: {  	s29 =	simm.s32 $0x0;
	s30 =	simm.s32 $0x200;
	[sflag:s17] =	ssyncadd.s32 $0xFFFFFD80  }
.LBB2_2:
0x18: {  	p0 =	sne.s32 s30, $0xFE00;
	[tilespmem:s29+$0x2CF0] =	vst v0  }
0x19: {  	[tilespmem:s29+$0x2C80] =	vst v0  }
0x1a: {  	[tilespmem:s29+$0x2C90] =	vst v0  }
.Ltmp0:
0x1b: {  	[tilespmem:s29+$0x2CA0] =	vst v0;
	(pc) =	sbr.rel @p0 .LBB2_2-.Ltmp0, $4  }
0x1c: {  	[tilespmem:s29+$0x2CB0] =	vst v0  }
0x1d: {  	[tilespmem:s29+$0x2CC0] =	vst v0  }
0x1e: {  	[tilespmem:s29+$0x2CD0] =	vst v0  }
0x1f: {  	[tilespmem:s29+$0x2CE0] =	vst v0;
	s29 =	sshra.s32 s30, $0x2;
	s30 =	sadd.s32 $0x200, s30  }
0x20: {  	[tilespmem:s29+$0x2CF0] =	vst v0  }
0x21: {  	[tilespmem:s29+$0x2C80] =	vst v0  }
0x22: {  	[tilespmem:s29+$0x2C90] =	vst v0  }
0x23: {  	[tilespmem:s29+$0x2CA0] =	vst v0  }
0x24: {  	[tilespmem:s29+$0x2CB0] =	vst v0  }
0x25: {  	[tilespmem:s29+$0x2CC0] =	vst v0  }
0x26: {  	[tilespmem:s29+$0x2CD0] =	vst v0  }
0x27: {  	[tilespmem:s29+$0x2CE0] =	vst v0  }
0x28: {  	v1 =	vld [tilespmem:$0x2800]  }
0x29: {  	v2 =	vld [tilespmem:$0x2810]  }
0x2a: {  	v3 =	vld [tilespmem:$0x2820]  }
0x2b: {  	v4 =	vld [tilespmem:$0x2830]  }
0x2c: {  	v5 =	vld [tilespmem:$0x2840]  }
0x2d: {  	[tilespmem:$0x2C00] =	vst v1;
	v1 =	vld [tilespmem:$0x2850]  }
0x2e: {  	[tilespmem:$0x2C10] =	vst v2;
	v2 =	vld [tilespmem:$0x2860]  }
0x2f: {  	[tilespmem:$0x2C20] =	vst v3;
	v3 =	vld [tilespmem:$0x2870]  }
0x30: {  	[tilespmem:$0x2C30] =	vst v4  }
0x31: {  	[tilespmem:$0x2C40] =	vst v5  }
0x32: {  	[tilespmem:$0x2C50] =	vst v1  }
0x33: {  	[tilespmem:$0x2C60] =	vst v2  }
0x34: {  	[tilespmem:$0x2C70] =	vst v3  }
0x35: {  	[spmem:s2] =	stream.indirect.scatter [tilespmem:s20], [sflag:$0x1], $0x80, s19, s18, $0xb8;
	[tilespmem:$0x1EC80] =	vst v63  }
0x36: {  	_ =	swait.ge [sflag:s21], $0x4000  }
0x37: {  	[sflag:s21] =	ssyncset.done $0x0  }
0x38: {  	[sflag:s21] =	ssyncadd.s32 $0xFFFFC000  }
0x39: {  	v1 =	vld [tilespmem:$0x2880]  }
0x3a: {  	v2 =	vld [tilespmem:$0x2890]  }
0x3b: {  	v3 =	vld [tilespmem:$0x28A0]  }
0x3c: {  	v56 =	vld [tilespmem:$0x28B0]  }
0x3d: {  	v57 =	vld [tilespmem:$0x28C0]  }
0x3e: {  	[tilespmem:$0x2C00] =	vst v1;
	v1 =	vld [tilespmem:$0x28D0]  }
0x3f: {  	[tilespmem:$0x2C10] =	vst v2;
	v2 =	vld [tilespmem:$0x28E0]  }
0x40: {  	[tilespmem:$0x2C20] =	vst v3;
	v3 =	vld [tilespmem:$0x28F0]  }
0x41: {  	[tilespmem:$0x2C30] =	vst v56  }
0x42: {  	[tilespmem:$0x2C40] =	vst v57  }
0x43: {  	[tilespmem:$0x2C50] =	vst v1  }
0x44: {  	[tilespmem:$0x2C60] =	vst v2  }
0x45: {  	[tilespmem:$0x2C70] =	vst v3  }
0x46: {  	[spmem:s2] =	stream.indirect.scatter [tilespmem:s20], [sflag:$0x1], $0x80, s19, s18, $0xb8;
	[tilespmem:$0x1EC80] =	vst v63  }
0x47: {  	_ =	swait.ge [sflag:s21], $0x4000  }
0x48: {  	[sflag:s21] =	ssyncset.done $0x0  }
0x49: {  	[sflag:s21] =	ssyncadd.s32 $0xFFFFC000  }
0x4a: {  	v1 =	vld [tilespmem:$0x2900]  }
0x4b: {  	v2 =	vld [tilespmem:$0x2910]  }
0x4c: {  	v3 =	vld [tilespmem:$0x2920]  }
0x4d: {  	v58 =	vld [tilespmem:$0x2930]  }
0x4e: {  	v59 =	vld [tilespmem:$0x2940]  }
0x4f: {  	[tilespmem:$0x2C00] =	vst v1;
	v1 =	vld [tilespmem:$0x2950]  }
0x50: {  	[tilespmem:$0x2C10] =	vst v2;
	v2 =	vld [tilespmem:$0x2960]  }
0x51: {  	[tilespmem:$0x2C20] =	vst v3;
	v3 =	vld [tilespmem:$0x2970]  }
0x52: {  	[tilespmem:$0x2C30] =	vst v58  }
0x53: {  	[tilespmem:$0x2C40] =	vst v59  }
0x54: {  	[tilespmem:$0x2C50] =	vst v1  }
0x55: {  	[tilespmem:$0x2C60] =	vst v2  }
0x56: {  	[tilespmem:$0x2C70] =	vst v3  }
0x57: {  	[spmem:s2] =	stream.indirect.scatter [tilespmem:s20], [sflag:$0x1], $0x80, s19, s18, $0xb8;
	[tilespmem:$0x1EC80] =	vst v63  }
0x58: {  	_ =	swait.ge [sflag:s21], $0x4000  }
0x59: {  	[sflag:s21] =	ssyncset.done $0x0  }
0x5a: {  	[sflag:s21] =	ssyncadd.s32 $0xFFFFC000  }
0x5b: {  	v1 =	vld [tilespmem:$0x2980]  }
0x5c: {  	v2 =	vld [tilespmem:$0x2990]  }
0x5d: {  	v3 =	vld [tilespmem:$0x29A0]  }
0x5e: {  	v60 =	vld [tilespmem:$0x29B0]  }
0x5f: {  	v61 =	vld [tilespmem:$0x29C0]  }
0x60: {  	[tilespmem:$0x2C00] =	vst v1;
	v1 =	vld [tilespmem:$0x29D0]  }
0x61: {  	[tilespmem:$0x2C10] =	vst v2;
	v2 =	vld [tilespmem:$0x29E0]  }
0x62: {  	[tilespmem:$0x2C20] =	vst v3;
	v3 =	vld [tilespmem:$0x29F0]  }
0x63: {  	[tilespmem:$0x2C30] =	vst v60  }
0x64: {  	[tilespmem:$0x2C40] =	vst v61  }
0x65: {  	[tilespmem:$0x2C50] =	vst v1  }
0x66: {  	[tilespmem:$0x2C60] =	vst v2  }
0x67: {  	[tilespmem:$0x2C70] =	vst v3  }
0x68: {  	[spmem:s2] =	stream.indirect.scatter [tilespmem:s20], [sflag:$0x1], $0x80, s19, s18, $0xb8;
	[tilespmem:$0x1EC80] =	vst v63  }
0x69: {  	_ =	swait.ge [sflag:s21], $0x4000  }
0x6a: {  	[sflag:s21] =	ssyncset.done $0x0  }
0x6b: {  	[sflag:s21] =	ssyncadd.s32 $0xFFFFC000  }
0x6c: {  	v1 =	vld [tilespmem:$0x2A00]  }
0x6d: {  	v2 =	vld [tilespmem:$0x2A10]  }
0x6e: {  	v3 =	vld [tilespmem:$0x2A20]  }
0x6f: {  	v62 =	vld [tilespmem:$0x2A30]  }
0x70: {  	v63 =	vld [tilespmem:$0x2A40]  }
0x71: {  	[tilespmem:$0x2C00] =	vst v1;
	v1 =	vld [tilespmem:$0x2A50]  }
0x72: {  	[tilespmem:$0x2C10] =	vst v2;
	v2 =	vld [tilespmem:$0x2A60]  }
0x73: {  	[tilespmem:$0x2C20] =	vst v3;
	v3 =	vld [tilespmem:$0x2A70]  }
0x74: {  	[tilespmem:$0x2C30] =	vst v62  }
0x75: {  	[tilespmem:$0x2C40] =	vst v63  }
0x76: {  	[tilespmem:$0x2C50] =	vst v1  }
0x77: {  	[tilespmem:$0x2C60] =	vst v2  }
0x78: {  	[tilespmem:$0x2C70] =	vst v3  }
0x79: {  	[spmem:s2] =	stream.indirect.scatter [tilespmem:s20], [sflag:$0x1], $0x80, s19, s18, $0xb8;
	[tilespmem:$0x1EC80] =	vst v63  }
0x7a: {  	_ =	swait.ge [sflag:s21], $0x4000  }
0x7b: {  	[sflag:s21] =	ssyncset.done $0x0  }
0x7c: {  	[sflag:s21] =	ssyncadd.s32 $0xFFFFC000  }
0x7d: {  	s29 =	simm.s32 $0x0;
	[bflag:$0x0] =	sbarrier.arrive $0xFFFF  }
0x7e: {  	[tilespmem:s29], [sflag:$0x4] =	stream.linear.gather [hbm4b:s6+s29], $0x1400, $0x38;
	[tilespmem:$0x1EC80] =	vst v63  }
0x7f: {  	_ =	swait.ge [sflag:s17], $0x1400  }
0x80: {  	[sflag:s17] =	ssyncset.done $0x0  }
0x81: {  	[sflag:s17] =	ssyncadd.s32 $0xFFFFEC00  }
0x82: {  	[tilespmem:s22], [sflag:$0x4] =	stream.linear.gather [hbm4b:s7+s29], $0x1400, $0x38;
	[tilespmem:$0x1EC80] =	vst v63  }
0x83: {  	_ =	swait.ge [sflag:s17], $0x1400  }
0x84: {  	[sflag:s17] =	ssyncset.done $0x0  }
0x85: {  	[sflag:s17] =	ssyncadd.s32 $0xFFFFEC00  }
0x86: {  	[tilespmem:s20], [sflag:$0x1] =	stream.indirect.gather [hbm4b:s1+s18], $0x80, s29, s18, $0xb8;
	[tilespmem:$0x1EC80] =	vst v63  }
0x87: {  	_ = 	snop  }
0x88: {  	[tilespmem:s23], [sflag:$0x3] =	stream.indirect.gather [hbm4b:s1+s18], $0x80, s18, s18, $0xb8;
	[tilespmem:$0x1EC80] =	vst v63  }
0x89: {  	_ =	swait.ge [sflag:s21], $0x4000  }
0x8a: {  	[sflag:s21] =	ssyncset.done $0x0  }
0x8b: {  	s29 =	simm.s32 $0x1400;
	[sflag:s21] =	ssyncadd.s32 $0xFFFFC000  }
0x8c: {  	[spmem:s2] =	stream.indirect.scatter.add.f32 [tilespmem:s20], [sflag:$0x2], $0x80, s29, s18, $0xb8;
	[tilespmem:$0x1EC80] =	vst v63  }
0x8d: {  	_ =	swait.ge [sflag:s24], $0x4000  }
0x8e: {  	[sflag:s24] =	ssyncset.done $0x0  }
0x8f: {  	s29 =	simm.s32 $0x100;
	[sflag:s24] =	ssyncadd.s32 $0xFFFFC000  }
0x90: {  	[tilespmem:s20], [sflag:$0x1] =	stream.indirect.gather [hbm4b:s1+s18], $0x80, s29, s18, $0xb8;
	[tilespmem:$0x1EC80] =	vst v63  }
0x91: {  	_ =	swait.ge [sflag:s25], $0x4000  }
0x92: {  	[sflag:s25] =	ssyncset.done $0x0  }
0x93: {  	s29 =	simm.s32 $0x1480;
	[sflag:s25] =	ssyncadd.s32 $0xFFFFC000  }
0x94: {  	[spmem:s2] =	stream.indirect.scatter.add.f32 [tilespmem:s23], [sflag:$0x2], $0x80, s29, s18, $0xb8;
	[tilespmem:$0x1EC80] =	vst v63  }
0x95: {  	_ =	swait.ge [sflag:s24], $0x4000  }
0x96: {  	[sflag:s24] =	ssyncset.done $0x0  }
0x97: {  	s30 =	simm.s32 $0x180;
	s29 =	simm.s32 $0x400;
	[sflag:s24] =	ssyncadd.s32 $0xFFFFC000  }
.LBB2_4:
0x98: {  	[tilespmem:s23], [sflag:$0x3] =	stream.indirect.gather [hbm4b:s1+s18], $0x80, s30, s18, $0xb8;
	[tilespmem:$0x1EC80] =	vst v63  }
0x99: {  	s30 =	smov.u32 s29  }
0x9a: {  	p0 =	sne.s32 s29, $0x4800;
	s29 =	sadd.s32 $0x400, s29;
	_ =	swait.ge [sflag:s21], $0x4000  }
0x9b: {  	s30 =	sshra.s32 s30, $0x2;
	[sflag:s21] =	ssyncset.done $0x0  }
0x9c: {  	s31 =	sadd.s32 $0x1400, s30;
	[sflag:s21] =	ssyncadd.s32 $0xFFFFC000  }
0x9d: {  	[spmem:s2] =	stream.indirect.scatter.add.f32 [tilespmem:s20], [sflag:$0x2], $0x80, s31, s18, $0xb8;
	[tilespmem:$0x1EC80] =	vst v63  }
0x9e: {  	_ =	swait.ge [sflag:s24], $0x4000  }
0x9f: {  	[sflag:s24] =	ssyncset.done $0x0  }
0xa0: {  	s31 =	sadd.s32 $0x100, s30;
	[sflag:s24] =	ssyncadd.s32 $0xFFFFC000  }
0xa1: {  	[tilespmem:s20], [sflag:$0x1] =	stream.indirect.gather [hbm4b:s1+s18], $0x80, s31, s18, $0xb8;
	[tilespmem:$0x1EC80] =	vst v63  }
0xa2: {  	_ =	swait.ge [sflag:s25], $0x4000  }
0xa3: {  	[sflag:s25] =	ssyncset.done $0x0  }
.Ltmp1:
0xa4: {  	s31 =	sadd.s32 $0x1480, s30;
	[sflag:s25] =	ssyncadd.s32 $0xFFFFC000;
	(pc) =	sbr.rel @p0 .LBB2_4-.Ltmp1, $4  }
0xa5: {  	[spmem:s2] =	stream.indirect.scatter.add.f32 [tilespmem:s23], [sflag:$0x2], $0x80, s31, s18, $0xb8;
	[tilespmem:$0x1EC80] =	vst v63  }
0xa6: {  	_ =	swait.ge [sflag:s24], $0x4000  }
0xa7: {  	[sflag:s24] =	ssyncset.done $0x0  }
0xa8: {  	s30 =	sadd.s32 $0x180, s30;
	[sflag:s24] =	ssyncadd.s32 $0xFFFFC000  }
0xa9: {  	[tilespmem:s23], [sflag:$0x3] =	stream.indirect.gather [hbm4b:s1+s18], $0x80, s30, s18, $0xb8;
	[tilespmem:$0x1EC80] =	vst v63  }
0xaa: {  	_ =	swait.ge [sflag:s21], $0x4000  }
0xab: {  	[sflag:s21] =	ssyncset.done $0x0  }
0xac: {  	[sflag:s21] =	ssyncadd.s32 $0xFFFFC000  }
0xad: {  	[spmem:s2] =	stream.indirect.scatter.add.f32 [tilespmem:s20], [sflag:$0x2], $0x80, s26, s18, $0xb8;
	[tilespmem:$0x1EC80] =	vst v63  }
0xae: {  	_ =	swait.ge [sflag:s24], $0x4000  }
0xaf: {  	[sflag:s24] =	ssyncset.done $0x0  }
0xb0: {  	[sflag:s24] =	ssyncadd.s32 $0xFFFFC000  }
0xb1: {  	_ =	swait.ge [sflag:s25], $0x4000  }
0xb2: {  	[sflag:s25] =	ssyncset.done $0x0  }
0xb3: {  	[sflag:s25] =	ssyncadd.s32 $0xFFFFC000  }
0xb4: {  	[spmem:s2] =	stream.indirect.scatter.add.f32 [tilespmem:s23], [sflag:$0x2], $0x80, s28, s18, $0xb8;
	[tilespmem:$0x1EC80] =	vst v63  }
0xb5: {  	_ =	swait.ge [sflag:s24], $0x4000  }
0xb6: {  	[sflag:s24] =	ssyncset.done $0x0  }
0xb7: {  	s29 =	simm.s32 $0x0;
	[sflag:s24] =	ssyncadd.s32 $0xFFFFC000  }
0xb8: {  	[tilespmem:s29], [sflag:$0x4] =	stream.linear.gather [hbm4b:s8+s29], $0x1400, $0x38;
	[tilespmem:$0x1EC80] =	vst v63  }
0xb9: {  	_ =	swait.ge [sflag:s17], $0x1400  }
0xba: {  	[sflag:s17] =	ssyncset.done $0x0  }
0xbb: {  	[sflag:s17] =	ssyncadd.s32 $0xFFFFEC00  }
0xbc: {  	[tilespmem:s22], [sflag:$0x4] =	stream.linear.gather [hbm4b:s9+s29], $0x1400, $0x38;
	[tilespmem:$0x1EC80] =	vst v63  }
0xbd: {  	_ =	swait.ge [sflag:s17], $0x1400  }
0xbe: {  	[sflag:s17] =	ssyncset.done $0x0  }
0xbf: {  	[sflag:s17] =	ssyncadd.s32 $0xFFFFEC00  }
0xc0: {  	[tilespmem:s20], [sflag:$0x1] =	stream.indirect.gather [hbm4b:s1+s18], $0x80, s29, s18, $0xb8;
	[tilespmem:$0x1EC80] =	vst v63  }
0xc1: {  	_ = 	snop  }
0xc2: {  	[tilespmem:s23], [sflag:$0x3] =	stream.indirect.gather [hbm4b:s1+s18], $0x80, s18, s18, $0xb8;
	[tilespmem:$0x1EC80] =	vst v63  }
0xc3: {  	_ =	swait.ge [sflag:s21], $0x4000  }
0xc4: {  	[sflag:s21] =	ssyncset.done $0x0  }
0xc5: {  	s29 =	simm.s32 $0x1400;
	[sflag:s21] =	ssyncadd.s32 $0xFFFFC000  }
0xc6: {  	[spmem:s2] =	stream.indirect.scatter.add.f32 [tilespmem:s20], [sflag:$0x2], $0x80, s29, s18, $0xb8;
	[tilespmem:$0x1EC80] =	vst v63  }
0xc7: {  	_ =	swait.ge [sflag:s24], $0x4000  }
0xc8: {  	[sflag:s24] =	ssyncset.done $0x0  }
0xc9: {  	s29 =	simm.s32 $0x100;
	[sflag:s24] =	ssyncadd.s32 $0xFFFFC000  }
0xca: {  	[tilespmem:s20], [sflag:$0x1] =	stream.indirect.gather [hbm4b:s1+s18], $0x80, s29, s18, $0xb8;
	[tilespmem:$0x1EC80] =	vst v63  }
0xcb: {  	_ =	swait.ge [sflag:s25], $0x4000  }
0xcc: {  	[sflag:s25] =	ssyncset.done $0x0  }
0xcd: {  	s29 =	simm.s32 $0x1480;
	[sflag:s25] =	ssyncadd.s32 $0xFFFFC000  }
0xce: {  	[spmem:s2] =	stream.indirect.scatter.add.f32 [tilespmem:s23], [sflag:$0x2], $0x80, s29, s18, $0xb8;
	[tilespmem:$0x1EC80] =	vst v63  }
0xcf: {  	_ =	swait.ge [sflag:s24], $0x4000  }
0xd0: {  	[sflag:s24] =	ssyncset.done $0x0  }
0xd1: {  	s30 =	simm.s32 $0x180;
	s29 =	simm.s32 $0x400;
	[sflag:s24] =	ssyncadd.s32 $0xFFFFC000  }
.LBB2_6:
0xd2: {  	[tilespmem:s23], [sflag:$0x3] =	stream.indirect.gather [hbm4b:s1+s18], $0x80, s30, s18, $0xb8;
	[tilespmem:$0x1EC80] =	vst v63  }
0xd3: {  	s30 =	smov.u32 s29  }
0xd4: {  	p0 =	sne.s32 s29, $0x4800;
	s29 =	sadd.s32 $0x400, s29;
	_ =	swait.ge [sflag:s21], $0x4000  }
0xd5: {  	s30 =	sshra.s32 s30, $0x2;
	[sflag:s21] =	ssyncset.done $0x0  }
0xd6: {  	s31 =	sadd.s32 $0x1400, s30;
	[sflag:s21] =	ssyncadd.s32 $0xFFFFC000  }
0xd7: {  	[spmem:s2] =	stream.indirect.scatter.add.f32 [tilespmem:s20], [sflag:$0x2], $0x80, s31, s18, $0xb8;
	[tilespmem:$0x1EC80] =	vst v63  }
0xd8: {  	_ =	swait.ge [sflag:s24], $0x4000  }
0xd9: {  	[sflag:s24] =	ssyncset.done $0x0  }
0xda: {  	s31 =	sadd.s32 $0x100, s30;
	[sflag:s24] =	ssyncadd.s32 $0xFFFFC000  }
0xdb: {  	[tilespmem:s20], [sflag:$0x1] =	stream.indirect.gather [hbm4b:s1+s18], $0x80, s31, s18, $0xb8;
	[tilespmem:$0x1EC80] =	vst v63  }
0xdc: {  	_ =	swait.ge [sflag:s25], $0x4000  }
0xdd: {  	[sflag:s25] =	ssyncset.done $0x0  }
.Ltmp2:
0xde: {  	s31 =	sadd.s32 $0x1480, s30;
	[sflag:s25] =	ssyncadd.s32 $0xFFFFC000;
	(pc) =	sbr.rel @p0 .LBB2_6-.Ltmp2, $4  }
0xdf: {  	[spmem:s2] =	stream.indirect.scatter.add.f32 [tilespmem:s23], [sflag:$0x2], $0x80, s31, s18, $0xb8;
	[tilespmem:$0x1EC80] =	vst v63  }
0xe0: {  	_ =	swait.ge [sflag:s24], $0x4000  }
0xe1: {  	[sflag:s24] =	ssyncset.done $0x0  }
0xe2: {  	s30 =	sadd.s32 $0x180, s30;
	[sflag:s24] =	ssyncadd.s32 $0xFFFFC000  }
0xe3: {  	[tilespmem:s23], [sflag:$0x3] =	stream.indirect.gather [hbm4b:s1+s18], $0x80, s30, s18, $0xb8;
	[tilespmem:$0x1EC80] =	vst v63  }
0xe4: {  	_ =	swait.ge [sflag:s21], $0x4000  }
0xe5: {  	[sflag:s21] =	ssyncset.done $0x0  }
0xe6: {  	[sflag:s21] =	ssyncadd.s32 $0xFFFFC000  }
0xe7: {  	[spmem:s2] =	stream.indirect.scatter.add.f32 [tilespmem:s20], [sflag:$0x2], $0x80, s26, s18, $0xb8;
	[tilespmem:$0x1EC80] =	vst v63  }
0xe8: {  	_ =	swait.ge [sflag:s24], $0x4000  }
0xe9: {  	[sflag:s24] =	ssyncset.done $0x0  }
0xea: {  	[sflag:s24] =	ssyncadd.s32 $0xFFFFC000  }
0xeb: {  	_ =	swait.ge [sflag:s25], $0x4000  }
0xec: {  	[sflag:s25] =	ssyncset.done $0x0  }
0xed: {  	[sflag:s25] =	ssyncadd.s32 $0xFFFFC000  }
0xee: {  	[spmem:s2] =	stream.indirect.scatter.add.f32 [tilespmem:s23], [sflag:$0x2], $0x80, s28, s18, $0xb8;
	[tilespmem:$0x1EC80] =	vst v63  }
0xef: {  	_ =	swait.ge [sflag:s24], $0x4000  }
0xf0: {  	[sflag:s24] =	ssyncset.done $0x0  }
0xf1: {  	[sflag:s24] =	ssyncadd.s32 $0xFFFFC000  }
0xf2: {  	[bflag:$0x0] =	sbarrier.arrive $0xFFFF  }
0xf3: {  	[tilespmem:s20], [sflag:$0x1] =	stream.indirect.gather [spmem:s2], $0x80, s16, s18, $0xb8;
	[tilespmem:$0x1EC80] =	vst v63  }
0xf4: {  	_ =	swait.ge [sflag:s21], $0x4000  }
0xf5: {  	[sflag:s21] =	ssyncset.done $0x0  }
0xf6: {  	s29 =	simm.s32 $0x2880;
	[sflag:s21] =	ssyncadd.s32 $0xFFFFC000  }
0xf7: {  	[tilespmem:s23], [sflag:$0x3] =	stream.indirect.gather [spmem:s2], $0x80, s29, s18, $0xb8;
	[tilespmem:$0x1EC80] =	vst v63  }
0xf8: {  	_ = 	snop  }
0xf9: {  	[hbm4b:s10+s4] =	stream.linear.scatter [tilespmem:s20], [sflag:$0x4], $0x4000, $0x38;
	[tilespmem:$0x1EC80] =	vst v63  }
0xfa: {  	_ =	swait.ge [sflag:s17], $0x4000  }
0xfb: {  	[sflag:s17] =	ssyncset.done $0x0  }
0xfc: {  	[sflag:s17] =	ssyncadd.s32 $0xFFFFC000  }
0xfd: {  	_ =	swait.ge [sflag:s25], $0x4000  }
0xfe: {  	[sflag:s25] =	ssyncset.done $0x0  }
0xff: {  	s30 =	simm.s32 $0x2900;
	[sflag:s25] =	ssyncadd.s32 $0xFFFFC000  }
0x100: {  	[tilespmem:s20], [sflag:$0x1] =	stream.indirect.gather [spmem:s2], $0x80, s30, s18, $0xb8;
	[tilespmem:$0x1EC80] =	vst v63  }
0x101: {  	_ = 	snop  }
0x102: {  	[hbm4b:s11+s4] =	stream.linear.scatter [tilespmem:s23], [sflag:$0x4], $0x4000, $0x38;
	[tilespmem:$0x1EC80] =	vst v63  }
0x103: {  	_ =	swait.ge [sflag:s17], $0x4000  }
0x104: {  	[sflag:s17] =	ssyncset.done $0x0  }
0x105: {  	[sflag:s17] =	ssyncadd.s32 $0xFFFFC000  }
0x106: {  	_ =	swait.ge [sflag:s21], $0x4000  }
0x107: {  	[sflag:s21] =	ssyncset.done $0x0  }
0x108: {  	s31 =	simm.s32 $0x2980;
	[sflag:s21] =	ssyncadd.s32 $0xFFFFC000  }
0x109: {  	[tilespmem:s23], [sflag:$0x3] =	stream.indirect.gather [spmem:s2], $0x80, s31, s18, $0xb8;
	[tilespmem:$0x1EC80] =	vst v63  }
0x10a: {  	_ = 	snop  }
0x10b: {  	[hbm4b:s12+s4] =	stream.linear.scatter [tilespmem:s20], [sflag:$0x4], $0x4000, $0x38;
	[tilespmem:$0x1EC80] =	vst v63  }
0x10c: {  	_ =	swait.ge [sflag:s17], $0x4000  }
0x10d: {  	[sflag:s17] =	ssyncset.done $0x0  }
0x10e: {  	[sflag:s17] =	ssyncadd.s32 $0xFFFFC000  }
0x10f: {  	_ =	swait.ge [sflag:s25], $0x4000  }
0x110: {  	[sflag:s25] =	ssyncset.done $0x0  }
0x111: {  	[sflag:s25] =	ssyncadd.s32 $0xFFFFC000  }
0x112: {  	[tilespmem:s20], [sflag:$0x1] =	stream.indirect.gather [spmem:s2], $0x80, s0, s18, $0xb8;
	[tilespmem:$0x1EC80] =	vst v63  }
0x113: {  	_ = 	snop  }
0x114: {  	[hbm4b:s13+s4] =	stream.linear.scatter [tilespmem:s23], [sflag:$0x4], $0x4000, $0x38;
	[tilespmem:$0x1EC80] =	vst v63  }
0x115: {  	_ =	swait.ge [sflag:s17], $0x4000  }
0x116: {  	[sflag:s17] =	ssyncset.done $0x0  }
0x117: {  	[sflag:s17] =	ssyncadd.s32 $0xFFFFC000  }
0x118: {  	s3 =	sadd.s32 $0x1, s3;
	_ =	swait.ge [sflag:s21], $0x4000  }
0x119: {  	p0 =	sne.s32 s3, s15;
	[sflag:s21] =	ssyncset.done $0x0  }
.Ltmp3:
0x11a: {  	[sflag:s21] =	ssyncadd.s32 $0xFFFFC000;
	(pc) =	sbr.rel @p0 .LBB2_1-.Ltmp3, $4  }
0x11b: {  	[hbm4b:s14+s4] =	stream.linear.scatter [tilespmem:s20], [sflag:$0x4], $0x4000, $0x38;
	[tilespmem:$0x1EC80] =	vst v63  }
0x11c: {  	_ =	swait.ge [sflag:s17], $0x4000  }
0x11d: {  	[sflag:s17] =	ssyncset.done $0x0  }
0x11e: {  	[sflag:s17] =	ssyncadd.s32 $0xFFFFC000  }
0x11f: {  	_ =	sfence.sel $0x180000  }
0x120: {  	[bflag:$0x0] =	sbarrier.arrive $0xFFFF  }
0x121: {  	_ =	strace $0x9000004A  }
0x122: {  	s0 =	stileid.u32;
	[bflag:$0x2] =	sbarrier.arrive $0xFFFF  }
0x123: {  	p0 =	sne.s32 s0, $0x0;
	s0 =	rddreg [dreg:$0x3]  }
0x124: {  	s0 =	sadd.s32 @!p0 $0x100000, s0  }
0x125: {  	[sflag:s0] =	ssyncadd.tile.s32 @!p0 $0x1;
	_ =	shalt  }
.Lfunc_end2:
_tile_overlayer_lowered:
.L_overlay_start_2:
0x126: {  	(tag) =	ssettag $0x2  }
0x127: {  	s0 =	rddreg [dreg:$0x0];
	s2 =	stileid.u32  }
0x128: {  	s1 =	rddreg [dreg:$0x1];
	p0 =	sne.s32 s2, $0x0  }
0x129: {  	s3 =	rddreg [dreg:$0x2];
	[bflag:$0x3] =	sbarrier.arrive $0xFFFF;
	s2 =	simm.s32 @!p0 $0x1C04  }
0x12a: {  	[timem:s3], [sflag:s2] =	dma.local @!p0 [hbm:s0], s1  }
0x12b: {  	s0 =	simm.s32 @!p0 $0x4  }
0x12c: {  	_ =	swait.ge @!p0 [sflag:s0], s1  }
0x12d: {  	s1 =	ssub.s32 @!p0 $0x0, s1;
	[sflag:s0] =	ssyncset.done @!p0 $0x0  }
0x12e: {  	[sflag:s0] =	ssyncadd.s32 @!p0 s1  }
0x12f: {  	[bflag:$0x3] =	sbarrier.arrive $0xFFFF  }
0x130: {  	_ =	shalt  }

// kernel: kernel.14.cloned.1.call-start
scs
__scs_entry_jumppad:
0x0: {  	(pc) =	sbr.rel $0x88, $3  }
0x1: {  	(tag) =	ssettag $0x0;
	lr =	simm.s32 $0x1  }
0x2: {  	[smem:$0x3F9B] =	sst lr;
	_ =	strace $0xD0000000  }
0x3: {  	_ = 	snop  }
0x4: {  	_ = 	snop  }
0x5: {  	_ = 	snop  }
0x6: {  	_ = 	snop  }
0x7: {  	_ = 	snop  }
__scs_overlays_trampoline_lowered:
0x8: {  	[smem:$0x3FAA] =	sst s0  }
0x9: {  	[smem:$0x3FAB] =	sst s1  }
0xa: {  	[smem:$0x3FAC] =	sst s2  }
0xb: {  	[smem:$0x3FAD] =	sst s3  }
0xc: {  	[smem:$0x3FAE] =	sst s4  }
0xd: {  	[smem:$0x3FAF] =	sst s5  }
0xe: {  	[smem:$0x3FB0] =	sst s6  }
0xf: {  	[smem:$0x3FB1] =	sst s7  }
0x10: {  	[smem:$0x3FB2] =	sst s8  }
0x11: {  	[smem:$0x3FB3] =	sst s9;
	s0 =	simm.s32 @!p0 $0x0  }
0x12: {  	s1 =	sld [smem:$0x3F99];
	s0 =	simm.s32 @p0 $0x1  }
0x13: {  	[smem:$0x3FB4] =	sst s0;
	s0 =	simm.s32 @!p1 $0x0  }
0x14: {  	s2 =	sld [smem:$0x3F98];
	s0 =	simm.s32 @p1 $0x1  }
0x15: {  	[smem:$0x3FB5] =	sst s0;
	s0 =	simm.s32 @!p2 $0x0  }
0x16: {  	s3 =	sld [smem:$0x3FDB];
	s0 =	simm.s32 @p2 $0x1  }
0x17: {  	s4 =	simm.s32 $0x1BF5;
	[smem:$0x3FB7] =	sst s0  }
0x18: {  	s0 =	sld [smem:$0x3F9A];
	_ =	swait.ge [sflag:s4], $0x0  }
0x19: {  	s7 =	sld [smem:$0x3F9B]  }
0x1a: {  	s8 =	sadd.s32 $0xFFFFE003, lr  }
0x1b: {  	s9 =	sadd.s32 $0xFFFFFEF7, lr;
	s5 =	simm.s32 $0xFFFFFFFF;
	p2 =	slt.u32 s8, $0xFFFFF086  }
0x1c: {  	p1 =	slt.u32 s9, $0xF7A;
	s5 =	simm.s32 @!p2 $0x0  }
0x1d: {  	s5 =	simm.s32 @p1 $0x1;
	p0 =	seq.s32 s7, s2  }
0x1e: {  	s7 =	smul.u32 @!p0 $0xF7A, s2;
	p2 =	seq.s32 @!p0 s5, $0x0  }
0x1f: {  	s9 =	smul.u32 $0xF7A, s1;
	s8 =	simm.s32 @!p0 $0x1BF5;
	p2 =	por !p2, p0  }
0x20: {  	[sflag:s8] =	ssyncset.s32 @!p0 $0xFFFFF086;
	s6 =	sadd.s32 @!p0 s3, s7;
	s7 =	simm.s32 @!p0 $0x108  }
0x21: {  	s3 =	sadd.s32 s3, s9;
	s6 =	sadd.s32 @!p0 $0x88, s6;
	s7 =	simm.s32 @p2 $0x1082  }
0x22: {  	[simem:s7], [sflag:s8] =	dma.local @!p0 [hbm:s6], $0xF7A  }
0x23: {  	s9 =	sor.u32 $0xD0000000, s2;
	s6 =	simm.s32 $0x108;
	_ =	swait.ge @!p0 [sflag:s8], $0x0  }
0x24: {  	s3 =	sadd.s32 $0x88, s3;
	s6 =	simm.s32 @!p1 $0x1082;
	[sflag:s4] =	ssyncset.s32 $0xFFFFF086  }
0x25: {  	[simem:s6], [sflag:s4] =	dma.local [hbm:s3], $0xF7A  }
0x26: {  	[smem:$0x3F9B] =	sst s1;
	(tag) =	ssettag s2;
	_ =	strace s9  }
0x27: {  	s1 =	sld [smem:$0x3FAB]  }
0x28: {  	s2 =	sld [smem:$0x3FAC]  }
0x29: {  	s4 =	sld [smem:$0x3FAE]  }
0x2a: {  	p0 =	seq.s32 s5, $0x0;
	s5 =	sld [smem:$0x3FAF]  }
0x2b: {  	s6 =	sld [smem:$0x3FB0]  }
0x2c: {  	s7 =	sld [smem:$0x3FB1]  }
0x2d: {  	s3 =	simm.s32 $0x108;
	s8 =	sld [smem:$0x3FB2]  }
0x2e: {  	s3 =	simm.s32 @!p0 $0x1082;
	s9 =	sld [smem:$0x3FB3]  }
0x2f: {  	lr =	sadd.s32 s0, s3;
	s0 =	sld [smem:$0x3FAA]  }
0x30: {  	s3 =	sld [smem:$0x3FAD]  }
0x31: {  	[smem:$0x3FB6] =	sst s10  }
0x32: {  	s10 =	sld [smem:$0x3FB4];
	_ =	sdelay $0x3  }
0x33: {  	p0 =	seq.s32 s10, $0x1;
	s10 =	sld [smem:$0x3FB6];
	_ =	sdelay $0x3  }
0x34: {  	[smem:$0x3FB6] =	sst s10  }
0x35: {  	s10 =	sld [smem:$0x3FB5];
	_ =	sdelay $0x3  }
0x36: {  	p1 =	seq.s32 s10, $0x1;
	s10 =	sld [smem:$0x3FB6];
	_ =	sdelay $0x3  }
0x37: {  	[smem:$0x3FB6] =	sst s10  }
0x38: {  	s10 =	sld [smem:$0x3FB7]  }
0x39: {  	_ = 	snop;
	(pc) =	sbr.ind lr, $3  }
0x3a: {  	_ = 	snop  }
0x3b: {  	_ = 	snop  }
0x3c: {  	p2 =	seq.s32 s10, $0x1;
	s10 =	sld [smem:$0x3FB6]  }
0x3d: {  	_ =	shalt  }
0x3e: {  	_ =	shalt  }
0x3f: {  	_ =	shalt  }
0x40: {  	_ =	shalt  }
0x41: {  	_ =	shalt  }
0x42: {  	_ =	shalt  }
0x43: {  	_ =	shalt  }
0x44: {  	_ =	shalt  }
0x45: {  	_ =	shalt  }
0x46: {  	_ =	shalt  }
0x47: {  	_ =	shalt  }
0x48: {  	_ =	shalt  }
0x49: {  	_ =	shalt  }
0x4a: {  	_ =	shalt  }
0x4b: {  	_ =	shalt  }
0x4c: {  	_ =	shalt  }
0x4d: {  	_ =	shalt  }
0x4e: {  	_ =	shalt  }
0x4f: {  	_ =	shalt  }
0x50: {  	_ =	shalt  }
0x51: {  	_ =	shalt  }
0x52: {  	_ =	shalt  }
0x53: {  	_ =	shalt  }
0x54: {  	_ =	shalt  }
0x55: {  	_ =	shalt  }
0x56: {  	_ =	shalt  }
0x57: {  	_ =	shalt  }
0x58: {  	_ =	shalt  }
0x59: {  	_ =	shalt  }
0x5a: {  	_ =	shalt  }
0x5b: {  	_ =	shalt  }
0x5c: {  	_ =	shalt  }
0x5d: {  	_ =	shalt  }
0x5e: {  	_ =	shalt  }
0x5f: {  	_ =	shalt  }
0x60: {  	_ =	shalt  }
0x61: {  	_ =	shalt  }
0x62: {  	_ =	shalt  }
0x63: {  	_ =	shalt  }
0x64: {  	_ =	shalt  }
0x65: {  	_ =	shalt  }
0x66: {  	_ =	shalt  }
0x67: {  	_ =	shalt  }
0x68: {  	_ =	shalt  }
0x69: {  	_ =	shalt  }
0x6a: {  	_ =	shalt  }
0x6b: {  	_ =	shalt  }
0x6c: {  	_ =	shalt  }
0x6d: {  	_ =	shalt  }
0x6e: {  	_ =	shalt  }
0x6f: {  	_ =	shalt  }
0x70: {  	_ =	shalt  }
0x71: {  	_ =	shalt  }
0x72: {  	_ =	shalt  }
0x73: {  	_ =	shalt  }
0x74: {  	_ =	shalt  }
0x75: {  	_ =	shalt  }
0x76: {  	_ =	shalt  }
0x77: {  	_ =	shalt  }
0x78: {  	_ =	shalt  }
0x79: {  	_ =	shalt  }
0x7a: {  	_ =	shalt  }
0x7b: {  	_ =	shalt  }
0x7c: {  	_ =	shalt  }
0x7d: {  	_ =	shalt  }
0x7e: {  	_ =	shalt  }
0x7f: {  	_ =	shalt  }
0x80: {  	_ =	shalt  }
0x81: {  	_ =	shalt  }
0x82: {  	_ =	shalt  }
0x83: {  	_ =	shalt  }
0x84: {  	_ =	shalt  }
0x85: {  	_ =	shalt  }
0x86: {  	_ =	shalt  }
0x87: {  	_ =	shalt  }
.Lfunc_end0:
.L_simem_size_0:
called_computation.2_lowered:
.L_overlay_start_0:
0x88: {  	s2 =	sld [smem:$0x3FD9]  }
0x89: {  	s3 =	sld [smem:$0x3FFE];
	_ =	sdelay $0x1  }
0x8a: {  	s1 =	srdreg.scid  }
0x8b: {  	s0 =	sand.u32 $0x1, s1  }
0x8c: {  	s17 =	sshll.u32 s0, $0xA;
	s2 =	sadd.s32 s3, s2  }
0x8d: {  	s2 =	sadd.s32 s2, s17  }
0x8e: {  	[smem:$0x3FC2] =	sst s2  }
0x8f: {  	_ = 	snop  }
0x90: {  	s2 =	sld [smem:$0x3FD0];
	(tm) =	ssettm $0x1  }
0x91: {  	s18 =	sld [smem:$0x3FFB];
	_ =	sdelay $0x3  }
0x92: {  	_ =	strace s18  }
0x93: {  	s3 =	sld [smem:$0x3FFC];
	_ =	sdelay $0x3  }
0x94: {  	_ =	strace s3  }
0x95: {  	s3 =	sld [smem:$0x3FFD];
	_ =	sdelay $0x3  }
0x96: {  	_ =	strace s3  }
0x97: {  	_ =	strace $0x8FFFFFFF  }
0x98: {  	s19 =	sld [smem:$0x3FDB];
	_ =	sdelay $0x1  }
0x99: {  	s4 =	simm.s32 $_scs_section_size  }
0x9a: {  	s5 =	simm.s32 $_size__tile_overlayer_lowered;
	s6 =	simm.s32 $_tile_overlayer_lowered  }
0x9b: {  	s22 =	simm.s32 $0x1BFF;
	s21 =	sshll.u32 s6, $0x1;
	s3 =	sadd.s32 s4, s19  }
0x9c: {  	s7 =	simm.s32 $0x0;
	s20 =	sshll.u32 s5, $0x1;
	s5 =	sadd.s32 s21, s3  }
0x9d: {  	[timem:s7], [sflag:s22] =	dma.local [hbm:s5], s20  }
0x9e: {  	_ =	swait.ge [sflag:s22], s20  }
0x9f: {  	s4 =	ssub.s32 $0x0, s20;
	[sflag:s22] =	ssyncset.done $0x0  }
0xa0: {  	[sflag:s22] =	ssyncadd.s32 s4;
	_ =	sdelay $0x1  }
0xa1: {  	s23 =	simm.s32 $0x1B8B  }
0xa2: {  	_ =	swait.ge [sflag:s23], $0x1  }
0xa3: {  	[sflag:s23] =	ssyncset.done $0x0  }
0xa4: {  	s25 =	simm.s32 $0x1B8E;
	s24 =	sld [smem:$0x3FFE];
	[sflag:s23] =	ssyncadd.s32 $0xFFFFFFFF  }
0xa5: {  	s26 =	simm.s32 $execute0_lowered;
	[smem:$0x3FD2] =	sst s25  }
0xa6: {  	s5 =	sshll.u32 s26, $0x1;
	_ =	strace $0x8000004C;
	[dreg:$0x1] =	wrdreg $0xFFFFFFFF  }
0xa7: {  	s28 =	simm.s32 $_size_execute0_lowered;
	s3 =	sadd.s32 s3, s5;
	[dreg:$0x0] =	wrdreg $0x0  }
0xa8: {  	s5 =	sshll.u32 s28, $0x1;
	[dreg:$0x2] =	wrdreg s3  }
0xa9: {  	[dreg:$0x3] =	wrdreg s5  }
0xaa: {  	[dreg:$0x4] =	wrdreg $0xC0  }
0xab: {  	_ =	task [dreg:s7], $0x5FFFF  }
0xac: {  	[dreg:$0x1] =	wrdreg $0xFFFFFFFF  }
0xad: {  	[dreg:$0x0] =	wrdreg $0x60  }
0xae: {  	[dreg:$0x2] =	wrdreg s2  }
0xaf: {  	[dreg:$0x3] =	wrdreg s24  }
0xb0: {  	[dreg:$0x4] =	wrdreg $0xAC800  }
0xb1: {  	[dreg:$0x5] =	wrdreg $0x9  }
0xb2: {  	_ =	task.clear_ibuf [dreg:s7], $0x6FFFF;
	_ =	strace $0x9000004C  }
0xb3: {  	s29 =	simm.s32 $0x9;
	_ =	strace $0x8000004E  }
0xb4: {  	_ =	swait.ge [sflag:s29], $0x1  }
0xb5: {  	[sflag:s29] =	ssyncadd.s32 $0xFFFFFFFF  }
0xb6: {  	_ =	strace $0x9000004E  }
0xb7: {  	_ =	sfence  }
0xb8: {  	s30 =	sld [smem:$0x0];
	_ =	sdelay $0x2  }
0xb9: {  	s31 =	sshll.u32 s1, $0xD;
	s1 =	sshrl.u32 s1, $0x2  }
0xba: {  	s3 =	sand.u32 $0x4000, s31;
	s1 =	sadd.s32 s1, s30  }
0xbb: {  	s0 =	sor.u32 s3, s0;
	s1 =	sshll.u32 s1, $0x11  }
0xbc: {  	s0 =	sor.u32 s1, s0  }
0xbd: {  	s0 =	sadd.s32 $0x8F2B, s0  }
0xbe: {  	[sflag:s0] =	ssyncadd.remote.s32 $0x1  }
0xbf: {  	_ =	sfence.sel $0xFFFF  }
0xc0: {  	[dreg:$0x0] =	wrdreg $0xFFFFFFFF;
	(pc) =	sbr.abs _section_cstart, $3  }
0xc1: {  	[dreg:$0x1] =	wrdreg $0xFFFFFFFF  }
0xc2: {  	_ =	task.clear_ibuf [dreg:s7], $0x2FFFF;
	_ =	strace $0x9FFFFFFF  }
0xc3: {  	(tm) =	ssettm $0x7FFFFFFF  }
tec
execute0_lowered:
.L_overlay_start_1:
0x0: {  	(tag) =	ssettag $0x1  }
0x1: {  	s1 =	rddreg [dreg:$0x0]  }
0x2: {  	s0 =	rddreg [dreg:$0x1]  }
0x3: {  	s2 =	rddreg [dreg:$0x2]  }
0x4: {  	s4 =	simm.s32 $0x0;
	s3 =	srdreg.scid;
	s10 =	stileid.u32  }
0x5: {  	s16 =	simm.s32 $0x2800;
	s17 =	simm.s32 $0x4;
	s18 =	simm.s32 $0x80  }
0x6: {  	s19 =	simm.s32 $0x2C00;
	s20 =	simm.s32 $0x2C80;
	s21 =	simm.s32 $0x1  }
0x7: {  	s22 =	simm.s32 $0x1400;
	s23 =	simm.s32 $0x6C80;
	s24 =	simm.s32 $0x2  }
0x8: {  	s25 =	simm.s32 $0x3;
	s28 =	simm.s32 $0x2780;
	[smem:$0x7FF] =	sst s4  }
0x9: {  	s3 =	sand.u32 $0x1, s3;
	s6 =	smul.u32 $0x14000, s10;
	s8 =	sadd.s32 $0xD000, s0  }
0xa: {  	s9 =	sadd.s32 $0x3000, s0;
	s5 =	smul.u32 $0x140000, s3;
	s7 =	sshll.u32 s3, $0x4  }
0xb: {  	_ =	strace $0x8000004D;
	s3 =	ssub.s32 $0x2, s3;
	s7 =	sor.u32 s10, s7  }
0xc: {  	s10 =	sshll.u32 s10, $0x7;
	s30 =	sshrl.u32 s3, $0x1;
	s5 =	sadd.s32 s6, s5  }
0xd: {  	s26 =	smul.u32 $0x2800, s7;
	s29 =	sadd.s32 s10, s0;
	s3 =	ssub.s32 s3, s30  }
0xe: {  	s5 =	sshrl.u32 s5, $0x3;
	s15 =	smax.u32 s3, $0x1;
	s3 =	simm.s32 $0x0  }
0xf: {  	s0 =	sadd.s32 s5, s0;
	s31 =	sshrl.u32 s26, $0x3;
	s5 =	sadd.s32 $0x2800, s29  }
0x10: {  	s26 =	simm.s32 $0x2700;
	s11 =	sadd.s32 $0x280, s31;
	s6 =	sadd.s32 s8, s31  }
0x11: {  	s7 =	sadd.s32 s9, s31;
	s10 =	sadd.s32 $0x67000, s0;
	s12 =	sadd.s32 $0x68000, s0  }
0x12: {  	s13 =	sadd.s32 $0x68800, s0;
	s14 =	sadd.s32 $0x69000, s0;
	s8 =	sadd.s32 s8, s11  }
0x13: {  	v0 =	vimm.f32 $0.0e+00;
	s9 =	sadd.s32 s9, s11;
	s11 =	sadd.s32 $0x67800, s0;
	s0 =	simm.s32 $0x2A00  }
.LBB2_1:
0x14: {  	[tilespmem:s16], [sflag:$0x4] =	stream.linear.gather [hbm4b:s5+s4], $0x280, $0x38;
	[tilespmem:$0x1EC80] =	vst v63  }
0x15: {  	_ =	swait.ge [sflag:s17], $0x280  }
0x16: {  	[sflag:s17] =	ssyncset.done $0x0  }
0x17: {  	s29 =	simm.s32 $0x0;
	s30 =	simm.s32 $0x200;
	[sflag:s17] =	ssyncadd.s32 $0xFFFFFD80  }
.LBB2_2:
0x18: {  	p0 =	sne.s32 s30, $0xFE00;
	[tilespmem:s29+$0x2CF0] =	vst v0  }
0x19: {  	[tilespmem:s29+$0x2C80] =	vst v0  }
0x1a: {  	[tilespmem:s29+$0x2C90] =	vst v0  }
.Ltmp0:
0x1b: {  	[tilespmem:s29+$0x2CA0] =	vst v0;
	(pc) =	sbr.rel @p0 .LBB2_2-.Ltmp0, $4  }
0x1c: {  	[tilespmem:s29+$0x2CB0] =	vst v0  }
0x1d: {  	[tilespmem:s29+$0x2CC0] =	vst v0  }
0x1e: {  	[tilespmem:s29+$0x2CD0] =	vst v0  }
0x1f: {  	[tilespmem:s29+$0x2CE0] =	vst v0;
	s29 =	sshra.s32 s30, $0x2;
	s30 =	sadd.s32 $0x200, s30  }
0x20: {  	[tilespmem:s29+$0x2CF0] =	vst v0  }
0x21: {  	[tilespmem:s29+$0x2C80] =	vst v0  }
0x22: {  	[tilespmem:s29+$0x2C90] =	vst v0  }
0x23: {  	[tilespmem:s29+$0x2CA0] =	vst v0  }
0x24: {  	[tilespmem:s29+$0x2CB0] =	vst v0  }
0x25: {  	[tilespmem:s29+$0x2CC0] =	vst v0  }
0x26: {  	[tilespmem:s29+$0x2CD0] =	vst v0  }
0x27: {  	[tilespmem:s29+$0x2CE0] =	vst v0  }
0x28: {  	v1 =	vld [tilespmem:$0x2800]  }
0x29: {  	v2 =	vld [tilespmem:$0x2810]  }
0x2a: {  	v3 =	vld [tilespmem:$0x2820]  }
0x2b: {  	v4 =	vld [tilespmem:$0x2830]  }
0x2c: {  	v5 =	vld [tilespmem:$0x2840]  }
0x2d: {  	[tilespmem:$0x2C00] =	vst v1;
	v1 =	vld [tilespmem:$0x2850]  }
0x2e: {  	[tilespmem:$0x2C10] =	vst v2;
	v2 =	vld [tilespmem:$0x2860]  }
0x2f: {  	[tilespmem:$0x2C20] =	vst v3;
	v3 =	vld [tilespmem:$0x2870]  }
0x30: {  	[tilespmem:$0x2C30] =	vst v4  }
0x31: {  	[tilespmem:$0x2C40] =	vst v5  }
0x32: {  	[tilespmem:$0x2C50] =	vst v1  }
0x33: {  	[tilespmem:$0x2C60] =	vst v2  }
0x34: {  	[tilespmem:$0x2C70] =	vst v3  }
0x35: {  	[spmem:s2] =	stream.indirect.scatter [tilespmem:s20], [sflag:$0x1], $0x80, s19, s18, $0xb8;
	[tilespmem:$0x1EC80] =	vst v63  }
0x36: {  	_ =	swait.ge [sflag:s21], $0x4000  }
0x37: {  	[sflag:s21] =	ssyncset.done $0x0  }
0x38: {  	[sflag:s21] =	ssyncadd.s32 $0xFFFFC000  }
0x39: {  	v1 =	vld [tilespmem:$0x2880]  }
0x3a: {  	v2 =	vld [tilespmem:$0x2890]  }
0x3b: {  	v3 =	vld [tilespmem:$0x28A0]  }
0x3c: {  	v56 =	vld [tilespmem:$0x28B0]  }
0x3d: {  	v57 =	vld [tilespmem:$0x28C0]  }
0x3e: {  	[tilespmem:$0x2C00] =	vst v1;
	v1 =	vld [tilespmem:$0x28D0]  }
0x3f: {  	[tilespmem:$0x2C10] =	vst v2;
	v2 =	vld [tilespmem:$0x28E0]  }
0x40: {  	[tilespmem:$0x2C20] =	vst v3;
	v3 =	vld [tilespmem:$0x28F0]  }
0x41: {  	[tilespmem:$0x2C30] =	vst v56  }
0x42: {  	[tilespmem:$0x2C40] =	vst v57  }
0x43: {  	[tilespmem:$0x2C50] =	vst v1  }
0x44: {  	[tilespmem:$0x2C60] =	vst v2  }
0x45: {  	[tilespmem:$0x2C70] =	vst v3  }
0x46: {  	[spmem:s2] =	stream.indirect.scatter [tilespmem:s20], [sflag:$0x1], $0x80, s19, s18, $0xb8;
	[tilespmem:$0x1EC80] =	vst v63  }
0x47: {  	_ =	swait.ge [sflag:s21], $0x4000  }
0x48: {  	[sflag:s21] =	ssyncset.done $0x0  }
0x49: {  	[sflag:s21] =	ssyncadd.s32 $0xFFFFC000  }
0x4a: {  	v1 =	vld [tilespmem:$0x2900]  }
0x4b: {  	v2 =	vld [tilespmem:$0x2910]  }
0x4c: {  	v3 =	vld [tilespmem:$0x2920]  }
0x4d: {  	v58 =	vld [tilespmem:$0x2930]  }
0x4e: {  	v59 =	vld [tilespmem:$0x2940]  }
0x4f: {  	[tilespmem:$0x2C00] =	vst v1;
	v1 =	vld [tilespmem:$0x2950]  }
0x50: {  	[tilespmem:$0x2C10] =	vst v2;
	v2 =	vld [tilespmem:$0x2960]  }
0x51: {  	[tilespmem:$0x2C20] =	vst v3;
	v3 =	vld [tilespmem:$0x2970]  }
0x52: {  	[tilespmem:$0x2C30] =	vst v58  }
0x53: {  	[tilespmem:$0x2C40] =	vst v59  }
0x54: {  	[tilespmem:$0x2C50] =	vst v1  }
0x55: {  	[tilespmem:$0x2C60] =	vst v2  }
0x56: {  	[tilespmem:$0x2C70] =	vst v3  }
0x57: {  	[spmem:s2] =	stream.indirect.scatter [tilespmem:s20], [sflag:$0x1], $0x80, s19, s18, $0xb8;
	[tilespmem:$0x1EC80] =	vst v63  }
0x58: {  	_ =	swait.ge [sflag:s21], $0x4000  }
0x59: {  	[sflag:s21] =	ssyncset.done $0x0  }
0x5a: {  	[sflag:s21] =	ssyncadd.s32 $0xFFFFC000  }
0x5b: {  	v1 =	vld [tilespmem:$0x2980]  }
0x5c: {  	v2 =	vld [tilespmem:$0x2990]  }
0x5d: {  	v3 =	vld [tilespmem:$0x29A0]  }
0x5e: {  	v60 =	vld [tilespmem:$0x29B0]  }
0x5f: {  	v61 =	vld [tilespmem:$0x29C0]  }
0x60: {  	[tilespmem:$0x2C00] =	vst v1;
	v1 =	vld [tilespmem:$0x29D0]  }
0x61: {  	[tilespmem:$0x2C10] =	vst v2;
	v2 =	vld [tilespmem:$0x29E0]  }
0x62: {  	[tilespmem:$0x2C20] =	vst v3;
	v3 =	vld [tilespmem:$0x29F0]  }
0x63: {  	[tilespmem:$0x2C30] =	vst v60  }
0x64: {  	[tilespmem:$0x2C40] =	vst v61  }
0x65: {  	[tilespmem:$0x2C50] =	vst v1  }
0x66: {  	[tilespmem:$0x2C60] =	vst v2  }
0x67: {  	[tilespmem:$0x2C70] =	vst v3  }
0x68: {  	[spmem:s2] =	stream.indirect.scatter [tilespmem:s20], [sflag:$0x1], $0x80, s19, s18, $0xb8;
	[tilespmem:$0x1EC80] =	vst v63  }
0x69: {  	_ =	swait.ge [sflag:s21], $0x4000  }
0x6a: {  	[sflag:s21] =	ssyncset.done $0x0  }
0x6b: {  	[sflag:s21] =	ssyncadd.s32 $0xFFFFC000  }
0x6c: {  	v1 =	vld [tilespmem:$0x2A00]  }
0x6d: {  	v2 =	vld [tilespmem:$0x2A10]  }
0x6e: {  	v3 =	vld [tilespmem:$0x2A20]  }
0x6f: {  	v62 =	vld [tilespmem:$0x2A30]  }
0x70: {  	v63 =	vld [tilespmem:$0x2A40]  }
0x71: {  	[tilespmem:$0x2C00] =	vst v1;
	v1 =	vld [tilespmem:$0x2A50]  }
0x72: {  	[tilespmem:$0x2C10] =	vst v2;
	v2 =	vld [tilespmem:$0x2A60]  }
0x73: {  	[tilespmem:$0x2C20] =	vst v3;
	v3 =	vld [tilespmem:$0x2A70]  }
0x74: {  	[tilespmem:$0x2C30] =	vst v62  }
0x75: {  	[tilespmem:$0x2C40] =	vst v63  }
0x76: {  	[tilespmem:$0x2C50] =	vst v1  }
0x77: {  	[tilespmem:$0x2C60] =	vst v2  }
0x78: {  	[tilespmem:$0x2C70] =	vst v3  }
0x79: {  	[spmem:s2] =	stream.indirect.scatter [tilespmem:s20], [sflag:$0x1], $0x80, s19, s18, $0xb8;
	[tilespmem:$0x1EC80] =	vst v63  }
0x7a: {  	_ =	swait.ge [sflag:s21], $0x4000  }
0x7b: {  	[sflag:s21] =	ssyncset.done $0x0  }
0x7c: {  	[sflag:s21] =	ssyncadd.s32 $0xFFFFC000  }
0x7d: {  	s29 =	simm.s32 $0x0;
	[bflag:$0x0] =	sbarrier.arrive $0xFFFF  }
0x7e: {  	[tilespmem:s29], [sflag:$0x4] =	stream.linear.gather [hbm4b:s6+s29], $0x1400, $0x38;
	[tilespmem:$0x1EC80] =	vst v63  }
0x7f: {  	_ =	swait.ge [sflag:s17], $0x1400  }
0x80: {  	[sflag:s17] =	ssyncset.done $0x0  }
0x81: {  	[sflag:s17] =	ssyncadd.s32 $0xFFFFEC00  }
0x82: {  	[tilespmem:s22], [sflag:$0x4] =	stream.linear.gather [hbm4b:s7+s29], $0x1400, $0x38;
	[tilespmem:$0x1EC80] =	vst v63  }
0x83: {  	_ =	swait.ge [sflag:s17], $0x1400  }
0x84: {  	[sflag:s17] =	ssyncset.done $0x0  }
0x85: {  	[sflag:s17] =	ssyncadd.s32 $0xFFFFEC00  }
0x86: {  	[tilespmem:s20], [sflag:$0x1] =	stream.indirect.gather [hbm4b:s1+s18], $0x80, s29, s18, $0xb8;
	[tilespmem:$0x1EC80] =	vst v63  }
0x87: {  	_ = 	snop  }
0x88: {  	[tilespmem:s23], [sflag:$0x3] =	stream.indirect.gather [hbm4b:s1+s18], $0x80, s18, s18, $0xb8;
	[tilespmem:$0x1EC80] =	vst v63  }
0x89: {  	_ =	swait.ge [sflag:s21], $0x4000  }
0x8a: {  	[sflag:s21] =	ssyncset.done $0x0  }
0x8b: {  	s29 =	simm.s32 $0x1400;
	[sflag:s21] =	ssyncadd.s32 $0xFFFFC000  }
0x8c: {  	[spmem:s2] =	stream.indirect.scatter.add.f32 [tilespmem:s20], [sflag:$0x2], $0x80, s29, s18, $0xb8;
	[tilespmem:$0x1EC80] =	vst v63  }
0x8d: {  	_ =	swait.ge [sflag:s24], $0x4000  }
0x8e: {  	[sflag:s24] =	ssyncset.done $0x0  }
0x8f: {  	s29 =	simm.s32 $0x100;
	[sflag:s24] =	ssyncadd.s32 $0xFFFFC000  }
0x90: {  	[tilespmem:s20], [sflag:$0x1] =	stream.indirect.gather [hbm4b:s1+s18], $0x80, s29, s18, $0xb8;
	[tilespmem:$0x1EC80] =	vst v63  }
0x91: {  	_ =	swait.ge [sflag:s25], $0x4000  }
0x92: {  	[sflag:s25] =	ssyncset.done $0x0  }
0x93: {  	s29 =	simm.s32 $0x1480;
	[sflag:s25] =	ssyncadd.s32 $0xFFFFC000  }
0x94: {  	[spmem:s2] =	stream.indirect.scatter.add.f32 [tilespmem:s23], [sflag:$0x2], $0x80, s29, s18, $0xb8;
	[tilespmem:$0x1EC80] =	vst v63  }
0x95: {  	_ =	swait.ge [sflag:s24], $0x4000  }
0x96: {  	[sflag:s24] =	ssyncset.done $0x0  }
0x97: {  	s30 =	simm.s32 $0x180;
	s29 =	simm.s32 $0x400;
	[sflag:s24] =	ssyncadd.s32 $0xFFFFC000  }
.LBB2_4:
0x98: {  	[tilespmem:s23], [sflag:$0x3] =	stream.indirect.gather [hbm4b:s1+s18], $0x80, s30, s18, $0xb8;
	[tilespmem:$0x1EC80] =	vst v63  }
0x99: {  	s30 =	smov.u32 s29  }
0x9a: {  	p0 =	sne.s32 s29, $0x4800;
	s29 =	sadd.s32 $0x400, s29;
	_ =	swait.ge [sflag:s21], $0x4000  }
0x9b: {  	s30 =	sshra.s32 s30, $0x2;
	[sflag:s21] =	ssyncset.done $0x0  }
0x9c: {  	s31 =	sadd.s32 $0x1400, s30;
	[sflag:s21] =	ssyncadd.s32 $0xFFFFC000  }
0x9d: {  	[spmem:s2] =	stream.indirect.scatter.add.f32 [tilespmem:s20], [sflag:$0x2], $0x80, s31, s18, $0xb8;
	[tilespmem:$0x1EC80] =	vst v63  }
0x9e: {  	_ =	swait.ge [sflag:s24], $0x4000  }
0x9f: {  	[sflag:s24] =	ssyncset.done $0x0  }
0xa0: {  	s31 =	sadd.s32 $0x100, s30;
	[sflag:s24] =	ssyncadd.s32 $0xFFFFC000  }
0xa1: {  	[tilespmem:s20], [sflag:$0x1] =	stream.indirect.gather [hbm4b:s1+s18], $0x80, s31, s18, $0xb8;
	[tilespmem:$0x1EC80] =	vst v63  }
0xa2: {  	_ =	swait.ge [sflag:s25], $0x4000  }
0xa3: {  	[sflag:s25] =	ssyncset.done $0x0  }
.Ltmp1:
0xa4: {  	s31 =	sadd.s32 $0x1480, s30;
	[sflag:s25] =	ssyncadd.s32 $0xFFFFC000;
	(pc) =	sbr.rel @p0 .LBB2_4-.Ltmp1, $4  }
0xa5: {  	[spmem:s2] =	stream.indirect.scatter.add.f32 [tilespmem:s23], [sflag:$0x2], $0x80, s31, s18, $0xb8;
	[tilespmem:$0x1EC80] =	vst v63  }
0xa6: {  	_ =	swait.ge [sflag:s24], $0x4000  }
0xa7: {  	[sflag:s24] =	ssyncset.done $0x0  }
0xa8: {  	s30 =	sadd.s32 $0x180, s30;
	[sflag:s24] =	ssyncadd.s32 $0xFFFFC000  }
0xa9: {  	[tilespmem:s23], [sflag:$0x3] =	stream.indirect.gather [hbm4b:s1+s18], $0x80, s30, s18, $0xb8;
	[tilespmem:$0x1EC80] =	vst v63  }
0xaa: {  	_ =	swait.ge [sflag:s21], $0x4000  }
0xab: {  	[sflag:s21] =	ssyncset.done $0x0  }
0xac: {  	[sflag:s21] =	ssyncadd.s32 $0xFFFFC000  }
0xad: {  	[spmem:s2] =	stream.indirect.scatter.add.f32 [tilespmem:s20], [sflag:$0x2], $0x80, s26, s18, $0xb8;
	[tilespmem:$0x1EC80] =	vst v63  }
0xae: {  	_ =	swait.ge [sflag:s24], $0x4000  }
0xaf: {  	[sflag:s24] =	ssyncset.done $0x0  }
0xb0: {  	[sflag:s24] =	ssyncadd.s32 $0xFFFFC000  }
0xb1: {  	_ =	swait.ge [sflag:s25], $0x4000  }
0xb2: {  	[sflag:s25] =	ssyncset.done $0x0  }
0xb3: {  	[sflag:s25] =	ssyncadd.s32 $0xFFFFC000  }
0xb4: {  	[spmem:s2] =	stream.indirect.scatter.add.f32 [tilespmem:s23], [sflag:$0x2], $0x80, s28, s18, $0xb8;
	[tilespmem:$0x1EC80] =	vst v63  }
0xb5: {  	_ =	swait.ge [sflag:s24], $0x4000  }
0xb6: {  	[sflag:s24] =	ssyncset.done $0x0  }
0xb7: {  	s29 =	simm.s32 $0x0;
	[sflag:s24] =	ssyncadd.s32 $0xFFFFC000  }
0xb8: {  	[tilespmem:s29], [sflag:$0x4] =	stream.linear.gather [hbm4b:s8+s29], $0x1400, $0x38;
	[tilespmem:$0x1EC80] =	vst v63  }
0xb9: {  	_ =	swait.ge [sflag:s17], $0x1400  }
0xba: {  	[sflag:s17] =	ssyncset.done $0x0  }
0xbb: {  	[sflag:s17] =	ssyncadd.s32 $0xFFFFEC00  }
0xbc: {  	[tilespmem:s22], [sflag:$0x4] =	stream.linear.gather [hbm4b:s9+s29], $0x1400, $0x38;
	[tilespmem:$0x1EC80] =	vst v63  }
0xbd: {  	_ =	swait.ge [sflag:s17], $0x1400  }
0xbe: {  	[sflag:s17] =	ssyncset.done $0x0  }
0xbf: {  	[sflag:s17] =	ssyncadd.s32 $0xFFFFEC00  }
0xc0: {  	[tilespmem:s20], [sflag:$0x1] =	stream.indirect.gather [hbm4b:s1+s18], $0x80, s29, s18, $0xb8;
	[tilespmem:$0x1EC80] =	vst v63  }
0xc1: {  	_ = 	snop  }
0xc2: {  	[tilespmem:s23], [sflag:$0x3] =	stream.indirect.gather [hbm4b:s1+s18], $0x80, s18, s18, $0xb8;
	[tilespmem:$0x1EC80] =	vst v63  }
0xc3: {  	_ =	swait.ge [sflag:s21], $0x4000  }
0xc4: {  	[sflag:s21] =	ssyncset.done $0x0  }
0xc5: {  	s29 =	simm.s32 $0x1400;
	[sflag:s21] =	ssyncadd.s32 $0xFFFFC000  }
0xc6: {  	[spmem:s2] =	stream.indirect.scatter.add.f32 [tilespmem:s20], [sflag:$0x2], $0x80, s29, s18, $0xb8;
	[tilespmem:$0x1EC80] =	vst v63  }
0xc7: {  	_ =	swait.ge [sflag:s24], $0x4000  }
0xc8: {  	[sflag:s24] =	ssyncset.done $0x0  }
0xc9: {  	s29 =	simm.s32 $0x100;
	[sflag:s24] =	ssyncadd.s32 $0xFFFFC000  }
0xca: {  	[tilespmem:s20], [sflag:$0x1] =	stream.indirect.gather [hbm4b:s1+s18], $0x80, s29, s18, $0xb8;
	[tilespmem:$0x1EC80] =	vst v63  }
0xcb: {  	_ =	swait.ge [sflag:s25], $0x4000  }
0xcc: {  	[sflag:s25] =	ssyncset.done $0x0  }
0xcd: {  	s29 =	simm.s32 $0x1480;
	[sflag:s25] =	ssyncadd.s32 $0xFFFFC000  }
0xce: {  	[spmem:s2] =	stream.indirect.scatter.add.f32 [tilespmem:s23], [sflag:$0x2], $0x80, s29, s18, $0xb8;
	[tilespmem:$0x1EC80] =	vst v63  }
0xcf: {  	_ =	swait.ge [sflag:s24], $0x4000  }
0xd0: {  	[sflag:s24] =	ssyncset.done $0x0  }
0xd1: {  	s30 =	simm.s32 $0x180;
	s29 =	simm.s32 $0x400;
	[sflag:s24] =	ssyncadd.s32 $0xFFFFC000  }
.LBB2_6:
0xd2: {  	[tilespmem:s23], [sflag:$0x3] =	stream.indirect.gather [hbm4b:s1+s18], $0x80, s30, s18, $0xb8;
	[tilespmem:$0x1EC80] =	vst v63  }
0xd3: {  	s30 =	smov.u32 s29  }
0xd4: {  	p0 =	sne.s32 s29, $0x4800;
	s29 =	sadd.s32 $0x400, s29;
	_ =	swait.ge [sflag:s21], $0x4000  }
0xd5: {  	s30 =	sshra.s32 s30, $0x2;
	[sflag:s21] =	ssyncset.done $0x0  }
0xd6: {  	s31 =	sadd.s32 $0x1400, s30;
	[sflag:s21] =	ssyncadd.s32 $0xFFFFC000  }
0xd7: {  	[spmem:s2] =	stream.indirect.scatter.add.f32 [tilespmem:s20], [sflag:$0x2], $0x80, s31, s18, $0xb8;
	[tilespmem:$0x1EC80] =	vst v63  }
0xd8: {  	_ =	swait.ge [sflag:s24], $0x4000  }
0xd9: {  	[sflag:s24] =	ssyncset.done $0x0  }
0xda: {  	s31 =	sadd.s32 $0x100, s30;
	[sflag:s24] =	ssyncadd.s32 $0xFFFFC000  }
0xdb: {  	[tilespmem:s20], [sflag:$0x1] =	stream.indirect.gather [hbm4b:s1+s18], $0x80, s31, s18, $0xb8;
	[tilespmem:$0x1EC80] =	vst v63  }
0xdc: {  	_ =	swait.ge [sflag:s25], $0x4000  }
0xdd: {  	[sflag:s25] =	ssyncset.done $0x0  }
.Ltmp2:
0xde: {  	s31 =	sadd.s32 $0x1480, s30;
	[sflag:s25] =	ssyncadd.s32 $0xFFFFC000;
	(pc) =	sbr.rel @p0 .LBB2_6-.Ltmp2, $4  }
0xdf: {  	[spmem:s2] =	stream.indirect.scatter.add.f32 [tilespmem:s23], [sflag:$0x2], $0x80, s31, s18, $0xb8;
	[tilespmem:$0x1EC80] =	vst v63  }
0xe0: {  	_ =	swait.ge [sflag:s24], $0x4000  }
0xe1: {  	[sflag:s24] =	ssyncset.done $0x0  }
0xe2: {  	s30 =	sadd.s32 $0x180, s30;
	[sflag:s24] =	ssyncadd.s32 $0xFFFFC000  }
0xe3: {  	[tilespmem:s23], [sflag:$0x3] =	stream.indirect.gather [hbm4b:s1+s18], $0x80, s30, s18, $0xb8;
	[tilespmem:$0x1EC80] =	vst v63  }
0xe4: {  	_ =	swait.ge [sflag:s21], $0x4000  }
0xe5: {  	[sflag:s21] =	ssyncset.done $0x0  }
0xe6: {  	[sflag:s21] =	ssyncadd.s32 $0xFFFFC000  }
0xe7: {  	[spmem:s2] =	stream.indirect.scatter.add.f32 [tilespmem:s20], [sflag:$0x2], $0x80, s26, s18, $0xb8;
	[tilespmem:$0x1EC80] =	vst v63  }
0xe8: {  	_ =	swait.ge [sflag:s24], $0x4000  }
0xe9: {  	[sflag:s24] =	ssyncset.done $0x0  }
0xea: {  	[sflag:s24] =	ssyncadd.s32 $0xFFFFC000  }
0xeb: {  	_ =	swait.ge [sflag:s25], $0x4000  }
0xec: {  	[sflag:s25] =	ssyncset.done $0x0  }
0xed: {  	[sflag:s25] =	ssyncadd.s32 $0xFFFFC000  }
0xee: {  	[spmem:s2] =	stream.indirect.scatter.add.f32 [tilespmem:s23], [sflag:$0x2], $0x80, s28, s18, $0xb8;
	[tilespmem:$0x1EC80] =	vst v63  }
0xef: {  	_ =	swait.ge [sflag:s24], $0x4000  }
0xf0: {  	[sflag:s24] =	ssyncset.done $0x0  }
0xf1: {  	[sflag:s24] =	ssyncadd.s32 $0xFFFFC000  }
0xf2: {  	[bflag:$0x0] =	sbarrier.arrive $0xFFFF  }
0xf3: {  	[tilespmem:s20], [sflag:$0x1] =	stream.indirect.gather [spmem:s2], $0x80, s16, s18, $0xb8;
	[tilespmem:$0x1EC80] =	vst v63  }
0xf4: {  	_ =	swait.ge [sflag:s21], $0x4000  }
0xf5: {  	[sflag:s21] =	ssyncset.done $0x0  }
0xf6: {  	s29 =	simm.s32 $0x2880;
	[sflag:s21] =	ssyncadd.s32 $0xFFFFC000  }
0xf7: {  	[tilespmem:s23], [sflag:$0x3] =	stream.indirect.gather [spmem:s2], $0x80, s29, s18, $0xb8;
	[tilespmem:$0x1EC80] =	vst v63  }
0xf8: {  	_ = 	snop  }
0xf9: {  	[hbm4b:s10+s4] =	stream.linear.scatter [tilespmem:s20], [sflag:$0x4], $0x4000, $0x38;
	[tilespmem:$0x1EC80] =	vst v63  }
0xfa: {  	_ =	swait.ge [sflag:s17], $0x4000  }
0xfb: {  	[sflag:s17] =	ssyncset.done $0x0  }
0xfc: {  	[sflag:s17] =	ssyncadd.s32 $0xFFFFC000  }
0xfd: {  	_ =	swait.ge [sflag:s25], $0x4000  }
0xfe: {  	[sflag:s25] =	ssyncset.done $0x0  }
0xff: {  	s30 =	simm.s32 $0x2900;
	[sflag:s25] =	ssyncadd.s32 $0xFFFFC000  }
0x100: {  	[tilespmem:s20], [sflag:$0x1] =	stream.indirect.gather [spmem:s2], $0x80, s30, s18, $0xb8;
	[tilespmem:$0x1EC80] =	vst v63  }
0x101: {  	_ = 	snop  }
0x102: {  	[hbm4b:s11+s4] =	stream.linear.scatter [tilespmem:s23], [sflag:$0x4], $0x4000, $0x38;
	[tilespmem:$0x1EC80] =	vst v63  }
0x103: {  	_ =	swait.ge [sflag:s17], $0x4000  }
0x104: {  	[sflag:s17] =	ssyncset.done $0x0  }
0x105: {  	[sflag:s17] =	ssyncadd.s32 $0xFFFFC000  }
0x106: {  	_ =	swait.ge [sflag:s21], $0x4000  }
0x107: {  	[sflag:s21] =	ssyncset.done $0x0  }
0x108: {  	s31 =	simm.s32 $0x2980;
	[sflag:s21] =	ssyncadd.s32 $0xFFFFC000  }
0x109: {  	[tilespmem:s23], [sflag:$0x3] =	stream.indirect.gather [spmem:s2], $0x80, s31, s18, $0xb8;
	[tilespmem:$0x1EC80] =	vst v63  }
0x10a: {  	_ = 	snop  }
0x10b: {  	[hbm4b:s12+s4] =	stream.linear.scatter [tilespmem:s20], [sflag:$0x4], $0x4000, $0x38;
	[tilespmem:$0x1EC80] =	vst v63  }
0x10c: {  	_ =	swait.ge [sflag:s17], $0x4000  }
0x10d: {  	[sflag:s17] =	ssyncset.done $0x0  }
0x10e: {  	[sflag:s17] =	ssyncadd.s32 $0xFFFFC000  }
0x10f: {  	_ =	swait.ge [sflag:s25], $0x4000  }
0x110: {  	[sflag:s25] =	ssyncset.done $0x0  }
0x111: {  	[sflag:s25] =	ssyncadd.s32 $0xFFFFC000  }
0x112: {  	[tilespmem:s20], [sflag:$0x1] =	stream.indirect.gather [spmem:s2], $0x80, s0, s18, $0xb8;
	[tilespmem:$0x1EC80] =	vst v63  }
0x113: {  	_ = 	snop  }
0x114: {  	[hbm4b:s13+s4] =	stream.linear.scatter [tilespmem:s23], [sflag:$0x4], $0x4000, $0x38;
	[tilespmem:$0x1EC80] =	vst v63  }
0x115: {  	_ =	swait.ge [sflag:s17], $0x4000  }
0x116: {  	[sflag:s17] =	ssyncset.done $0x0  }
0x117: {  	[sflag:s17] =	ssyncadd.s32 $0xFFFFC000  }
0x118: {  	s3 =	sadd.s32 $0x1, s3;
	_ =	swait.ge [sflag:s21], $0x4000  }
0x119: {  	p0 =	sne.s32 s3, s15;
	[sflag:s21] =	ssyncset.done $0x0  }
.Ltmp3:
0x11a: {  	[sflag:s21] =	ssyncadd.s32 $0xFFFFC000;
	(pc) =	sbr.rel @p0 .LBB2_1-.Ltmp3, $4  }
0x11b: {  	[hbm4b:s14+s4] =	stream.linear.scatter [tilespmem:s20], [sflag:$0x4], $0x4000, $0x38;
	[tilespmem:$0x1EC80] =	vst v63  }
0x11c: {  	_ =	swait.ge [sflag:s17], $0x4000  }
0x11d: {  	[sflag:s17] =	ssyncset.done $0x0  }
0x11e: {  	[sflag:s17] =	ssyncadd.s32 $0xFFFFC000  }
0x11f: {  	_ =	sfence.sel $0x180000  }
0x120: {  	[bflag:$0x0] =	sbarrier.arrive $0xFFFF  }
0x121: {  	_ =	strace $0x9000004D  }
0x122: {  	s0 =	stileid.u32;
	[bflag:$0x2] =	sbarrier.arrive $0xFFFF  }
0x123: {  	p0 =	sne.s32 s0, $0x0;
	s0 =	rddreg [dreg:$0x3]  }
0x124: {  	s0 =	sadd.s32 @!p0 $0x100000, s0  }
0x125: {  	[sflag:s0] =	ssyncadd.tile.s32 @!p0 $0x1;
	_ =	shalt  }
.Lfunc_end2:
_tile_overlayer_lowered:
.L_overlay_start_2:
0x126: {  	(tag) =	ssettag $0x2  }
0x127: {  	s0 =	rddreg [dreg:$0x0];
	s2 =	stileid.u32  }
0x128: {  	s1 =	rddreg [dreg:$0x1];
	p0 =	sne.s32 s2, $0x0  }
0x129: {  	s3 =	rddreg [dreg:$0x2];
	[bflag:$0x3] =	sbarrier.arrive $0xFFFF;
	s2 =	simm.s32 @!p0 $0x1C04  }
0x12a: {  	[timem:s3], [sflag:s2] =	dma.local @!p0 [hbm:s0], s1  }
0x12b: {  	s0 =	simm.s32 @!p0 $0x4  }
0x12c: {  	_ =	swait.ge @!p0 [sflag:s0], s1  }
0x12d: {  	s1 =	ssub.s32 @!p0 $0x0, s1;
	[sflag:s0] =	ssyncset.done @!p0 $0x0  }
0x12e: {  	[sflag:s0] =	ssyncadd.s32 @!p0 s1  }
0x12f: {  	[bflag:$0x3] =	sbarrier.arrive $0xFFFF  }
0x130: {  	_ =	shalt  }

// kernel: kernel.8.cloned.1.call-start
scs
__scs_entry_jumppad:
0x0: {  	(pc) =	sbr.rel $0x88, $3  }
0x1: {  	(tag) =	ssettag $0x0;
	lr =	simm.s32 $0x1  }
0x2: {  	[smem:$0x3F9B] =	sst lr;
	_ =	strace $0xD0000000  }
0x3: {  	_ = 	snop  }
0x4: {  	_ = 	snop  }
0x5: {  	_ = 	snop  }
0x6: {  	_ = 	snop  }
0x7: {  	_ = 	snop  }
__scs_overlays_trampoline_lowered:
0x8: {  	[smem:$0x3FAA] =	sst s0  }
0x9: {  	[smem:$0x3FAB] =	sst s1  }
0xa: {  	[smem:$0x3FAC] =	sst s2  }
0xb: {  	[smem:$0x3FAD] =	sst s3  }
0xc: {  	[smem:$0x3FAE] =	sst s4  }
0xd: {  	[smem:$0x3FAF] =	sst s5  }
0xe: {  	[smem:$0x3FB0] =	sst s6  }
0xf: {  	[smem:$0x3FB1] =	sst s7  }
0x10: {  	[smem:$0x3FB2] =	sst s8  }
0x11: {  	[smem:$0x3FB3] =	sst s9;
	s0 =	simm.s32 @!p0 $0x0  }
0x12: {  	s1 =	sld [smem:$0x3F99];
	s0 =	simm.s32 @p0 $0x1  }
0x13: {  	[smem:$0x3FB4] =	sst s0;
	s0 =	simm.s32 @!p1 $0x0  }
0x14: {  	s2 =	sld [smem:$0x3F98];
	s0 =	simm.s32 @p1 $0x1  }
0x15: {  	[smem:$0x3FB5] =	sst s0;
	s0 =	simm.s32 @!p2 $0x0  }
0x16: {  	s3 =	sld [smem:$0x3FDB];
	s0 =	simm.s32 @p2 $0x1  }
0x17: {  	s4 =	simm.s32 $0x1BF5;
	[smem:$0x3FB7] =	sst s0  }
0x18: {  	s0 =	sld [smem:$0x3F9A];
	_ =	swait.ge [sflag:s4], $0x0  }
0x19: {  	s7 =	sld [smem:$0x3F9B]  }
0x1a: {  	s8 =	sadd.s32 $0xFFFFE003, lr  }
0x1b: {  	s9 =	sadd.s32 $0xFFFFFEF7, lr;
	s5 =	simm.s32 $0xFFFFFFFF;
	p2 =	slt.u32 s8, $0xFFFFF086  }
0x1c: {  	p1 =	slt.u32 s9, $0xF7A;
	s5 =	simm.s32 @!p2 $0x0  }
0x1d: {  	s5 =	simm.s32 @p1 $0x1;
	p0 =	seq.s32 s7, s2  }
0x1e: {  	s7 =	smul.u32 @!p0 $0xF7A, s2;
	p2 =	seq.s32 @!p0 s5, $0x0  }
0x1f: {  	s9 =	smul.u32 $0xF7A, s1;
	s8 =	simm.s32 @!p0 $0x1BF5;
	p2 =	por !p2, p0  }
0x20: {  	[sflag:s8] =	ssyncset.s32 @!p0 $0xFFFFF086;
	s6 =	sadd.s32 @!p0 s3, s7;
	s7 =	simm.s32 @!p0 $0x108  }
0x21: {  	s3 =	sadd.s32 s3, s9;
	s6 =	sadd.s32 @!p0 $0x88, s6;
	s7 =	simm.s32 @p2 $0x1082  }
0x22: {  	[simem:s7], [sflag:s8] =	dma.local @!p0 [hbm:s6], $0xF7A  }
0x23: {  	s9 =	sor.u32 $0xD0000000, s2;
	s6 =	simm.s32 $0x108;
	_ =	swait.ge @!p0 [sflag:s8], $0x0  }
0x24: {  	s3 =	sadd.s32 $0x88, s3;
	s6 =	simm.s32 @!p1 $0x1082;
	[sflag:s4] =	ssyncset.s32 $0xFFFFF086  }
0x25: {  	[simem:s6], [sflag:s4] =	dma.local [hbm:s3], $0xF7A  }
0x26: {  	[smem:$0x3F9B] =	sst s1;
	(tag) =	ssettag s2;
	_ =	strace s9  }
0x27: {  	s1 =	sld [smem:$0x3FAB]  }
0x28: {  	s2 =	sld [smem:$0x3FAC]  }
0x29: {  	s4 =	sld [smem:$0x3FAE]  }
0x2a: {  	p0 =	seq.s32 s5, $0x0;
	s5 =	sld [smem:$0x3FAF]  }
0x2b: {  	s6 =	sld [smem:$0x3FB0]  }
0x2c: {  	s7 =	sld [smem:$0x3FB1]  }
0x2d: {  	s3 =	simm.s32 $0x108;
	s8 =	sld [smem:$0x3FB2]  }
0x2e: {  	s3 =	simm.s32 @!p0 $0x1082;
	s9 =	sld [smem:$0x3FB3]  }
0x2f: {  	lr =	sadd.s32 s0, s3;
	s0 =	sld [smem:$0x3FAA]  }
0x30: {  	s3 =	sld [smem:$0x3FAD]  }
0x31: {  	[smem:$0x3FB6] =	sst s10  }
0x32: {  	s10 =	sld [smem:$0x3FB4];
	_ =	sdelay $0x3  }
0x33: {  	p0 =	seq.s32 s10, $0x1;
	s10 =	sld [smem:$0x3FB6];
	_ =	sdelay $0x3  }
0x34: {  	[smem:$0x3FB6] =	sst s10  }
0x35: {  	s10 =	sld [smem:$0x3FB5];
	_ =	sdelay $0x3  }
0x36: {  	p1 =	seq.s32 s10, $0x1;
	s10 =	sld [smem:$0x3FB6];
	_ =	sdelay $0x3  }
0x37: {  	[smem:$0x3FB6] =	sst s10  }
0x38: {  	s10 =	sld [smem:$0x3FB7]  }
0x39: {  	_ = 	snop;
	(pc) =	sbr.ind lr, $3  }
0x3a: {  	_ = 	snop  }
0x3b: {  	_ = 	snop  }
0x3c: {  	p2 =	seq.s32 s10, $0x1;
	s10 =	sld [smem:$0x3FB6]  }
0x3d: {  	_ =	shalt  }
0x3e: {  	_ =	shalt  }
0x3f: {  	_ =	shalt  }
0x40: {  	_ =	shalt  }
0x41: {  	_ =	shalt  }
0x42: {  	_ =	shalt  }
0x43: {  	_ =	shalt  }
0x44: {  	_ =	shalt  }
0x45: {  	_ =	shalt  }
0x46: {  	_ =	shalt  }
0x47: {  	_ =	shalt  }
0x48: {  	_ =	shalt  }
0x49: {  	_ =	shalt  }
0x4a: {  	_ =	shalt  }
0x4b: {  	_ =	shalt  }
0x4c: {  	_ =	shalt  }
0x4d: {  	_ =	shalt  }
0x4e: {  	_ =	shalt  }
0x4f: {  	_ =	shalt  }
0x50: {  	_ =	shalt  }
0x51: {  	_ =	shalt  }
0x52: {  	_ =	shalt  }
0x53: {  	_ =	shalt  }
0x54: {  	_ =	shalt  }
0x55: {  	_ =	shalt  }
0x56: {  	_ =	shalt  }
0x57: {  	_ =	shalt  }
0x58: {  	_ =	shalt  }
0x59: {  	_ =	shalt  }
0x5a: {  	_ =	shalt  }
0x5b: {  	_ =	shalt  }
0x5c: {  	_ =	shalt  }
0x5d: {  	_ =	shalt  }
0x5e: {  	_ =	shalt  }
0x5f: {  	_ =	shalt  }
0x60: {  	_ =	shalt  }
0x61: {  	_ =	shalt  }
0x62: {  	_ =	shalt  }
0x63: {  	_ =	shalt  }
0x64: {  	_ =	shalt  }
0x65: {  	_ =	shalt  }
0x66: {  	_ =	shalt  }
0x67: {  	_ =	shalt  }
0x68: {  	_ =	shalt  }
0x69: {  	_ =	shalt  }
0x6a: {  	_ =	shalt  }
0x6b: {  	_ =	shalt  }
0x6c: {  	_ =	shalt  }
0x6d: {  	_ =	shalt  }
0x6e: {  	_ =	shalt  }
0x6f: {  	_ =	shalt  }
0x70: {  	_ =	shalt  }
0x71: {  	_ =	shalt  }
0x72: {  	_ =	shalt  }
0x73: {  	_ =	shalt  }
0x74: {  	_ =	shalt  }
0x75: {  	_ =	shalt  }
0x76: {  	_ =	shalt  }
0x77: {  	_ =	shalt  }
0x78: {  	_ =	shalt  }
0x79: {  	_ =	shalt  }
0x7a: {  	_ =	shalt  }
0x7b: {  	_ =	shalt  }
0x7c: {  	_ =	shalt  }
0x7d: {  	_ =	shalt  }
0x7e: {  	_ =	shalt  }
0x7f: {  	_ =	shalt  }
0x80: {  	_ =	shalt  }
0x81: {  	_ =	shalt  }
0x82: {  	_ =	shalt  }
0x83: {  	_ =	shalt  }
0x84: {  	_ =	shalt  }
0x85: {  	_ =	shalt  }
0x86: {  	_ =	shalt  }
0x87: {  	_ =	shalt  }
.Lfunc_end0:
.L_simem_size_0:
called_computation_lowered:
.L_overlay_start_0:
0x88: {  	s2 =	sld [smem:$0x3FD9]  }
0x89: {  	s3 =	sld [smem:$0x3FFE];
	_ =	sdelay $0x1  }
0x8a: {  	s1 =	srdreg.scid  }
0x8b: {  	s0 =	sand.u32 $0x1, s1  }
0x8c: {  	s17 =	sshll.u32 s0, $0xA;
	s2 =	sadd.s32 s3, s2  }
0x8d: {  	s2 =	sadd.s32 s2, s17  }
0x8e: {  	[smem:$0x3FC2] =	sst s2  }
0x8f: {  	_ = 	snop  }
0x90: {  	s2 =	sld [smem:$0x3FD0];
	(tm) =	ssettm $0x1  }
0x91: {  	s18 =	sld [smem:$0x3FFB];
	_ =	sdelay $0x3  }
0x92: {  	_ =	strace s18  }
0x93: {  	s3 =	sld [smem:$0x3FFC];
	_ =	sdelay $0x3  }
0x94: {  	_ =	strace s3  }
0x95: {  	s3 =	sld [smem:$0x3FFD];
	_ =	sdelay $0x3  }
0x96: {  	_ =	strace s3  }
0x97: {  	_ =	strace $0x8FFFFFFF  }
0x98: {  	s19 =	sld [smem:$0x3FDB];
	_ =	sdelay $0x1  }
0x99: {  	s4 =	simm.s32 $_scs_section_size  }
0x9a: {  	s5 =	simm.s32 $_size__tile_overlayer_lowered;
	s6 =	simm.s32 $_tile_overlayer_lowered  }
0x9b: {  	s22 =	simm.s32 $0x1BFF;
	s21 =	sshll.u32 s6, $0x1;
	s3 =	sadd.s32 s4, s19  }
0x9c: {  	s7 =	simm.s32 $0x0;
	s20 =	sshll.u32 s5, $0x1;
	s5 =	sadd.s32 s21, s3  }
0x9d: {  	[timem:s7], [sflag:s22] =	dma.local [hbm:s5], s20  }
0x9e: {  	_ =	swait.ge [sflag:s22], s20  }
0x9f: {  	s4 =	ssub.s32 $0x0, s20;
	[sflag:s22] =	ssyncset.done $0x0  }
0xa0: {  	[sflag:s22] =	ssyncadd.s32 s4;
	_ =	sdelay $0x1  }
0xa1: {  	s23 =	simm.s32 $0x1B8B  }
0xa2: {  	_ =	swait.ge [sflag:s23], $0x1  }
0xa3: {  	[sflag:s23] =	ssyncset.done $0x0  }
0xa4: {  	s25 =	simm.s32 $0x1B8E;
	s24 =	sld [smem:$0x3FFE];
	[sflag:s23] =	ssyncadd.s32 $0xFFFFFFFF  }
0xa5: {  	s26 =	simm.s32 $execute0_lowered;
	[smem:$0x3FD2] =	sst s25  }
0xa6: {  	s5 =	sshll.u32 s26, $0x1;
	_ =	strace $0x80000046;
	[dreg:$0x1] =	wrdreg $0xFFFFFFFF  }
0xa7: {  	s28 =	simm.s32 $_size_execute0_lowered;
	s3 =	sadd.s32 s3, s5;
	[dreg:$0x0] =	wrdreg $0x0  }
0xa8: {  	s5 =	sshll.u32 s28, $0x1;
	[dreg:$0x2] =	wrdreg s3  }
0xa9: {  	[dreg:$0x3] =	wrdreg s5  }
0xaa: {  	[dreg:$0x4] =	wrdreg $0xC0  }
0xab: {  	_ =	task [dreg:s7], $0x5FFFF  }
0xac: {  	[dreg:$0x1] =	wrdreg $0xFFFFFFFF  }
0xad: {  	[dreg:$0x0] =	wrdreg $0x60  }
0xae: {  	[dreg:$0x2] =	wrdreg s24  }
0xaf: {  	[dreg:$0x3] =	wrdreg s2  }
0xb0: {  	[dreg:$0x4] =	wrdreg $0x31800  }
0xb1: {  	[dreg:$0x5] =	wrdreg $0x9  }
0xb2: {  	_ =	task.clear_ibuf [dreg:s7], $0x6FFFF;
	_ =	strace $0x90000046  }
0xb3: {  	s29 =	simm.s32 $0x9;
	_ =	strace $0x80000048  }
0xb4: {  	_ =	swait.ge [sflag:s29], $0x1  }
0xb5: {  	[sflag:s29] =	ssyncadd.s32 $0xFFFFFFFF  }
0xb6: {  	_ =	strace $0x90000048  }
0xb7: {  	_ =	sfence  }
0xb8: {  	s30 =	sld [smem:$0x0];
	_ =	sdelay $0x2  }
0xb9: {  	s31 =	sshll.u32 s1, $0xD;
	s1 =	sshrl.u32 s1, $0x2  }
0xba: {  	s3 =	sand.u32 $0x4000, s31;
	s1 =	sadd.s32 s1, s30  }
0xbb: {  	s0 =	sor.u32 s3, s0;
	s1 =	sshll.u32 s1, $0x11  }
0xbc: {  	s0 =	sor.u32 s1, s0  }
0xbd: {  	s0 =	sadd.s32 $0x8F2B, s0  }
0xbe: {  	[sflag:s0] =	ssyncadd.remote.s32 $0x1  }
0xbf: {  	_ =	sfence.sel $0xFFFF  }
0xc0: {  	[dreg:$0x0] =	wrdreg $0xFFFFFFFF;
	(pc) =	sbr.abs _section_cstart, $3  }
0xc1: {  	[dreg:$0x1] =	wrdreg $0xFFFFFFFF  }
0xc2: {  	_ =	task.clear_ibuf [dreg:s7], $0x2FFFF;
	_ =	strace $0x9FFFFFFF  }
0xc3: {  	(tm) =	ssettm $0x7FFFFFFF  }
tec
execute0_lowered:
.L_overlay_start_1:
0x0: {  	(tag) =	ssettag $0x1  }
0x1: {  	s4 =	rddreg [dreg:$0x0]  }
0x2: {  	s5 =	rddreg [dreg:$0x1]  }
0x3: {  	s0 =	srdreg.scid;
	s2 =	rddreg [dreg:$0x2]  }
0x4: {  	s1 =	stileid.u32;
	s3 =	simm.s32 $0x0;
	s12 =	simm.s32 $0x2C80  }
0x5: {  	s13 =	simm.s32 $0x1;
	s14 =	simm.s32 $0x2C00;
	s15 =	simm.s32 $0x2D00  }
0x6: {  	s16 =	simm.s32 $0x0;
	s6 =	sand.u32 $0x1, s0;
	s0 =	rddreg [dreg:$0x3]  }
0x7: {  	[smem:$0x7FF] =	sst s3;
	s9 =	sshll.u32 s1, $0x7;
	s7 =	sshll.u32 s6, $0x4  }
0x8: {  	s8 =	ssub.s32 $0x2, s6;
	_ =	strace $0x80000047;
	s11 =	sadd.s32 s9, s4  }
0x9: {  	s6 =	sshll.u32 s6, $0xB;
	s31 =	sadd.s32 s5, s9;
	s7 =	sor.u32 s1, s7  }
0xa: {  	s9 =	simm.s32 $0x2800;
	s10 =	sshrl.u32 s8, $0x1;
	s7 =	smul.u32 $0x500, s7  }
0xb: {  	s5 =	sadd.s32 $0x2800, s11;
	s6 =	sadd.s32 s6, s31;
	s11 =	simm.s32 $0x3100  }
0xc: {  	s8 =	ssub.s32 s8, s10;
	s10 =	simm.s32 $0x80;
	s7 =	sadd.s32 s7, s4  }
0xd: {  	v0 =	vimm.f32 $1.000000000e+00;
	v1 =	vimm.f32 $0.0e+00;
	s4 =	sadd.s32 $0x3000, s7;
	s7 =	smax.u32 s8, $0x1;
	s8 =	simm.s32 $0x2  }
.LBB2_1:
0xe: {  	[tilespmem:s3], [sflag:$0x2] =	stream.linear.gather [hbm4b:s4+s3], $0x2800, $0x38;
	[tilespmem:$0x3400] =	vst v63  }
0xf: {  	_ =	swait.ge [sflag:s8], $0x2800  }
0x10: {  	[sflag:s8] =	ssyncset.done $0x0  }
0x11: {  	[sflag:s8] =	ssyncadd.s32 $0xFFFFD800  }
0x12: {  	[tilespmem:s9], [sflag:$0x2] =	stream.linear.gather [hbm4b:s5+s3], $0x280, $0x38;
	[tilespmem:$0x3400] =	vst v63  }
0x13: {  	_ =	swait.ge [sflag:s8], $0x280  }
0x14: {  	[sflag:s8] =	ssyncset.done $0x0  }
0x15: {  	[sflag:s8] =	ssyncadd.s32 $0xFFFFFD80  }
0x16: {  	[tilespmem:$0x2C00] =	vst v0  }
0x17: {  	[tilespmem:$0x2C80] =	vst v1  }
0x18: {  	[tilespmem:$0x2C10] =	vst v0  }
0x19: {  	[tilespmem:$0x2C90] =	vst v1  }
0x1a: {  	[tilespmem:$0x2C20] =	vst v0  }
0x1b: {  	[tilespmem:$0x2CA0] =	vst v1  }
0x1c: {  	[tilespmem:$0x2C30] =	vst v0  }
0x1d: {  	[tilespmem:$0x2CB0] =	vst v1  }
0x1e: {  	[tilespmem:$0x2C40] =	vst v0  }
0x1f: {  	[tilespmem:$0x2CC0] =	vst v1  }
0x20: {  	[tilespmem:$0x2C50] =	vst v0  }
0x21: {  	[tilespmem:$0x2CD0] =	vst v1;
	v2 =	vld [tilespmem:$0x2800]  }
0x22: {  	[tilespmem:$0x2C60] =	vst v0;
	v3 =	vld [tilespmem:$0x2810]  }
0x23: {  	[tilespmem:$0x2CE0] =	vst v1;
	v4 =	vld [tilespmem:$0x2820]  }
0x24: {  	[tilespmem:$0x2C70] =	vst v0;
	v5 =	vld [tilespmem:$0x2830]  }
0x25: {  	[tilespmem:$0x2CF0] =	vst v1;
	v6 =	vld [tilespmem:$0x2840]  }
0x26: {  	v47 =	vld [tilespmem:$0x2870];
	[tilespmem:$0x3100] =	vst v2  }
0x27: {  	v2 =	vld [tilespmem:$0x2850];
	[tilespmem:$0x3110] =	vst v3  }
0x28: {  	v3 =	vld [tilespmem:$0x2860];
	[tilespmem:$0x3120] =	vst v4  }
0x29: {  	[tilespmem:$0x3130] =	vst v5  }
0x2a: {  	[tilespmem:$0x3140] =	vst v6  }
0x2b: {  	[tilespmem:$0x3170] =	vst v47  }
0x2c: {  	[tilespmem:$0x3150] =	vst v2  }
0x2d: {  	[tilespmem:$0x3160] =	vst v3  }
0x2e: {  	[spmem:s2] =	stream.indirect.scatter [tilespmem:s12], [sflag:$0x1], $0x1, s11, s10, $0xb8;
	[tilespmem:$0x3400] =	vst v63  }
0x2f: {  	_ =	swait.ge [sflag:s13], $0x80  }
0x30: {  	[sflag:s13] =	ssyncset.done $0x0  }
0x31: {  	[sflag:s13] =	ssyncadd.s32 $0xFFFFFF80  }
0x32: {  	v2 =	vld [tilespmem:$0x2880]  }
0x33: {  	v3 =	vld [tilespmem:$0x2890]  }
0x34: {  	v48 =	vld [tilespmem:$0x28A0]  }
0x35: {  	v49 =	vld [tilespmem:$0x28B0]  }
0x36: {  	v50 =	vld [tilespmem:$0x28C0]  }
0x37: {  	v51 =	vld [tilespmem:$0x28F0];
	[tilespmem:$0x3100] =	vst v2  }
0x38: {  	v2 =	vld [tilespmem:$0x28D0];
	[tilespmem:$0x3110] =	vst v3  }
0x39: {  	v3 =	vld [tilespmem:$0x28E0];
	[tilespmem:$0x3120] =	vst v48  }
0x3a: {  	[tilespmem:$0x3130] =	vst v49  }
0x3b: {  	[tilespmem:$0x3140] =	vst v50  }
0x3c: {  	[tilespmem:$0x3170] =	vst v51  }
0x3d: {  	[tilespmem:$0x3150] =	vst v2  }
0x3e: {  	[tilespmem:$0x3160] =	vst v3  }
0x3f: {  	[spmem:s2] =	stream.indirect.scatter [tilespmem:s12], [sflag:$0x1], $0x1, s11, s10, $0xb8;
	[tilespmem:$0x3400] =	vst v63  }
0x40: {  	_ =	swait.ge [sflag:s13], $0x80  }
0x41: {  	[sflag:s13] =	ssyncset.done $0x0  }
0x42: {  	[sflag:s13] =	ssyncadd.s32 $0xFFFFFF80  }
0x43: {  	v2 =	vld [tilespmem:$0x2900]  }
0x44: {  	v3 =	vld [tilespmem:$0x2910]  }
0x45: {  	v52 =	vld [tilespmem:$0x2920]  }
0x46: {  	v53 =	vld [tilespmem:$0x2930]  }
0x47: {  	v54 =	vld [tilespmem:$0x2940]  }
0x48: {  	v55 =	vld [tilespmem:$0x2970];
	[tilespmem:$0x3100] =	vst v2  }
0x49: {  	v2 =	vld [tilespmem:$0x2950];
	[tilespmem:$0x3110] =	vst v3  }
0x4a: {  	v3 =	vld [tilespmem:$0x2960];
	[tilespmem:$0x3120] =	vst v52  }
0x4b: {  	[tilespmem:$0x3130] =	vst v53  }
0x4c: {  	[tilespmem:$0x3140] =	vst v54  }
0x4d: {  	[tilespmem:$0x3170] =	vst v55  }
0x4e: {  	[tilespmem:$0x3150] =	vst v2  }
0x4f: {  	[tilespmem:$0x3160] =	vst v3  }
0x50: {  	[spmem:s2] =	stream.indirect.scatter [tilespmem:s12], [sflag:$0x1], $0x1, s11, s10, $0xb8;
	[tilespmem:$0x3400] =	vst v63  }
0x51: {  	_ =	swait.ge [sflag:s13], $0x80  }
0x52: {  	[sflag:s13] =	ssyncset.done $0x0  }
0x53: {  	[sflag:s13] =	ssyncadd.s32 $0xFFFFFF80  }
0x54: {  	v2 =	vld [tilespmem:$0x2980]  }
0x55: {  	v3 =	vld [tilespmem:$0x2990]  }
0x56: {  	v56 =	vld [tilespmem:$0x29A0]  }
0x57: {  	v57 =	vld [tilespmem:$0x29B0]  }
0x58: {  	v58 =	vld [tilespmem:$0x29C0]  }
0x59: {  	v59 =	vld [tilespmem:$0x29F0];
	[tilespmem:$0x3100] =	vst v2  }
0x5a: {  	v2 =	vld [tilespmem:$0x29D0];
	[tilespmem:$0x3110] =	vst v3  }
0x5b: {  	v3 =	vld [tilespmem:$0x29E0];
	[tilespmem:$0x3120] =	vst v56  }
0x5c: {  	[tilespmem:$0x3130] =	vst v57  }
0x5d: {  	[tilespmem:$0x3140] =	vst v58  }
0x5e: {  	[tilespmem:$0x3170] =	vst v59  }
0x5f: {  	[tilespmem:$0x3150] =	vst v2  }
0x60: {  	[tilespmem:$0x3160] =	vst v3  }
0x61: {  	[spmem:s2] =	stream.indirect.scatter [tilespmem:s12], [sflag:$0x1], $0x1, s11, s10, $0xb8;
	[tilespmem:$0x3400] =	vst v63  }
0x62: {  	_ =	swait.ge [sflag:s13], $0x80  }
0x63: {  	[sflag:s13] =	ssyncset.done $0x0  }
0x64: {  	[sflag:s13] =	ssyncadd.s32 $0xFFFFFF80  }
0x65: {  	v2 =	vld [tilespmem:$0x2A00]  }
0x66: {  	v3 =	vld [tilespmem:$0x2A10]  }
0x67: {  	v60 =	vld [tilespmem:$0x2A20]  }
0x68: {  	v61 =	vld [tilespmem:$0x2A30]  }
0x69: {  	v62 =	vld [tilespmem:$0x2A40]  }
0x6a: {  	v63 =	vld [tilespmem:$0x2A70];
	[tilespmem:$0x3100] =	vst v2  }
0x6b: {  	v2 =	vld [tilespmem:$0x2A50];
	[tilespmem:$0x3110] =	vst v3  }
0x6c: {  	v3 =	vld [tilespmem:$0x2A60];
	[tilespmem:$0x3120] =	vst v60  }
0x6d: {  	[tilespmem:$0x3130] =	vst v61  }
0x6e: {  	[tilespmem:$0x3140] =	vst v62  }
0x6f: {  	[tilespmem:$0x3170] =	vst v63  }
0x70: {  	[tilespmem:$0x3150] =	vst v2  }
0x71: {  	[tilespmem:$0x3160] =	vst v3  }
0x72: {  	[spmem:s2] =	stream.indirect.scatter [tilespmem:s12], [sflag:$0x1], $0x1, s11, s10, $0xb8;
	[tilespmem:$0x3400] =	vst v63  }
0x73: {  	_ =	swait.ge [sflag:s13], $0x80  }
0x74: {  	[sflag:s13] =	ssyncset.done $0x0  }
0x75: {  	[sflag:s13] =	ssyncadd.s32 $0xFFFFFF80  }
0x76: {  	s17 =	simm.s32 $0x0;
	[bflag:$0x0] =	sbarrier.arrive $0xFFFF  }
0x77: {  	v2 =	vld [tilespmem:s17+$0x0];
	_ =	sdelay $0x4  }
0x78: {  	[tilespmem:$0x3100] =	vst v2  }
0x79: {  	v2 =	vld [tilespmem:s17+$0x10];
	_ =	sdelay $0x4  }
0x7a: {  	[tilespmem:$0x3110] =	vst v2  }
0x7b: {  	v2 =	vld [tilespmem:s17+$0x20];
	_ =	sdelay $0x4  }
0x7c: {  	[tilespmem:$0x3120] =	vst v2  }
0x7d: {  	v2 =	vld [tilespmem:s17+$0x30];
	_ =	sdelay $0x4  }
0x7e: {  	[tilespmem:$0x3130] =	vst v2  }
0x7f: {  	v2 =	vld [tilespmem:s17+$0x40];
	_ =	sdelay $0x4  }
0x80: {  	[tilespmem:$0x3140] =	vst v2  }
0x81: {  	v2 =	vld [tilespmem:s17+$0x50];
	_ =	sdelay $0x4  }
0x82: {  	[tilespmem:$0x3150] =	vst v2  }
0x83: {  	v2 =	vld [tilespmem:s17+$0x60];
	_ =	sdelay $0x4  }
0x84: {  	[tilespmem:$0x3160] =	vst v2  }
0x85: {  	v2 =	vld [tilespmem:s17+$0x70];
	_ =	sdelay $0x4  }
0x86: {  	[tilespmem:$0x3170] =	vst v2  }
0x87: {  	[spmem:s2] =	stream.indirect.scatter.add.f32 [tilespmem:s14], [sflag:$0x1], $0x1, s11, s10, $0xb8;
	[tilespmem:$0x3400] =	vst v63  }
0x88: {  	_ =	swait.ge [sflag:s13], $0x80  }
0x89: {  	s19 =	simm.s32 $0x400;
	s17 =	simm.s32 $0x200;
	[sflag:s13] =	ssyncset.done $0x0  }
.LBB2_2:
0x8a: {  	s20 =	sshra.s32 s17, $0x2  }
0x8b: {  	[sflag:s13] =	ssyncadd.s32 $0xFFFFFF80;
	s17 =	smov.u32 s19;
	s18 =	sadd.s32 $0x200, s19  }
0x8c: {  	p0 =	sne.s32 s19, $0x9E00;
	v2 =	vld [tilespmem:s20+$0x0];
	_ =	sdelay $0x4  }
0x8d: {  	[tilespmem:$0x3100] =	vst v2  }
0x8e: {  	v2 =	vld [tilespmem:s20+$0x10];
	_ =	sdelay $0x4  }
0x8f: {  	[tilespmem:$0x3110] =	vst v2  }
0x90: {  	v2 =	vld [tilespmem:s20+$0x20];
	_ =	sdelay $0x4  }
0x91: {  	[tilespmem:$0x3120] =	vst v2  }
0x92: {  	v2 =	vld [tilespmem:s20+$0x30];
	_ =	sdelay $0x4  }
0x93: {  	[tilespmem:$0x3130] =	vst v2  }
0x94: {  	v2 =	vld [tilespmem:s20+$0x40];
	_ =	sdelay $0x4  }
0x95: {  	[tilespmem:$0x3140] =	vst v2  }
0x96: {  	v2 =	vld [tilespmem:s20+$0x50];
	_ =	sdelay $0x4  }
0x97: {  	[tilespmem:$0x3150] =	vst v2  }
0x98: {  	v2 =	vld [tilespmem:s20+$0x60];
	_ =	sdelay $0x4  }
0x99: {  	[tilespmem:$0x3160] =	vst v2  }
0x9a: {  	v2 =	vld [tilespmem:s20+$0x70];
	_ =	sdelay $0x3  }
.Ltmp0:
0x9b: {  	(pc) =	sbr.rel @p0 .LBB2_2-.Ltmp0, $4  }
0x9c: {  	[tilespmem:$0x3170] =	vst v2  }
0x9d: {  	[spmem:s2] =	stream.indirect.scatter.add.f32 [tilespmem:s14], [sflag:$0x1], $0x1, s11, s10, $0xb8;
	[tilespmem:$0x3400] =	vst v63  }
0x9e: {  	_ =	swait.ge [sflag:s13], $0x80  }
0x9f: {  	s19 =	smov.u32 s18;
	[sflag:s13] =	ssyncset.done $0x0  }
0xa0: {  	s17 =	sshra.s32 s17, $0x2;
	[sflag:s13] =	ssyncadd.s32 $0xFFFFFF80  }
0xa1: {  	v2 =	vld [tilespmem:s17+$0x0];
	_ =	sdelay $0x4  }
0xa2: {  	[tilespmem:$0x3100] =	vst v2  }
0xa3: {  	v2 =	vld [tilespmem:s17+$0x10];
	_ =	sdelay $0x4  }
0xa4: {  	[tilespmem:$0x3110] =	vst v2  }
0xa5: {  	v2 =	vld [tilespmem:s17+$0x20];
	_ =	sdelay $0x4  }
0xa6: {  	[tilespmem:$0x3120] =	vst v2  }
0xa7: {  	v2 =	vld [tilespmem:s17+$0x30];
	_ =	sdelay $0x4  }
0xa8: {  	[tilespmem:$0x3130] =	vst v2  }
0xa9: {  	v2 =	vld [tilespmem:s17+$0x40];
	_ =	sdelay $0x4  }
0xaa: {  	[tilespmem:$0x3140] =	vst v2  }
0xab: {  	v2 =	vld [tilespmem:s17+$0x50];
	_ =	sdelay $0x4  }
0xac: {  	[tilespmem:$0x3150] =	vst v2  }
0xad: {  	v2 =	vld [tilespmem:s17+$0x60];
	_ =	sdelay $0x4  }
0xae: {  	[tilespmem:$0x3160] =	vst v2  }
0xaf: {  	v2 =	vld [tilespmem:s17+$0x70];
	_ =	sdelay $0x4  }
0xb0: {  	[tilespmem:$0x3170] =	vst v2  }
0xb1: {  	[spmem:s2] =	stream.indirect.scatter.add.f32 [tilespmem:s14], [sflag:$0x1], $0x1, s11, s10, $0xb8;
	[tilespmem:$0x3400] =	vst v63  }
0xb2: {  	_ =	swait.ge [sflag:s13], $0x80  }
0xb3: {  	[sflag:s13] =	ssyncset.done $0x0  }
0xb4: {  	[sflag:s13] =	ssyncadd.s32 $0xFFFFFF80  }
0xb5: {  	[bflag:$0x0] =	sbarrier.arrive $0xFFFF  }
0xb6: {  	v2 =	vld [tilespmem:$0x2800]  }
0xb7: {  	v3 =	vld [tilespmem:$0x2810]  }
0xb8: {  	v4 =	vld [tilespmem:$0x2820]  }
0xb9: {  	v5 =	vld [tilespmem:$0x2830]  }
0xba: {  	v6 =	vld [tilespmem:$0x2840]  }
0xbb: {  	v23 =	vld [tilespmem:$0x2870];
	[tilespmem:$0x3100] =	vst v2  }
0xbc: {  	v2 =	vld [tilespmem:$0x2850];
	[tilespmem:$0x3110] =	vst v3  }
0xbd: {  	v3 =	vld [tilespmem:$0x2860];
	[tilespmem:$0x3120] =	vst v4  }
0xbe: {  	[tilespmem:$0x3130] =	vst v5  }
0xbf: {  	[tilespmem:$0x3140] =	vst v6  }
0xc0: {  	[tilespmem:$0x3170] =	vst v23  }
0xc1: {  	[tilespmem:$0x3150] =	vst v2  }
0xc2: {  	[tilespmem:$0x3160] =	vst v3  }
0xc3: {  	[tilespmem:s12], [sflag:$0x1] =	stream.indirect.gather [spmem:s2], $0x1, s11, s10, $0xb8;
	[tilespmem:$0x3400] =	vst v63  }
0xc4: {  	_ =	swait.ge [sflag:s13], $0x80  }
0xc5: {  	[sflag:s13] =	ssyncset.done $0x0  }
0xc6: {  	[sflag:s13] =	ssyncadd.s32 $0xFFFFFF80  }
0xc7: {  	v2 =	vld [tilespmem:$0x2C80]  }
0xc8: {  	v3 =	vld [tilespmem:$0x2C90]  }
0xc9: {  	v24 =	vld [tilespmem:$0x2CA0]  }
0xca: {  	v25 =	vld [tilespmem:$0x2CB0]  }
0xcb: {  	v26 =	vld [tilespmem:$0x2CC0]  }
0xcc: {  	[tilespmem:$0x2D00] =	vst v2;
	v2 =	vld [tilespmem:$0x2CD0]  }
0xcd: {  	v27 =	vld [tilespmem:$0x2CF0];
	[tilespmem:$0x2D10] =	vst v3  }
0xce: {  	v28 =	vld [tilespmem:$0x2880];
	[tilespmem:$0x2D20] =	vst v24  }
0xcf: {  	v29 =	vld [tilespmem:$0x2890];
	[tilespmem:$0x2D30] =	vst v25  }
0xd0: {  	v3 =	vld [tilespmem:$0x2CE0];
	[tilespmem:$0x2D40] =	vst v26  }
0xd1: {  	[tilespmem:$0x2D50] =	vst v2;
	v2 =	vld [tilespmem:$0x28A0]  }
0xd2: {  	v30 =	vld [tilespmem:$0x28C0];
	[tilespmem:$0x2D70] =	vst v27  }
0xd3: {  	v31 =	vld [tilespmem:$0x28D0];
	[tilespmem:$0x3100] =	vst v28  }
0xd4: {  	v32 =	vld [tilespmem:$0x28E0];
	[tilespmem:$0x3110] =	vst v29  }
0xd5: {  	[tilespmem:$0x2D60] =	vst v3;
	v3 =	vld [tilespmem:$0x28B0]  }
0xd6: {  	[tilespmem:$0x3120] =	vst v2;
	v2 =	vld [tilespmem:$0x28F0]  }
0xd7: {  	[tilespmem:$0x3140] =	vst v30  }
0xd8: {  	[tilespmem:$0x3150] =	vst v31  }
0xd9: {  	[tilespmem:$0x3160] =	vst v32  }
0xda: {  	[tilespmem:$0x3130] =	vst v3  }
0xdb: {  	[tilespmem:$0x3170] =	vst v2  }
0xdc: {  	[tilespmem:s12], [sflag:$0x1] =	stream.indirect.gather [spmem:s2], $0x1, s11, s10, $0xb8;
	[tilespmem:$0x3400] =	vst v63  }
0xdd: {  	_ =	swait.ge [sflag:s13], $0x80  }
0xde: {  	[sflag:s13] =	ssyncset.done $0x0  }
0xdf: {  	[sflag:s13] =	ssyncadd.s32 $0xFFFFFF80  }
0xe0: {  	v2 =	vld [tilespmem:$0x2C80]  }
0xe1: {  	v3 =	vld [tilespmem:$0x2C90]  }
0xe2: {  	v33 =	vld [tilespmem:$0x2CA0]  }
0xe3: {  	v34 =	vld [tilespmem:$0x2CB0]  }
0xe4: {  	v35 =	vld [tilespmem:$0x2CC0]  }
0xe5: {  	[tilespmem:$0x2D80] =	vst v2;
	v2 =	vld [tilespmem:$0x2CD0]  }
0xe6: {  	v36 =	vld [tilespmem:$0x2CF0];
	[tilespmem:$0x2D90] =	vst v3  }
0xe7: {  	v37 =	vld [tilespmem:$0x2900];
	[tilespmem:$0x2DA0] =	vst v33  }
0xe8: {  	v38 =	vld [tilespmem:$0x2910];
	[tilespmem:$0x2DB0] =	vst v34  }
0xe9: {  	v3 =	vld [tilespmem:$0x2CE0];
	[tilespmem:$0x2DC0] =	vst v35  }
0xea: {  	[tilespmem:$0x2DD0] =	vst v2;
	v2 =	vld [tilespmem:$0x2920]  }
0xeb: {  	v39 =	vld [tilespmem:$0x2940];
	[tilespmem:$0x2DF0] =	vst v36  }
0xec: {  	v40 =	vld [tilespmem:$0x2950];
	[tilespmem:$0x3100] =	vst v37  }
0xed: {  	v41 =	vld [tilespmem:$0x2960];
	[tilespmem:$0x3110] =	vst v38  }
0xee: {  	[tilespmem:$0x2DE0] =	vst v3;
	v3 =	vld [tilespmem:$0x2930]  }
0xef: {  	[tilespmem:$0x3120] =	vst v2;
	v2 =	vld [tilespmem:$0x2970]  }
0xf0: {  	[tilespmem:$0x3140] =	vst v39  }
0xf1: {  	[tilespmem:$0x3150] =	vst v40  }
0xf2: {  	[tilespmem:$0x3160] =	vst v41  }
0xf3: {  	[tilespmem:$0x3130] =	vst v3  }
0xf4: {  	[tilespmem:$0x3170] =	vst v2  }
0xf5: {  	[tilespmem:s12], [sflag:$0x1] =	stream.indirect.gather [spmem:s2], $0x1, s11, s10, $0xb8;
	[tilespmem:$0x3400] =	vst v63  }
0xf6: {  	_ =	swait.ge [sflag:s13], $0x80  }
0xf7: {  	[sflag:s13] =	ssyncset.done $0x0  }
0xf8: {  	[sflag:s13] =	ssyncadd.s32 $0xFFFFFF80  }
0xf9: {  	v2 =	vld [tilespmem:$0x2C80]  }
0xfa: {  	v3 =	vld [tilespmem:$0x2C90]  }
0xfb: {  	v42 =	vld [tilespmem:$0x2CA0]  }
0xfc: {  	v43 =	vld [tilespmem:$0x2CB0]  }
0xfd: {  	v44 =	vld [tilespmem:$0x2CC0]  }
0xfe: {  	[tilespmem:$0x2E00] =	vst v2;
	v2 =	vld [tilespmem:$0x2CD0]  }
0xff: {  	v45 =	vld [tilespmem:$0x2CF0];
	[tilespmem:$0x2E10] =	vst v3  }
0x100: {  	v46 =	vld [tilespmem:$0x2980];
	[tilespmem:$0x2E20] =	vst v42  }
0x101: {  	v47 =	vld [tilespmem:$0x2990];
	[tilespmem:$0x2E30] =	vst v43  }
0x102: {  	v3 =	vld [tilespmem:$0x2CE0];
	[tilespmem:$0x2E40] =	vst v44  }
0x103: {  	[tilespmem:$0x2E50] =	vst v2;
	v2 =	vld [tilespmem:$0x29A0]  }
0x104: {  	v48 =	vld [tilespmem:$0x29C0];
	[tilespmem:$0x2E70] =	vst v45  }
0x105: {  	v49 =	vld [tilespmem:$0x29D0];
	[tilespmem:$0x3100] =	vst v46  }
0x106: {  	v50 =	vld [tilespmem:$0x29E0];
	[tilespmem:$0x3110] =	vst v47  }
0x107: {  	[tilespmem:$0x2E60] =	vst v3;
	v3 =	vld [tilespmem:$0x29B0]  }
0x108: {  	[tilespmem:$0x3120] =	vst v2;
	v2 =	vld [tilespmem:$0x29F0]  }
0x109: {  	[tilespmem:$0x3140] =	vst v48  }
0x10a: {  	[tilespmem:$0x3150] =	vst v49  }
0x10b: {  	[tilespmem:$0x3160] =	vst v50  }
0x10c: {  	[tilespmem:$0x3130] =	vst v3  }
0x10d: {  	[tilespmem:$0x3170] =	vst v2  }
0x10e: {  	[tilespmem:s12], [sflag:$0x1] =	stream.indirect.gather [spmem:s2], $0x1, s11, s10, $0xb8;
	[tilespmem:$0x3400] =	vst v63  }
0x10f: {  	_ =	swait.ge [sflag:s13], $0x80  }
0x110: {  	[sflag:s13] =	ssyncset.done $0x0  }
0x111: {  	[sflag:s13] =	ssyncadd.s32 $0xFFFFFF80  }
0x112: {  	v2 =	vld [tilespmem:$0x2C80]  }
0x113: {  	v3 =	vld [tilespmem:$0x2C90]  }
0x114: {  	v51 =	vld [tilespmem:$0x2CA0]  }
0x115: {  	v52 =	vld [tilespmem:$0x2CB0]  }
0x116: {  	v53 =	vld [tilespmem:$0x2CC0]  }
0x117: {  	[tilespmem:$0x2E80] =	vst v2;
	v2 =	vld [tilespmem:$0x2CD0]  }
0x118: {  	v54 =	vld [tilespmem:$0x2CF0];
	[tilespmem:$0x2E90] =	vst v3  }
0x119: {  	v55 =	vld [tilespmem:$0x2A00];
	[tilespmem:$0x2EA0] =	vst v51  }
0x11a: {  	v56 =	vld [tilespmem:$0x2A10];
	[tilespmem:$0x2EB0] =	vst v52  }
0x11b: {  	v3 =	vld [tilespmem:$0x2CE0];
	[tilespmem:$0x2EC0] =	vst v53  }
0x11c: {  	[tilespmem:$0x2ED0] =	vst v2;
	v2 =	vld [tilespmem:$0x2A20]  }
0x11d: {  	v57 =	vld [tilespmem:$0x2A40];
	[tilespmem:$0x2EF0] =	vst v54  }
0x11e: {  	v58 =	vld [tilespmem:$0x2A50];
	[tilespmem:$0x3100] =	vst v55  }
0x11f: {  	v59 =	vld [tilespmem:$0x2A60];
	[tilespmem:$0x3110] =	vst v56  }
0x120: {  	[tilespmem:$0x2EE0] =	vst v3;
	v3 =	vld [tilespmem:$0x2A30]  }
0x121: {  	[tilespmem:$0x3120] =	vst v2;
	v2 =	vld [tilespmem:$0x2A70]  }
0x122: {  	[tilespmem:$0x3140] =	vst v57  }
0x123: {  	[tilespmem:$0x3150] =	vst v58  }
0x124: {  	[tilespmem:$0x3160] =	vst v59  }
0x125: {  	[tilespmem:$0x3130] =	vst v3  }
0x126: {  	[tilespmem:$0x3170] =	vst v2  }
0x127: {  	[tilespmem:s12], [sflag:$0x1] =	stream.indirect.gather [spmem:s2], $0x1, s11, s10, $0xb8;
	[tilespmem:$0x3400] =	vst v63  }
0x128: {  	_ =	swait.ge [sflag:s13], $0x80  }
0x129: {  	[sflag:s13] =	ssyncset.done $0x0  }
0x12a: {  	[sflag:s13] =	ssyncadd.s32 $0xFFFFFF80  }
0x12b: {  	v2 =	vld [tilespmem:$0x2C80]  }
0x12c: {  	v3 =	vld [tilespmem:$0x2C90]  }
0x12d: {  	v60 =	vld [tilespmem:$0x2CA0]  }
0x12e: {  	v61 =	vld [tilespmem:$0x2CB0]  }
0x12f: {  	v62 =	vld [tilespmem:$0x2CC0]  }
0x130: {  	v63 =	vld [tilespmem:$0x2CF0];
	[tilespmem:$0x2F00] =	vst v2  }
0x131: {  	v2 =	vld [tilespmem:$0x2CD0];
	[tilespmem:$0x2F10] =	vst v3  }
0x132: {  	v3 =	vld [tilespmem:$0x2CE0];
	[tilespmem:$0x2F20] =	vst v60  }
0x133: {  	[tilespmem:$0x2F30] =	vst v61  }
0x134: {  	[tilespmem:$0x2F40] =	vst v62  }
0x135: {  	s16 =	sadd.s32 $0x1, s16;
	[tilespmem:$0x2F70] =	vst v63  }
0x136: {  	p0 =	sne.s32 s16, s7;
	[tilespmem:$0x2F50] =	vst v2  }
.Ltmp1:
0x137: {  	[tilespmem:$0x2F60] =	vst v3;
	(pc) =	sbr.rel @p0 .LBB2_1-.Ltmp1, $4  }
0x138: {  	[hbm4b:s6+s3] =	stream.linear.scatter [tilespmem:s15], [sflag:$0x2], $0x400, $0x38;
	[tilespmem:$0x3400] =	vst v63  }
0x139: {  	_ =	swait.ge [sflag:s8], $0x400  }
0x13a: {  	[sflag:s8] =	ssyncset.done $0x0  }
0x13b: {  	[sflag:s8] =	ssyncadd.s32 $0xFFFFFC00  }
0x13c: {  	_ =	sfence.sel $0x180000  }
0x13d: {  	[bflag:$0x0] =	sbarrier.arrive $0xFFFF  }
0x13e: {  	p0 =	sne.s32 s1, $0x0;
	_ =	strace $0x90000047  }
0x13f: {  	s0 =	sadd.s32 @!p0 $0x100000, s0;
	[bflag:$0x2] =	sbarrier.arrive $0xFFFF  }
0x140: {  	[sflag:s0] =	ssyncadd.tile.s32 @!p0 $0x1;
	_ =	shalt  }
.Lfunc_end2:
_tile_overlayer_lowered:
.L_overlay_start_2:
0x141: {  	(tag) =	ssettag $0x2  }
0x142: {  	s0 =	rddreg [dreg:$0x0];
	s2 =	stileid.u32  }
0x143: {  	s1 =	rddreg [dreg:$0x1];
	p0 =	sne.s32 s2, $0x0  }
0x144: {  	s3 =	rddreg [dreg:$0x2];
	[bflag:$0x3] =	sbarrier.arrive $0xFFFF;
	s2 =	simm.s32 @!p0 $0x1C02  }
0x145: {  	[timem:s3], [sflag:s2] =	dma.local @!p0 [hbm:s0], s1  }
0x146: {  	s0 =	simm.s32 @!p0 $0x2  }
0x147: {  	_ =	swait.ge @!p0 [sflag:s0], s1  }
0x148: {  	s1 =	ssub.s32 @!p0 $0x0, s1;
	[sflag:s0] =	ssyncset.done @!p0 $0x0  }
0x149: {  	[sflag:s0] =	ssyncadd.s32 @!p0 s1  }
0x14a: {  	[bflag:$0x3] =	sbarrier.arrive $0xFFFF  }
0x14b: {  	_ =	shalt  }

</sc_bundles>
